<compile_context>
chip_gen: v7x
topology: tpu7x:2x2x1
jax: 0.10.2.dev20260603
libtpu: 0.0.44.dev20260713+nightly
codegen_flags: <defaults>
</compile_context>

<pallas_src>
import functools

import jax
import jax.numpy as jnp
from jax import lax
from jax.experimental import pallas as pl
from jax.experimental.pallas import tpu as pltpu
from jax.experimental.pallas import tpu_sc as plsc

N_NODES_ = 10000
D_ = 128
K_ = 64
E_PER = 320000
E_TOT = 2 * E_PER
NC_, NS_, LANES_ = 2, 16, 16
NW_ = NC_ * NS_
CHUNK_ = 128
NBUF_ = 2
NCHUNK_ = E_TOT // CHUNK_


def _mm_body(x_ref, w_ref, o_ref):
    o_ref[...] = jnp.dot(x_ref[...], w_ref[...],
                         preferred_element_type=jnp.float32
                         ).astype(jnp.bfloat16)


def _encode(data, W):
    return pl.pallas_call(
        _mm_body,
        out_shape=jax.ShapeDtypeStruct((N_NODES_, K_), jnp.bfloat16),
        grid=(5,),
        in_specs=[
            pl.BlockSpec((N_NODES_ // 5, D_), lambda i: (i, 0)),
            pl.BlockSpec((D_, K_), lambda i: (0, 0)),
        ],
        out_specs=pl.BlockSpec((N_NODES_ // 5, K_), lambda i: (i, 0)),
    )(data, W)


def _sc_scores(z, ids):
    mesh = plsc.VectorSubcoreMesh(core_axis_name="c", subcore_axis_name="s")

    @functools.partial(
        pl.kernel,
        mesh=mesh,
        compiler_params=pltpu.CompilerParams(
            needs_layout_passes=False, use_tc_tiling_on_sc=False),
        out_type=jax.ShapeDtypeStruct((E_TOT,), jnp.float32),
        scratch_types=(
            [pltpu.VMEM((2 * CHUNK_,), jnp.int32)] * NBUF_
            + [pltpu.VMEM((CHUNK_, K_), jnp.bfloat16)] * NBUF_
            + [pltpu.VMEM((CHUNK_, K_), jnp.bfloat16)] * NBUF_
            + [pltpu.VMEM((CHUNK_,), jnp.float32)] * NBUF_
            + [pltpu.SemaphoreType.DMA] * (2 * NBUF_)
        ),
    )
    def k(z_hbm, ids_hbm, out_hbm, *bufs):
        IX = bufs[0:NBUF_]
        RS = bufs[NBUF_:2 * NBUF_]
        RD = bufs[2 * NBUF_:3 * NBUF_]
        SV = bufs[3 * NBUF_:4 * NBUF_]
        SEM = bufs[4 * NBUF_:5 * NBUF_]
        OSEM = bufs[5 * NBUF_:6 * NBUF_]
        wid = lax.axis_index("s") * NC_ + lax.axis_index("c")

        def do_compute(b):
            def group(g, carry2):
                base = g * LANES_
                lane = lax.iota(jnp.int32, LANES_)
                res = jnp.zeros((LANES_,), jnp.float32)
                for j in range(LANES_):
                    e = base + j
                    p0 = (RS[b][e, pl.ds(0, 2 * LANES_)]
                          * RD[b][e, pl.ds(0, 2 * LANES_)])
                    p1 = (RS[b][e, pl.ds(2 * LANES_, 2 * LANES_)]
                          * RD[b][e, pl.ds(2 * LANES_, 2 * LANES_)])
                    a0, a1 = plsc.unpack(
                        p0, format=plsc.PackFormat.INTERLEAVED)
                    b0, b1 = plsc.unpack(
                        p1, format=plsc.PackFormat.INTERLEAVED)
                    s = jnp.sum((a0 + a1) + (b0 + b1))
                    res = jnp.where(lane == j, s, res)
                SV[b][pl.ds(base, LANES_)] = res
                return carry2

            lax.fori_loop(0, CHUNK_ // LANES_, group, 0)

        nrun = NCHUNK_ // NW_ // NBUF_

        def run_body(p, carry):
            chunks = [(p * NBUF_ + b) * NW_ + wid for b in range(NBUF_)]
            cps = []
            for b in range(NBUF_):
                pltpu.sync_copy(
                    ids_hbm.at[pl.ds(chunks[b] * 2 * CHUNK_, 2 * CHUNK_)],
                    IX[b])
                cps.append((
                    pltpu.async_copy(
                        z_hbm.at[IX[b].at[pl.ds(0, CHUNK_)]], RS[b], SEM[b]),
                    pltpu.async_copy(
                        z_hbm.at[IX[b].at[pl.ds(CHUNK_, CHUNK_)]], RD[b],
                        SEM[b]),
                ))
            ocps = []
            for b in range(NBUF_):
                cps[b][0].wait()
                cps[b][1].wait()
                do_compute(b)
                ocps.append(pltpu.async_copy(
                    SV[b], out_hbm.at[pl.ds(chunks[b] * CHUNK_, CHUNK_)],
                    OSEM[b]))
            for b in range(NBUF_):
                ocps[b].wait()
            return carry

        lax.fori_loop(0, nrun, run_body, 0)

        def tail_body(c, carry):
            ch = c * NW_ + wid
            pltpu.sync_copy(
                ids_hbm.at[pl.ds(ch * 2 * CHUNK_, 2 * CHUNK_)], IX[0])
            cp1 = pltpu.async_copy(
                z_hbm.at[IX[0].at[pl.ds(0, CHUNK_)]], RS[0], SEM[0])
            cp2 = pltpu.async_copy(
                z_hbm.at[IX[0].at[pl.ds(CHUNK_, CHUNK_)]], RD[0], SEM[0])
            cp1.wait()
            cp2.wait()
            do_compute(0)
            pltpu.sync_copy(SV[0], out_hbm.at[pl.ds(ch * CHUNK_, CHUNK_)])
            return carry

        nch = jnp.where(wid < (NCHUNK_ % NW_), NCHUNK_ // NW_ + 1,
                        NCHUNK_ // NW_)
        lax.fori_loop(nrun * NBUF_, nch, tail_body, 0)

    return k(z, ids)


def _bce_body(x_ref, o_ref):
    x = x_ref[...]
    rows = lax.broadcasted_iota(jnp.int32, x.shape, 0)
    t = (rows < (E_PER // x.shape[1])).astype(jnp.float32)
    term = jnp.maximum(x, 0.0) - x * t + jnp.log1p(jnp.exp(-jnp.abs(x)))
    o_ref[...] = (jnp.sum(term) * (1.0 / E_TOT)).reshape(1, 1)


def _bce_reduce(scores2d):
    return pl.pallas_call(
        _bce_body,
        out_shape=jax.ShapeDtypeStruct((1, 1), jnp.float32),
    )(scores2d)


def kernel(data, W, edges_pos, edges_neg):
    z = _encode(data, W)
    srcs = jnp.concatenate(
        (edges_pos[0], edges_neg[0])).astype(jnp.int32)
    dsts = jnp.concatenate(
        (edges_pos[1], edges_neg[1])).astype(jnp.int32)
    ids = jnp.stack(
        (srcs.reshape(NCHUNK_, CHUNK_), dsts.reshape(NCHUNK_, CHUNK_)),
        axis=1).reshape(2 * E_TOT)
    scores = _sc_scores(z, ids)
    cost = _bce_reduce(scores.reshape(E_TOT // D_, D_))
    return cost.reshape(())

# --- scband reference (transcript-rebuilt; emitter-appended) ---
"""Pipeline reference for scband-gae-42391327212245 (READ-ONLY COPY).

The authoritative reference and input builder live on the scoring server;
editing this copy changes nothing except your own understanding.
"""

import jax, jax.numpy as jnp
import numpy as np

N_NODES = 10000
D_FEAT = 128
EMB_DIM = 64
N_EDGES = 320000


def setup_inputs(seed: int = 0) -> dict:
    key = jax.random.key(seed)
    k1, k2, k3, k4 = jax.random.split(key, 4)
    data = jax.random.normal(k1, (N_NODES, D_FEAT), dtype=jnp.float32)
    # learned parameter of the (simulated linear) encoder, sized per init_kwargs emb_dim
    W = jax.random.normal(k2, (D_FEAT, EMB_DIM), dtype=jnp.float32) * (1.0 / np.sqrt(D_FEAT))
    edges_pos = jax.random.randint(k3, (2, N_EDGES), 0, N_NODES, dtype=jnp.int64)
    edges_neg = jax.random.randint(k4, (2, N_EDGES), 0, N_NODES, dtype=jnp.int64)
    return {"data": data, "W": W, "edges_pos": edges_pos, "edges_neg": edges_neg}


def _bce_with_logits(logits, targets):
    # numerically stable BCEWithLogitsLoss (mean reduction), matching torch
    return jnp.mean(jnp.maximum(logits, 0.0) - logits * targets + jnp.log1p(jnp.exp(-jnp.abs(logits))))


def reference(data, W, edges_pos, edges_neg):
    # encoder: z = encoder(data, edges_pos); simulated as a single linear projection
    z = data @ W  # [N, emb_dim]
    # gather endpoints and compute dot-product edge scores (SparseCore gathers)
    pos_score = jnp.sum(jnp.take(z, edges_pos[0], axis=0) * jnp.take(z, edges_pos[1], axis=0), axis=1)
    neg_score = jnp.sum(jnp.take(z, edges_neg[0], axis=0) * jnp.take(z, edges_neg[1], axis=0), axis=1)
    preds = jnp.concatenate((pos_score, neg_score))
    targets = jnp.concatenate((jnp.ones_like(pos_score), jnp.zeros_like(neg_score)))
    cost = _bce_with_logits(preds, targets)
    return cost

if __name__ == "__main__":
    import jax
    _d = setup_inputs()
    print(jax.jit(kernel)(*tuple(_d.values())))

</pallas_src>

<mosaic_0001>
#map = affine_map<(d0, d1) -> (0, 0)>
#map1 = affine_map<(d0, d1) -> (0)>
module attributes {stable_mosaic.version = 14 : i64} {
  func.func @k(%arg0: i32, %arg1: i32, %arg2: memref<10000x64xbf16, #tpu.memory_space<hbm>>, %arg3: memref<1280000xi32, #tpu.memory_space<hbm>>, %arg4: memref<640000xf32, #tpu.memory_space<hbm>>, %arg5: memref<256xi32, #tpu.memory_space<vmem>>, %arg6: memref<256xi32, #tpu.memory_space<vmem>>, %arg7: memref<128x64xbf16, #tpu.memory_space<vmem>>, %arg8: memref<128x64xbf16, #tpu.memory_space<vmem>>, %arg9: memref<128x64xbf16, #tpu.memory_space<vmem>>, %arg10: memref<128x64xbf16, #tpu.memory_space<vmem>>, %arg11: memref<128xf32, #tpu.memory_space<vmem>>, %arg12: memref<128xf32, #tpu.memory_space<vmem>>, %arg13: memref<!tpu.dma_semaphore, #tpu.memory_space<semaphore_mem>>, %arg14: memref<!tpu.dma_semaphore, #tpu.memory_space<semaphore_mem>>, %arg15: memref<!tpu.dma_semaphore, #tpu.memory_space<semaphore_mem>>, %arg16: memref<!tpu.dma_semaphore, #tpu.memory_space<semaphore_mem>>) attributes {dimension_semantics = [#tpu.dimension_semantics<core_parallel>, #tpu.dimension_semantics<subcore_parallel>], iteration_bounds = array<i64: 2, 16>, scalar_prefetch = 0 : i64, scratch_operands = 12 : i64, tpu.core_type = #tpu.core_type<sc_vector_subcore>, window_params = [{transform_indices = #map}, {transform_indices = #map1}, {transform_indices = #map1}]} {
    %mul3A = arith.constant 2 : i32
    %mul3A_0 = arith.muli %arg1, %mul3A : i32
    %add3A = arith.addi %mul3A_0, %arg0 : i32
    %scan3A = arith.constant 0 : i32
    %scan3A_1 = arith.constant 0 : i32
    %scan3A_2 = arith.constant 78 : i32
    %scan3A_3 = arith.addi %scan3A_1, %scan3A_2 : i32
    %scan3A_4 = arith.constant 1 : i32
    scf.for %scan3A_17 = %scan3A_1 to %scan3A_3 step %scan3A_4  : i32 {
      %mul3A_18 = arith.constant 2 : i32
      %mul3A_19 = arith.muli %scan3A_17, %mul3A_18 : i32
      %add3A_20 = arith.constant 0 : i32
      %add3A_21 = arith.addi %mul3A_19, %add3A_20 : i32
      %mul3A_22 = arith.constant 32 : i32
      %mul3A_23 = arith.muli %add3A_21, %mul3A_22 : i32
      %add3A_24 = arith.addi %mul3A_23, %add3A : i32
      %mul3A_25 = arith.constant 2 : i32
      %mul3A_26 = arith.muli %scan3A_17, %mul3A_25 : i32
      %add3A_27 = arith.constant 1 : i32
      %add3A_28 = arith.addi %mul3A_26, %add3A_27 : i32
      %mul3A_29 = arith.constant 32 : i32
      %mul3A_30 = arith.muli %add3A_28, %mul3A_29 : i32
      %add3A_31 = arith.addi %mul3A_30, %add3A : i32
      %mul3A_32 = arith.constant 2 : i32
      %mul3A_33 = arith.muli %add3A_24, %mul3A_32 : i32
      %mul3A_34 = arith.constant 128 : i32
      %mul3A_35 = arith.muli %mul3A_33, %mul3A_34 : i32
      "tpu.region"() ({
        %run_scoped3A = tpu.sem_alloc : memref<!tpu.dma_semaphore, #tpu.memory_space<semaphore_mem>>
        %dma_start3A_102 = tpu.memref_slice %arg3[%mul3A_35] : memref<1280000xi32, #tpu.memory_space<hbm>> -> memref<256xi32, #tpu.memory_space<hbm>>
        %dma_start3A_103 = tpu.memref_slice %arg3[%mul3A_35] : memref<1280000xi32, #tpu.memory_space<hbm>> -> memref<256xi32, #tpu.memory_space<hbm>>
        tpu.enqueue_dma source(%dma_start3A_103 : memref<256xi32, #tpu.memory_space<hbm>>) target(%arg5 : memref<256xi32, #tpu.memory_space<vmem>>) target_semaphore(%run_scoped3A : memref<!tpu.dma_semaphore, #tpu.memory_space<semaphore_mem>>)
        %dma_wait3A_104 = tpu.memref_slice %arg3[%mul3A_35] : memref<1280000xi32, #tpu.memory_space<hbm>> -> memref<256xi32, #tpu.memory_space<hbm>>
        %dma_wait3A_105 = tpu.memref_slice %arg3[%mul3A_35] : memref<1280000xi32, #tpu.memory_space<hbm>> -> memref<256xi32, #tpu.memory_space<hbm>>
        tpu.wait_dma2 semaphore(%run_scoped3A : memref<!tpu.dma_semaphore, #tpu.memory_space<semaphore_mem>>) src(%dma_wait3A_105 : memref<256xi32, #tpu.memory_space<hbm>>) dst(%arg5 : memref<256xi32, #tpu.memory_space<vmem>>)
        tpu.yield
      }) : () -> ()
      %dma_start3A = arith.constant 0 : i32
      %dma_start3A_36 = tpu.memref_slice %arg5[%dma_start3A] : memref<256xi32, #tpu.memory_space<vmem>> -> memref<128xi32, #tpu.memory_space<vmem>>
      %dma_start3A_37 = arith.constant 0 : i32
      %dma_start3A_38 = arith.constant 0 : i32
      %dma_start3A_39 = tpu.memref_slice %arg2[%dma_start3A_37, %dma_start3A_38] : memref<10000x64xbf16, #tpu.memory_space<hbm>> -> memref<10000x64xbf16, #tpu.memory_space<hbm>>
      tpu.enqueue_indirect_dma source(%dma_start3A_39 : memref<10000x64xbf16, #tpu.memory_space<hbm>>) target(%arg7 : memref<128x64xbf16, #tpu.memory_space<vmem>>) offsets(%dma_start3A_36 : memref<128xi32, #tpu.memory_space<vmem>>) semaphore(%arg13 : memref<!tpu.dma_semaphore, #tpu.memory_space<semaphore_mem>>)
      %dma_start3A_40 = arith.constant 128 : i32
      %dma_start3A_41 = tpu.memref_slice %arg5[%dma_start3A_40] : memref<256xi32, #tpu.memory_space<vmem>> -> memref<128xi32, #tpu.memory_space<vmem>>
      %dma_start3A_42 = arith.constant 0 : i32
      %dma_start3A_43 = arith.constant 0 : i32
      %dma_start3A_44 = tpu.memref_slice %arg2[%dma_start3A_42, %dma_start3A_43] : memref<10000x64xbf16, #tpu.memory_space<hbm>> -> memref<10000x64xbf16, #tpu.memory_space<hbm>>
      tpu.enqueue_indirect_dma source(%dma_start3A_44 : memref<10000x64xbf16, #tpu.memory_space<hbm>>) target(%arg9 : memref<128x64xbf16, #tpu.memory_space<vmem>>) offsets(%dma_start3A_41 : memref<128xi32, #tpu.memory_space<vmem>>) semaphore(%arg13 : memref<!tpu.dma_semaphore, #tpu.memory_space<semaphore_mem>>)
      %mul3A_45 = arith.constant 2 : i32
      %mul3A_46 = arith.muli %add3A_31, %mul3A_45 : i32
      %mul3A_47 = arith.constant 128 : i32
      %mul3A_48 = arith.muli %mul3A_46, %mul3A_47 : i32
      "tpu.region"() ({
        %run_scoped3A = tpu.sem_alloc : memref<!tpu.dma_semaphore, #tpu.memory_space<semaphore_mem>>
        %dma_start3A_102 = tpu.memref_slice %arg3[%mul3A_48] : memref<1280000xi32, #tpu.memory_space<hbm>> -> memref<256xi32, #tpu.memory_space<hbm>>
        %dma_start3A_103 = tpu.memref_slice %arg3[%mul3A_48] : memref<1280000xi32, #tpu.memory_space<hbm>> -> memref<256xi32, #tpu.memory_space<hbm>>
        tpu.enqueue_dma source(%dma_start3A_103 : memref<256xi32, #tpu.memory_space<hbm>>) target(%arg6 : memref<256xi32, #tpu.memory_space<vmem>>) target_semaphore(%run_scoped3A : memref<!tpu.dma_semaphore, #tpu.memory_space<semaphore_mem>>)
        %dma_wait3A_104 = tpu.memref_slice %arg3[%mul3A_48] : memref<1280000xi32, #tpu.memory_space<hbm>> -> memref<256xi32, #tpu.memory_space<hbm>>
        %dma_wait3A_105 = tpu.memref_slice %arg3[%mul3A_48] : memref<1280000xi32, #tpu.memory_space<hbm>> -> memref<256xi32, #tpu.memory_space<hbm>>
        tpu.wait_dma2 semaphore(%run_scoped3A : memref<!tpu.dma_semaphore, #tpu.memory_space<semaphore_mem>>) src(%dma_wait3A_105 : memref<256xi32, #tpu.memory_space<hbm>>) dst(%arg6 : memref<256xi32, #tpu.memory_space<vmem>>)
        tpu.yield
      }) : () -> ()
      %dma_start3A_49 = arith.constant 0 : i32
      %dma_start3A_50 = tpu.memref_slice %arg6[%dma_start3A_49] : memref<256xi32, #tpu.memory_space<vmem>> -> memref<128xi32, #tpu.memory_space<vmem>>
      %dma_start3A_51 = arith.constant 0 : i32
      %dma_start3A_52 = arith.constant 0 : i32
      %dma_start3A_53 = tpu.memref_slice %arg2[%dma_start3A_51, %dma_start3A_52] : memref<10000x64xbf16, #tpu.memory_space<hbm>> -> memref<10000x64xbf16, #tpu.memory_space<hbm>>
      tpu.enqueue_indirect_dma source(%dma_start3A_53 : memref<10000x64xbf16, #tpu.memory_space<hbm>>) target(%arg8 : memref<128x64xbf16, #tpu.memory_space<vmem>>) offsets(%dma_start3A_50 : memref<128xi32, #tpu.memory_space<vmem>>) semaphore(%arg14 : memref<!tpu.dma_semaphore, #tpu.memory_space<semaphore_mem>>)
      %dma_start3A_54 = arith.constant 128 : i32
      %dma_start3A_55 = tpu.memref_slice %arg6[%dma_start3A_54] : memref<256xi32, #tpu.memory_space<vmem>> -> memref<128xi32, #tpu.memory_space<vmem>>
      %dma_start3A_56 = arith.constant 0 : i32
      %dma_start3A_57 = arith.constant 0 : i32
      %dma_start3A_58 = tpu.memref_slice %arg2[%dma_start3A_56, %dma_start3A_57] : memref<10000x64xbf16, #tpu.memory_space<hbm>> -> memref<10000x64xbf16, #tpu.memory_space<hbm>>
      tpu.enqueue_indirect_dma source(%dma_start3A_58 : memref<10000x64xbf16, #tpu.memory_space<hbm>>) target(%arg10 : memref<128x64xbf16, #tpu.memory_space<vmem>>) offsets(%dma_start3A_55 : memref<128xi32, #tpu.memory_space<vmem>>) semaphore(%arg14 : memref<!tpu.dma_semaphore, #tpu.memory_space<semaphore_mem>>)
      %dma_wait3A = arith.constant 0 : i32
      %dma_wait3A_59 = tpu.memref_slice %arg5[%dma_wait3A] : memref<256xi32, #tpu.memory_space<vmem>> -> memref<128xi32, #tpu.memory_space<vmem>>
      %dma_wait3A_60 = arith.constant 0 : i32
      %dma_wait3A_61 = arith.constant 0 : i32
      %dma_wait3A_62 = tpu.memref_slice %arg2[%dma_wait3A_60, %dma_wait3A_61] : memref<10000x64xbf16, #tpu.memory_space<hbm>> -> memref<10000x64xbf16, #tpu.memory_space<hbm>>
      tpu.wait_indirect_dma semaphore(%arg13 : memref<!tpu.dma_semaphore, #tpu.memory_space<semaphore_mem>>) src(%dma_wait3A_62 : memref<10000x64xbf16, #tpu.memory_space<hbm>>) dst(%arg7 : memref<128x64xbf16, #tpu.memory_space<vmem>>)
      %dma_wait3A_63 = arith.constant 128 : i32
      %dma_wait3A_64 = tpu.memref_slice %arg5[%dma_wait3A_63] : memref<256xi32, #tpu.memory_space<vmem>> -> memref<128xi32, #tpu.memory_space<vmem>>
      %dma_wait3A_65 = arith.constant 0 : i32
      %dma_wait3A_66 = arith.constant 0 : i32
      %dma_wait3A_67 = tpu.memref_slice %arg2[%dma_wait3A_65, %dma_wait3A_66] : memref<10000x64xbf16, #tpu.memory_space<hbm>> -> memref<10000x64xbf16, #tpu.memory_space<hbm>>
      tpu.wait_indirect_dma semaphore(%arg13 : memref<!tpu.dma_semaphore, #tpu.memory_space<semaphore_mem>>) src(%dma_wait3A_67 : memref<10000x64xbf16, #tpu.memory_space<hbm>>) dst(%arg9 : memref<128x64xbf16, #tpu.memory_space<vmem>>)
      %scan3A_68 = arith.constant 0 : i32
      %scan3A_69 = arith.constant 0 : i32
      %scan3A_70 = arith.constant 8 : i32
      %scan3A_71 = arith.addi %scan3A_69, %scan3A_70 : i32
      %scan3A_72 = arith.constant 1 : i32
      scf.for %scan3A_102 = %scan3A_69 to %scan3A_71 step %scan3A_72  : i32 {
        %mul3A_103 = arith.constant 16 : i32
        %mul3A_104 = arith.muli %scan3A_102, %mul3A_103 : i32
        %iota3A = tpu.iota {dimensions = array<i32: 0>} : vector<16xi32>
        %broadcast_in_dim3A = arith.constant 0.000000e+00 : f32
        %broadcast_in_dim3A_105 = vector.broadcast %broadcast_in_dim3A : f32 to vector<16xf32>
        %add3A_106 = arith.constant 0 : i32
        %add3A_107 = arith.addi %mul3A_104, %add3A_106 : i32
        %get3A = arith.index_cast %add3A_107 : i32 to index
        %get3A_108 = arith.constant 0 : index
        %get3A_109 = tpu.vector_load %arg7[%get3A, %get3A_108] {strides = array<i32>} : memref<128x64xbf16, #tpu.memory_space<vmem>>, vector<32xbf16>,
        %get3A_110 = arith.index_cast %add3A_107 : i32 to index
        %get3A_111 = arith.constant 0 : index
        %get3A_112 = tpu.vector_load %arg9[%get3A_110, %get3A_111] {strides = array<i32>} : memref<128x64xbf16, #tpu.memory_space<vmem>>, vector<32xbf16>,
        %mul3A_113 = arith.mulf %get3A_109, %get3A_112 : vector<32xbf16>
        %get3A_114 = arith.index_cast %add3A_107 : i32 to index
        %get3A_115 = arith.constant 32 : index
        %get3A_116 = tpu.vector_load %arg7[%get3A_114, %get3A_115] {strides = array<i32>} : memref<128x64xbf16, #tpu.memory_space<vmem>>, vector<32xbf16>,
        %get3A_117 = arith.index_cast %add3A_107 : i32 to index
        %get3A_118 = arith.constant 32 : index
        %get3A_119 = tpu.vector_load %arg9[%get3A_117, %get3A_118] {strides = array<i32>} : memref<128x64xbf16, #tpu.memory_space<vmem>>, vector<32xbf16>,
        %mul3A_120 = arith.mulf %get3A_116, %get3A_119 : vector<32xbf16>
        %unpack3A = tpu.unpack_subelements %mul3A_113, 0 {pack_format = #tpu.pack_format<interleaved>} : vector<32xbf16> -> vector<16xf32>
        %unpack3A_121 = tpu.unpack_subelements %mul3A_113, 1 {pack_format = #tpu.pack_format<interleaved>} : vector<32xbf16> -> vector<16xf32>
        %unpack3A_122 = tpu.unpack_subelements %mul3A_120, 0 {pack_format = #tpu.pack_format<interleaved>} : vector<32xbf16> -> vector<16xf32>
        %unpack3A_123 = tpu.unpack_subelements %mul3A_120, 1 {pack_format = #tpu.pack_format<interleaved>} : vector<32xbf16> -> vector<16xf32>
        %add3A_124 = arith.addf %unpack3A, %unpack3A_121 : vector<16xf32>
        %add3A_125 = arith.addf %unpack3A_122, %unpack3A_123 : vector<16xf32>
        %add3A_126 = arith.addf %add3A_124, %add3A_125 : vector<16xf32>
        %reduce_sum3A = arith.constant true
        %reduce_sum3A_127 = vector.broadcast %reduce_sum3A : i1 to vector<16xi1>
        %reduce_sum3A_128 = tpu.scan <sum>, %add3A_126 masked %reduce_sum3A_127 : vector<16xf32>, vector<16xi1> -> vector<16xf32>
        %reduce_sum3A_129 = vector.extract %reduce_sum3A_128[15] : f32 from vector<16xf32>
        %eq3A = arith.constant 0 : i32
        %eq3A_130 = vector.broadcast %eq3A : i32 to vector<16xi32>
        %eq3A_131 = arith.cmpi eq, %iota3A, %eq3A_130 : vector<16xi32>
        %broadcast_in_dim3A_132 = vector.broadcast %reduce_sum3A_129 : f32 to vector<16xf32>
        %select_n3A_133 = arith.select %eq3A_131, %broadcast_in_dim3A_132, %broadcast_in_dim3A_105 : vector<16xi1>, vector<16xf32>
        %add3A_134 = arith.constant 1 : i32
        %add3A_135 = arith.addi %mul3A_104, %add3A_134 : i32
        %get3A_136 = arith.index_cast %add3A_135 : i32 to index
        %get3A_137 = arith.constant 0 : index
        %get3A_138 = tpu.vector_load %arg7[%get3A_136, %get3A_137] {strides = array<i32>} : memref<128x64xbf16, #tpu.memory_space<vmem>>, vector<32xbf16>,
        %get3A_139 = arith.index_cast %add3A_135 : i32 to index
        %get3A_140 = arith.constant 0 : index
        %get3A_141 = tpu.vector_load %arg9[%get3A_139, %get3A_140] {strides = array<i32>} : memref<128x64xbf16, #tpu.memory_space<vmem>>, vector<32xbf16>,
        %mul3A_142 = arith.mulf %get3A_138, %get3A_141 : vector<32xbf16>
        %get3A_143 = arith.index_cast %add3A_135 : i32 to index
        %get3A_144 = arith.constant 32 : index
        %get3A_145 = tpu.vector_load %arg7[%get3A_143, %get3A_144] {strides = array<i32>} : memref<128x64xbf16, #tpu.memory_space<vmem>>, vector<32xbf16>,
        %get3A_146 = arith.index_cast %add3A_135 : i32 to index
        %get3A_147 = arith.constant 32 : index
        %get3A_148 = tpu.vector_load %arg9[%get3A_146, %get3A_147] {strides = array<i32>} : memref<128x64xbf16, #tpu.memory_space<vmem>>, vector<32xbf16>,
        %mul3A_149 = arith.mulf %get3A_145, %get3A_148 : vector<32xbf16>
        %unpack3A_150 = tpu.unpack_subelements %mul3A_142, 0 {pack_format = #tpu.pack_format<interleaved>} : vector<32xbf16> -> vector<16xf32>
        %unpack3A_151 = tpu.unpack_subelements %mul3A_142, 1 {pack_format = #tpu.pack_format<interleaved>} : vector<32xbf16> -> vector<16xf32>
        %unpack3A_152 = tpu.unpack_subelements %mul3A_149, 0 {pack_format = #tpu.pack_format<interleaved>} : vector<32xbf16> -> vector<16xf32>
        %unpack3A_153 = tpu.unpack_subelements %mul3A_149, 1 {pack_format = #tpu.pack_format<interleaved>} : vector<32xbf16> -> vector<16xf32>
        %add3A_154 = arith.addf %unpack3A_150, %unpack3A_151 : vector<16xf32>
        %add3A_155 = arith.addf %unpack3A_152, %unpack3A_153 : vector<16xf32>
        %add3A_156 = arith.addf %add3A_154, %add3A_155 : vector<16xf32>
        %reduce_sum3A_157 = arith.constant true
        %reduce_sum3A_158 = vector.broadcast %reduce_sum3A_157 : i1 to vector<16xi1>
        %reduce_sum3A_159 = tpu.scan <sum>, %add3A_156 masked %reduce_sum3A_158 : vector<16xf32>, vector<16xi1> -> vector<16xf32>
        %reduce_sum3A_160 = vector.extract %reduce_sum3A_159[15] : f32 from vector<16xf32>
        %eq3A_161 = arith.constant 1 : i32
        %eq3A_162 = vector.broadcast %eq3A_161 : i32 to vector<16xi32>
        %eq3A_163 = arith.cmpi eq, %iota3A, %eq3A_162 : vector<16xi32>
        %broadcast_in_dim3A_164 = vector.broadcast %reduce_sum3A_160 : f32 to vector<16xf32>
        %select_n3A_165 = arith.select %eq3A_163, %broadcast_in_dim3A_164, %select_n3A_133 : vector<16xi1>, vector<16xf32>
        %add3A_166 = arith.constant 2 : i32
        %add3A_167 = arith.addi %mul3A_104, %add3A_166 : i32
        %get3A_168 = arith.index_cast %add3A_167 : i32 to index
        %get3A_169 = arith.constant 0 : index
        %get3A_170 = tpu.vector_load %arg7[%get3A_168, %get3A_169] {strides = array<i32>} : memref<128x64xbf16, #tpu.memory_space<vmem>>, vector<32xbf16>,
        %get3A_171 = arith.index_cast %add3A_167 : i32 to index
        %get3A_172 = arith.constant 0 : index
        %get3A_173 = tpu.vector_load %arg9[%get3A_171, %get3A_172] {strides = array<i32>} : memref<128x64xbf16, #tpu.memory_space<vmem>>, vector<32xbf16>,
        %mul3A_174 = arith.mulf %get3A_170, %get3A_173 : vector<32xbf16>
        %get3A_175 = arith.index_cast %add3A_167 : i32 to index
        %get3A_176 = arith.constant 32 : index
        %get3A_177 = tpu.vector_load %arg7[%get3A_175, %get3A_176] {strides = array<i32>} : memref<128x64xbf16, #tpu.memory_space<vmem>>, vector<32xbf16>,
        %get3A_178 = arith.index_cast %add3A_167 : i32 to index
        %get3A_179 = arith.constant 32 : index
        %get3A_180 = tpu.vector_load %arg9[%get3A_178, %get3A_179] {strides = array<i32>} : memref<128x64xbf16, #tpu.memory_space<vmem>>, vector<32xbf16>,
        %mul3A_181 = arith.mulf %get3A_177, %get3A_180 : vector<32xbf16>
        %unpack3A_182 = tpu.unpack_subelements %mul3A_174, 0 {pack_format = #tpu.pack_format<interleaved>} : vector<32xbf16> -> vector<16xf32>
        %unpack3A_183 = tpu.unpack_subelements %mul3A_174, 1 {pack_format = #tpu.pack_format<interleaved>} : vector<32xbf16> -> vector<16xf32>
        %unpack3A_184 = tpu.unpack_subelements %mul3A_181, 0 {pack_format = #tpu.pack_format<interleaved>} : vector<32xbf16> -> vector<16xf32>
        %unpack3A_185 = tpu.unpack_subelements %mul3A_181, 1 {pack_format = #tpu.pack_format<interleaved>} : vector<32xbf16> -> vector<16xf32>
        %add3A_186 = arith.addf %unpack3A_182, %unpack3A_183 : vector<16xf32>
        %add3A_187 = arith.addf %unpack3A_184, %unpack3A_185 : vector<16xf32>
        %add3A_188 = arith.addf %add3A_186, %add3A_187 : vector<16xf32>
        %reduce_sum3A_189 = arith.constant true
        %reduce_sum3A_190 = vector.broadcast %reduce_sum3A_189 : i1 to vector<16xi1>
        %reduce_sum3A_191 = tpu.scan <sum>, %add3A_188 masked %reduce_sum3A_190 : vector<16xf32>, vector<16xi1> -> vector<16xf32>
        %reduce_sum3A_192 = vector.extract %reduce_sum3A_191[15] : f32 from vector<16xf32>
        %eq3A_193 = arith.constant 2 : i32
        %eq3A_194 = vector.broadcast %eq3A_193 : i32 to vector<16xi32>
        %eq3A_195 = arith.cmpi eq, %iota3A, %eq3A_194 : vector<16xi32>
        %broadcast_in_dim3A_196 = vector.broadcast %reduce_sum3A_192 : f32 to vector<16xf32>
        %select_n3A_197 = arith.select %eq3A_195, %broadcast_in_dim3A_196, %select_n3A_165 : vector<16xi1>, vector<16xf32>
        %add3A_198 = arith.constant 3 : i32
        %add3A_199 = arith.addi %mul3A_104, %add3A_198 : i32
        %get3A_200 = arith.index_cast %add3A_199 : i32 to index
        %get3A_201 = arith.constant 0 : index
        %get3A_202 = tpu.vector_load %arg7[%get3A_200, %get3A_201] {strides = array<i32>} : memref<128x64xbf16, #tpu.memory_space<vmem>>, vector<32xbf16>,
        %get3A_203 = arith.index_cast %add3A_199 : i32 to index
        %get3A_204 = arith.constant 0 : index
        %get3A_205 = tpu.vector_load %arg9[%get3A_203, %get3A_204] {strides = array<i32>} : memref<128x64xbf16, #tpu.memory_space<vmem>>, vector<32xbf16>,
        %mul3A_206 = arith.mulf %get3A_202, %get3A_205 : vector<32xbf16>
        %get3A_207 = arith.index_cast %add3A_199 : i32 to index
        %get3A_208 = arith.constant 32 : index
        %get3A_209 = tpu.vector_load %arg7[%get3A_207, %get3A_208] {strides = array<i32>} : memref<128x64xbf16, #tpu.memory_space<vmem>>, vector<32xbf16>,
        %get3A_210 = arith.index_cast %add3A_199 : i32 to index
        %get3A_211 = arith.constant 32 : index
        %get3A_212 = tpu.vector_load %arg9[%get3A_210, %get3A_211] {strides = array<i32>} : memref<128x64xbf16, #tpu.memory_space<vmem>>, vector<32xbf16>,
        %mul3A_213 = arith.mulf %get3A_209, %get3A_212 : vector<32xbf16>
        %unpack3A_214 = tpu.unpack_subelements %mul3A_206, 0 {pack_format = #tpu.pack_format<interleaved>} : vector<32xbf16> -> vector<16xf32>
        %unpack3A_215 = tpu.unpack_subelements %mul3A_206, 1 {pack_format = #tpu.pack_format<interleaved>} : vector<32xbf16> -> vector<16xf32>
        %unpack3A_216 = tpu.unpack_subelements %mul3A_213, 0 {pack_format = #tpu.pack_format<interleaved>} : vector<32xbf16> -> vector<16xf32>
        %unpack3A_217 = tpu.unpack_subelements %mul3A_213, 1 {pack_format = #tpu.pack_format<interleaved>} : vector<32xbf16> -> vector<16xf32>
        %add3A_218 = arith.addf %unpack3A_214, %unpack3A_215 : vector<16xf32>
        %add3A_219 = arith.addf %unpack3A_216, %unpack3A_217 : vector<16xf32>
        %add3A_220 = arith.addf %add3A_218, %add3A_219 : vector<16xf32>
        %reduce_sum3A_221 = arith.constant true
        %reduce_sum3A_222 = vector.broadcast %reduce_sum3A_221 : i1 to vector<16xi1>
        %reduce_sum3A_223 = tpu.scan <sum>, %add3A_220 masked %reduce_sum3A_222 : vector<16xf32>, vector<16xi1> -> vector<16xf32>
        %reduce_sum3A_224 = vector.extract %reduce_sum3A_223[15] : f32 from vector<16xf32>
        %eq3A_225 = arith.constant 3 : i32
        %eq3A_226 = vector.broadcast %eq3A_225 : i32 to vector<16xi32>
        %eq3A_227 = arith.cmpi eq, %iota3A, %eq3A_226 : vector<16xi32>
        %broadcast_in_dim3A_228 = vector.broadcast %reduce_sum3A_224 : f32 to vector<16xf32>
        %select_n3A_229 = arith.select %eq3A_227, %broadcast_in_dim3A_228, %select_n3A_197 : vector<16xi1>, vector<16xf32>
        %add3A_230 = arith.constant 4 : i32
        %add3A_231 = arith.addi %mul3A_104, %add3A_230 : i32
        %get3A_232 = arith.index_cast %add3A_231 : i32 to index
        %get3A_233 = arith.constant 0 : index
        %get3A_234 = tpu.vector_load %arg7[%get3A_232, %get3A_233] {strides = array<i32>} : memref<128x64xbf16, #tpu.memory_space<vmem>>, vector<32xbf16>,
        %get3A_235 = arith.index_cast %add3A_231 : i32 to index
        %get3A_236 = arith.constant 0 : index
        %get3A_237 = tpu.vector_load %arg9[%get3A_235, %get3A_236] {strides = array<i32>} : memref<128x64xbf16, #tpu.memory_space<vmem>>, vector<32xbf16>,
        %mul3A_238 = arith.mulf %get3A_234, %get3A_237 : vector<32xbf16>
        %get3A_239 = arith.index_cast %add3A_231 : i32 to index
        %get3A_240 = arith.constant 32 : index
        %get3A_241 = tpu.vector_load %arg7[%get3A_239, %get3A_240] {strides = array<i32>} : memref<128x64xbf16, #tpu.memory_space<vmem>>, vector<32xbf16>,
        %get3A_242 = arith.index_cast %add3A_231 : i32 to index
        %get3A_243 = arith.constant 32 : index
        %get3A_244 = tpu.vector_load %arg9[%get3A_242, %get3A_243] {strides = array<i32>} : memref<128x64xbf16, #tpu.memory_space<vmem>>, vector<32xbf16>,
        %mul3A_245 = arith.mulf %get3A_241, %get3A_244 : vector<32xbf16>
        %unpack3A_246 = tpu.unpack_subelements %mul3A_238, 0 {pack_format = #tpu.pack_format<interleaved>} : vector<32xbf16> -> vector<16xf32>
        %unpack3A_247 = tpu.unpack_subelements %mul3A_238, 1 {pack_format = #tpu.pack_format<interleaved>} : vector<32xbf16> -> vector<16xf32>
        %unpack3A_248 = tpu.unpack_subelements %mul3A_245, 0 {pack_format = #tpu.pack_format<interleaved>} : vector<32xbf16> -> vector<16xf32>
        %unpack3A_249 = tpu.unpack_subelements %mul3A_245, 1 {pack_format = #tpu.pack_format<interleaved>} : vector<32xbf16> -> vector<16xf32>
        %add3A_250 = arith.addf %unpack3A_246, %unpack3A_247 : vector<16xf32>
        %add3A_251 = arith.addf %unpack3A_248, %unpack3A_249 : vector<16xf32>
        %add3A_252 = arith.addf %add3A_250, %add3A_251 : vector<16xf32>
        %reduce_sum3A_253 = arith.constant true
        %reduce_sum3A_254 = vector.broadcast %reduce_sum3A_253 : i1 to vector<16xi1>
        %reduce_sum3A_255 = tpu.scan <sum>, %add3A_252 masked %reduce_sum3A_254 : vector<16xf32>, vector<16xi1> -> vector<16xf32>
        %reduce_sum3A_256 = vector.extract %reduce_sum3A_255[15] : f32 from vector<16xf32>
        %eq3A_257 = arith.constant 4 : i32
        %eq3A_258 = vector.broadcast %eq3A_257 : i32 to vector<16xi32>
        %eq3A_259 = arith.cmpi eq, %iota3A, %eq3A_258 : vector<16xi32>
        %broadcast_in_dim3A_260 = vector.broadcast %reduce_sum3A_256 : f32 to vector<16xf32>
        %select_n3A_261 = arith.select %eq3A_259, %broadcast_in_dim3A_260, %select_n3A_229 : vector<16xi1>, vector<16xf32>
        %add3A_262 = arith.constant 5 : i32
        %add3A_263 = arith.addi %mul3A_104, %add3A_262 : i32
        %get3A_264 = arith.index_cast %add3A_263 : i32 to index
        %get3A_265 = arith.constant 0 : index
        %get3A_266 = tpu.vector_load %arg7[%get3A_264, %get3A_265] {strides = array<i32>} : memref<128x64xbf16, #tpu.memory_space<vmem>>, vector<32xbf16>,
        %get3A_267 = arith.index_cast %add3A_263 : i32 to index
        %get3A_268 = arith.constant 0 : index
        %get3A_269 = tpu.vector_load %arg9[%get3A_267, %get3A_268] {strides = array<i32>} : memref<128x64xbf16, #tpu.memory_space<vmem>>, vector<32xbf16>,
        %mul3A_270 = arith.mulf %get3A_266, %get3A_269 : vector<32xbf16>
        %get3A_271 = arith.index_cast %add3A_263 : i32 to index
        %get3A_272 = arith.constant 32 : index
        %get3A_273 = tpu.vector_load %arg7[%get3A_271, %get3A_272] {strides = array<i32>} : memref<128x64xbf16, #tpu.memory_space<vmem>>, vector<32xbf16>,
        %get3A_274 = arith.index_cast %add3A_263 : i32 to index
        %get3A_275 = arith.constant 32 : index
        %get3A_276 = tpu.vector_load %arg9[%get3A_274, %get3A_275] {strides = array<i32>} : memref<128x64xbf16, #tpu.memory_space<vmem>>, vector<32xbf16>,
        %mul3A_277 = arith.mulf %get3A_273, %get3A_276 : vector<32xbf16>
        %unpack3A_278 = tpu.unpack_subelements %mul3A_270, 0 {pack_format = #tpu.pack_format<interleaved>} : vector<32xbf16> -> vector<16xf32>
        %unpack3A_279 = tpu.unpack_subelements %mul3A_270, 1 {pack_format = #tpu.pack_format<interleaved>} : vector<32xbf16> -> vector<16xf32>
        %unpack3A_280 = tpu.unpack_subelements %mul3A_277, 0 {pack_format = #tpu.pack_format<interleaved>} : vector<32xbf16> -> vector<16xf32>
        %unpack3A_281 = tpu.unpack_subelements %mul3A_277, 1 {pack_format = #tpu.pack_format<interleaved>} : vector<32xbf16> -> vector<16xf32>
        %add3A_282 = arith.addf %unpack3A_278, %unpack3A_279 : vector<16xf32>
        %add3A_283 = arith.addf %unpack3A_280, %unpack3A_281 : vector<16xf32>
        %add3A_284 = arith.addf %add3A_282, %add3A_283 : vector<16xf32>
        %reduce_sum3A_285 = arith.constant true
        %reduce_sum3A_286 = vector.broadcast %reduce_sum3A_285 : i1 to vector<16xi1>
        %reduce_sum3A_287 = tpu.scan <sum>, %add3A_284 masked %reduce_sum3A_286 : vector<16xf32>, vector<16xi1> -> vector<16xf32>
        %reduce_sum3A_288 = vector.extract %reduce_sum3A_287[15] : f32 from vector<16xf32>
        %eq3A_289 = arith.constant 5 : i32
        %eq3A_290 = vector.broadcast %eq3A_289 : i32 to vector<16xi32>
        %eq3A_291 = arith.cmpi eq, %iota3A, %eq3A_290 : vector<16xi32>
        %broadcast_in_dim3A_292 = vector.broadcast %reduce_sum3A_288 : f32 to vector<16xf32>
        %select_n3A_293 = arith.select %eq3A_291, %broadcast_in_dim3A_292, %select_n3A_261 : vector<16xi1>, vector<16xf32>
        %add3A_294 = arith.constant 6 : i32
        %add3A_295 = arith.addi %mul3A_104, %add3A_294 : i32
        %get3A_296 = arith.index_cast %add3A_295 : i32 to index
        %get3A_297 = arith.constant 0 : index
        %get3A_298 = tpu.vector_load %arg7[%get3A_296, %get3A_297] {strides = array<i32>} : memref<128x64xbf16, #tpu.memory_space<vmem>>, vector<32xbf16>,
        %get3A_299 = arith.index_cast %add3A_295 : i32 to index
        %get3A_300 = arith.constant 0 : index
        %get3A_301 = tpu.vector_load %arg9[%get3A_299, %get3A_300] {strides = array<i32>} : memref<128x64xbf16, #tpu.memory_space<vmem>>, vector<32xbf16>,
        %mul3A_302 = arith.mulf %get3A_298, %get3A_301 : vector<32xbf16>
        %get3A_303 = arith.index_cast %add3A_295 : i32 to index
        %get3A_304 = arith.constant 32 : index
        %get3A_305 = tpu.vector_load %arg7[%get3A_303, %get3A_304] {strides = array<i32>} : memref<128x64xbf16, #tpu.memory_space<vmem>>, vector<32xbf16>,
        %get3A_306 = arith.index_cast %add3A_295 : i32 to index
        %get3A_307 = arith.constant 32 : index
        %get3A_308 = tpu.vector_load %arg9[%get3A_306, %get3A_307] {strides = array<i32>} : memref<128x64xbf16, #tpu.memory_space<vmem>>, vector<32xbf16>,
        %mul3A_309 = arith.mulf %get3A_305, %get3A_308 : vector<32xbf16>
        %unpack3A_310 = tpu.unpack_subelements %mul3A_302, 0 {pack_format = #tpu.pack_format<interleaved>} : vector<32xbf16> -> vector<16xf32>
        %unpack3A_311 = tpu.unpack_subelements %mul3A_302, 1 {pack_format = #tpu.pack_format<interleaved>} : vector<32xbf16> -> vector<16xf32>
        %unpack3A_312 = tpu.unpack_subelements %mul3A_309, 0 {pack_format = #tpu.pack_format<interleaved>} : vector<32xbf16> -> vector<16xf32>
        %unpack3A_313 = tpu.unpack_subelements %mul3A_309, 1 {pack_format = #tpu.pack_format<interleaved>} : vector<32xbf16> -> vector<16xf32>
        %add3A_314 = arith.addf %unpack3A_310, %unpack3A_311 : vector<16xf32>
        %add3A_315 = arith.addf %unpack3A_312, %unpack3A_313 : vector<16xf32>
        %add3A_316 = arith.addf %add3A_314, %add3A_315 : vector<16xf32>
        %reduce_sum3A_317 = arith.constant true
        %reduce_sum3A_318 = vector.broadcast %reduce_sum3A_317 : i1 to vector<16xi1>
        %reduce_sum3A_319 = tpu.scan <sum>, %add3A_316 masked %reduce_sum3A_318 : vector<16xf32>, vector<16xi1> -> vector<16xf32>
        %reduce_sum3A_320 = vector.extract %reduce_sum3A_319[15] : f32 from vector<16xf32>
        %eq3A_321 = arith.constant 6 : i32
        %eq3A_322 = vector.broadcast %eq3A_321 : i32 to vector<16xi32>
        %eq3A_323 = arith.cmpi eq, %iota3A, %eq3A_322 : vector<16xi32>
        %broadcast_in_dim3A_324 = vector.broadcast %reduce_sum3A_320 : f32 to vector<16xf32>
        %select_n3A_325 = arith.select %eq3A_323, %broadcast_in_dim3A_324, %select_n3A_293 : vector<16xi1>, vector<16xf32>
        %add3A_326 = arith.constant 7 : i32
        %add3A_327 = arith.addi %mul3A_104, %add3A_326 : i32
        %get3A_328 = arith.index_cast %add3A_327 : i32 to index
        %get3A_329 = arith.constant 0 : index
        %get3A_330 = tpu.vector_load %arg7[%get3A_328, %get3A_329] {strides = array<i32>} : memref<128x64xbf16, #tpu.memory_space<vmem>>, vector<32xbf16>,
        %get3A_331 = arith.index_cast %add3A_327 : i32 to index
        %get3A_332 = arith.constant 0 : index
        %get3A_333 = tpu.vector_load %arg9[%get3A_331, %get3A_332] {strides = array<i32>} : memref<128x64xbf16, #tpu.memory_space<vmem>>, vector<32xbf16>,
        %mul3A_334 = arith.mulf %get3A_330, %get3A_333 : vector<32xbf16>
        %get3A_335 = arith.index_cast %add3A_327 : i32 to index
        %get3A_336 = arith.constant 32 : index
        %get3A_337 = tpu.vector_load %arg7[%get3A_335, %get3A_336] {strides = array<i32>} : memref<128x64xbf16, #tpu.memory_space<vmem>>, vector<32xbf16>,
        %get3A_338 = arith.index_cast %add3A_327 : i32 to index
        %get3A_339 = arith.constant 32 : index
        %get3A_340 = tpu.vector_load %arg9[%get3A_338, %get3A_339] {strides = array<i32>} : memref<128x64xbf16, #tpu.memory_space<vmem>>, vector<32xbf16>,
        %mul3A_341 = arith.mulf %get3A_337, %get3A_340 : vector<32xbf16>
        %unpack3A_342 = tpu.unpack_subelements %mul3A_334, 0 {pack_format = #tpu.pack_format<interleaved>} : vector<32xbf16> -> vector<16xf32>
        %unpack3A_343 = tpu.unpack_subelements %mul3A_334, 1 {pack_format = #tpu.pack_format<interleaved>} : vector<32xbf16> -> vector<16xf32>
        %unpack3A_344 = tpu.unpack_subelements %mul3A_341, 0 {pack_format = #tpu.pack_format<interleaved>} : vector<32xbf16> -> vector<16xf32>
        %unpack3A_345 = tpu.unpack_subelements %mul3A_341, 1 {pack_format = #tpu.pack_format<interleaved>} : vector<32xbf16> -> vector<16xf32>
        %add3A_346 = arith.addf %unpack3A_342, %unpack3A_343 : vector<16xf32>
        %add3A_347 = arith.addf %unpack3A_344, %unpack3A_345 : vector<16xf32>
        %add3A_348 = arith.addf %add3A_346, %add3A_347 : vector<16xf32>
        %reduce_sum3A_349 = arith.constant true
        %reduce_sum3A_350 = vector.broadcast %reduce_sum3A_349 : i1 to vector<16xi1>
        %reduce_sum3A_351 = tpu.scan <sum>, %add3A_348 masked %reduce_sum3A_350 : vector<16xf32>, vector<16xi1> -> vector<16xf32>
        %reduce_sum3A_352 = vector.extract %reduce_sum3A_351[15] : f32 from vector<16xf32>
        %eq3A_353 = arith.constant 7 : i32
        %eq3A_354 = vector.broadcast %eq3A_353 : i32 to vector<16xi32>
        %eq3A_355 = arith.cmpi eq, %iota3A, %eq3A_354 : vector<16xi32>
        %broadcast_in_dim3A_356 = vector.broadcast %reduce_sum3A_352 : f32 to vector<16xf32>
        %select_n3A_357 = arith.select %eq3A_355, %broadcast_in_dim3A_356, %select_n3A_325 : vector<16xi1>, vector<16xf32>
        %add3A_358 = arith.constant 8 : i32
        %add3A_359 = arith.addi %mul3A_104, %add3A_358 : i32
        %get3A_360 = arith.index_cast %add3A_359 : i32 to index
        %get3A_361 = arith.constant 0 : index
        %get3A_362 = tpu.vector_load %arg7[%get3A_360, %get3A_361] {strides = array<i32>} : memref<128x64xbf16, #tpu.memory_space<vmem>>, vector<32xbf16>,
        %get3A_363 = arith.index_cast %add3A_359 : i32 to index
        %get3A_364 = arith.constant 0 : index
        %get3A_365 = tpu.vector_load %arg9[%get3A_363, %get3A_364] {strides = array<i32>} : memref<128x64xbf16, #tpu.memory_space<vmem>>, vector<32xbf16>,
        %mul3A_366 = arith.mulf %get3A_362, %get3A_365 : vector<32xbf16>
        %get3A_367 = arith.index_cast %add3A_359 : i32 to index
        %get3A_368 = arith.constant 32 : index
        %get3A_369 = tpu.vector_load %arg7[%get3A_367, %get3A_368] {strides = array<i32>} : memref<128x64xbf16, #tpu.memory_space<vmem>>, vector<32xbf16>,
        %get3A_370 = arith.index_cast %add3A_359 : i32 to index
        %get3A_371 = arith.constant 32 : index
        %get3A_372 = tpu.vector_load %arg9[%get3A_370, %get3A_371] {strides = array<i32>} : memref<128x64xbf16, #tpu.memory_space<vmem>>, vector<32xbf16>,
        %mul3A_373 = arith.mulf %get3A_369, %get3A_372 : vector<32xbf16>
        %unpack3A_374 = tpu.unpack_subelements %mul3A_366, 0 {pack_format = #tpu.pack_format<interleaved>} : vector<32xbf16> -> vector<16xf32>
        %unpack3A_375 = tpu.unpack_subelements %mul3A_366, 1 {pack_format = #tpu.pack_format<interleaved>} : vector<32xbf16> -> vector<16xf32>
        %unpack3A_376 = tpu.unpack_subelements %mul3A_373, 0 {pack_format = #tpu.pack_format<interleaved>} : vector<32xbf16> -> vector<16xf32>
        %unpack3A_377 = tpu.unpack_subelements %mul3A_373, 1 {pack_format = #tpu.pack_format<interleaved>} : vector<32xbf16> -> vector<16xf32>
        %add3A_378 = arith.addf %unpack3A_374, %unpack3A_375 : vector<16xf32>
        %add3A_379 = arith.addf %unpack3A_376, %unpack3A_377 : vector<16xf32>
        %add3A_380 = arith.addf %add3A_378, %add3A_379 : vector<16xf32>
        %reduce_sum3A_381 = arith.constant true
        %reduce_sum3A_382 = vector.broadcast %reduce_sum3A_381 : i1 to vector<16xi1>
        %reduce_sum3A_383 = tpu.scan <sum>, %add3A_380 masked %reduce_sum3A_382 : vector<16xf32>, vector<16xi1> -> vector<16xf32>
        %reduce_sum3A_384 = vector.extract %reduce_sum3A_383[15] : f32 from vector<16xf32>
        %eq3A_385 = arith.constant 8 : i32
        %eq3A_386 = vector.broadcast %eq3A_385 : i32 to vector<16xi32>
        %eq3A_387 = arith.cmpi eq, %iota3A, %eq3A_386 : vector<16xi32>
        %broadcast_in_dim3A_388 = vector.broadcast %reduce_sum3A_384 : f32 to vector<16xf32>
        %select_n3A_389 = arith.select %eq3A_387, %broadcast_in_dim3A_388, %select_n3A_357 : vector<16xi1>, vector<16xf32>
        %add3A_390 = arith.constant 9 : i32
        %add3A_391 = arith.addi %mul3A_104, %add3A_390 : i32
        %get3A_392 = arith.index_cast %add3A_391 : i32 to index
        %get3A_393 = arith.constant 0 : index
        %get3A_394 = tpu.vector_load %arg7[%get3A_392, %get3A_393] {strides = array<i32>} : memref<128x64xbf16, #tpu.memory_space<vmem>>, vector<32xbf16>,
        %get3A_395 = arith.index_cast %add3A_391 : i32 to index
        %get3A_396 = arith.constant 0 : index
        %get3A_397 = tpu.vector_load %arg9[%get3A_395, %get3A_396] {strides = array<i32>} : memref<128x64xbf16, #tpu.memory_space<vmem>>, vector<32xbf16>,
        %mul3A_398 = arith.mulf %get3A_394, %get3A_397 : vector<32xbf16>
        %get3A_399 = arith.index_cast %add3A_391 : i32 to index
        %get3A_400 = arith.constant 32 : index
        %get3A_401 = tpu.vector_load %arg7[%get3A_399, %get3A_400] {strides = array<i32>} : memref<128x64xbf16, #tpu.memory_space<vmem>>, vector<32xbf16>,
        %get3A_402 = arith.index_cast %add3A_391 : i32 to index
        %get3A_403 = arith.constant 32 : index
        %get3A_404 = tpu.vector_load %arg9[%get3A_402, %get3A_403] {strides = array<i32>} : memref<128x64xbf16, #tpu.memory_space<vmem>>, vector<32xbf16>,
        %mul3A_405 = arith.mulf %get3A_401, %get3A_404 : vector<32xbf16>
        %unpack3A_406 = tpu.unpack_subelements %mul3A_398, 0 {pack_format = #tpu.pack_format<interleaved>} : vector<32xbf16> -> vector<16xf32>
        %unpack3A_407 = tpu.unpack_subelements %mul3A_398, 1 {pack_format = #tpu.pack_format<interleaved>} : vector<32xbf16> -> vector<16xf32>
        %unpack3A_408 = tpu.unpack_subelements %mul3A_405, 0 {pack_format = #tpu.pack_format<interleaved>} : vector<32xbf16> -> vector<16xf32>
        %unpack3A_409 = tpu.unpack_subelements %mul3A_405, 1 {pack_format = #tpu.pack_format<interleaved>} : vector<32xbf16> -> vector<16xf32>
        %add3A_410 = arith.addf %unpack3A_406, %unpack3A_407 : vector<16xf32>
        %add3A_411 = arith.addf %unpack3A_408, %unpack3A_409 : vector<16xf32>
        %add3A_412 = arith.addf %add3A_410, %add3A_411 : vector<16xf32>
        %reduce_sum3A_413 = arith.constant true
        %reduce_sum3A_414 = vector.broadcast %reduce_sum3A_413 : i1 to vector<16xi1>
        %reduce_sum3A_415 = tpu.scan <sum>, %add3A_412 masked %reduce_sum3A_414 : vector<16xf32>, vector<16xi1> -> vector<16xf32>
        %reduce_sum3A_416 = vector.extract %reduce_sum3A_415[15] : f32 from vector<16xf32>
        %eq3A_417 = arith.constant 9 : i32
        %eq3A_418 = vector.broadcast %eq3A_417 : i32 to vector<16xi32>
        %eq3A_419 = arith.cmpi eq, %iota3A, %eq3A_418 : vector<16xi32>
        %broadcast_in_dim3A_420 = vector.broadcast %reduce_sum3A_416 : f32 to vector<16xf32>
        %select_n3A_421 = arith.select %eq3A_419, %broadcast_in_dim3A_420, %select_n3A_389 : vector<16xi1>, vector<16xf32>
        %add3A_422 = arith.constant 10 : i32
        %add3A_423 = arith.addi %mul3A_104, %add3A_422 : i32
        %get3A_424 = arith.index_cast %add3A_423 : i32 to index
        %get3A_425 = arith.constant 0 : index
        %get3A_426 = tpu.vector_load %arg7[%get3A_424, %get3A_425] {strides = array<i32>} : memref<128x64xbf16, #tpu.memory_space<vmem>>, vector<32xbf16>,
        %get3A_427 = arith.index_cast %add3A_423 : i32 to index
        %get3A_428 = arith.constant 0 : index
        %get3A_429 = tpu.vector_load %arg9[%get3A_427, %get3A_428] {strides = array<i32>} : memref<128x64xbf16, #tpu.memory_space<vmem>>, vector<32xbf16>,
        %mul3A_430 = arith.mulf %get3A_426, %get3A_429 : vector<32xbf16>
        %get3A_431 = arith.index_cast %add3A_423 : i32 to index
        %get3A_432 = arith.constant 32 : index
        %get3A_433 = tpu.vector_load %arg7[%get3A_431, %get3A_432] {strides = array<i32>} : memref<128x64xbf16, #tpu.memory_space<vmem>>, vector<32xbf16>,
        %get3A_434 = arith.index_cast %add3A_423 : i32 to index
        %get3A_435 = arith.constant 32 : index
        %get3A_436 = tpu.vector_load %arg9[%get3A_434, %get3A_435] {strides = array<i32>} : memref<128x64xbf16, #tpu.memory_space<vmem>>, vector<32xbf16>,
        %mul3A_437 = arith.mulf %get3A_433, %get3A_436 : vector<32xbf16>
        %unpack3A_438 = tpu.unpack_subelements %mul3A_430, 0 {pack_format = #tpu.pack_format<interleaved>} : vector<32xbf16> -> vector<16xf32>
        %unpack3A_439 = tpu.unpack_subelements %mul3A_430, 1 {pack_format = #tpu.pack_format<interleaved>} : vector<32xbf16> -> vector<16xf32>
        %unpack3A_440 = tpu.unpack_subelements %mul3A_437, 0 {pack_format = #tpu.pack_format<interleaved>} : vector<32xbf16> -> vector<16xf32>
        %unpack3A_441 = tpu.unpack_subelements %mul3A_437, 1 {pack_format = #tpu.pack_format<interleaved>} : vector<32xbf16> -> vector<16xf32>
        %add3A_442 = arith.addf %unpack3A_438, %unpack3A_439 : vector<16xf32>
        %add3A_443 = arith.addf %unpack3A_440, %unpack3A_441 : vector<16xf32>
        %add3A_444 = arith.addf %add3A_442, %add3A_443 : vector<16xf32>
        %reduce_sum3A_445 = arith.constant true
        %reduce_sum3A_446 = vector.broadcast %reduce_sum3A_445 : i1 to vector<16xi1>
        %reduce_sum3A_447 = tpu.scan <sum>, %add3A_444 masked %reduce_sum3A_446 : vector<16xf32>, vector<16xi1> -> vector<16xf32>
        %reduce_sum3A_448 = vector.extract %reduce_sum3A_447[15] : f32 from vector<16xf32>
        %eq3A_449 = arith.constant 10 : i32
        %eq3A_450 = vector.broadcast %eq3A_449 : i32 to vector<16xi32>
        %eq3A_451 = arith.cmpi eq, %iota3A, %eq3A_450 : vector<16xi32>
        %broadcast_in_dim3A_452 = vector.broadcast %reduce_sum3A_448 : f32 to vector<16xf32>
        %select_n3A_453 = arith.select %eq3A_451, %broadcast_in_dim3A_452, %select_n3A_421 : vector<16xi1>, vector<16xf32>
        %add3A_454 = arith.constant 11 : i32
        %add3A_455 = arith.addi %mul3A_104, %add3A_454 : i32
        %get3A_456 = arith.index_cast %add3A_455 : i32 to index
        %get3A_457 = arith.constant 0 : index
        %get3A_458 = tpu.vector_load %arg7[%get3A_456, %get3A_457] {strides = array<i32>} : memref<128x64xbf16, #tpu.memory_space<vmem>>, vector<32xbf16>,
        %get3A_459 = arith.index_cast %add3A_455 : i32 to index
        %get3A_460 = arith.constant 0 : index
        %get3A_461 = tpu.vector_load %arg9[%get3A_459, %get3A_460] {strides = array<i32>} : memref<128x64xbf16, #tpu.memory_space<vmem>>, vector<32xbf16>,
        %mul3A_462 = arith.mulf %get3A_458, %get3A_461 : vector<32xbf16>
        %get3A_463 = arith.index_cast %add3A_455 : i32 to index
        %get3A_464 = arith.constant 32 : index
        %get3A_465 = tpu.vector_load %arg7[%get3A_463, %get3A_464] {strides = array<i32>} : memref<128x64xbf16, #tpu.memory_space<vmem>>, vector<32xbf16>,
        %get3A_466 = arith.index_cast %add3A_455 : i32 to index
        %get3A_467 = arith.constant 32 : index
        %get3A_468 = tpu.vector_load %arg9[%get3A_466, %get3A_467] {strides = array<i32>} : memref<128x64xbf16, #tpu.memory_space<vmem>>, vector<32xbf16>,
        %mul3A_469 = arith.mulf %get3A_465, %get3A_468 : vector<32xbf16>
        %unpack3A_470 = tpu.unpack_subelements %mul3A_462, 0 {pack_format = #tpu.pack_format<interleaved>} : vector<32xbf16> -> vector<16xf32>
        %unpack3A_471 = tpu.unpack_subelements %mul3A_462, 1 {pack_format = #tpu.pack_format<interleaved>} : vector<32xbf16> -> vector<16xf32>
        %unpack3A_472 = tpu.unpack_subelements %mul3A_469, 0 {pack_format = #tpu.pack_format<interleaved>} : vector<32xbf16> -> vector<16xf32>
        %unpack3A_473 = tpu.unpack_subelements %mul3A_469, 1 {pack_format = #tpu.pack_format<interleaved>} : vector<32xbf16> -> vector<16xf32>
        %add3A_474 = arith.addf %unpack3A_470, %unpack3A_471 : vector<16xf32>
        %add3A_475 = arith.addf %unpack3A_472, %unpack3A_473 : vector<16xf32>
        %add3A_476 = arith.addf %add3A_474, %add3A_475 : vector<16xf32>
        %reduce_sum3A_477 = arith.constant true
        %reduce_sum3A_478 = vector.broadcast %reduce_sum3A_477 : i1 to vector<16xi1>
        %reduce_sum3A_479 = tpu.scan <sum>, %add3A_476 masked %reduce_sum3A_478 : vector<16xf32>, vector<16xi1> -> vector<16xf32>
        %reduce_sum3A_480 = vector.extract %reduce_sum3A_479[15] : f32 from vector<16xf32>
        %eq3A_481 = arith.constant 11 : i32
        %eq3A_482 = vector.broadcast %eq3A_481 : i32 to vector<16xi32>
        %eq3A_483 = arith.cmpi eq, %iota3A, %eq3A_482 : vector<16xi32>
        %broadcast_in_dim3A_484 = vector.broadcast %reduce_sum3A_480 : f32 to vector<16xf32>
        %select_n3A_485 = arith.select %eq3A_483, %broadcast_in_dim3A_484, %select_n3A_453 : vector<16xi1>, vector<16xf32>
        %add3A_486 = arith.constant 12 : i32
        %add3A_487 = arith.addi %mul3A_104, %add3A_486 : i32
        %get3A_488 = arith.index_cast %add3A_487 : i32 to index
        %get3A_489 = arith.constant 0 : index
        %get3A_490 = tpu.vector_load %arg7[%get3A_488, %get3A_489] {strides = array<i32>} : memref<128x64xbf16, #tpu.memory_space<vmem>>, vector<32xbf16>,
        %get3A_491 = arith.index_cast %add3A_487 : i32 to index
        %get3A_492 = arith.constant 0 : index
        %get3A_493 = tpu.vector_load %arg9[%get3A_491, %get3A_492] {strides = array<i32>} : memref<128x64xbf16, #tpu.memory_space<vmem>>, vector<32xbf16>,
        %mul3A_494 = arith.mulf %get3A_490, %get3A_493 : vector<32xbf16>
        %get3A_495 = arith.index_cast %add3A_487 : i32 to index
        %get3A_496 = arith.constant 32 : index
        %get3A_497 = tpu.vector_load %arg7[%get3A_495, %get3A_496] {strides = array<i32>} : memref<128x64xbf16, #tpu.memory_space<vmem>>, vector<32xbf16>,
        %get3A_498 = arith.index_cast %add3A_487 : i32 to index
        %get3A_499 = arith.constant 32 : index
        %get3A_500 = tpu.vector_load %arg9[%get3A_498, %get3A_499] {strides = array<i32>} : memref<128x64xbf16, #tpu.memory_space<vmem>>, vector<32xbf16>,
        %mul3A_501 = arith.mulf %get3A_497, %get3A_500 : vector<32xbf16>
        %unpack3A_502 = tpu.unpack_subelements %mul3A_494, 0 {pack_format = #tpu.pack_format<interleaved>} : vector<32xbf16> -> vector<16xf32>
        %unpack3A_503 = tpu.unpack_subelements %mul3A_494, 1 {pack_format = #tpu.pack_format<interleaved>} : vector<32xbf16> -> vector<16xf32>
        %unpack3A_504 = tpu.unpack_subelements %mul3A_501, 0 {pack_format = #tpu.pack_format<interleaved>} : vector<32xbf16> -> vector<16xf32>
        %unpack3A_505 = tpu.unpack_subelements %mul3A_501, 1 {pack_format = #tpu.pack_format<interleaved>} : vector<32xbf16> -> vector<16xf32>
        %add3A_506 = arith.addf %unpack3A_502, %unpack3A_503 : vector<16xf32>
        %add3A_507 = arith.addf %unpack3A_504, %unpack3A_505 : vector<16xf32>
        %add3A_508 = arith.addf %add3A_506, %add3A_507 : vector<16xf32>
        %reduce_sum3A_509 = arith.constant true
        %reduce_sum3A_510 = vector.broadcast %reduce_sum3A_509 : i1 to vector<16xi1>
        %reduce_sum3A_511 = tpu.scan <sum>, %add3A_508 masked %reduce_sum3A_510 : vector<16xf32>, vector<16xi1> -> vector<16xf32>
        %reduce_sum3A_512 = vector.extract %reduce_sum3A_511[15] : f32 from vector<16xf32>
        %eq3A_513 = arith.constant 12 : i32
        %eq3A_514 = vector.broadcast %eq3A_513 : i32 to vector<16xi32>
        %eq3A_515 = arith.cmpi eq, %iota3A, %eq3A_514 : vector<16xi32>
        %broadcast_in_dim3A_516 = vector.broadcast %reduce_sum3A_512 : f32 to vector<16xf32>
        %select_n3A_517 = arith.select %eq3A_515, %broadcast_in_dim3A_516, %select_n3A_485 : vector<16xi1>, vector<16xf32>
        %add3A_518 = arith.constant 13 : i32
        %add3A_519 = arith.addi %mul3A_104, %add3A_518 : i32
        %get3A_520 = arith.index_cast %add3A_519 : i32 to index
        %get3A_521 = arith.constant 0 : index
        %get3A_522 = tpu.vector_load %arg7[%get3A_520, %get3A_521] {strides = array<i32>} : memref<128x64xbf16, #tpu.memory_space<vmem>>, vector<32xbf16>,
        %get3A_523 = arith.index_cast %add3A_519 : i32 to index
        %get3A_524 = arith.constant 0 : index
        %get3A_525 = tpu.vector_load %arg9[%get3A_523, %get3A_524] {strides = array<i32>} : memref<128x64xbf16, #tpu.memory_space<vmem>>, vector<32xbf16>,
        %mul3A_526 = arith.mulf %get3A_522, %get3A_525 : vector<32xbf16>
        %get3A_527 = arith.index_cast %add3A_519 : i32 to index
        %get3A_528 = arith.constant 32 : index
        %get3A_529 = tpu.vector_load %arg7[%get3A_527, %get3A_528] {strides = array<i32>} : memref<128x64xbf16, #tpu.memory_space<vmem>>, vector<32xbf16>,
        %get3A_530 = arith.index_cast %add3A_519 : i32 to index
        %get3A_531 = arith.constant 32 : index
        %get3A_532 = tpu.vector_load %arg9[%get3A_530, %get3A_531] {strides = array<i32>} : memref<128x64xbf16, #tpu.memory_space<vmem>>, vector<32xbf16>,
        %mul3A_533 = arith.mulf %get3A_529, %get3A_532 : vector<32xbf16>
        %unpack3A_534 = tpu.unpack_subelements %mul3A_526, 0 {pack_format = #tpu.pack_format<interleaved>} : vector<32xbf16> -> vector<16xf32>
        %unpack3A_535 = tpu.unpack_subelements %mul3A_526, 1 {pack_format = #tpu.pack_format<interleaved>} : vector<32xbf16> -> vector<16xf32>
        %unpack3A_536 = tpu.unpack_subelements %mul3A_533, 0 {pack_format = #tpu.pack_format<interleaved>} : vector<32xbf16> -> vector<16xf32>
        %unpack3A_537 = tpu.unpack_subelements %mul3A_533, 1 {pack_format = #tpu.pack_format<interleaved>} : vector<32xbf16> -> vector<16xf32>
        %add3A_538 = arith.addf %unpack3A_534, %unpack3A_535 : vector<16xf32>
        %add3A_539 = arith.addf %unpack3A_536, %unpack3A_537 : vector<16xf32>
        %add3A_540 = arith.addf %add3A_538, %add3A_539 : vector<16xf32>
        %reduce_sum3A_541 = arith.constant true
        %reduce_sum3A_542 = vector.broadcast %reduce_sum3A_541 : i1 to vector<16xi1>
        %reduce_sum3A_543 = tpu.scan <sum>, %add3A_540 masked %reduce_sum3A_542 : vector<16xf32>, vector<16xi1> -> vector<16xf32>
        %reduce_sum3A_544 = vector.extract %reduce_sum3A_543[15] : f32 from vector<16xf32>
        %eq3A_545 = arith.constant 13 : i32
        %eq3A_546 = vector.broadcast %eq3A_545 : i32 to vector<16xi32>
        %eq3A_547 = arith.cmpi eq, %iota3A, %eq3A_546 : vector<16xi32>
        %broadcast_in_dim3A_548 = vector.broadcast %reduce_sum3A_544 : f32 to vector<16xf32>
        %select_n3A_549 = arith.select %eq3A_547, %broadcast_in_dim3A_548, %select_n3A_517 : vector<16xi1>, vector<16xf32>
        %add3A_550 = arith.constant 14 : i32
        %add3A_551 = arith.addi %mul3A_104, %add3A_550 : i32
        %get3A_552 = arith.index_cast %add3A_551 : i32 to index
        %get3A_553 = arith.constant 0 : index
        %get3A_554 = tpu.vector_load %arg7[%get3A_552, %get3A_553] {strides = array<i32>} : memref<128x64xbf16, #tpu.memory_space<vmem>>, vector<32xbf16>,
        %get3A_555 = arith.index_cast %add3A_551 : i32 to index
        %get3A_556 = arith.constant 0 : index
        %get3A_557 = tpu.vector_load %arg9[%get3A_555, %get3A_556] {strides = array<i32>} : memref<128x64xbf16, #tpu.memory_space<vmem>>, vector<32xbf16>,
        %mul3A_558 = arith.mulf %get3A_554, %get3A_557 : vector<32xbf16>
        %get3A_559 = arith.index_cast %add3A_551 : i32 to index
        %get3A_560 = arith.constant 32 : index
        %get3A_561 = tpu.vector_load %arg7[%get3A_559, %get3A_560] {strides = array<i32>} : memref<128x64xbf16, #tpu.memory_space<vmem>>, vector<32xbf16>,
        %get3A_562 = arith.index_cast %add3A_551 : i32 to index
        %get3A_563 = arith.constant 32 : index
        %get3A_564 = tpu.vector_load %arg9[%get3A_562, %get3A_563] {strides = array<i32>} : memref<128x64xbf16, #tpu.memory_space<vmem>>, vector<32xbf16>,
        %mul3A_565 = arith.mulf %get3A_561, %get3A_564 : vector<32xbf16>
        %unpack3A_566 = tpu.unpack_subelements %mul3A_558, 0 {pack_format = #tpu.pack_format<interleaved>} : vector<32xbf16> -> vector<16xf32>
        %unpack3A_567 = tpu.unpack_subelements %mul3A_558, 1 {pack_format = #tpu.pack_format<interleaved>} : vector<32xbf16> -> vector<16xf32>
        %unpack3A_568 = tpu.unpack_subelements %mul3A_565, 0 {pack_format = #tpu.pack_format<interleaved>} : vector<32xbf16> -> vector<16xf32>
        %unpack3A_569 = tpu.unpack_subelements %mul3A_565, 1 {pack_format = #tpu.pack_format<interleaved>} : vector<32xbf16> -> vector<16xf32>
        %add3A_570 = arith.addf %unpack3A_566, %unpack3A_567 : vector<16xf32>
        %add3A_571 = arith.addf %unpack3A_568, %unpack3A_569 : vector<16xf32>
        %add3A_572 = arith.addf %add3A_570, %add3A_571 : vector<16xf32>
        %reduce_sum3A_573 = arith.constant true
        %reduce_sum3A_574 = vector.broadcast %reduce_sum3A_573 : i1 to vector<16xi1>
        %reduce_sum3A_575 = tpu.scan <sum>, %add3A_572 masked %reduce_sum3A_574 : vector<16xf32>, vector<16xi1> -> vector<16xf32>
        %reduce_sum3A_576 = vector.extract %reduce_sum3A_575[15] : f32 from vector<16xf32>
        %eq3A_577 = arith.constant 14 : i32
        %eq3A_578 = vector.broadcast %eq3A_577 : i32 to vector<16xi32>
        %eq3A_579 = arith.cmpi eq, %iota3A, %eq3A_578 : vector<16xi32>
        %broadcast_in_dim3A_580 = vector.broadcast %reduce_sum3A_576 : f32 to vector<16xf32>
        %select_n3A_581 = arith.select %eq3A_579, %broadcast_in_dim3A_580, %select_n3A_549 : vector<16xi1>, vector<16xf32>
        %add3A_582 = arith.constant 15 : i32
        %add3A_583 = arith.addi %mul3A_104, %add3A_582 : i32
        %get3A_584 = arith.index_cast %add3A_583 : i32 to index
        %get3A_585 = arith.constant 0 : index
        %get3A_586 = tpu.vector_load %arg7[%get3A_584, %get3A_585] {strides = array<i32>} : memref<128x64xbf16, #tpu.memory_space<vmem>>, vector<32xbf16>,
        %get3A_587 = arith.index_cast %add3A_583 : i32 to index
        %get3A_588 = arith.constant 0 : index
        %get3A_589 = tpu.vector_load %arg9[%get3A_587, %get3A_588] {strides = array<i32>} : memref<128x64xbf16, #tpu.memory_space<vmem>>, vector<32xbf16>,
        %mul3A_590 = arith.mulf %get3A_586, %get3A_589 : vector<32xbf16>
        %get3A_591 = arith.index_cast %add3A_583 : i32 to index
        %get3A_592 = arith.constant 32 : index
        %get3A_593 = tpu.vector_load %arg7[%get3A_591, %get3A_592] {strides = array<i32>} : memref<128x64xbf16, #tpu.memory_space<vmem>>, vector<32xbf16>,
        %get3A_594 = arith.index_cast %add3A_583 : i32 to index
        %get3A_595 = arith.constant 32 : index
        %get3A_596 = tpu.vector_load %arg9[%get3A_594, %get3A_595] {strides = array<i32>} : memref<128x64xbf16, #tpu.memory_space<vmem>>, vector<32xbf16>,
        %mul3A_597 = arith.mulf %get3A_593, %get3A_596 : vector<32xbf16>
        %unpack3A_598 = tpu.unpack_subelements %mul3A_590, 0 {pack_format = #tpu.pack_format<interleaved>} : vector<32xbf16> -> vector<16xf32>
        %unpack3A_599 = tpu.unpack_subelements %mul3A_590, 1 {pack_format = #tpu.pack_format<interleaved>} : vector<32xbf16> -> vector<16xf32>
        %unpack3A_600 = tpu.unpack_subelements %mul3A_597, 0 {pack_format = #tpu.pack_format<interleaved>} : vector<32xbf16> -> vector<16xf32>
        %unpack3A_601 = tpu.unpack_subelements %mul3A_597, 1 {pack_format = #tpu.pack_format<interleaved>} : vector<32xbf16> -> vector<16xf32>
        %add3A_602 = arith.addf %unpack3A_598, %unpack3A_599 : vector<16xf32>
        %add3A_603 = arith.addf %unpack3A_600, %unpack3A_601 : vector<16xf32>
        %add3A_604 = arith.addf %add3A_602, %add3A_603 : vector<16xf32>
        %reduce_sum3A_605 = arith.constant true
        %reduce_sum3A_606 = vector.broadcast %reduce_sum3A_605 : i1 to vector<16xi1>
        %reduce_sum3A_607 = tpu.scan <sum>, %add3A_604 masked %reduce_sum3A_606 : vector<16xf32>, vector<16xi1> -> vector<16xf32>
        %reduce_sum3A_608 = vector.extract %reduce_sum3A_607[15] : f32 from vector<16xf32>
        %eq3A_609 = arith.constant 15 : i32
        %eq3A_610 = vector.broadcast %eq3A_609 : i32 to vector<16xi32>
        %eq3A_611 = arith.cmpi eq, %iota3A, %eq3A_610 : vector<16xi32>
        %broadcast_in_dim3A_612 = vector.broadcast %reduce_sum3A_608 : f32 to vector<16xf32>
        %select_n3A_613 = arith.select %eq3A_611, %broadcast_in_dim3A_612, %select_n3A_581 : vector<16xi1>, vector<16xf32>
        %swap3A = arith.index_cast %mul3A_104 : i32 to index
        %swap3A_614 = tpu.vector_load %arg11[%swap3A] {strides = array<i32>} : memref<128xf32, #tpu.memory_space<vmem>>, vector<16xf32>,
        tpu.vector_store %arg11[%swap3A], %select_n3A_613 {strides = array<i32>} : memref<128xf32, #tpu.memory_space<vmem>>, vector<16xf32>,
      }
      %scan3A_73 = arith.constant 8 : i32
      %mul3A_74 = arith.constant 128 : i32
      %mul3A_75 = arith.muli %add3A_24, %mul3A_74 : i32
      %dma_start3A_76 = tpu.memref_slice %arg4[%mul3A_75] : memref<640000xf32, #tpu.memory_space<hbm>> -> memref<128xf32, #tpu.memory_space<hbm>>
      %dma_start3A_77 = tpu.memref_slice %arg4[%mul3A_75] : memref<640000xf32, #tpu.memory_space<hbm>> -> memref<128xf32, #tpu.memory_space<hbm>>
      tpu.enqueue_dma source(%arg11 : memref<128xf32, #tpu.memory_space<vmem>>) target(%dma_start3A_77 : memref<128xf32, #tpu.memory_space<hbm>>) target_semaphore(%arg15 : memref<!tpu.dma_semaphore, #tpu.memory_space<semaphore_mem>>)
      %dma_wait3A_78 = arith.constant 0 : i32
      %dma_wait3A_79 = tpu.memref_slice %arg6[%dma_wait3A_78] : memref<256xi32, #tpu.memory_space<vmem>> -> memref<128xi32, #tpu.memory_space<vmem>>
      %dma_wait3A_80 = arith.constant 0 : i32
      %dma_wait3A_81 = arith.constant 0 : i32
      %dma_wait3A_82 = tpu.memref_slice %arg2[%dma_wait3A_80, %dma_wait3A_81] : memref<10000x64xbf16, #tpu.memory_space<hbm>> -> memref<10000x64xbf16, #tpu.memory_space<hbm>>
      tpu.wait_indirect_dma semaphore(%arg14 : memref<!tpu.dma_semaphore, #tpu.memory_space<semaphore_mem>>) src(%dma_wait3A_82 : memref<10000x64xbf16, #tpu.memory_space<hbm>>) dst(%arg8 : memref<128x64xbf16, #tpu.memory_space<vmem>>)
      %dma_wait3A_83 = arith.constant 128 : i32
      %dma_wait3A_84 = tpu.memref_slice %arg6[%dma_wait3A_83] : memref<256xi32, #tpu.memory_space<vmem>> -> memref<128xi32, #tpu.memory_space<vmem>>
      %dma_wait3A_85 = arith.constant 0 : i32
      %dma_wait3A_86 = arith.constant 0 : i32
      %dma_wait3A_87 = tpu.memref_slice %arg2[%dma_wait3A_85, %dma_wait3A_86] : memref<10000x64xbf16, #tpu.memory_space<hbm>> -> memref<10000x64xbf16, #tpu.memory_space<hbm>>
      tpu.wait_indirect_dma semaphore(%arg14 : memref<!tpu.dma_semaphore, #tpu.memory_space<semaphore_mem>>) src(%dma_wait3A_87 : memref<10000x64xbf16, #tpu.memory_space<hbm>>) dst(%arg10 : memref<128x64xbf16, #tpu.memory_space<vmem>>)
      %scan3A_88 = arith.constant 0 : i32
      %scan3A_89 = arith.constant 0 : i32
      %scan3A_90 = arith.constant 8 : i32
      %scan3A_91 = arith.addi %scan3A_89, %scan3A_90 : i32
      %scan3A_92 = arith.constant 1 : i32
      scf.for %scan3A_102 = %scan3A_89 to %scan3A_91 step %scan3A_92  : i32 {
        %mul3A_103 = arith.constant 16 : i32
        %mul3A_104 = arith.muli %scan3A_102, %mul3A_103 : i32
        %iota3A = tpu.iota {dimensions = array<i32: 0>} : vector<16xi32>
        %broadcast_in_dim3A = arith.constant 0.000000e+00 : f32
        %broadcast_in_dim3A_105 = vector.broadcast %broadcast_in_dim3A : f32 to vector<16xf32>
        %add3A_106 = arith.constant 0 : i32
        %add3A_107 = arith.addi %mul3A_104, %add3A_106 : i32
        %get3A = arith.index_cast %add3A_107 : i32 to index
        %get3A_108 = arith.constant 0 : index
        %get3A_109 = tpu.vector_load %arg8[%get3A, %get3A_108] {strides = array<i32>} : memref<128x64xbf16, #tpu.memory_space<vmem>>, vector<32xbf16>,
        %get3A_110 = arith.index_cast %add3A_107 : i32 to index
        %get3A_111 = arith.constant 0 : index
        %get3A_112 = tpu.vector_load %arg10[%get3A_110, %get3A_111] {strides = array<i32>} : memref<128x64xbf16, #tpu.memory_space<vmem>>, vector<32xbf16>,
        %mul3A_113 = arith.mulf %get3A_109, %get3A_112 : vector<32xbf16>
        %get3A_114 = arith.index_cast %add3A_107 : i32 to index
        %get3A_115 = arith.constant 32 : index
        %get3A_116 = tpu.vector_load %arg8[%get3A_114, %get3A_115] {strides = array<i32>} : memref<128x64xbf16, #tpu.memory_space<vmem>>, vector<32xbf16>,
        %get3A_117 = arith.index_cast %add3A_107 : i32 to index
        %get3A_118 = arith.constant 32 : index
        %get3A_119 = tpu.vector_load %arg10[%get3A_117, %get3A_118] {strides = array<i32>} : memref<128x64xbf16, #tpu.memory_space<vmem>>, vector<32xbf16>,
        %mul3A_120 = arith.mulf %get3A_116, %get3A_119 : vector<32xbf16>
        %unpack3A = tpu.unpack_subelements %mul3A_113, 0 {pack_format = #tpu.pack_format<interleaved>} : vector<32xbf16> -> vector<16xf32>
        %unpack3A_121 = tpu.unpack_subelements %mul3A_113, 1 {pack_format = #tpu.pack_format<interleaved>} : vector<32xbf16> -> vector<16xf32>
        %unpack3A_122 = tpu.unpack_subelements %mul3A_120, 0 {pack_format = #tpu.pack_format<interleaved>} : vector<32xbf16> -> vector<16xf32>
        %unpack3A_123 = tpu.unpack_subelements %mul3A_120, 1 {pack_format = #tpu.pack_format<interleaved>} : vector<32xbf16> -> vector<16xf32>
        %add3A_124 = arith.addf %unpack3A, %unpack3A_121 : vector<16xf32>
        %add3A_125 = arith.addf %unpack3A_122, %unpack3A_123 : vector<16xf32>
        %add3A_126 = arith.addf %add3A_124, %add3A_125 : vector<16xf32>
        %reduce_sum3A = arith.constant true
        %reduce_sum3A_127 = vector.broadcast %reduce_sum3A : i1 to vector<16xi1>
        %reduce_sum3A_128 = tpu.scan <sum>, %add3A_126 masked %reduce_sum3A_127 : vector<16xf32>, vector<16xi1> -> vector<16xf32>
        %reduce_sum3A_129 = vector.extract %reduce_sum3A_128[15] : f32 from vector<16xf32>
        %eq3A = arith.constant 0 : i32
        %eq3A_130 = vector.broadcast %eq3A : i32 to vector<16xi32>
        %eq3A_131 = arith.cmpi eq, %iota3A, %eq3A_130 : vector<16xi32>
        %broadcast_in_dim3A_132 = vector.broadcast %reduce_sum3A_129 : f32 to vector<16xf32>
        %select_n3A_133 = arith.select %eq3A_131, %broadcast_in_dim3A_132, %broadcast_in_dim3A_105 : vector<16xi1>, vector<16xf32>
        %add3A_134 = arith.constant 1 : i32
        %add3A_135 = arith.addi %mul3A_104, %add3A_134 : i32
        %get3A_136 = arith.index_cast %add3A_135 : i32 to index
        %get3A_137 = arith.constant 0 : index
        %get3A_138 = tpu.vector_load %arg8[%get3A_136, %get3A_137] {strides = array<i32>} : memref<128x64xbf16, #tpu.memory_space<vmem>>, vector<32xbf16>,
        %get3A_139 = arith.index_cast %add3A_135 : i32 to index
        %get3A_140 = arith.constant 0 : index
        %get3A_141 = tpu.vector_load %arg10[%get3A_139, %get3A_140] {strides = array<i32>} : memref<128x64xbf16, #tpu.memory_space<vmem>>, vector<32xbf16>,
        %mul3A_142 = arith.mulf %get3A_138, %get3A_141 : vector<32xbf16>
        %get3A_143 = arith.index_cast %add3A_135 : i32 to index
        %get3A_144 = arith.constant 32 : index
        %get3A_145 = tpu.vector_load %arg8[%get3A_143, %get3A_144] {strides = array<i32>} : memref<128x64xbf16, #tpu.memory_space<vmem>>, vector<32xbf16>,
        %get3A_146 = arith.index_cast %add3A_135 : i32 to index
        %get3A_147 = arith.constant 32 : index
        %get3A_148 = tpu.vector_load %arg10[%get3A_146, %get3A_147] {strides = array<i32>} : memref<128x64xbf16, #tpu.memory_space<vmem>>, vector<32xbf16>,
        %mul3A_149 = arith.mulf %get3A_145, %get3A_148 : vector<32xbf16>
        %unpack3A_150 = tpu.unpack_subelements %mul3A_142, 0 {pack_format = #tpu.pack_format<interleaved>} : vector<32xbf16> -> vector<16xf32>
        %unpack3A_151 = tpu.unpack_subelements %mul3A_142, 1 {pack_format = #tpu.pack_format<interleaved>} : vector<32xbf16> -> vector<16xf32>
        %unpack3A_152 = tpu.unpack_subelements %mul3A_149, 0 {pack_format = #tpu.pack_format<interleaved>} : vector<32xbf16> -> vector<16xf32>
        %unpack3A_153 = tpu.unpack_subelements %mul3A_149, 1 {pack_format = #tpu.pack_format<interleaved>} : vector<32xbf16> -> vector<16xf32>
        %add3A_154 = arith.addf %unpack3A_150, %unpack3A_151 : vector<16xf32>
        %add3A_155 = arith.addf %unpack3A_152, %unpack3A_153 : vector<16xf32>
        %add3A_156 = arith.addf %add3A_154, %add3A_155 : vector<16xf32>
        %reduce_sum3A_157 = arith.constant true
        %reduce_sum3A_158 = vector.broadcast %reduce_sum3A_157 : i1 to vector<16xi1>
        %reduce_sum3A_159 = tpu.scan <sum>, %add3A_156 masked %reduce_sum3A_158 : vector<16xf32>, vector<16xi1> -> vector<16xf32>
        %reduce_sum3A_160 = vector.extract %reduce_sum3A_159[15] : f32 from vector<16xf32>
        %eq3A_161 = arith.constant 1 : i32
        %eq3A_162 = vector.broadcast %eq3A_161 : i32 to vector<16xi32>
        %eq3A_163 = arith.cmpi eq, %iota3A, %eq3A_162 : vector<16xi32>
        %broadcast_in_dim3A_164 = vector.broadcast %reduce_sum3A_160 : f32 to vector<16xf32>
        %select_n3A_165 = arith.select %eq3A_163, %broadcast_in_dim3A_164, %select_n3A_133 : vector<16xi1>, vector<16xf32>
        %add3A_166 = arith.constant 2 : i32
        %add3A_167 = arith.addi %mul3A_104, %add3A_166 : i32
        %get3A_168 = arith.index_cast %add3A_167 : i32 to index
        %get3A_169 = arith.constant 0 : index
        %get3A_170 = tpu.vector_load %arg8[%get3A_168, %get3A_169] {strides = array<i32>} : memref<128x64xbf16, #tpu.memory_space<vmem>>, vector<32xbf16>,
        %get3A_171 = arith.index_cast %add3A_167 : i32 to index
        %get3A_172 = arith.constant 0 : index
        %get3A_173 = tpu.vector_load %arg10[%get3A_171, %get3A_172] {strides = array<i32>} : memref<128x64xbf16, #tpu.memory_space<vmem>>, vector<32xbf16>,
        %mul3A_174 = arith.mulf %get3A_170, %get3A_173 : vector<32xbf16>
        %get3A_175 = arith.index_cast %add3A_167 : i32 to index
        %get3A_176 = arith.constant 32 : index
        %get3A_177 = tpu.vector_load %arg8[%get3A_175, %get3A_176] {strides = array<i32>} : memref<128x64xbf16, #tpu.memory_space<vmem>>, vector<32xbf16>,
        %get3A_178 = arith.index_cast %add3A_167 : i32 to index
        %get3A_179 = arith.constant 32 : index
        %get3A_180 = tpu.vector_load %arg10[%get3A_178, %get3A_179] {strides = array<i32>} : memref<128x64xbf16, #tpu.memory_space<vmem>>, vector<32xbf16>,
        %mul3A_181 = arith.mulf %get3A_177, %get3A_180 : vector<32xbf16>
        %unpack3A_182 = tpu.unpack_subelements %mul3A_174, 0 {pack_format = #tpu.pack_format<interleaved>} : vector<32xbf16> -> vector<16xf32>
        %unpack3A_183 = tpu.unpack_subelements %mul3A_174, 1 {pack_format = #tpu.pack_format<interleaved>} : vector<32xbf16> -> vector<16xf32>
        %unpack3A_184 = tpu.unpack_subelements %mul3A_181, 0 {pack_format = #tpu.pack_format<interleaved>} : vector<32xbf16> -> vector<16xf32>
        %unpack3A_185 = tpu.unpack_subelements %mul3A_181, 1 {pack_format = #tpu.pack_format<interleaved>} : vector<32xbf16> -> vector<16xf32>
        %add3A_186 = arith.addf %unpack3A_182, %unpack3A_183 : vector<16xf32>
        %add3A_187 = arith.addf %unpack3A_184, %unpack3A_185 : vector<16xf32>
        %add3A_188 = arith.addf %add3A_186, %add3A_187 : vector<16xf32>
        %reduce_sum3A_189 = arith.constant true
        %reduce_sum3A_190 = vector.broadcast %reduce_sum3A_189 : i1 to vector<16xi1>
        %reduce_sum3A_191 = tpu.scan <sum>, %add3A_188 masked %reduce_sum3A_190 : vector<16xf32>, vector<16xi1> -> vector<16xf32>
        %reduce_sum3A_192 = vector.extract %reduce_sum3A_191[15] : f32 from vector<16xf32>
        %eq3A_193 = arith.constant 2 : i32
        %eq3A_194 = vector.broadcast %eq3A_193 : i32 to vector<16xi32>
        %eq3A_195 = arith.cmpi eq, %iota3A, %eq3A_194 : vector<16xi32>
        %broadcast_in_dim3A_196 = vector.broadcast %reduce_sum3A_192 : f32 to vector<16xf32>
        %select_n3A_197 = arith.select %eq3A_195, %broadcast_in_dim3A_196, %select_n3A_165 : vector<16xi1>, vector<16xf32>
        %add3A_198 = arith.constant 3 : i32
        %add3A_199 = arith.addi %mul3A_104, %add3A_198 : i32
        %get3A_200 = arith.index_cast %add3A_199 : i32 to index
        %get3A_201 = arith.constant 0 : index
        %get3A_202 = tpu.vector_load %arg8[%get3A_200, %get3A_201] {strides = array<i32>} : memref<128x64xbf16, #tpu.memory_space<vmem>>, vector<32xbf16>,
        %get3A_203 = arith.index_cast %add3A_199 : i32 to index
        %get3A_204 = arith.constant 0 : index
        %get3A_205 = tpu.vector_load %arg10[%get3A_203, %get3A_204] {strides = array<i32>} : memref<128x64xbf16, #tpu.memory_space<vmem>>, vector<32xbf16>,
        %mul3A_206 = arith.mulf %get3A_202, %get3A_205 : vector<32xbf16>
        %get3A_207 = arith.index_cast %add3A_199 : i32 to index
        %get3A_208 = arith.constant 32 : index
        %get3A_209 = tpu.vector_load %arg8[%get3A_207, %get3A_208] {strides = array<i32>} : memref<128x64xbf16, #tpu.memory_space<vmem>>, vector<32xbf16>,
        %get3A_210 = arith.index_cast %add3A_199 : i32 to index
        %get3A_211 = arith.constant 32 : index
        %get3A_212 = tpu.vector_load %arg10[%get3A_210, %get3A_211] {strides = array<i32>} : memref<128x64xbf16, #tpu.memory_space<vmem>>, vector<32xbf16>,
        %mul3A_213 = arith.mulf %get3A_209, %get3A_212 : vector<32xbf16>
        %unpack3A_214 = tpu.unpack_subelements %mul3A_206, 0 {pack_format = #tpu.pack_format<interleaved>} : vector<32xbf16> -> vector<16xf32>
        %unpack3A_215 = tpu.unpack_subelements %mul3A_206, 1 {pack_format = #tpu.pack_format<interleaved>} : vector<32xbf16> -> vector<16xf32>
        %unpack3A_216 = tpu.unpack_subelements %mul3A_213, 0 {pack_format = #tpu.pack_format<interleaved>} : vector<32xbf16> -> vector<16xf32>
        %unpack3A_217 = tpu.unpack_subelements %mul3A_213, 1 {pack_format = #tpu.pack_format<interleaved>} : vector<32xbf16> -> vector<16xf32>
        %add3A_218 = arith.addf %unpack3A_214, %unpack3A_215 : vector<16xf32>
        %add3A_219 = arith.addf %unpack3A_216, %unpack3A_217 : vector<16xf32>
        %add3A_220 = arith.addf %add3A_218, %add3A_219 : vector<16xf32>
        %reduce_sum3A_221 = arith.constant true
        %reduce_sum3A_222 = vector.broadcast %reduce_sum3A_221 : i1 to vector<16xi1>
        %reduce_sum3A_223 = tpu.scan <sum>, %add3A_220 masked %reduce_sum3A_222 : vector<16xf32>, vector<16xi1> -> vector<16xf32>
        %reduce_sum3A_224 = vector.extract %reduce_sum3A_223[15] : f32 from vector<16xf32>
        %eq3A_225 = arith.constant 3 : i32
        %eq3A_226 = vector.broadcast %eq3A_225 : i32 to vector<16xi32>
        %eq3A_227 = arith.cmpi eq, %iota3A, %eq3A_226 : vector<16xi32>
        %broadcast_in_dim3A_228 = vector.broadcast %reduce_sum3A_224 : f32 to vector<16xf32>
        %select_n3A_229 = arith.select %eq3A_227, %broadcast_in_dim3A_228, %select_n3A_197 : vector<16xi1>, vector<16xf32>
        %add3A_230 = arith.constant 4 : i32
        %add3A_231 = arith.addi %mul3A_104, %add3A_230 : i32
        %get3A_232 = arith.index_cast %add3A_231 : i32 to index
        %get3A_233 = arith.constant 0 : index
        %get3A_234 = tpu.vector_load %arg8[%get3A_232, %get3A_233] {strides = array<i32>} : memref<128x64xbf16, #tpu.memory_space<vmem>>, vector<32xbf16>,
        %get3A_235 = arith.index_cast %add3A_231 : i32 to index
        %get3A_236 = arith.constant 0 : index
        %get3A_237 = tpu.vector_load %arg10[%get3A_235, %get3A_236] {strides = array<i32>} : memref<128x64xbf16, #tpu.memory_space<vmem>>, vector<32xbf16>,
        %mul3A_238 = arith.mulf %get3A_234, %get3A_237 : vector<32xbf16>
        %get3A_239 = arith.index_cast %add3A_231 : i32 to index
        %get3A_240 = arith.constant 32 : index
        %get3A_241 = tpu.vector_load %arg8[%get3A_239, %get3A_240] {strides = array<i32>} : memref<128x64xbf16, #tpu.memory_space<vmem>>, vector<32xbf16>,
        %get3A_242 = arith.index_cast %add3A_231 : i32 to index
        %get3A_243 = arith.constant 32 : index
        %get3A_244 = tpu.vector_load %arg10[%get3A_242, %get3A_243] {strides = array<i32>} : memref<128x64xbf16, #tpu.memory_space<vmem>>, vector<32xbf16>,
        %mul3A_245 = arith.mulf %get3A_241, %get3A_244 : vector<32xbf16>
        %unpack3A_246 = tpu.unpack_subelements %mul3A_238, 0 {pack_format = #tpu.pack_format<interleaved>} : vector<32xbf16> -> vector<16xf32>
        %unpack3A_247 = tpu.unpack_subelements %mul3A_238, 1 {pack_format = #tpu.pack_format<interleaved>} : vector<32xbf16> -> vector<16xf32>
        %unpack3A_248 = tpu.unpack_subelements %mul3A_245, 0 {pack_format = #tpu.pack_format<interleaved>} : vector<32xbf16> -> vector<16xf32>
        %unpack3A_249 = tpu.unpack_subelements %mul3A_245, 1 {pack_format = #tpu.pack_format<interleaved>} : vector<32xbf16> -> vector<16xf32>
        %add3A_250 = arith.addf %unpack3A_246, %unpack3A_247 : vector<16xf32>
        %add3A_251 = arith.addf %unpack3A_248, %unpack3A_249 : vector<16xf32>
        %add3A_252 = arith.addf %add3A_250, %add3A_251 : vector<16xf32>
        %reduce_sum3A_253 = arith.constant true
        %reduce_sum3A_254 = vector.broadcast %reduce_sum3A_253 : i1 to vector<16xi1>
        %reduce_sum3A_255 = tpu.scan <sum>, %add3A_252 masked %reduce_sum3A_254 : vector<16xf32>, vector<16xi1> -> vector<16xf32>
        %reduce_sum3A_256 = vector.extract %reduce_sum3A_255[15] : f32 from vector<16xf32>
        %eq3A_257 = arith.constant 4 : i32
        %eq3A_258 = vector.broadcast %eq3A_257 : i32 to vector<16xi32>
        %eq3A_259 = arith.cmpi eq, %iota3A, %eq3A_258 : vector<16xi32>
        %broadcast_in_dim3A_260 = vector.broadcast %reduce_sum3A_256 : f32 to vector<16xf32>
        %select_n3A_261 = arith.select %eq3A_259, %broadcast_in_dim3A_260, %select_n3A_229 : vector<16xi1>, vector<16xf32>
        %add3A_262 = arith.constant 5 : i32
        %add3A_263 = arith.addi %mul3A_104, %add3A_262 : i32
        %get3A_264 = arith.index_cast %add3A_263 : i32 to index
        %get3A_265 = arith.constant 0 : index
        %get3A_266 = tpu.vector_load %arg8[%get3A_264, %get3A_265] {strides = array<i32>} : memref<128x64xbf16, #tpu.memory_space<vmem>>, vector<32xbf16>,
        %get3A_267 = arith.index_cast %add3A_263 : i32 to index
        %get3A_268 = arith.constant 0 : index
        %get3A_269 = tpu.vector_load %arg10[%get3A_267, %get3A_268] {strides = array<i32>} : memref<128x64xbf16, #tpu.memory_space<vmem>>, vector<32xbf16>,
        %mul3A_270 = arith.mulf %get3A_266, %get3A_269 : vector<32xbf16>
        %get3A_271 = arith.index_cast %add3A_263 : i32 to index
        %get3A_272 = arith.constant 32 : index
        %get3A_273 = tpu.vector_load %arg8[%get3A_271, %get3A_272] {strides = array<i32>} : memref<128x64xbf16, #tpu.memory_space<vmem>>, vector<32xbf16>,
        %get3A_274 = arith.index_cast %add3A_263 : i32 to index
        %get3A_275 = arith.constant 32 : index
        %get3A_276 = tpu.vector_load %arg10[%get3A_274, %get3A_275] {strides = array<i32>} : memref<128x64xbf16, #tpu.memory_space<vmem>>, vector<32xbf16>,
        %mul3A_277 = arith.mulf %get3A_273, %get3A_276 : vector<32xbf16>
        %unpack3A_278 = tpu.unpack_subelements %mul3A_270, 0 {pack_format = #tpu.pack_format<interleaved>} : vector<32xbf16> -> vector<16xf32>
        %unpack3A_279 = tpu.unpack_subelements %mul3A_270, 1 {pack_format = #tpu.pack_format<interleaved>} : vector<32xbf16> -> vector<16xf32>
        %unpack3A_280 = tpu.unpack_subelements %mul3A_277, 0 {pack_format = #tpu.pack_format<interleaved>} : vector<32xbf16> -> vector<16xf32>
        %unpack3A_281 = tpu.unpack_subelements %mul3A_277, 1 {pack_format = #tpu.pack_format<interleaved>} : vector<32xbf16> -> vector<16xf32>
        %add3A_282 = arith.addf %unpack3A_278, %unpack3A_279 : vector<16xf32>
        %add3A_283 = arith.addf %unpack3A_280, %unpack3A_281 : vector<16xf32>
        %add3A_284 = arith.addf %add3A_282, %add3A_283 : vector<16xf32>
        %reduce_sum3A_285 = arith.constant true
        %reduce_sum3A_286 = vector.broadcast %reduce_sum3A_285 : i1 to vector<16xi1>
        %reduce_sum3A_287 = tpu.scan <sum>, %add3A_284 masked %reduce_sum3A_286 : vector<16xf32>, vector<16xi1> -> vector<16xf32>
        %reduce_sum3A_288 = vector.extract %reduce_sum3A_287[15] : f32 from vector<16xf32>
        %eq3A_289 = arith.constant 5 : i32
        %eq3A_290 = vector.broadcast %eq3A_289 : i32 to vector<16xi32>
        %eq3A_291 = arith.cmpi eq, %iota3A, %eq3A_290 : vector<16xi32>
        %broadcast_in_dim3A_292 = vector.broadcast %reduce_sum3A_288 : f32 to vector<16xf32>
        %select_n3A_293 = arith.select %eq3A_291, %broadcast_in_dim3A_292, %select_n3A_261 : vector<16xi1>, vector<16xf32>
        %add3A_294 = arith.constant 6 : i32
        %add3A_295 = arith.addi %mul3A_104, %add3A_294 : i32
        %get3A_296 = arith.index_cast %add3A_295 : i32 to index
        %get3A_297 = arith.constant 0 : index
        %get3A_298 = tpu.vector_load %arg8[%get3A_296, %get3A_297] {strides = array<i32>} : memref<128x64xbf16, #tpu.memory_space<vmem>>, vector<32xbf16>,
        %get3A_299 = arith.index_cast %add3A_295 : i32 to index
        %get3A_300 = arith.constant 0 : index
        %get3A_301 = tpu.vector_load %arg10[%get3A_299, %get3A_300] {strides = array<i32>} : memref<128x64xbf16, #tpu.memory_space<vmem>>, vector<32xbf16>,
        %mul3A_302 = arith.mulf %get3A_298, %get3A_301 : vector<32xbf16>
        %get3A_303 = arith.index_cast %add3A_295 : i32 to index
        %get3A_304 = arith.constant 32 : index
        %get3A_305 = tpu.vector_load %arg8[%get3A_303, %get3A_304] {strides = array<i32>} : memref<128x64xbf16, #tpu.memory_space<vmem>>, vector<32xbf16>,
        %get3A_306 = arith.index_cast %add3A_295 : i32 to index
        %get3A_307 = arith.constant 32 : index
        %get3A_308 = tpu.vector_load %arg10[%get3A_306, %get3A_307] {strides = array<i32>} : memref<128x64xbf16, #tpu.memory_space<vmem>>, vector<32xbf16>,
        %mul3A_309 = arith.mulf %get3A_305, %get3A_308 : vector<32xbf16>
        %unpack3A_310 = tpu.unpack_subelements %mul3A_302, 0 {pack_format = #tpu.pack_format<interleaved>} : vector<32xbf16> -> vector<16xf32>
        %unpack3A_311 = tpu.unpack_subelements %mul3A_302, 1 {pack_format = #tpu.pack_format<interleaved>} : vector<32xbf16> -> vector<16xf32>
        %unpack3A_312 = tpu.unpack_subelements %mul3A_309, 0 {pack_format = #tpu.pack_format<interleaved>} : vector<32xbf16> -> vector<16xf32>
        %unpack3A_313 = tpu.unpack_subelements %mul3A_309, 1 {pack_format = #tpu.pack_format<interleaved>} : vector<32xbf16> -> vector<16xf32>
        %add3A_314 = arith.addf %unpack3A_310, %unpack3A_311 : vector<16xf32>
        %add3A_315 = arith.addf %unpack3A_312, %unpack3A_313 : vector<16xf32>
        %add3A_316 = arith.addf %add3A_314, %add3A_315 : vector<16xf32>
        %reduce_sum3A_317 = arith.constant true
        %reduce_sum3A_318 = vector.broadcast %reduce_sum3A_317 : i1 to vector<16xi1>
        %reduce_sum3A_319 = tpu.scan <sum>, %add3A_316 masked %reduce_sum3A_318 : vector<16xf32>, vector<16xi1> -> vector<16xf32>
        %reduce_sum3A_320 = vector.extract %reduce_sum3A_319[15] : f32 from vector<16xf32>
        %eq3A_321 = arith.constant 6 : i32
        %eq3A_322 = vector.broadcast %eq3A_321 : i32 to vector<16xi32>
        %eq3A_323 = arith.cmpi eq, %iota3A, %eq3A_322 : vector<16xi32>
        %broadcast_in_dim3A_324 = vector.broadcast %reduce_sum3A_320 : f32 to vector<16xf32>
        %select_n3A_325 = arith.select %eq3A_323, %broadcast_in_dim3A_324, %select_n3A_293 : vector<16xi1>, vector<16xf32>
        %add3A_326 = arith.constant 7 : i32
        %add3A_327 = arith.addi %mul3A_104, %add3A_326 : i32
        %get3A_328 = arith.index_cast %add3A_327 : i32 to index
        %get3A_329 = arith.constant 0 : index
        %get3A_330 = tpu.vector_load %arg8[%get3A_328, %get3A_329] {strides = array<i32>} : memref<128x64xbf16, #tpu.memory_space<vmem>>, vector<32xbf16>,
        %get3A_331 = arith.index_cast %add3A_327 : i32 to index
        %get3A_332 = arith.constant 0 : index
        %get3A_333 = tpu.vector_load %arg10[%get3A_331, %get3A_332] {strides = array<i32>} : memref<128x64xbf16, #tpu.memory_space<vmem>>, vector<32xbf16>,
        %mul3A_334 = arith.mulf %get3A_330, %get3A_333 : vector<32xbf16>
        %get3A_335 = arith.index_cast %add3A_327 : i32 to index
        %get3A_336 = arith.constant 32 : index
        %get3A_337 = tpu.vector_load %arg8[%get3A_335, %get3A_336] {strides = array<i32>} : memref<128x64xbf16, #tpu.memory_space<vmem>>, vector<32xbf16>,
        %get3A_338 = arith.index_cast %add3A_327 : i32 to index
        %get3A_339 = arith.constant 32 : index
        %get3A_340 = tpu.vector_load %arg10[%get3A_338, %get3A_339] {strides = array<i32>} : memref<128x64xbf16, #tpu.memory_space<vmem>>, vector<32xbf16>,
        %mul3A_341 = arith.mulf %get3A_337, %get3A_340 : vector<32xbf16>
        %unpack3A_342 = tpu.unpack_subelements %mul3A_334, 0 {pack_format = #tpu.pack_format<interleaved>} : vector<32xbf16> -> vector<16xf32>
        %unpack3A_343 = tpu.unpack_subelements %mul3A_334, 1 {pack_format = #tpu.pack_format<interleaved>} : vector<32xbf16> -> vector<16xf32>
        %unpack3A_344 = tpu.unpack_subelements %mul3A_341, 0 {pack_format = #tpu.pack_format<interleaved>} : vector<32xbf16> -> vector<16xf32>
        %unpack3A_345 = tpu.unpack_subelements %mul3A_341, 1 {pack_format = #tpu.pack_format<interleaved>} : vector<32xbf16> -> vector<16xf32>
        %add3A_346 = arith.addf %unpack3A_342, %unpack3A_343 : vector<16xf32>
        %add3A_347 = arith.addf %unpack3A_344, %unpack3A_345 : vector<16xf32>
        %add3A_348 = arith.addf %add3A_346, %add3A_347 : vector<16xf32>
        %reduce_sum3A_349 = arith.constant true
        %reduce_sum3A_350 = vector.broadcast %reduce_sum3A_349 : i1 to vector<16xi1>
        %reduce_sum3A_351 = tpu.scan <sum>, %add3A_348 masked %reduce_sum3A_350 : vector<16xf32>, vector<16xi1> -> vector<16xf32>
        %reduce_sum3A_352 = vector.extract %reduce_sum3A_351[15] : f32 from vector<16xf32>
        %eq3A_353 = arith.constant 7 : i32
        %eq3A_354 = vector.broadcast %eq3A_353 : i32 to vector<16xi32>
        %eq3A_355 = arith.cmpi eq, %iota3A, %eq3A_354 : vector<16xi32>
        %broadcast_in_dim3A_356 = vector.broadcast %reduce_sum3A_352 : f32 to vector<16xf32>
        %select_n3A_357 = arith.select %eq3A_355, %broadcast_in_dim3A_356, %select_n3A_325 : vector<16xi1>, vector<16xf32>
        %add3A_358 = arith.constant 8 : i32
        %add3A_359 = arith.addi %mul3A_104, %add3A_358 : i32
        %get3A_360 = arith.index_cast %add3A_359 : i32 to index
        %get3A_361 = arith.constant 0 : index
        %get3A_362 = tpu.vector_load %arg8[%get3A_360, %get3A_361] {strides = array<i32>} : memref<128x64xbf16, #tpu.memory_space<vmem>>, vector<32xbf16>,
        %get3A_363 = arith.index_cast %add3A_359 : i32 to index
        %get3A_364 = arith.constant 0 : index
        %get3A_365 = tpu.vector_load %arg10[%get3A_363, %get3A_364] {strides = array<i32>} : memref<128x64xbf16, #tpu.memory_space<vmem>>, vector<32xbf16>,
        %mul3A_366 = arith.mulf %get3A_362, %get3A_365 : vector<32xbf16>
        %get3A_367 = arith.index_cast %add3A_359 : i32 to index
        %get3A_368 = arith.constant 32 : index
        %get3A_369 = tpu.vector_load %arg8[%get3A_367, %get3A_368] {strides = array<i32>} : memref<128x64xbf16, #tpu.memory_space<vmem>>, vector<32xbf16>,
        %get3A_370 = arith.index_cast %add3A_359 : i32 to index
        %get3A_371 = arith.constant 32 : index
        %get3A_372 = tpu.vector_load %arg10[%get3A_370, %get3A_371] {strides = array<i32>} : memref<128x64xbf16, #tpu.memory_space<vmem>>, vector<32xbf16>,
        %mul3A_373 = arith.mulf %get3A_369, %get3A_372 : vector<32xbf16>
        %unpack3A_374 = tpu.unpack_subelements %mul3A_366, 0 {pack_format = #tpu.pack_format<interleaved>} : vector<32xbf16> -> vector<16xf32>
        %unpack3A_375 = tpu.unpack_subelements %mul3A_366, 1 {pack_format = #tpu.pack_format<interleaved>} : vector<32xbf16> -> vector<16xf32>
        %unpack3A_376 = tpu.unpack_subelements %mul3A_373, 0 {pack_format = #tpu.pack_format<interleaved>} : vector<32xbf16> -> vector<16xf32>
        %unpack3A_377 = tpu.unpack_subelements %mul3A_373, 1 {pack_format = #tpu.pack_format<interleaved>} : vector<32xbf16> -> vector<16xf32>
        %add3A_378 = arith.addf %unpack3A_374, %unpack3A_375 : vector<16xf32>
        %add3A_379 = arith.addf %unpack3A_376, %unpack3A_377 : vector<16xf32>
        %add3A_380 = arith.addf %add3A_378, %add3A_379 : vector<16xf32>
        %reduce_sum3A_381 = arith.constant true
        %reduce_sum3A_382 = vector.broadcast %reduce_sum3A_381 : i1 to vector<16xi1>
        %reduce_sum3A_383 = tpu.scan <sum>, %add3A_380 masked %reduce_sum3A_382 : vector<16xf32>, vector<16xi1> -> vector<16xf32>
        %reduce_sum3A_384 = vector.extract %reduce_sum3A_383[15] : f32 from vector<16xf32>
        %eq3A_385 = arith.constant 8 : i32
        %eq3A_386 = vector.broadcast %eq3A_385 : i32 to vector<16xi32>
        %eq3A_387 = arith.cmpi eq, %iota3A, %eq3A_386 : vector<16xi32>
        %broadcast_in_dim3A_388 = vector.broadcast %reduce_sum3A_384 : f32 to vector<16xf32>
        %select_n3A_389 = arith.select %eq3A_387, %broadcast_in_dim3A_388, %select_n3A_357 : vector<16xi1>, vector<16xf32>
        %add3A_390 = arith.constant 9 : i32
        %add3A_391 = arith.addi %mul3A_104, %add3A_390 : i32
        %get3A_392 = arith.index_cast %add3A_391 : i32 to index
        %get3A_393 = arith.constant 0 : index
        %get3A_394 = tpu.vector_load %arg8[%get3A_392, %get3A_393] {strides = array<i32>} : memref<128x64xbf16, #tpu.memory_space<vmem>>, vector<32xbf16>,
        %get3A_395 = arith.index_cast %add3A_391 : i32 to index
        %get3A_396 = arith.constant 0 : index
        %get3A_397 = tpu.vector_load %arg10[%get3A_395, %get3A_396] {strides = array<i32>} : memref<128x64xbf16, #tpu.memory_space<vmem>>, vector<32xbf16>,
        %mul3A_398 = arith.mulf %get3A_394, %get3A_397 : vector<32xbf16>
        %get3A_399 = arith.index_cast %add3A_391 : i32 to index
        %get3A_400 = arith.constant 32 : index
        %get3A_401 = tpu.vector_load %arg8[%get3A_399, %get3A_400] {strides = array<i32>} : memref<128x64xbf16, #tpu.memory_space<vmem>>, vector<32xbf16>,
        %get3A_402 = arith.index_cast %add3A_391 : i32 to index
        %get3A_403 = arith.constant 32 : index
        %get3A_404 = tpu.vector_load %arg10[%get3A_402, %get3A_403] {strides = array<i32>} : memref<128x64xbf16, #tpu.memory_space<vmem>>, vector<32xbf16>,
        %mul3A_405 = arith.mulf %get3A_401, %get3A_404 : vector<32xbf16>
        %unpack3A_406 = tpu.unpack_subelements %mul3A_398, 0 {pack_format = #tpu.pack_format<interleaved>} : vector<32xbf16> -> vector<16xf32>
        %unpack3A_407 = tpu.unpack_subelements %mul3A_398, 1 {pack_format = #tpu.pack_format<interleaved>} : vector<32xbf16> -> vector<16xf32>
        %unpack3A_408 = tpu.unpack_subelements %mul3A_405, 0 {pack_format = #tpu.pack_format<interleaved>} : vector<32xbf16> -> vector<16xf32>
        %unpack3A_409 = tpu.unpack_subelements %mul3A_405, 1 {pack_format = #tpu.pack_format<interleaved>} : vector<32xbf16> -> vector<16xf32>
        %add3A_410 = arith.addf %unpack3A_406, %unpack3A_407 : vector<16xf32>
        %add3A_411 = arith.addf %unpack3A_408, %unpack3A_409 : vector<16xf32>
        %add3A_412 = arith.addf %add3A_410, %add3A_411 : vector<16xf32>
        %reduce_sum3A_413 = arith.constant true
        %reduce_sum3A_414 = vector.broadcast %reduce_sum3A_413 : i1 to vector<16xi1>
        %reduce_sum3A_415 = tpu.scan <sum>, %add3A_412 masked %reduce_sum3A_414 : vector<16xf32>, vector<16xi1> -> vector<16xf32>
        %reduce_sum3A_416 = vector.extract %reduce_sum3A_415[15] : f32 from vector<16xf32>
        %eq3A_417 = arith.constant 9 : i32
        %eq3A_418 = vector.broadcast %eq3A_417 : i32 to vector<16xi32>
        %eq3A_419 = arith.cmpi eq, %iota3A, %eq3A_418 : vector<16xi32>
        %broadcast_in_dim3A_420 = vector.broadcast %reduce_sum3A_416 : f32 to vector<16xf32>
        %select_n3A_421 = arith.select %eq3A_419, %broadcast_in_dim3A_420, %select_n3A_389 : vector<16xi1>, vector<16xf32>
        %add3A_422 = arith.constant 10 : i32
        %add3A_423 = arith.addi %mul3A_104, %add3A_422 : i32
        %get3A_424 = arith.index_cast %add3A_423 : i32 to index
        %get3A_425 = arith.constant 0 : index
        %get3A_426 = tpu.vector_load %arg8[%get3A_424, %get3A_425] {strides = array<i32>} : memref<128x64xbf16, #tpu.memory_space<vmem>>, vector<32xbf16>,
        %get3A_427 = arith.index_cast %add3A_423 : i32 to index
        %get3A_428 = arith.constant 0 : index
        %get3A_429 = tpu.vector_load %arg10[%get3A_427, %get3A_428] {strides = array<i32>} : memref<128x64xbf16, #tpu.memory_space<vmem>>, vector<32xbf16>,
        %mul3A_430 = arith.mulf %get3A_426, %get3A_429 : vector<32xbf16>
        %get3A_431 = arith.index_cast %add3A_423 : i32 to index
        %get3A_432 = arith.constant 32 : index
        %get3A_433 = tpu.vector_load %arg8[%get3A_431, %get3A_432] {strides = array<i32>} : memref<128x64xbf16, #tpu.memory_space<vmem>>, vector<32xbf16>,
        %get3A_434 = arith.index_cast %add3A_423 : i32 to index
        %get3A_435 = arith.constant 32 : index
        %get3A_436 = tpu.vector_load %arg10[%get3A_434, %get3A_435] {strides = array<i32>} : memref<128x64xbf16, #tpu.memory_space<vmem>>, vector<32xbf16>,
        %mul3A_437 = arith.mulf %get3A_433, %get3A_436 : vector<32xbf16>
        %unpack3A_438 = tpu.unpack_subelements %mul3A_430, 0 {pack_format = #tpu.pack_format<interleaved>} : vector<32xbf16> -> vector<16xf32>
        %unpack3A_439 = tpu.unpack_subelements %mul3A_430, 1 {pack_format = #tpu.pack_format<interleaved>} : vector<32xbf16> -> vector<16xf32>
        %unpack3A_440 = tpu.unpack_subelements %mul3A_437, 0 {pack_format = #tpu.pack_format<interleaved>} : vector<32xbf16> -> vector<16xf32>
        %unpack3A_441 = tpu.unpack_subelements %mul3A_437, 1 {pack_format = #tpu.pack_format<interleaved>} : vector<32xbf16> -> vector<16xf32>
        %add3A_442 = arith.addf %unpack3A_438, %unpack3A_439 : vector<16xf32>
        %add3A_443 = arith.addf %unpack3A_440, %unpack3A_441 : vector<16xf32>
        %add3A_444 = arith.addf %add3A_442, %add3A_443 : vector<16xf32>
        %reduce_sum3A_445 = arith.constant true
        %reduce_sum3A_446 = vector.broadcast %reduce_sum3A_445 : i1 to vector<16xi1>
        %reduce_sum3A_447 = tpu.scan <sum>, %add3A_444 masked %reduce_sum3A_446 : vector<16xf32>, vector<16xi1> -> vector<16xf32>
        %reduce_sum3A_448 = vector.extract %reduce_sum3A_447[15] : f32 from vector<16xf32>
        %eq3A_449 = arith.constant 10 : i32
        %eq3A_450 = vector.broadcast %eq3A_449 : i32 to vector<16xi32>
        %eq3A_451 = arith.cmpi eq, %iota3A, %eq3A_450 : vector<16xi32>
        %broadcast_in_dim3A_452 = vector.broadcast %reduce_sum3A_448 : f32 to vector<16xf32>
        %select_n3A_453 = arith.select %eq3A_451, %broadcast_in_dim3A_452, %select_n3A_421 : vector<16xi1>, vector<16xf32>
        %add3A_454 = arith.constant 11 : i32
        %add3A_455 = arith.addi %mul3A_104, %add3A_454 : i32
        %get3A_456 = arith.index_cast %add3A_455 : i32 to index
        %get3A_457 = arith.constant 0 : index
        %get3A_458 = tpu.vector_load %arg8[%get3A_456, %get3A_457] {strides = array<i32>} : memref<128x64xbf16, #tpu.memory_space<vmem>>, vector<32xbf16>,
        %get3A_459 = arith.index_cast %add3A_455 : i32 to index
        %get3A_460 = arith.constant 0 : index
        %get3A_461 = tpu.vector_load %arg10[%get3A_459, %get3A_460] {strides = array<i32>} : memref<128x64xbf16, #tpu.memory_space<vmem>>, vector<32xbf16>,
        %mul3A_462 = arith.mulf %get3A_458, %get3A_461 : vector<32xbf16>
        %get3A_463 = arith.index_cast %add3A_455 : i32 to index
        %get3A_464 = arith.constant 32 : index
        %get3A_465 = tpu.vector_load %arg8[%get3A_463, %get3A_464] {strides = array<i32>} : memref<128x64xbf16, #tpu.memory_space<vmem>>, vector<32xbf16>,
        %get3A_466 = arith.index_cast %add3A_455 : i32 to index
        %get3A_467 = arith.constant 32 : index
        %get3A_468 = tpu.vector_load %arg10[%get3A_466, %get3A_467] {strides = array<i32>} : memref<128x64xbf16, #tpu.memory_space<vmem>>, vector<32xbf16>,
        %mul3A_469 = arith.mulf %get3A_465, %get3A_468 : vector<32xbf16>
        %unpack3A_470 = tpu.unpack_subelements %mul3A_462, 0 {pack_format = #tpu.pack_format<interleaved>} : vector<32xbf16> -> vector<16xf32>
        %unpack3A_471 = tpu.unpack_subelements %mul3A_462, 1 {pack_format = #tpu.pack_format<interleaved>} : vector<32xbf16> -> vector<16xf32>
        %unpack3A_472 = tpu.unpack_subelements %mul3A_469, 0 {pack_format = #tpu.pack_format<interleaved>} : vector<32xbf16> -> vector<16xf32>
        %unpack3A_473 = tpu.unpack_subelements %mul3A_469, 1 {pack_format = #tpu.pack_format<interleaved>} : vector<32xbf16> -> vector<16xf32>
        %add3A_474 = arith.addf %unpack3A_470, %unpack3A_471 : vector<16xf32>
        %add3A_475 = arith.addf %unpack3A_472, %unpack3A_473 : vector<16xf32>
        %add3A_476 = arith.addf %add3A_474, %add3A_475 : vector<16xf32>
        %reduce_sum3A_477 = arith.constant true
        %reduce_sum3A_478 = vector.broadcast %reduce_sum3A_477 : i1 to vector<16xi1>
        %reduce_sum3A_479 = tpu.scan <sum>, %add3A_476 masked %reduce_sum3A_478 : vector<16xf32>, vector<16xi1> -> vector<16xf32>
        %reduce_sum3A_480 = vector.extract %reduce_sum3A_479[15] : f32 from vector<16xf32>
        %eq3A_481 = arith.constant 11 : i32
        %eq3A_482 = vector.broadcast %eq3A_481 : i32 to vector<16xi32>
        %eq3A_483 = arith.cmpi eq, %iota3A, %eq3A_482 : vector<16xi32>
        %broadcast_in_dim3A_484 = vector.broadcast %reduce_sum3A_480 : f32 to vector<16xf32>
        %select_n3A_485 = arith.select %eq3A_483, %broadcast_in_dim3A_484, %select_n3A_453 : vector<16xi1>, vector<16xf32>
        %add3A_486 = arith.constant 12 : i32
        %add3A_487 = arith.addi %mul3A_104, %add3A_486 : i32
        %get3A_488 = arith.index_cast %add3A_487 : i32 to index
        %get3A_489 = arith.constant 0 : index
        %get3A_490 = tpu.vector_load %arg8[%get3A_488, %get3A_489] {strides = array<i32>} : memref<128x64xbf16, #tpu.memory_space<vmem>>, vector<32xbf16>,
        %get3A_491 = arith.index_cast %add3A_487 : i32 to index
        %get3A_492 = arith.constant 0 : index
        %get3A_493 = tpu.vector_load %arg10[%get3A_491, %get3A_492] {strides = array<i32>} : memref<128x64xbf16, #tpu.memory_space<vmem>>, vector<32xbf16>,
        %mul3A_494 = arith.mulf %get3A_490, %get3A_493 : vector<32xbf16>
        %get3A_495 = arith.index_cast %add3A_487 : i32 to index
        %get3A_496 = arith.constant 32 : index
        %get3A_497 = tpu.vector_load %arg8[%get3A_495, %get3A_496] {strides = array<i32>} : memref<128x64xbf16, #tpu.memory_space<vmem>>, vector<32xbf16>,
        %get3A_498 = arith.index_cast %add3A_487 : i32 to index
        %get3A_499 = arith.constant 32 : index
        %get3A_500 = tpu.vector_load %arg10[%get3A_498, %get3A_499] {strides = array<i32>} : memref<128x64xbf16, #tpu.memory_space<vmem>>, vector<32xbf16>,
        %mul3A_501 = arith.mulf %get3A_497, %get3A_500 : vector<32xbf16>
        %unpack3A_502 = tpu.unpack_subelements %mul3A_494, 0 {pack_format = #tpu.pack_format<interleaved>} : vector<32xbf16> -> vector<16xf32>
        %unpack3A_503 = tpu.unpack_subelements %mul3A_494, 1 {pack_format = #tpu.pack_format<interleaved>} : vector<32xbf16> -> vector<16xf32>
        %unpack3A_504 = tpu.unpack_subelements %mul3A_501, 0 {pack_format = #tpu.pack_format<interleaved>} : vector<32xbf16> -> vector<16xf32>
        %unpack3A_505 = tpu.unpack_subelements %mul3A_501, 1 {pack_format = #tpu.pack_format<interleaved>} : vector<32xbf16> -> vector<16xf32>
        %add3A_506 = arith.addf %unpack3A_502, %unpack3A_503 : vector<16xf32>
        %add3A_507 = arith.addf %unpack3A_504, %unpack3A_505 : vector<16xf32>
        %add3A_508 = arith.addf %add3A_506, %add3A_507 : vector<16xf32>
        %reduce_sum3A_509 = arith.constant true
        %reduce_sum3A_510 = vector.broadcast %reduce_sum3A_509 : i1 to vector<16xi1>
        %reduce_sum3A_511 = tpu.scan <sum>, %add3A_508 masked %reduce_sum3A_510 : vector<16xf32>, vector<16xi1> -> vector<16xf32>
        %reduce_sum3A_512 = vector.extract %reduce_sum3A_511[15] : f32 from vector<16xf32>
        %eq3A_513 = arith.constant 12 : i32
        %eq3A_514 = vector.broadcast %eq3A_513 : i32 to vector<16xi32>
        %eq3A_515 = arith.cmpi eq, %iota3A, %eq3A_514 : vector<16xi32>
        %broadcast_in_dim3A_516 = vector.broadcast %reduce_sum3A_512 : f32 to vector<16xf32>
        %select_n3A_517 = arith.select %eq3A_515, %broadcast_in_dim3A_516, %select_n3A_485 : vector<16xi1>, vector<16xf32>
        %add3A_518 = arith.constant 13 : i32
        %add3A_519 = arith.addi %mul3A_104, %add3A_518 : i32
        %get3A_520 = arith.index_cast %add3A_519 : i32 to index
        %get3A_521 = arith.constant 0 : index
        %get3A_522 = tpu.vector_load %arg8[%get3A_520, %get3A_521] {strides = array<i32>} : memref<128x64xbf16, #tpu.memory_space<vmem>>, vector<32xbf16>,
        %get3A_523 = arith.index_cast %add3A_519 : i32 to index
        %get3A_524 = arith.constant 0 : index
        %get3A_525 = tpu.vector_load %arg10[%get3A_523, %get3A_524] {strides = array<i32>} : memref<128x64xbf16, #tpu.memory_space<vmem>>, vector<32xbf16>,
        %mul3A_526 = arith.mulf %get3A_522, %get3A_525 : vector<32xbf16>
        %get3A_527 = arith.index_cast %add3A_519 : i32 to index
        %get3A_528 = arith.constant 32 : index
        %get3A_529 = tpu.vector_load %arg8[%get3A_527, %get3A_528] {strides = array<i32>} : memref<128x64xbf16, #tpu.memory_space<vmem>>, vector<32xbf16>,
        %get3A_530 = arith.index_cast %add3A_519 : i32 to index
        %get3A_531 = arith.constant 32 : index
        %get3A_532 = tpu.vector_load %arg10[%get3A_530, %get3A_531] {strides = array<i32>} : memref<128x64xbf16, #tpu.memory_space<vmem>>, vector<32xbf16>,
        %mul3A_533 = arith.mulf %get3A_529, %get3A_532 : vector<32xbf16>
        %unpack3A_534 = tpu.unpack_subelements %mul3A_526, 0 {pack_format = #tpu.pack_format<interleaved>} : vector<32xbf16> -> vector<16xf32>
        %unpack3A_535 = tpu.unpack_subelements %mul3A_526, 1 {pack_format = #tpu.pack_format<interleaved>} : vector<32xbf16> -> vector<16xf32>
        %unpack3A_536 = tpu.unpack_subelements %mul3A_533, 0 {pack_format = #tpu.pack_format<interleaved>} : vector<32xbf16> -> vector<16xf32>
        %unpack3A_537 = tpu.unpack_subelements %mul3A_533, 1 {pack_format = #tpu.pack_format<interleaved>} : vector<32xbf16> -> vector<16xf32>
        %add3A_538 = arith.addf %unpack3A_534, %unpack3A_535 : vector<16xf32>
        %add3A_539 = arith.addf %unpack3A_536, %unpack3A_537 : vector<16xf32>
        %add3A_540 = arith.addf %add3A_538, %add3A_539 : vector<16xf32>
        %reduce_sum3A_541 = arith.constant true
        %reduce_sum3A_542 = vector.broadcast %reduce_sum3A_541 : i1 to vector<16xi1>
        %reduce_sum3A_543 = tpu.scan <sum>, %add3A_540 masked %reduce_sum3A_542 : vector<16xf32>, vector<16xi1> -> vector<16xf32>
        %reduce_sum3A_544 = vector.extract %reduce_sum3A_543[15] : f32 from vector<16xf32>
        %eq3A_545 = arith.constant 13 : i32
        %eq3A_546 = vector.broadcast %eq3A_545 : i32 to vector<16xi32>
        %eq3A_547 = arith.cmpi eq, %iota3A, %eq3A_546 : vector<16xi32>
        %broadcast_in_dim3A_548 = vector.broadcast %reduce_sum3A_544 : f32 to vector<16xf32>
        %select_n3A_549 = arith.select %eq3A_547, %broadcast_in_dim3A_548, %select_n3A_517 : vector<16xi1>, vector<16xf32>
        %add3A_550 = arith.constant 14 : i32
        %add3A_551 = arith.addi %mul3A_104, %add3A_550 : i32
        %get3A_552 = arith.index_cast %add3A_551 : i32 to index
        %get3A_553 = arith.constant 0 : index
        %get3A_554 = tpu.vector_load %arg8[%get3A_552, %get3A_553] {strides = array<i32>} : memref<128x64xbf16, #tpu.memory_space<vmem>>, vector<32xbf16>,
        %get3A_555 = arith.index_cast %add3A_551 : i32 to index
        %get3A_556 = arith.constant 0 : index
        %get3A_557 = tpu.vector_load %arg10[%get3A_555, %get3A_556] {strides = array<i32>} : memref<128x64xbf16, #tpu.memory_space<vmem>>, vector<32xbf16>,
        %mul3A_558 = arith.mulf %get3A_554, %get3A_557 : vector<32xbf16>
        %get3A_559 = arith.index_cast %add3A_551 : i32 to index
        %get3A_560 = arith.constant 32 : index
        %get3A_561 = tpu.vector_load %arg8[%get3A_559, %get3A_560] {strides = array<i32>} : memref<128x64xbf16, #tpu.memory_space<vmem>>, vector<32xbf16>,
        %get3A_562 = arith.index_cast %add3A_551 : i32 to index
        %get3A_563 = arith.constant 32 : index
        %get3A_564 = tpu.vector_load %arg10[%get3A_562, %get3A_563] {strides = array<i32>} : memref<128x64xbf16, #tpu.memory_space<vmem>>, vector<32xbf16>,
        %mul3A_565 = arith.mulf %get3A_561, %get3A_564 : vector<32xbf16>
        %unpack3A_566 = tpu.unpack_subelements %mul3A_558, 0 {pack_format = #tpu.pack_format<interleaved>} : vector<32xbf16> -> vector<16xf32>
        %unpack3A_567 = tpu.unpack_subelements %mul3A_558, 1 {pack_format = #tpu.pack_format<interleaved>} : vector<32xbf16> -> vector<16xf32>
        %unpack3A_568 = tpu.unpack_subelements %mul3A_565, 0 {pack_format = #tpu.pack_format<interleaved>} : vector<32xbf16> -> vector<16xf32>
        %unpack3A_569 = tpu.unpack_subelements %mul3A_565, 1 {pack_format = #tpu.pack_format<interleaved>} : vector<32xbf16> -> vector<16xf32>
        %add3A_570 = arith.addf %unpack3A_566, %unpack3A_567 : vector<16xf32>
        %add3A_571 = arith.addf %unpack3A_568, %unpack3A_569 : vector<16xf32>
        %add3A_572 = arith.addf %add3A_570, %add3A_571 : vector<16xf32>
        %reduce_sum3A_573 = arith.constant true
        %reduce_sum3A_574 = vector.broadcast %reduce_sum3A_573 : i1 to vector<16xi1>
        %reduce_sum3A_575 = tpu.scan <sum>, %add3A_572 masked %reduce_sum3A_574 : vector<16xf32>, vector<16xi1> -> vector<16xf32>
        %reduce_sum3A_576 = vector.extract %reduce_sum3A_575[15] : f32 from vector<16xf32>
        %eq3A_577 = arith.constant 14 : i32
        %eq3A_578 = vector.broadcast %eq3A_577 : i32 to vector<16xi32>
        %eq3A_579 = arith.cmpi eq, %iota3A, %eq3A_578 : vector<16xi32>
        %broadcast_in_dim3A_580 = vector.broadcast %reduce_sum3A_576 : f32 to vector<16xf32>
        %select_n3A_581 = arith.select %eq3A_579, %broadcast_in_dim3A_580, %select_n3A_549 : vector<16xi1>, vector<16xf32>
        %add3A_582 = arith.constant 15 : i32
        %add3A_583 = arith.addi %mul3A_104, %add3A_582 : i32
        %get3A_584 = arith.index_cast %add3A_583 : i32 to index
        %get3A_585 = arith.constant 0 : index
        %get3A_586 = tpu.vector_load %arg8[%get3A_584, %get3A_585] {strides = array<i32>} : memref<128x64xbf16, #tpu.memory_space<vmem>>, vector<32xbf16>,
        %get3A_587 = arith.index_cast %add3A_583 : i32 to index
        %get3A_588 = arith.constant 0 : index
        %get3A_589 = tpu.vector_load %arg10[%get3A_587, %get3A_588] {strides = array<i32>} : memref<128x64xbf16, #tpu.memory_space<vmem>>, vector<32xbf16>,
        %mul3A_590 = arith.mulf %get3A_586, %get3A_589 : vector<32xbf16>
        %get3A_591 = arith.index_cast %add3A_583 : i32 to index
        %get3A_592 = arith.constant 32 : index
        %get3A_593 = tpu.vector_load %arg8[%get3A_591, %get3A_592] {strides = array<i32>} : memref<128x64xbf16, #tpu.memory_space<vmem>>, vector<32xbf16>,
        %get3A_594 = arith.index_cast %add3A_583 : i32 to index
        %get3A_595 = arith.constant 32 : index
        %get3A_596 = tpu.vector_load %arg10[%get3A_594, %get3A_595] {strides = array<i32>} : memref<128x64xbf16, #tpu.memory_space<vmem>>, vector<32xbf16>,
        %mul3A_597 = arith.mulf %get3A_593, %get3A_596 : vector<32xbf16>
        %unpack3A_598 = tpu.unpack_subelements %mul3A_590, 0 {pack_format = #tpu.pack_format<interleaved>} : vector<32xbf16> -> vector<16xf32>
        %unpack3A_599 = tpu.unpack_subelements %mul3A_590, 1 {pack_format = #tpu.pack_format<interleaved>} : vector<32xbf16> -> vector<16xf32>
        %unpack3A_600 = tpu.unpack_subelements %mul3A_597, 0 {pack_format = #tpu.pack_format<interleaved>} : vector<32xbf16> -> vector<16xf32>
        %unpack3A_601 = tpu.unpack_subelements %mul3A_597, 1 {pack_format = #tpu.pack_format<interleaved>} : vector<32xbf16> -> vector<16xf32>
        %add3A_602 = arith.addf %unpack3A_598, %unpack3A_599 : vector<16xf32>
        %add3A_603 = arith.addf %unpack3A_600, %unpack3A_601 : vector<16xf32>
        %add3A_604 = arith.addf %add3A_602, %add3A_603 : vector<16xf32>
        %reduce_sum3A_605 = arith.constant true
        %reduce_sum3A_606 = vector.broadcast %reduce_sum3A_605 : i1 to vector<16xi1>
        %reduce_sum3A_607 = tpu.scan <sum>, %add3A_604 masked %reduce_sum3A_606 : vector<16xf32>, vector<16xi1> -> vector<16xf32>
        %reduce_sum3A_608 = vector.extract %reduce_sum3A_607[15] : f32 from vector<16xf32>
        %eq3A_609 = arith.constant 15 : i32
        %eq3A_610 = vector.broadcast %eq3A_609 : i32 to vector<16xi32>
        %eq3A_611 = arith.cmpi eq, %iota3A, %eq3A_610 : vector<16xi32>
        %broadcast_in_dim3A_612 = vector.broadcast %reduce_sum3A_608 : f32 to vector<16xf32>
        %select_n3A_613 = arith.select %eq3A_611, %broadcast_in_dim3A_612, %select_n3A_581 : vector<16xi1>, vector<16xf32>
        %swap3A = arith.index_cast %mul3A_104 : i32 to index
        %swap3A_614 = tpu.vector_load %arg12[%swap3A] {strides = array<i32>} : memref<128xf32, #tpu.memory_space<vmem>>, vector<16xf32>,
        tpu.vector_store %arg12[%swap3A], %select_n3A_613 {strides = array<i32>} : memref<128xf32, #tpu.memory_space<vmem>>, vector<16xf32>,
      }
      %scan3A_93 = arith.constant 8 : i32
      %mul3A_94 = arith.constant 128 : i32
      %mul3A_95 = arith.muli %add3A_31, %mul3A_94 : i32
      %dma_start3A_96 = tpu.memref_slice %arg4[%mul3A_95] : memref<640000xf32, #tpu.memory_space<hbm>> -> memref<128xf32, #tpu.memory_space<hbm>>
      %dma_start3A_97 = tpu.memref_slice %arg4[%mul3A_95] : memref<640000xf32, #tpu.memory_space<hbm>> -> memref<128xf32, #tpu.memory_space<hbm>>
      tpu.enqueue_dma source(%arg12 : memref<128xf32, #tpu.memory_space<vmem>>) target(%dma_start3A_97 : memref<128xf32, #tpu.memory_space<hbm>>) target_semaphore(%arg16 : memref<!tpu.dma_semaphore, #tpu.memory_space<semaphore_mem>>)
      %dma_wait3A_98 = tpu.memref_slice %arg4[%mul3A_75] : memref<640000xf32, #tpu.memory_space<hbm>> -> memref<128xf32, #tpu.memory_space<hbm>>
      %dma_wait3A_99 = tpu.memref_slice %arg4[%mul3A_75] : memref<640000xf32, #tpu.memory_space<hbm>> -> memref<128xf32, #tpu.memory_space<hbm>>
      tpu.wait_dma2 semaphore(%arg15 : memref<!tpu.dma_semaphore, #tpu.memory_space<semaphore_mem>>) src(%arg11 : memref<128xf32, #tpu.memory_space<vmem>>) dst(%dma_wait3A_99 : memref<128xf32, #tpu.memory_space<hbm>>)
      %dma_wait3A_100 = tpu.memref_slice %arg4[%mul3A_95] : memref<640000xf32, #tpu.memory_space<hbm>> -> memref<128xf32, #tpu.memory_space<hbm>>
      %dma_wait3A_101 = tpu.memref_slice %arg4[%mul3A_95] : memref<640000xf32, #tpu.memory_space<hbm>> -> memref<128xf32, #tpu.memory_space<hbm>>
      tpu.wait_dma2 semaphore(%arg16 : memref<!tpu.dma_semaphore, #tpu.memory_space<semaphore_mem>>) src(%arg12 : memref<128xf32, #tpu.memory_space<vmem>>) dst(%dma_wait3A_101 : memref<128xf32, #tpu.memory_space<hbm>>)
    }
    %scan3A_5 = arith.constant 78 : i32
    %lt3A = arith.constant 8 : i32
    %lt3A_6 = arith.cmpi slt, %add3A, %lt3A : i32
    %jit3A = arith.constant 157 : i32
    %jit3A_7 = arith.constant 156 : i32
    %select_n3A = arith.select %lt3A_6, %jit3A, %jit3A_7 : i32
    %while3A = arith.constant 0 : i32
    %while3A_8 = arith.constant 156 : i32
    %while3A_9 = arith.subi %select_n3A, %while3A_8 : i32
    %while3A_10 = arith.addi %while3A_8, %while3A_9 : i32
    %while3A_11 = arith.constant 1 : i32
    %while3A_12 = arith.divsi %while3A_9, %while3A_11 : i32
    %while3A_13 = arith.muli %while3A_12, %while3A_11 : i32
    %while3A_14 = arith.addi %while3A_8, %while3A_13 : i32
    %while3A_15 = arith.constant 1 : i32
    scf.for %while3A_17 = %while3A_8 to %while3A_14 step %while3A_15  : i32 {
      %mul3A_18 = arith.constant 32 : i32
      %mul3A_19 = arith.muli %while3A_17, %mul3A_18 : i32
      %add3A_20 = arith.addi %mul3A_19, %add3A : i32
      %mul3A_21 = arith.constant 2 : i32
      %mul3A_22 = arith.muli %add3A_20, %mul3A_21 : i32
      %mul3A_23 = arith.constant 128 : i32
      %mul3A_24 = arith.muli %mul3A_22, %mul3A_23 : i32
      "tpu.region"() ({
        %run_scoped3A = tpu.sem_alloc : memref<!tpu.dma_semaphore, #tpu.memory_space<semaphore_mem>>
        %dma_start3A_51 = tpu.memref_slice %arg3[%mul3A_24] : memref<1280000xi32, #tpu.memory_space<hbm>> -> memref<256xi32, #tpu.memory_space<hbm>>
        %dma_start3A_52 = tpu.memref_slice %arg3[%mul3A_24] : memref<1280000xi32, #tpu.memory_space<hbm>> -> memref<256xi32, #tpu.memory_space<hbm>>
        tpu.enqueue_dma source(%dma_start3A_52 : memref<256xi32, #tpu.memory_space<hbm>>) target(%arg5 : memref<256xi32, #tpu.memory_space<vmem>>) target_semaphore(%run_scoped3A : memref<!tpu.dma_semaphore, #tpu.memory_space<semaphore_mem>>)
        %dma_wait3A_53 = tpu.memref_slice %arg3[%mul3A_24] : memref<1280000xi32, #tpu.memory_space<hbm>> -> memref<256xi32, #tpu.memory_space<hbm>>
        %dma_wait3A_54 = tpu.memref_slice %arg3[%mul3A_24] : memref<1280000xi32, #tpu.memory_space<hbm>> -> memref<256xi32, #tpu.memory_space<hbm>>
        tpu.wait_dma2 semaphore(%run_scoped3A : memref<!tpu.dma_semaphore, #tpu.memory_space<semaphore_mem>>) src(%dma_wait3A_54 : memref<256xi32, #tpu.memory_space<hbm>>) dst(%arg5 : memref<256xi32, #tpu.memory_space<vmem>>)
        tpu.yield
      }) : () -> ()
      %dma_start3A = arith.constant 0 : i32
      %dma_start3A_25 = tpu.memref_slice %arg5[%dma_start3A] : memref<256xi32, #tpu.memory_space<vmem>> -> memref<128xi32, #tpu.memory_space<vmem>>
      %dma_start3A_26 = arith.constant 0 : i32
      %dma_start3A_27 = arith.constant 0 : i32
      %dma_start3A_28 = tpu.memref_slice %arg2[%dma_start3A_26, %dma_start3A_27] : memref<10000x64xbf16, #tpu.memory_space<hbm>> -> memref<10000x64xbf16, #tpu.memory_space<hbm>>
      tpu.enqueue_indirect_dma source(%dma_start3A_28 : memref<10000x64xbf16, #tpu.memory_space<hbm>>) target(%arg7 : memref<128x64xbf16, #tpu.memory_space<vmem>>) offsets(%dma_start3A_25 : memref<128xi32, #tpu.memory_space<vmem>>) semaphore(%arg13 : memref<!tpu.dma_semaphore, #tpu.memory_space<semaphore_mem>>)
      %dma_start3A_29 = arith.constant 128 : i32
      %dma_start3A_30 = tpu.memref_slice %arg5[%dma_start3A_29] : memref<256xi32, #tpu.memory_space<vmem>> -> memref<128xi32, #tpu.memory_space<vmem>>
      %dma_start3A_31 = arith.constant 0 : i32
      %dma_start3A_32 = arith.constant 0 : i32
      %dma_start3A_33 = tpu.memref_slice %arg2[%dma_start3A_31, %dma_start3A_32] : memref<10000x64xbf16, #tpu.memory_space<hbm>> -> memref<10000x64xbf16, #tpu.memory_space<hbm>>
      tpu.enqueue_indirect_dma source(%dma_start3A_33 : memref<10000x64xbf16, #tpu.memory_space<hbm>>) target(%arg9 : memref<128x64xbf16, #tpu.memory_space<vmem>>) offsets(%dma_start3A_30 : memref<128xi32, #tpu.memory_space<vmem>>) semaphore(%arg13 : memref<!tpu.dma_semaphore, #tpu.memory_space<semaphore_mem>>)
      %dma_wait3A = arith.constant 0 : i32
      %dma_wait3A_34 = tpu.memref_slice %arg5[%dma_wait3A] : memref<256xi32, #tpu.memory_space<vmem>> -> memref<128xi32, #tpu.memory_space<vmem>>
      %dma_wait3A_35 = arith.constant 0 : i32
      %dma_wait3A_36 = arith.constant 0 : i32
      %dma_wait3A_37 = tpu.memref_slice %arg2[%dma_wait3A_35, %dma_wait3A_36] : memref<10000x64xbf16, #tpu.memory_space<hbm>> -> memref<10000x64xbf16, #tpu.memory_space<hbm>>
      tpu.wait_indirect_dma semaphore(%arg13 : memref<!tpu.dma_semaphore, #tpu.memory_space<semaphore_mem>>) src(%dma_wait3A_37 : memref<10000x64xbf16, #tpu.memory_space<hbm>>) dst(%arg7 : memref<128x64xbf16, #tpu.memory_space<vmem>>)
      %dma_wait3A_38 = arith.constant 128 : i32
      %dma_wait3A_39 = tpu.memref_slice %arg5[%dma_wait3A_38] : memref<256xi32, #tpu.memory_space<vmem>> -> memref<128xi32, #tpu.memory_space<vmem>>
      %dma_wait3A_40 = arith.constant 0 : i32
      %dma_wait3A_41 = arith.constant 0 : i32
      %dma_wait3A_42 = tpu.memref_slice %arg2[%dma_wait3A_40, %dma_wait3A_41] : memref<10000x64xbf16, #tpu.memory_space<hbm>> -> memref<10000x64xbf16, #tpu.memory_space<hbm>>
      tpu.wait_indirect_dma semaphore(%arg13 : memref<!tpu.dma_semaphore, #tpu.memory_space<semaphore_mem>>) src(%dma_wait3A_42 : memref<10000x64xbf16, #tpu.memory_space<hbm>>) dst(%arg9 : memref<128x64xbf16, #tpu.memory_space<vmem>>)
      %scan3A_43 = arith.constant 0 : i32
      %scan3A_44 = arith.constant 0 : i32
      %scan3A_45 = arith.constant 8 : i32
      %scan3A_46 = arith.addi %scan3A_44, %scan3A_45 : i32
      %scan3A_47 = arith.constant 1 : i32
      scf.for %scan3A_51 = %scan3A_44 to %scan3A_46 step %scan3A_47  : i32 {
        %mul3A_52 = arith.constant 16 : i32
        %mul3A_53 = arith.muli %scan3A_51, %mul3A_52 : i32
        %iota3A = tpu.iota {dimensions = array<i32: 0>} : vector<16xi32>
        %broadcast_in_dim3A = arith.constant 0.000000e+00 : f32
        %broadcast_in_dim3A_54 = vector.broadcast %broadcast_in_dim3A : f32 to vector<16xf32>
        %add3A_55 = arith.constant 0 : i32
        %add3A_56 = arith.addi %mul3A_53, %add3A_55 : i32
        %get3A = arith.index_cast %add3A_56 : i32 to index
        %get3A_57 = arith.constant 0 : index
        %get3A_58 = tpu.vector_load %arg7[%get3A, %get3A_57] {strides = array<i32>} : memref<128x64xbf16, #tpu.memory_space<vmem>>, vector<32xbf16>,
        %get3A_59 = arith.index_cast %add3A_56 : i32 to index
        %get3A_60 = arith.constant 0 : index
        %get3A_61 = tpu.vector_load %arg9[%get3A_59, %get3A_60] {strides = array<i32>} : memref<128x64xbf16, #tpu.memory_space<vmem>>, vector<32xbf16>,
        %mul3A_62 = arith.mulf %get3A_58, %get3A_61 : vector<32xbf16>
        %get3A_63 = arith.index_cast %add3A_56 : i32 to index
        %get3A_64 = arith.constant 32 : index
        %get3A_65 = tpu.vector_load %arg7[%get3A_63, %get3A_64] {strides = array<i32>} : memref<128x64xbf16, #tpu.memory_space<vmem>>, vector<32xbf16>,
        %get3A_66 = arith.index_cast %add3A_56 : i32 to index
        %get3A_67 = arith.constant 32 : index
        %get3A_68 = tpu.vector_load %arg9[%get3A_66, %get3A_67] {strides = array<i32>} : memref<128x64xbf16, #tpu.memory_space<vmem>>, vector<32xbf16>,
        %mul3A_69 = arith.mulf %get3A_65, %get3A_68 : vector<32xbf16>
        %unpack3A = tpu.unpack_subelements %mul3A_62, 0 {pack_format = #tpu.pack_format<interleaved>} : vector<32xbf16> -> vector<16xf32>
        %unpack3A_70 = tpu.unpack_subelements %mul3A_62, 1 {pack_format = #tpu.pack_format<interleaved>} : vector<32xbf16> -> vector<16xf32>
        %unpack3A_71 = tpu.unpack_subelements %mul3A_69, 0 {pack_format = #tpu.pack_format<interleaved>} : vector<32xbf16> -> vector<16xf32>
        %unpack3A_72 = tpu.unpack_subelements %mul3A_69, 1 {pack_format = #tpu.pack_format<interleaved>} : vector<32xbf16> -> vector<16xf32>
        %add3A_73 = arith.addf %unpack3A, %unpack3A_70 : vector<16xf32>
        %add3A_74 = arith.addf %unpack3A_71, %unpack3A_72 : vector<16xf32>
        %add3A_75 = arith.addf %add3A_73, %add3A_74 : vector<16xf32>
        %reduce_sum3A = arith.constant true
        %reduce_sum3A_76 = vector.broadcast %reduce_sum3A : i1 to vector<16xi1>
        %reduce_sum3A_77 = tpu.scan <sum>, %add3A_75 masked %reduce_sum3A_76 : vector<16xf32>, vector<16xi1> -> vector<16xf32>
        %reduce_sum3A_78 = vector.extract %reduce_sum3A_77[15] : f32 from vector<16xf32>
        %eq3A = arith.constant 0 : i32
        %eq3A_79 = vector.broadcast %eq3A : i32 to vector<16xi32>
        %eq3A_80 = arith.cmpi eq, %iota3A, %eq3A_79 : vector<16xi32>
        %broadcast_in_dim3A_81 = vector.broadcast %reduce_sum3A_78 : f32 to vector<16xf32>
        %select_n3A_82 = arith.select %eq3A_80, %broadcast_in_dim3A_81, %broadcast_in_dim3A_54 : vector<16xi1>, vector<16xf32>
        %add3A_83 = arith.constant 1 : i32
        %add3A_84 = arith.addi %mul3A_53, %add3A_83 : i32
        %get3A_85 = arith.index_cast %add3A_84 : i32 to index
        %get3A_86 = arith.constant 0 : index
        %get3A_87 = tpu.vector_load %arg7[%get3A_85, %get3A_86] {strides = array<i32>} : memref<128x64xbf16, #tpu.memory_space<vmem>>, vector<32xbf16>,
        %get3A_88 = arith.index_cast %add3A_84 : i32 to index
        %get3A_89 = arith.constant 0 : index
        %get3A_90 = tpu.vector_load %arg9[%get3A_88, %get3A_89] {strides = array<i32>} : memref<128x64xbf16, #tpu.memory_space<vmem>>, vector<32xbf16>,
        %mul3A_91 = arith.mulf %get3A_87, %get3A_90 : vector<32xbf16>
        %get3A_92 = arith.index_cast %add3A_84 : i32 to index
        %get3A_93 = arith.constant 32 : index
        %get3A_94 = tpu.vector_load %arg7[%get3A_92, %get3A_93] {strides = array<i32>} : memref<128x64xbf16, #tpu.memory_space<vmem>>, vector<32xbf16>,
        %get3A_95 = arith.index_cast %add3A_84 : i32 to index
        %get3A_96 = arith.constant 32 : index
        %get3A_97 = tpu.vector_load %arg9[%get3A_95, %get3A_96] {strides = array<i32>} : memref<128x64xbf16, #tpu.memory_space<vmem>>, vector<32xbf16>,
        %mul3A_98 = arith.mulf %get3A_94, %get3A_97 : vector<32xbf16>
        %unpack3A_99 = tpu.unpack_subelements %mul3A_91, 0 {pack_format = #tpu.pack_format<interleaved>} : vector<32xbf16> -> vector<16xf32>
        %unpack3A_100 = tpu.unpack_subelements %mul3A_91, 1 {pack_format = #tpu.pack_format<interleaved>} : vector<32xbf16> -> vector<16xf32>
        %unpack3A_101 = tpu.unpack_subelements %mul3A_98, 0 {pack_format = #tpu.pack_format<interleaved>} : vector<32xbf16> -> vector<16xf32>
        %unpack3A_102 = tpu.unpack_subelements %mul3A_98, 1 {pack_format = #tpu.pack_format<interleaved>} : vector<32xbf16> -> vector<16xf32>
        %add3A_103 = arith.addf %unpack3A_99, %unpack3A_100 : vector<16xf32>
        %add3A_104 = arith.addf %unpack3A_101, %unpack3A_102 : vector<16xf32>
        %add3A_105 = arith.addf %add3A_103, %add3A_104 : vector<16xf32>
        %reduce_sum3A_106 = arith.constant true
        %reduce_sum3A_107 = vector.broadcast %reduce_sum3A_106 : i1 to vector<16xi1>
        %reduce_sum3A_108 = tpu.scan <sum>, %add3A_105 masked %reduce_sum3A_107 : vector<16xf32>, vector<16xi1> -> vector<16xf32>
        %reduce_sum3A_109 = vector.extract %reduce_sum3A_108[15] : f32 from vector<16xf32>
        %eq3A_110 = arith.constant 1 : i32
        %eq3A_111 = vector.broadcast %eq3A_110 : i32 to vector<16xi32>
        %eq3A_112 = arith.cmpi eq, %iota3A, %eq3A_111 : vector<16xi32>
        %broadcast_in_dim3A_113 = vector.broadcast %reduce_sum3A_109 : f32 to vector<16xf32>
        %select_n3A_114 = arith.select %eq3A_112, %broadcast_in_dim3A_113, %select_n3A_82 : vector<16xi1>, vector<16xf32>
        %add3A_115 = arith.constant 2 : i32
        %add3A_116 = arith.addi %mul3A_53, %add3A_115 : i32
        %get3A_117 = arith.index_cast %add3A_116 : i32 to index
        %get3A_118 = arith.constant 0 : index
        %get3A_119 = tpu.vector_load %arg7[%get3A_117, %get3A_118] {strides = array<i32>} : memref<128x64xbf16, #tpu.memory_space<vmem>>, vector<32xbf16>,
        %get3A_120 = arith.index_cast %add3A_116 : i32 to index
        %get3A_121 = arith.constant 0 : index
        %get3A_122 = tpu.vector_load %arg9[%get3A_120, %get3A_121] {strides = array<i32>} : memref<128x64xbf16, #tpu.memory_space<vmem>>, vector<32xbf16>,
        %mul3A_123 = arith.mulf %get3A_119, %get3A_122 : vector<32xbf16>
        %get3A_124 = arith.index_cast %add3A_116 : i32 to index
        %get3A_125 = arith.constant 32 : index
        %get3A_126 = tpu.vector_load %arg7[%get3A_124, %get3A_125] {strides = array<i32>} : memref<128x64xbf16, #tpu.memory_space<vmem>>, vector<32xbf16>,
        %get3A_127 = arith.index_cast %add3A_116 : i32 to index
        %get3A_128 = arith.constant 32 : index
        %get3A_129 = tpu.vector_load %arg9[%get3A_127, %get3A_128] {strides = array<i32>} : memref<128x64xbf16, #tpu.memory_space<vmem>>, vector<32xbf16>,
        %mul3A_130 = arith.mulf %get3A_126, %get3A_129 : vector<32xbf16>
        %unpack3A_131 = tpu.unpack_subelements %mul3A_123, 0 {pack_format = #tpu.pack_format<interleaved>} : vector<32xbf16> -> vector<16xf32>
        %unpack3A_132 = tpu.unpack_subelements %mul3A_123, 1 {pack_format = #tpu.pack_format<interleaved>} : vector<32xbf16> -> vector<16xf32>
        %unpack3A_133 = tpu.unpack_subelements %mul3A_130, 0 {pack_format = #tpu.pack_format<interleaved>} : vector<32xbf16> -> vector<16xf32>
        %unpack3A_134 = tpu.unpack_subelements %mul3A_130, 1 {pack_format = #tpu.pack_format<interleaved>} : vector<32xbf16> -> vector<16xf32>
        %add3A_135 = arith.addf %unpack3A_131, %unpack3A_132 : vector<16xf32>
        %add3A_136 = arith.addf %unpack3A_133, %unpack3A_134 : vector<16xf32>
        %add3A_137 = arith.addf %add3A_135, %add3A_136 : vector<16xf32>
        %reduce_sum3A_138 = arith.constant true
        %reduce_sum3A_139 = vector.broadcast %reduce_sum3A_138 : i1 to vector<16xi1>
        %reduce_sum3A_140 = tpu.scan <sum>, %add3A_137 masked %reduce_sum3A_139 : vector<16xf32>, vector<16xi1> -> vector<16xf32>
        %reduce_sum3A_141 = vector.extract %reduce_sum3A_140[15] : f32 from vector<16xf32>
        %eq3A_142 = arith.constant 2 : i32
        %eq3A_143 = vector.broadcast %eq3A_142 : i32 to vector<16xi32>
        %eq3A_144 = arith.cmpi eq, %iota3A, %eq3A_143 : vector<16xi32>
        %broadcast_in_dim3A_145 = vector.broadcast %reduce_sum3A_141 : f32 to vector<16xf32>
        %select_n3A_146 = arith.select %eq3A_144, %broadcast_in_dim3A_145, %select_n3A_114 : vector<16xi1>, vector<16xf32>
        %add3A_147 = arith.constant 3 : i32
        %add3A_148 = arith.addi %mul3A_53, %add3A_147 : i32
        %get3A_149 = arith.index_cast %add3A_148 : i32 to index
        %get3A_150 = arith.constant 0 : index
        %get3A_151 = tpu.vector_load %arg7[%get3A_149, %get3A_150] {strides = array<i32>} : memref<128x64xbf16, #tpu.memory_space<vmem>>, vector<32xbf16>,
        %get3A_152 = arith.index_cast %add3A_148 : i32 to index
        %get3A_153 = arith.constant 0 : index
        %get3A_154 = tpu.vector_load %arg9[%get3A_152, %get3A_153] {strides = array<i32>} : memref<128x64xbf16, #tpu.memory_space<vmem>>, vector<32xbf16>,
        %mul3A_155 = arith.mulf %get3A_151, %get3A_154 : vector<32xbf16>
        %get3A_156 = arith.index_cast %add3A_148 : i32 to index
        %get3A_157 = arith.constant 32 : index
        %get3A_158 = tpu.vector_load %arg7[%get3A_156, %get3A_157] {strides = array<i32>} : memref<128x64xbf16, #tpu.memory_space<vmem>>, vector<32xbf16>,
        %get3A_159 = arith.index_cast %add3A_148 : i32 to index
        %get3A_160 = arith.constant 32 : index
        %get3A_161 = tpu.vector_load %arg9[%get3A_159, %get3A_160] {strides = array<i32>} : memref<128x64xbf16, #tpu.memory_space<vmem>>, vector<32xbf16>,
        %mul3A_162 = arith.mulf %get3A_158, %get3A_161 : vector<32xbf16>
        %unpack3A_163 = tpu.unpack_subelements %mul3A_155, 0 {pack_format = #tpu.pack_format<interleaved>} : vector<32xbf16> -> vector<16xf32>
        %unpack3A_164 = tpu.unpack_subelements %mul3A_155, 1 {pack_format = #tpu.pack_format<interleaved>} : vector<32xbf16> -> vector<16xf32>
        %unpack3A_165 = tpu.unpack_subelements %mul3A_162, 0 {pack_format = #tpu.pack_format<interleaved>} : vector<32xbf16> -> vector<16xf32>
        %unpack3A_166 = tpu.unpack_subelements %mul3A_162, 1 {pack_format = #tpu.pack_format<interleaved>} : vector<32xbf16> -> vector<16xf32>
        %add3A_167 = arith.addf %unpack3A_163, %unpack3A_164 : vector<16xf32>
        %add3A_168 = arith.addf %unpack3A_165, %unpack3A_166 : vector<16xf32>
        %add3A_169 = arith.addf %add3A_167, %add3A_168 : vector<16xf32>
        %reduce_sum3A_170 = arith.constant true
        %reduce_sum3A_171 = vector.broadcast %reduce_sum3A_170 : i1 to vector<16xi1>
        %reduce_sum3A_172 = tpu.scan <sum>, %add3A_169 masked %reduce_sum3A_171 : vector<16xf32>, vector<16xi1> -> vector<16xf32>
        %reduce_sum3A_173 = vector.extract %reduce_sum3A_172[15] : f32 from vector<16xf32>
        %eq3A_174 = arith.constant 3 : i32
        %eq3A_175 = vector.broadcast %eq3A_174 : i32 to vector<16xi32>
        %eq3A_176 = arith.cmpi eq, %iota3A, %eq3A_175 : vector<16xi32>
        %broadcast_in_dim3A_177 = vector.broadcast %reduce_sum3A_173 : f32 to vector<16xf32>
        %select_n3A_178 = arith.select %eq3A_176, %broadcast_in_dim3A_177, %select_n3A_146 : vector<16xi1>, vector<16xf32>
        %add3A_179 = arith.constant 4 : i32
        %add3A_180 = arith.addi %mul3A_53, %add3A_179 : i32
        %get3A_181 = arith.index_cast %add3A_180 : i32 to index
        %get3A_182 = arith.constant 0 : index
        %get3A_183 = tpu.vector_load %arg7[%get3A_181, %get3A_182] {strides = array<i32>} : memref<128x64xbf16, #tpu.memory_space<vmem>>, vector<32xbf16>,
        %get3A_184 = arith.index_cast %add3A_180 : i32 to index
        %get3A_185 = arith.constant 0 : index
        %get3A_186 = tpu.vector_load %arg9[%get3A_184, %get3A_185] {strides = array<i32>} : memref<128x64xbf16, #tpu.memory_space<vmem>>, vector<32xbf16>,
        %mul3A_187 = arith.mulf %get3A_183, %get3A_186 : vector<32xbf16>
        %get3A_188 = arith.index_cast %add3A_180 : i32 to index
        %get3A_189 = arith.constant 32 : index
        %get3A_190 = tpu.vector_load %arg7[%get3A_188, %get3A_189] {strides = array<i32>} : memref<128x64xbf16, #tpu.memory_space<vmem>>, vector<32xbf16>,
        %get3A_191 = arith.index_cast %add3A_180 : i32 to index
        %get3A_192 = arith.constant 32 : index
        %get3A_193 = tpu.vector_load %arg9[%get3A_191, %get3A_192] {strides = array<i32>} : memref<128x64xbf16, #tpu.memory_space<vmem>>, vector<32xbf16>,
        %mul3A_194 = arith.mulf %get3A_190, %get3A_193 : vector<32xbf16>
        %unpack3A_195 = tpu.unpack_subelements %mul3A_187, 0 {pack_format = #tpu.pack_format<interleaved>} : vector<32xbf16> -> vector<16xf32>
        %unpack3A_196 = tpu.unpack_subelements %mul3A_187, 1 {pack_format = #tpu.pack_format<interleaved>} : vector<32xbf16> -> vector<16xf32>
        %unpack3A_197 = tpu.unpack_subelements %mul3A_194, 0 {pack_format = #tpu.pack_format<interleaved>} : vector<32xbf16> -> vector<16xf32>
        %unpack3A_198 = tpu.unpack_subelements %mul3A_194, 1 {pack_format = #tpu.pack_format<interleaved>} : vector<32xbf16> -> vector<16xf32>
        %add3A_199 = arith.addf %unpack3A_195, %unpack3A_196 : vector<16xf32>
        %add3A_200 = arith.addf %unpack3A_197, %unpack3A_198 : vector<16xf32>
        %add3A_201 = arith.addf %add3A_199, %add3A_200 : vector<16xf32>
        %reduce_sum3A_202 = arith.constant true
        %reduce_sum3A_203 = vector.broadcast %reduce_sum3A_202 : i1 to vector<16xi1>
        %reduce_sum3A_204 = tpu.scan <sum>, %add3A_201 masked %reduce_sum3A_203 : vector<16xf32>, vector<16xi1> -> vector<16xf32>
        %reduce_sum3A_205 = vector.extract %reduce_sum3A_204[15] : f32 from vector<16xf32>
        %eq3A_206 = arith.constant 4 : i32
        %eq3A_207 = vector.broadcast %eq3A_206 : i32 to vector<16xi32>
        %eq3A_208 = arith.cmpi eq, %iota3A, %eq3A_207 : vector<16xi32>
        %broadcast_in_dim3A_209 = vector.broadcast %reduce_sum3A_205 : f32 to vector<16xf32>
        %select_n3A_210 = arith.select %eq3A_208, %broadcast_in_dim3A_209, %select_n3A_178 : vector<16xi1>, vector<16xf32>
        %add3A_211 = arith.constant 5 : i32
        %add3A_212 = arith.addi %mul3A_53, %add3A_211 : i32
        %get3A_213 = arith.index_cast %add3A_212 : i32 to index
        %get3A_214 = arith.constant 0 : index
        %get3A_215 = tpu.vector_load %arg7[%get3A_213, %get3A_214] {strides = array<i32>} : memref<128x64xbf16, #tpu.memory_space<vmem>>, vector<32xbf16>,
        %get3A_216 = arith.index_cast %add3A_212 : i32 to index
        %get3A_217 = arith.constant 0 : index
        %get3A_218 = tpu.vector_load %arg9[%get3A_216, %get3A_217] {strides = array<i32>} : memref<128x64xbf16, #tpu.memory_space<vmem>>, vector<32xbf16>,
        %mul3A_219 = arith.mulf %get3A_215, %get3A_218 : vector<32xbf16>
        %get3A_220 = arith.index_cast %add3A_212 : i32 to index
        %get3A_221 = arith.constant 32 : index
        %get3A_222 = tpu.vector_load %arg7[%get3A_220, %get3A_221] {strides = array<i32>} : memref<128x64xbf16, #tpu.memory_space<vmem>>, vector<32xbf16>,
        %get3A_223 = arith.index_cast %add3A_212 : i32 to index
        %get3A_224 = arith.constant 32 : index
        %get3A_225 = tpu.vector_load %arg9[%get3A_223, %get3A_224] {strides = array<i32>} : memref<128x64xbf16, #tpu.memory_space<vmem>>, vector<32xbf16>,
        %mul3A_226 = arith.mulf %get3A_222, %get3A_225 : vector<32xbf16>
        %unpack3A_227 = tpu.unpack_subelements %mul3A_219, 0 {pack_format = #tpu.pack_format<interleaved>} : vector<32xbf16> -> vector<16xf32>
        %unpack3A_228 = tpu.unpack_subelements %mul3A_219, 1 {pack_format = #tpu.pack_format<interleaved>} : vector<32xbf16> -> vector<16xf32>
        %unpack3A_229 = tpu.unpack_subelements %mul3A_226, 0 {pack_format = #tpu.pack_format<interleaved>} : vector<32xbf16> -> vector<16xf32>
        %unpack3A_230 = tpu.unpack_subelements %mul3A_226, 1 {pack_format = #tpu.pack_format<interleaved>} : vector<32xbf16> -> vector<16xf32>
        %add3A_231 = arith.addf %unpack3A_227, %unpack3A_228 : vector<16xf32>
        %add3A_232 = arith.addf %unpack3A_229, %unpack3A_230 : vector<16xf32>
        %add3A_233 = arith.addf %add3A_231, %add3A_232 : vector<16xf32>
        %reduce_sum3A_234 = arith.constant true
        %reduce_sum3A_235 = vector.broadcast %reduce_sum3A_234 : i1 to vector<16xi1>
        %reduce_sum3A_236 = tpu.scan <sum>, %add3A_233 masked %reduce_sum3A_235 : vector<16xf32>, vector<16xi1> -> vector<16xf32>
        %reduce_sum3A_237 = vector.extract %reduce_sum3A_236[15] : f32 from vector<16xf32>
        %eq3A_238 = arith.constant 5 : i32
        %eq3A_239 = vector.broadcast %eq3A_238 : i32 to vector<16xi32>
        %eq3A_240 = arith.cmpi eq, %iota3A, %eq3A_239 : vector<16xi32>
        %broadcast_in_dim3A_241 = vector.broadcast %reduce_sum3A_237 : f32 to vector<16xf32>
        %select_n3A_242 = arith.select %eq3A_240, %broadcast_in_dim3A_241, %select_n3A_210 : vector<16xi1>, vector<16xf32>
        %add3A_243 = arith.constant 6 : i32
        %add3A_244 = arith.addi %mul3A_53, %add3A_243 : i32
        %get3A_245 = arith.index_cast %add3A_244 : i32 to index
        %get3A_246 = arith.constant 0 : index
        %get3A_247 = tpu.vector_load %arg7[%get3A_245, %get3A_246] {strides = array<i32>} : memref<128x64xbf16, #tpu.memory_space<vmem>>, vector<32xbf16>,
        %get3A_248 = arith.index_cast %add3A_244 : i32 to index
        %get3A_249 = arith.constant 0 : index
        %get3A_250 = tpu.vector_load %arg9[%get3A_248, %get3A_249] {strides = array<i32>} : memref<128x64xbf16, #tpu.memory_space<vmem>>, vector<32xbf16>,
        %mul3A_251 = arith.mulf %get3A_247, %get3A_250 : vector<32xbf16>
        %get3A_252 = arith.index_cast %add3A_244 : i32 to index
        %get3A_253 = arith.constant 32 : index
        %get3A_254 = tpu.vector_load %arg7[%get3A_252, %get3A_253] {strides = array<i32>} : memref<128x64xbf16, #tpu.memory_space<vmem>>, vector<32xbf16>,
        %get3A_255 = arith.index_cast %add3A_244 : i32 to index
        %get3A_256 = arith.constant 32 : index
        %get3A_257 = tpu.vector_load %arg9[%get3A_255, %get3A_256] {strides = array<i32>} : memref<128x64xbf16, #tpu.memory_space<vmem>>, vector<32xbf16>,
        %mul3A_258 = arith.mulf %get3A_254, %get3A_257 : vector<32xbf16>
        %unpack3A_259 = tpu.unpack_subelements %mul3A_251, 0 {pack_format = #tpu.pack_format<interleaved>} : vector<32xbf16> -> vector<16xf32>
        %unpack3A_260 = tpu.unpack_subelements %mul3A_251, 1 {pack_format = #tpu.pack_format<interleaved>} : vector<32xbf16> -> vector<16xf32>
        %unpack3A_261 = tpu.unpack_subelements %mul3A_258, 0 {pack_format = #tpu.pack_format<interleaved>} : vector<32xbf16> -> vector<16xf32>
        %unpack3A_262 = tpu.unpack_subelements %mul3A_258, 1 {pack_format = #tpu.pack_format<interleaved>} : vector<32xbf16> -> vector<16xf32>
        %add3A_263 = arith.addf %unpack3A_259, %unpack3A_260 : vector<16xf32>
        %add3A_264 = arith.addf %unpack3A_261, %unpack3A_262 : vector<16xf32>
        %add3A_265 = arith.addf %add3A_263, %add3A_264 : vector<16xf32>
        %reduce_sum3A_266 = arith.constant true
        %reduce_sum3A_267 = vector.broadcast %reduce_sum3A_266 : i1 to vector<16xi1>
        %reduce_sum3A_268 = tpu.scan <sum>, %add3A_265 masked %reduce_sum3A_267 : vector<16xf32>, vector<16xi1> -> vector<16xf32>
        %reduce_sum3A_269 = vector.extract %reduce_sum3A_268[15] : f32 from vector<16xf32>
        %eq3A_270 = arith.constant 6 : i32
        %eq3A_271 = vector.broadcast %eq3A_270 : i32 to vector<16xi32>
        %eq3A_272 = arith.cmpi eq, %iota3A, %eq3A_271 : vector<16xi32>
        %broadcast_in_dim3A_273 = vector.broadcast %reduce_sum3A_269 : f32 to vector<16xf32>
        %select_n3A_274 = arith.select %eq3A_272, %broadcast_in_dim3A_273, %select_n3A_242 : vector<16xi1>, vector<16xf32>
        %add3A_275 = arith.constant 7 : i32
        %add3A_276 = arith.addi %mul3A_53, %add3A_275 : i32
        %get3A_277 = arith.index_cast %add3A_276 : i32 to index
        %get3A_278 = arith.constant 0 : index
        %get3A_279 = tpu.vector_load %arg7[%get3A_277, %get3A_278] {strides = array<i32>} : memref<128x64xbf16, #tpu.memory_space<vmem>>, vector<32xbf16>,
        %get3A_280 = arith.index_cast %add3A_276 : i32 to index
        %get3A_281 = arith.constant 0 : index
        %get3A_282 = tpu.vector_load %arg9[%get3A_280, %get3A_281] {strides = array<i32>} : memref<128x64xbf16, #tpu.memory_space<vmem>>, vector<32xbf16>,
        %mul3A_283 = arith.mulf %get3A_279, %get3A_282 : vector<32xbf16>
        %get3A_284 = arith.index_cast %add3A_276 : i32 to index
        %get3A_285 = arith.constant 32 : index
        %get3A_286 = tpu.vector_load %arg7[%get3A_284, %get3A_285] {strides = array<i32>} : memref<128x64xbf16, #tpu.memory_space<vmem>>, vector<32xbf16>,
        %get3A_287 = arith.index_cast %add3A_276 : i32 to index
        %get3A_288 = arith.constant 32 : index
        %get3A_289 = tpu.vector_load %arg9[%get3A_287, %get3A_288] {strides = array<i32>} : memref<128x64xbf16, #tpu.memory_space<vmem>>, vector<32xbf16>,
        %mul3A_290 = arith.mulf %get3A_286, %get3A_289 : vector<32xbf16>
        %unpack3A_291 = tpu.unpack_subelements %mul3A_283, 0 {pack_format = #tpu.pack_format<interleaved>} : vector<32xbf16> -> vector<16xf32>
        %unpack3A_292 = tpu.unpack_subelements %mul3A_283, 1 {pack_format = #tpu.pack_format<interleaved>} : vector<32xbf16> -> vector<16xf32>
        %unpack3A_293 = tpu.unpack_subelements %mul3A_290, 0 {pack_format = #tpu.pack_format<interleaved>} : vector<32xbf16> -> vector<16xf32>
        %unpack3A_294 = tpu.unpack_subelements %mul3A_290, 1 {pack_format = #tpu.pack_format<interleaved>} : vector<32xbf16> -> vector<16xf32>
        %add3A_295 = arith.addf %unpack3A_291, %unpack3A_292 : vector<16xf32>
        %add3A_296 = arith.addf %unpack3A_293, %unpack3A_294 : vector<16xf32>
        %add3A_297 = arith.addf %add3A_295, %add3A_296 : vector<16xf32>
        %reduce_sum3A_298 = arith.constant true
        %reduce_sum3A_299 = vector.broadcast %reduce_sum3A_298 : i1 to vector<16xi1>
        %reduce_sum3A_300 = tpu.scan <sum>, %add3A_297 masked %reduce_sum3A_299 : vector<16xf32>, vector<16xi1> -> vector<16xf32>
        %reduce_sum3A_301 = vector.extract %reduce_sum3A_300[15] : f32 from vector<16xf32>
        %eq3A_302 = arith.constant 7 : i32
        %eq3A_303 = vector.broadcast %eq3A_302 : i32 to vector<16xi32>
        %eq3A_304 = arith.cmpi eq, %iota3A, %eq3A_303 : vector<16xi32>
        %broadcast_in_dim3A_305 = vector.broadcast %reduce_sum3A_301 : f32 to vector<16xf32>
        %select_n3A_306 = arith.select %eq3A_304, %broadcast_in_dim3A_305, %select_n3A_274 : vector<16xi1>, vector<16xf32>
        %add3A_307 = arith.constant 8 : i32
        %add3A_308 = arith.addi %mul3A_53, %add3A_307 : i32
        %get3A_309 = arith.index_cast %add3A_308 : i32 to index
        %get3A_310 = arith.constant 0 : index
        %get3A_311 = tpu.vector_load %arg7[%get3A_309, %get3A_310] {strides = array<i32>} : memref<128x64xbf16, #tpu.memory_space<vmem>>, vector<32xbf16>,
        %get3A_312 = arith.index_cast %add3A_308 : i32 to index
        %get3A_313 = arith.constant 0 : index
        %get3A_314 = tpu.vector_load %arg9[%get3A_312, %get3A_313] {strides = array<i32>} : memref<128x64xbf16, #tpu.memory_space<vmem>>, vector<32xbf16>,
        %mul3A_315 = arith.mulf %get3A_311, %get3A_314 : vector<32xbf16>
        %get3A_316 = arith.index_cast %add3A_308 : i32 to index
        %get3A_317 = arith.constant 32 : index
        %get3A_318 = tpu.vector_load %arg7[%get3A_316, %get3A_317] {strides = array<i32>} : memref<128x64xbf16, #tpu.memory_space<vmem>>, vector<32xbf16>,
        %get3A_319 = arith.index_cast %add3A_308 : i32 to index
        %get3A_320 = arith.constant 32 : index
        %get3A_321 = tpu.vector_load %arg9[%get3A_319, %get3A_320] {strides = array<i32>} : memref<128x64xbf16, #tpu.memory_space<vmem>>, vector<32xbf16>,
        %mul3A_322 = arith.mulf %get3A_318, %get3A_321 : vector<32xbf16>
        %unpack3A_323 = tpu.unpack_subelements %mul3A_315, 0 {pack_format = #tpu.pack_format<interleaved>} : vector<32xbf16> -> vector<16xf32>
        %unpack3A_324 = tpu.unpack_subelements %mul3A_315, 1 {pack_format = #tpu.pack_format<interleaved>} : vector<32xbf16> -> vector<16xf32>
        %unpack3A_325 = tpu.unpack_subelements %mul3A_322, 0 {pack_format = #tpu.pack_format<interleaved>} : vector<32xbf16> -> vector<16xf32>
        %unpack3A_326 = tpu.unpack_subelements %mul3A_322, 1 {pack_format = #tpu.pack_format<interleaved>} : vector<32xbf16> -> vector<16xf32>
        %add3A_327 = arith.addf %unpack3A_323, %unpack3A_324 : vector<16xf32>
        %add3A_328 = arith.addf %unpack3A_325, %unpack3A_326 : vector<16xf32>
        %add3A_329 = arith.addf %add3A_327, %add3A_328 : vector<16xf32>
        %reduce_sum3A_330 = arith.constant true
        %reduce_sum3A_331 = vector.broadcast %reduce_sum3A_330 : i1 to vector<16xi1>
        %reduce_sum3A_332 = tpu.scan <sum>, %add3A_329 masked %reduce_sum3A_331 : vector<16xf32>, vector<16xi1> -> vector<16xf32>
        %reduce_sum3A_333 = vector.extract %reduce_sum3A_332[15] : f32 from vector<16xf32>
        %eq3A_334 = arith.constant 8 : i32
        %eq3A_335 = vector.broadcast %eq3A_334 : i32 to vector<16xi32>
        %eq3A_336 = arith.cmpi eq, %iota3A, %eq3A_335 : vector<16xi32>
        %broadcast_in_dim3A_337 = vector.broadcast %reduce_sum3A_333 : f32 to vector<16xf32>
        %select_n3A_338 = arith.select %eq3A_336, %broadcast_in_dim3A_337, %select_n3A_306 : vector<16xi1>, vector<16xf32>
        %add3A_339 = arith.constant 9 : i32
        %add3A_340 = arith.addi %mul3A_53, %add3A_339 : i32
        %get3A_341 = arith.index_cast %add3A_340 : i32 to index
        %get3A_342 = arith.constant 0 : index
        %get3A_343 = tpu.vector_load %arg7[%get3A_341, %get3A_342] {strides = array<i32>} : memref<128x64xbf16, #tpu.memory_space<vmem>>, vector<32xbf16>,
        %get3A_344 = arith.index_cast %add3A_340 : i32 to index
        %get3A_345 = arith.constant 0 : index
        %get3A_346 = tpu.vector_load %arg9[%get3A_344, %get3A_345] {strides = array<i32>} : memref<128x64xbf16, #tpu.memory_space<vmem>>, vector<32xbf16>,
        %mul3A_347 = arith.mulf %get3A_343, %get3A_346 : vector<32xbf16>
        %get3A_348 = arith.index_cast %add3A_340 : i32 to index
        %get3A_349 = arith.constant 32 : index
        %get3A_350 = tpu.vector_load %arg7[%get3A_348, %get3A_349] {strides = array<i32>} : memref<128x64xbf16, #tpu.memory_space<vmem>>, vector<32xbf16>,
        %get3A_351 = arith.index_cast %add3A_340 : i32 to index
        %get3A_352 = arith.constant 32 : index
        %get3A_353 = tpu.vector_load %arg9[%get3A_351, %get3A_352] {strides = array<i32>} : memref<128x64xbf16, #tpu.memory_space<vmem>>, vector<32xbf16>,
        %mul3A_354 = arith.mulf %get3A_350, %get3A_353 : vector<32xbf16>
        %unpack3A_355 = tpu.unpack_subelements %mul3A_347, 0 {pack_format = #tpu.pack_format<interleaved>} : vector<32xbf16> -> vector<16xf32>
        %unpack3A_356 = tpu.unpack_subelements %mul3A_347, 1 {pack_format = #tpu.pack_format<interleaved>} : vector<32xbf16> -> vector<16xf32>
        %unpack3A_357 = tpu.unpack_subelements %mul3A_354, 0 {pack_format = #tpu.pack_format<interleaved>} : vector<32xbf16> -> vector<16xf32>
        %unpack3A_358 = tpu.unpack_subelements %mul3A_354, 1 {pack_format = #tpu.pack_format<interleaved>} : vector<32xbf16> -> vector<16xf32>
        %add3A_359 = arith.addf %unpack3A_355, %unpack3A_356 : vector<16xf32>
        %add3A_360 = arith.addf %unpack3A_357, %unpack3A_358 : vector<16xf32>
        %add3A_361 = arith.addf %add3A_359, %add3A_360 : vector<16xf32>
        %reduce_sum3A_362 = arith.constant true
        %reduce_sum3A_363 = vector.broadcast %reduce_sum3A_362 : i1 to vector<16xi1>
        %reduce_sum3A_364 = tpu.scan <sum>, %add3A_361 masked %reduce_sum3A_363 : vector<16xf32>, vector<16xi1> -> vector<16xf32>
        %reduce_sum3A_365 = vector.extract %reduce_sum3A_364[15] : f32 from vector<16xf32>
        %eq3A_366 = arith.constant 9 : i32
        %eq3A_367 = vector.broadcast %eq3A_366 : i32 to vector<16xi32>
        %eq3A_368 = arith.cmpi eq, %iota3A, %eq3A_367 : vector<16xi32>
        %broadcast_in_dim3A_369 = vector.broadcast %reduce_sum3A_365 : f32 to vector<16xf32>
        %select_n3A_370 = arith.select %eq3A_368, %broadcast_in_dim3A_369, %select_n3A_338 : vector<16xi1>, vector<16xf32>
        %add3A_371 = arith.constant 10 : i32
        %add3A_372 = arith.addi %mul3A_53, %add3A_371 : i32
        %get3A_373 = arith.index_cast %add3A_372 : i32 to index
        %get3A_374 = arith.constant 0 : index
        %get3A_375 = tpu.vector_load %arg7[%get3A_373, %get3A_374] {strides = array<i32>} : memref<128x64xbf16, #tpu.memory_space<vmem>>, vector<32xbf16>,
        %get3A_376 = arith.index_cast %add3A_372 : i32 to index
        %get3A_377 = arith.constant 0 : index
        %get3A_378 = tpu.vector_load %arg9[%get3A_376, %get3A_377] {strides = array<i32>} : memref<128x64xbf16, #tpu.memory_space<vmem>>, vector<32xbf16>,
        %mul3A_379 = arith.mulf %get3A_375, %get3A_378 : vector<32xbf16>
        %get3A_380 = arith.index_cast %add3A_372 : i32 to index
        %get3A_381 = arith.constant 32 : index
        %get3A_382 = tpu.vector_load %arg7[%get3A_380, %get3A_381] {strides = array<i32>} : memref<128x64xbf16, #tpu.memory_space<vmem>>, vector<32xbf16>,
        %get3A_383 = arith.index_cast %add3A_372 : i32 to index
        %get3A_384 = arith.constant 32 : index
        %get3A_385 = tpu.vector_load %arg9[%get3A_383, %get3A_384] {strides = array<i32>} : memref<128x64xbf16, #tpu.memory_space<vmem>>, vector<32xbf16>,
        %mul3A_386 = arith.mulf %get3A_382, %get3A_385 : vector<32xbf16>
        %unpack3A_387 = tpu.unpack_subelements %mul3A_379, 0 {pack_format = #tpu.pack_format<interleaved>} : vector<32xbf16> -> vector<16xf32>
        %unpack3A_388 = tpu.unpack_subelements %mul3A_379, 1 {pack_format = #tpu.pack_format<interleaved>} : vector<32xbf16> -> vector<16xf32>
        %unpack3A_389 = tpu.unpack_subelements %mul3A_386, 0 {pack_format = #tpu.pack_format<interleaved>} : vector<32xbf16> -> vector<16xf32>
        %unpack3A_390 = tpu.unpack_subelements %mul3A_386, 1 {pack_format = #tpu.pack_format<interleaved>} : vector<32xbf16> -> vector<16xf32>
        %add3A_391 = arith.addf %unpack3A_387, %unpack3A_388 : vector<16xf32>
        %add3A_392 = arith.addf %unpack3A_389, %unpack3A_390 : vector<16xf32>
        %add3A_393 = arith.addf %add3A_391, %add3A_392 : vector<16xf32>
        %reduce_sum3A_394 = arith.constant true
        %reduce_sum3A_395 = vector.broadcast %reduce_sum3A_394 : i1 to vector<16xi1>
        %reduce_sum3A_396 = tpu.scan <sum>, %add3A_393 masked %reduce_sum3A_395 : vector<16xf32>, vector<16xi1> -> vector<16xf32>
        %reduce_sum3A_397 = vector.extract %reduce_sum3A_396[15] : f32 from vector<16xf32>
        %eq3A_398 = arith.constant 10 : i32
        %eq3A_399 = vector.broadcast %eq3A_398 : i32 to vector<16xi32>
        %eq3A_400 = arith.cmpi eq, %iota3A, %eq3A_399 : vector<16xi32>
        %broadcast_in_dim3A_401 = vector.broadcast %reduce_sum3A_397 : f32 to vector<16xf32>
        %select_n3A_402 = arith.select %eq3A_400, %broadcast_in_dim3A_401, %select_n3A_370 : vector<16xi1>, vector<16xf32>
        %add3A_403 = arith.constant 11 : i32
        %add3A_404 = arith.addi %mul3A_53, %add3A_403 : i32
        %get3A_405 = arith.index_cast %add3A_404 : i32 to index
        %get3A_406 = arith.constant 0 : index
        %get3A_407 = tpu.vector_load %arg7[%get3A_405, %get3A_406] {strides = array<i32>} : memref<128x64xbf16, #tpu.memory_space<vmem>>, vector<32xbf16>,
        %get3A_408 = arith.index_cast %add3A_404 : i32 to index
        %get3A_409 = arith.constant 0 : index
        %get3A_410 = tpu.vector_load %arg9[%get3A_408, %get3A_409] {strides = array<i32>} : memref<128x64xbf16, #tpu.memory_space<vmem>>, vector<32xbf16>,
        %mul3A_411 = arith.mulf %get3A_407, %get3A_410 : vector<32xbf16>
        %get3A_412 = arith.index_cast %add3A_404 : i32 to index
        %get3A_413 = arith.constant 32 : index
        %get3A_414 = tpu.vector_load %arg7[%get3A_412, %get3A_413] {strides = array<i32>} : memref<128x64xbf16, #tpu.memory_space<vmem>>, vector<32xbf16>,
        %get3A_415 = arith.index_cast %add3A_404 : i32 to index
        %get3A_416 = arith.constant 32 : index
        %get3A_417 = tpu.vector_load %arg9[%get3A_415, %get3A_416] {strides = array<i32>} : memref<128x64xbf16, #tpu.memory_space<vmem>>, vector<32xbf16>,
        %mul3A_418 = arith.mulf %get3A_414, %get3A_417 : vector<32xbf16>
        %unpack3A_419 = tpu.unpack_subelements %mul3A_411, 0 {pack_format = #tpu.pack_format<interleaved>} : vector<32xbf16> -> vector<16xf32>
        %unpack3A_420 = tpu.unpack_subelements %mul3A_411, 1 {pack_format = #tpu.pack_format<interleaved>} : vector<32xbf16> -> vector<16xf32>
        %unpack3A_421 = tpu.unpack_subelements %mul3A_418, 0 {pack_format = #tpu.pack_format<interleaved>} : vector<32xbf16> -> vector<16xf32>
        %unpack3A_422 = tpu.unpack_subelements %mul3A_418, 1 {pack_format = #tpu.pack_format<interleaved>} : vector<32xbf16> -> vector<16xf32>
        %add3A_423 = arith.addf %unpack3A_419, %unpack3A_420 : vector<16xf32>
        %add3A_424 = arith.addf %unpack3A_421, %unpack3A_422 : vector<16xf32>
        %add3A_425 = arith.addf %add3A_423, %add3A_424 : vector<16xf32>
        %reduce_sum3A_426 = arith.constant true
        %reduce_sum3A_427 = vector.broadcast %reduce_sum3A_426 : i1 to vector<16xi1>
        %reduce_sum3A_428 = tpu.scan <sum>, %add3A_425 masked %reduce_sum3A_427 : vector<16xf32>, vector<16xi1> -> vector<16xf32>
        %reduce_sum3A_429 = vector.extract %reduce_sum3A_428[15] : f32 from vector<16xf32>
        %eq3A_430 = arith.constant 11 : i32
        %eq3A_431 = vector.broadcast %eq3A_430 : i32 to vector<16xi32>
        %eq3A_432 = arith.cmpi eq, %iota3A, %eq3A_431 : vector<16xi32>
        %broadcast_in_dim3A_433 = vector.broadcast %reduce_sum3A_429 : f32 to vector<16xf32>
        %select_n3A_434 = arith.select %eq3A_432, %broadcast_in_dim3A_433, %select_n3A_402 : vector<16xi1>, vector<16xf32>
        %add3A_435 = arith.constant 12 : i32
        %add3A_436 = arith.addi %mul3A_53, %add3A_435 : i32
        %get3A_437 = arith.index_cast %add3A_436 : i32 to index
        %get3A_438 = arith.constant 0 : index
        %get3A_439 = tpu.vector_load %arg7[%get3A_437, %get3A_438] {strides = array<i32>} : memref<128x64xbf16, #tpu.memory_space<vmem>>, vector<32xbf16>,
        %get3A_440 = arith.index_cast %add3A_436 : i32 to index
        %get3A_441 = arith.constant 0 : index
        %get3A_442 = tpu.vector_load %arg9[%get3A_440, %get3A_441] {strides = array<i32>} : memref<128x64xbf16, #tpu.memory_space<vmem>>, vector<32xbf16>,
        %mul3A_443 = arith.mulf %get3A_439, %get3A_442 : vector<32xbf16>
        %get3A_444 = arith.index_cast %add3A_436 : i32 to index
        %get3A_445 = arith.constant 32 : index
        %get3A_446 = tpu.vector_load %arg7[%get3A_444, %get3A_445] {strides = array<i32>} : memref<128x64xbf16, #tpu.memory_space<vmem>>, vector<32xbf16>,
        %get3A_447 = arith.index_cast %add3A_436 : i32 to index
        %get3A_448 = arith.constant 32 : index
        %get3A_449 = tpu.vector_load %arg9[%get3A_447, %get3A_448] {strides = array<i32>} : memref<128x64xbf16, #tpu.memory_space<vmem>>, vector<32xbf16>,
        %mul3A_450 = arith.mulf %get3A_446, %get3A_449 : vector<32xbf16>
        %unpack3A_451 = tpu.unpack_subelements %mul3A_443, 0 {pack_format = #tpu.pack_format<interleaved>} : vector<32xbf16> -> vector<16xf32>
        %unpack3A_452 = tpu.unpack_subelements %mul3A_443, 1 {pack_format = #tpu.pack_format<interleaved>} : vector<32xbf16> -> vector<16xf32>
        %unpack3A_453 = tpu.unpack_subelements %mul3A_450, 0 {pack_format = #tpu.pack_format<interleaved>} : vector<32xbf16> -> vector<16xf32>
        %unpack3A_454 = tpu.unpack_subelements %mul3A_450, 1 {pack_format = #tpu.pack_format<interleaved>} : vector<32xbf16> -> vector<16xf32>
        %add3A_455 = arith.addf %unpack3A_451, %unpack3A_452 : vector<16xf32>
        %add3A_456 = arith.addf %unpack3A_453, %unpack3A_454 : vector<16xf32>
        %add3A_457 = arith.addf %add3A_455, %add3A_456 : vector<16xf32>
        %reduce_sum3A_458 = arith.constant true
        %reduce_sum3A_459 = vector.broadcast %reduce_sum3A_458 : i1 to vector<16xi1>
        %reduce_sum3A_460 = tpu.scan <sum>, %add3A_457 masked %reduce_sum3A_459 : vector<16xf32>, vector<16xi1> -> vector<16xf32>
        %reduce_sum3A_461 = vector.extract %reduce_sum3A_460[15] : f32 from vector<16xf32>
        %eq3A_462 = arith.constant 12 : i32
        %eq3A_463 = vector.broadcast %eq3A_462 : i32 to vector<16xi32>
        %eq3A_464 = arith.cmpi eq, %iota3A, %eq3A_463 : vector<16xi32>
        %broadcast_in_dim3A_465 = vector.broadcast %reduce_sum3A_461 : f32 to vector<16xf32>
        %select_n3A_466 = arith.select %eq3A_464, %broadcast_in_dim3A_465, %select_n3A_434 : vector<16xi1>, vector<16xf32>
        %add3A_467 = arith.constant 13 : i32
        %add3A_468 = arith.addi %mul3A_53, %add3A_467 : i32
        %get3A_469 = arith.index_cast %add3A_468 : i32 to index
        %get3A_470 = arith.constant 0 : index
        %get3A_471 = tpu.vector_load %arg7[%get3A_469, %get3A_470] {strides = array<i32>} : memref<128x64xbf16, #tpu.memory_space<vmem>>, vector<32xbf16>,
        %get3A_472 = arith.index_cast %add3A_468 : i32 to index
        %get3A_473 = arith.constant 0 : index
        %get3A_474 = tpu.vector_load %arg9[%get3A_472, %get3A_473] {strides = array<i32>} : memref<128x64xbf16, #tpu.memory_space<vmem>>, vector<32xbf16>,
        %mul3A_475 = arith.mulf %get3A_471, %get3A_474 : vector<32xbf16>
        %get3A_476 = arith.index_cast %add3A_468 : i32 to index
        %get3A_477 = arith.constant 32 : index
        %get3A_478 = tpu.vector_load %arg7[%get3A_476, %get3A_477] {strides = array<i32>} : memref<128x64xbf16, #tpu.memory_space<vmem>>, vector<32xbf16>,
        %get3A_479 = arith.index_cast %add3A_468 : i32 to index
        %get3A_480 = arith.constant 32 : index
        %get3A_481 = tpu.vector_load %arg9[%get3A_479, %get3A_480] {strides = array<i32>} : memref<128x64xbf16, #tpu.memory_space<vmem>>, vector<32xbf16>,
        %mul3A_482 = arith.mulf %get3A_478, %get3A_481 : vector<32xbf16>
        %unpack3A_483 = tpu.unpack_subelements %mul3A_475, 0 {pack_format = #tpu.pack_format<interleaved>} : vector<32xbf16> -> vector<16xf32>
        %unpack3A_484 = tpu.unpack_subelements %mul3A_475, 1 {pack_format = #tpu.pack_format<interleaved>} : vector<32xbf16> -> vector<16xf32>
        %unpack3A_485 = tpu.unpack_subelements %mul3A_482, 0 {pack_format = #tpu.pack_format<interleaved>} : vector<32xbf16> -> vector<16xf32>
        %unpack3A_486 = tpu.unpack_subelements %mul3A_482, 1 {pack_format = #tpu.pack_format<interleaved>} : vector<32xbf16> -> vector<16xf32>
        %add3A_487 = arith.addf %unpack3A_483, %unpack3A_484 : vector<16xf32>
        %add3A_488 = arith.addf %unpack3A_485, %unpack3A_486 : vector<16xf32>
        %add3A_489 = arith.addf %add3A_487, %add3A_488 : vector<16xf32>
        %reduce_sum3A_490 = arith.constant true
        %reduce_sum3A_491 = vector.broadcast %reduce_sum3A_490 : i1 to vector<16xi1>
        %reduce_sum3A_492 = tpu.scan <sum>, %add3A_489 masked %reduce_sum3A_491 : vector<16xf32>, vector<16xi1> -> vector<16xf32>
        %reduce_sum3A_493 = vector.extract %reduce_sum3A_492[15] : f32 from vector<16xf32>
        %eq3A_494 = arith.constant 13 : i32
        %eq3A_495 = vector.broadcast %eq3A_494 : i32 to vector<16xi32>
        %eq3A_496 = arith.cmpi eq, %iota3A, %eq3A_495 : vector<16xi32>
        %broadcast_in_dim3A_497 = vector.broadcast %reduce_sum3A_493 : f32 to vector<16xf32>
        %select_n3A_498 = arith.select %eq3A_496, %broadcast_in_dim3A_497, %select_n3A_466 : vector<16xi1>, vector<16xf32>
        %add3A_499 = arith.constant 14 : i32
        %add3A_500 = arith.addi %mul3A_53, %add3A_499 : i32
        %get3A_501 = arith.index_cast %add3A_500 : i32 to index
        %get3A_502 = arith.constant 0 : index
        %get3A_503 = tpu.vector_load %arg7[%get3A_501, %get3A_502] {strides = array<i32>} : memref<128x64xbf16, #tpu.memory_space<vmem>>, vector<32xbf16>,
        %get3A_504 = arith.index_cast %add3A_500 : i32 to index
        %get3A_505 = arith.constant 0 : index
        %get3A_506 = tpu.vector_load %arg9[%get3A_504, %get3A_505] {strides = array<i32>} : memref<128x64xbf16, #tpu.memory_space<vmem>>, vector<32xbf16>,
        %mul3A_507 = arith.mulf %get3A_503, %get3A_506 : vector<32xbf16>
        %get3A_508 = arith.index_cast %add3A_500 : i32 to index
        %get3A_509 = arith.constant 32 : index
        %get3A_510 = tpu.vector_load %arg7[%get3A_508, %get3A_509] {strides = array<i32>} : memref<128x64xbf16, #tpu.memory_space<vmem>>, vector<32xbf16>,
        %get3A_511 = arith.index_cast %add3A_500 : i32 to index
        %get3A_512 = arith.constant 32 : index
        %get3A_513 = tpu.vector_load %arg9[%get3A_511, %get3A_512] {strides = array<i32>} : memref<128x64xbf16, #tpu.memory_space<vmem>>, vector<32xbf16>,
        %mul3A_514 = arith.mulf %get3A_510, %get3A_513 : vector<32xbf16>
        %unpack3A_515 = tpu.unpack_subelements %mul3A_507, 0 {pack_format = #tpu.pack_format<interleaved>} : vector<32xbf16> -> vector<16xf32>
        %unpack3A_516 = tpu.unpack_subelements %mul3A_507, 1 {pack_format = #tpu.pack_format<interleaved>} : vector<32xbf16> -> vector<16xf32>
        %unpack3A_517 = tpu.unpack_subelements %mul3A_514, 0 {pack_format = #tpu.pack_format<interleaved>} : vector<32xbf16> -> vector<16xf32>
        %unpack3A_518 = tpu.unpack_subelements %mul3A_514, 1 {pack_format = #tpu.pack_format<interleaved>} : vector<32xbf16> -> vector<16xf32>
        %add3A_519 = arith.addf %unpack3A_515, %unpack3A_516 : vector<16xf32>
        %add3A_520 = arith.addf %unpack3A_517, %unpack3A_518 : vector<16xf32>
        %add3A_521 = arith.addf %add3A_519, %add3A_520 : vector<16xf32>
        %reduce_sum3A_522 = arith.constant true
        %reduce_sum3A_523 = vector.broadcast %reduce_sum3A_522 : i1 to vector<16xi1>
        %reduce_sum3A_524 = tpu.scan <sum>, %add3A_521 masked %reduce_sum3A_523 : vector<16xf32>, vector<16xi1> -> vector<16xf32>
        %reduce_sum3A_525 = vector.extract %reduce_sum3A_524[15] : f32 from vector<16xf32>
        %eq3A_526 = arith.constant 14 : i32
        %eq3A_527 = vector.broadcast %eq3A_526 : i32 to vector<16xi32>
        %eq3A_528 = arith.cmpi eq, %iota3A, %eq3A_527 : vector<16xi32>
        %broadcast_in_dim3A_529 = vector.broadcast %reduce_sum3A_525 : f32 to vector<16xf32>
        %select_n3A_530 = arith.select %eq3A_528, %broadcast_in_dim3A_529, %select_n3A_498 : vector<16xi1>, vector<16xf32>
        %add3A_531 = arith.constant 15 : i32
        %add3A_532 = arith.addi %mul3A_53, %add3A_531 : i32
        %get3A_533 = arith.index_cast %add3A_532 : i32 to index
        %get3A_534 = arith.constant 0 : index
        %get3A_535 = tpu.vector_load %arg7[%get3A_533, %get3A_534] {strides = array<i32>} : memref<128x64xbf16, #tpu.memory_space<vmem>>, vector<32xbf16>,
        %get3A_536 = arith.index_cast %add3A_532 : i32 to index
        %get3A_537 = arith.constant 0 : index
        %get3A_538 = tpu.vector_load %arg9[%get3A_536, %get3A_537] {strides = array<i32>} : memref<128x64xbf16, #tpu.memory_space<vmem>>, vector<32xbf16>,
        %mul3A_539 = arith.mulf %get3A_535, %get3A_538 : vector<32xbf16>
        %get3A_540 = arith.index_cast %add3A_532 : i32 to index
        %get3A_541 = arith.constant 32 : index
        %get3A_542 = tpu.vector_load %arg7[%get3A_540, %get3A_541] {strides = array<i32>} : memref<128x64xbf16, #tpu.memory_space<vmem>>, vector<32xbf16>,
        %get3A_543 = arith.index_cast %add3A_532 : i32 to index
        %get3A_544 = arith.constant 32 : index
        %get3A_545 = tpu.vector_load %arg9[%get3A_543, %get3A_544] {strides = array<i32>} : memref<128x64xbf16, #tpu.memory_space<vmem>>, vector<32xbf16>,
        %mul3A_546 = arith.mulf %get3A_542, %get3A_545 : vector<32xbf16>
        %unpack3A_547 = tpu.unpack_subelements %mul3A_539, 0 {pack_format = #tpu.pack_format<interleaved>} : vector<32xbf16> -> vector<16xf32>
        %unpack3A_548 = tpu.unpack_subelements %mul3A_539, 1 {pack_format = #tpu.pack_format<interleaved>} : vector<32xbf16> -> vector<16xf32>
        %unpack3A_549 = tpu.unpack_subelements %mul3A_546, 0 {pack_format = #tpu.pack_format<interleaved>} : vector<32xbf16> -> vector<16xf32>
        %unpack3A_550 = tpu.unpack_subelements %mul3A_546, 1 {pack_format = #tpu.pack_format<interleaved>} : vector<32xbf16> -> vector<16xf32>
        %add3A_551 = arith.addf %unpack3A_547, %unpack3A_548 : vector<16xf32>
        %add3A_552 = arith.addf %unpack3A_549, %unpack3A_550 : vector<16xf32>
        %add3A_553 = arith.addf %add3A_551, %add3A_552 : vector<16xf32>
        %reduce_sum3A_554 = arith.constant true
        %reduce_sum3A_555 = vector.broadcast %reduce_sum3A_554 : i1 to vector<16xi1>
        %reduce_sum3A_556 = tpu.scan <sum>, %add3A_553 masked %reduce_sum3A_555 : vector<16xf32>, vector<16xi1> -> vector<16xf32>
        %reduce_sum3A_557 = vector.extract %reduce_sum3A_556[15] : f32 from vector<16xf32>
        %eq3A_558 = arith.constant 15 : i32
        %eq3A_559 = vector.broadcast %eq3A_558 : i32 to vector<16xi32>
        %eq3A_560 = arith.cmpi eq, %iota3A, %eq3A_559 : vector<16xi32>
        %broadcast_in_dim3A_561 = vector.broadcast %reduce_sum3A_557 : f32 to vector<16xf32>
        %select_n3A_562 = arith.select %eq3A_560, %broadcast_in_dim3A_561, %select_n3A_530 : vector<16xi1>, vector<16xf32>
        %swap3A = arith.index_cast %mul3A_53 : i32 to index
        %swap3A_563 = tpu.vector_load %arg11[%swap3A] {strides = array<i32>} : memref<128xf32, #tpu.memory_space<vmem>>, vector<16xf32>,
        tpu.vector_store %arg11[%swap3A], %select_n3A_562 {strides = array<i32>} : memref<128xf32, #tpu.memory_space<vmem>>, vector<16xf32>,
      }
      %scan3A_48 = arith.constant 8 : i32
      %mul3A_49 = arith.constant 128 : i32
      %mul3A_50 = arith.muli %add3A_20, %mul3A_49 : i32
      "tpu.region"() ({
        %run_scoped3A = tpu.sem_alloc : memref<!tpu.dma_semaphore, #tpu.memory_space<semaphore_mem>>
        %dma_start3A_51 = tpu.memref_slice %arg4[%mul3A_50] : memref<640000xf32, #tpu.memory_space<hbm>> -> memref<128xf32, #tpu.memory_space<hbm>>
        %dma_start3A_52 = tpu.memref_slice %arg4[%mul3A_50] : memref<640000xf32, #tpu.memory_space<hbm>> -> memref<128xf32, #tpu.memory_space<hbm>>
        tpu.enqueue_dma source(%arg11 : memref<128xf32, #tpu.memory_space<vmem>>) target(%dma_start3A_52 : memref<128xf32, #tpu.memory_space<hbm>>) target_semaphore(%run_scoped3A : memref<!tpu.dma_semaphore, #tpu.memory_space<semaphore_mem>>)
        %dma_wait3A_53 = tpu.memref_slice %arg4[%mul3A_50] : memref<640000xf32, #tpu.memory_space<hbm>> -> memref<128xf32, #tpu.memory_space<hbm>>
        %dma_wait3A_54 = tpu.memref_slice %arg4[%mul3A_50] : memref<640000xf32, #tpu.memory_space<hbm>> -> memref<128xf32, #tpu.memory_space<hbm>>
        tpu.wait_dma2 semaphore(%run_scoped3A : memref<!tpu.dma_semaphore, #tpu.memory_space<semaphore_mem>>) src(%arg11 : memref<128xf32, #tpu.memory_space<vmem>>) dst(%dma_wait3A_54 : memref<128xf32, #tpu.memory_space<hbm>>)
        tpu.yield
      }) : () -> ()
    }
    %while3A_16 = arith.constant 1 : i32
    scf.for %while3A_17 = %while3A_14 to %while3A_10 step %while3A_16  : i32 {
      %mul3A_18 = arith.constant 32 : i32
      %mul3A_19 = arith.muli %while3A_17, %mul3A_18 : i32
      %add3A_20 = arith.addi %mul3A_19, %add3A : i32
      %mul3A_21 = arith.constant 2 : i32
      %mul3A_22 = arith.muli %add3A_20, %mul3A_21 : i32
      %mul3A_23 = arith.constant 128 : i32
      %mul3A_24 = arith.muli %mul3A_22, %mul3A_23 : i32
      "tpu.region"() ({
        %run_scoped3A = tpu.sem_alloc : memref<!tpu.dma_semaphore, #tpu.memory_space<semaphore_mem>>
        %dma_start3A_51 = tpu.memref_slice %arg3[%mul3A_24] : memref<1280000xi32, #tpu.memory_space<hbm>> -> memref<256xi32, #tpu.memory_space<hbm>>
        %dma_start3A_52 = tpu.memref_slice %arg3[%mul3A_24] : memref<1280000xi32, #tpu.memory_space<hbm>> -> memref<256xi32, #tpu.memory_space<hbm>>
        tpu.enqueue_dma source(%dma_start3A_52 : memref<256xi32, #tpu.memory_space<hbm>>) target(%arg5 : memref<256xi32, #tpu.memory_space<vmem>>) target_semaphore(%run_scoped3A : memref<!tpu.dma_semaphore, #tpu.memory_space<semaphore_mem>>)
        %dma_wait3A_53 = tpu.memref_slice %arg3[%mul3A_24] : memref<1280000xi32, #tpu.memory_space<hbm>> -> memref<256xi32, #tpu.memory_space<hbm>>
        %dma_wait3A_54 = tpu.memref_slice %arg3[%mul3A_24] : memref<1280000xi32, #tpu.memory_space<hbm>> -> memref<256xi32, #tpu.memory_space<hbm>>
        tpu.wait_dma2 semaphore(%run_scoped3A : memref<!tpu.dma_semaphore, #tpu.memory_space<semaphore_mem>>) src(%dma_wait3A_54 : memref<256xi32, #tpu.memory_space<hbm>>) dst(%arg5 : memref<256xi32, #tpu.memory_space<vmem>>)
        tpu.yield
      }) : () -> ()
      %dma_start3A = arith.constant 0 : i32
      %dma_start3A_25 = tpu.memref_slice %arg5[%dma_start3A] : memref<256xi32, #tpu.memory_space<vmem>> -> memref<128xi32, #tpu.memory_space<vmem>>
      %dma_start3A_26 = arith.constant 0 : i32
      %dma_start3A_27 = arith.constant 0 : i32
      %dma_start3A_28 = tpu.memref_slice %arg2[%dma_start3A_26, %dma_start3A_27] : memref<10000x64xbf16, #tpu.memory_space<hbm>> -> memref<10000x64xbf16, #tpu.memory_space<hbm>>
      tpu.enqueue_indirect_dma source(%dma_start3A_28 : memref<10000x64xbf16, #tpu.memory_space<hbm>>) target(%arg7 : memref<128x64xbf16, #tpu.memory_space<vmem>>) offsets(%dma_start3A_25 : memref<128xi32, #tpu.memory_space<vmem>>) semaphore(%arg13 : memref<!tpu.dma_semaphore, #tpu.memory_space<semaphore_mem>>)
      %dma_start3A_29 = arith.constant 128 : i32
      %dma_start3A_30 = tpu.memref_slice %arg5[%dma_start3A_29] : memref<256xi32, #tpu.memory_space<vmem>> -> memref<128xi32, #tpu.memory_space<vmem>>
      %dma_start3A_31 = arith.constant 0 : i32
      %dma_start3A_32 = arith.constant 0 : i32
      %dma_start3A_33 = tpu.memref_slice %arg2[%dma_start3A_31, %dma_start3A_32] : memref<10000x64xbf16, #tpu.memory_space<hbm>> -> memref<10000x64xbf16, #tpu.memory_space<hbm>>
      tpu.enqueue_indirect_dma source(%dma_start3A_33 : memref<10000x64xbf16, #tpu.memory_space<hbm>>) target(%arg9 : memref<128x64xbf16, #tpu.memory_space<vmem>>) offsets(%dma_start3A_30 : memref<128xi32, #tpu.memory_space<vmem>>) semaphore(%arg13 : memref<!tpu.dma_semaphore, #tpu.memory_space<semaphore_mem>>)
      %dma_wait3A = arith.constant 0 : i32
      %dma_wait3A_34 = tpu.memref_slice %arg5[%dma_wait3A] : memref<256xi32, #tpu.memory_space<vmem>> -> memref<128xi32, #tpu.memory_space<vmem>>
      %dma_wait3A_35 = arith.constant 0 : i32
      %dma_wait3A_36 = arith.constant 0 : i32
      %dma_wait3A_37 = tpu.memref_slice %arg2[%dma_wait3A_35, %dma_wait3A_36] : memref<10000x64xbf16, #tpu.memory_space<hbm>> -> memref<10000x64xbf16, #tpu.memory_space<hbm>>
      tpu.wait_indirect_dma semaphore(%arg13 : memref<!tpu.dma_semaphore, #tpu.memory_space<semaphore_mem>>) src(%dma_wait3A_37 : memref<10000x64xbf16, #tpu.memory_space<hbm>>) dst(%arg7 : memref<128x64xbf16, #tpu.memory_space<vmem>>)
      %dma_wait3A_38 = arith.constant 128 : i32
      %dma_wait3A_39 = tpu.memref_slice %arg5[%dma_wait3A_38] : memref<256xi32, #tpu.memory_space<vmem>> -> memref<128xi32, #tpu.memory_space<vmem>>
      %dma_wait3A_40 = arith.constant 0 : i32
      %dma_wait3A_41 = arith.constant 0 : i32
      %dma_wait3A_42 = tpu.memref_slice %arg2[%dma_wait3A_40, %dma_wait3A_41] : memref<10000x64xbf16, #tpu.memory_space<hbm>> -> memref<10000x64xbf16, #tpu.memory_space<hbm>>
      tpu.wait_indirect_dma semaphore(%arg13 : memref<!tpu.dma_semaphore, #tpu.memory_space<semaphore_mem>>) src(%dma_wait3A_42 : memref<10000x64xbf16, #tpu.memory_space<hbm>>) dst(%arg9 : memref<128x64xbf16, #tpu.memory_space<vmem>>)
      %scan3A_43 = arith.constant 0 : i32
      %scan3A_44 = arith.constant 0 : i32
      %scan3A_45 = arith.constant 8 : i32
      %scan3A_46 = arith.addi %scan3A_44, %scan3A_45 : i32
      %scan3A_47 = arith.constant 1 : i32
      scf.for %scan3A_51 = %scan3A_44 to %scan3A_46 step %scan3A_47  : i32 {
        %mul3A_52 = arith.constant 16 : i32
        %mul3A_53 = arith.muli %scan3A_51, %mul3A_52 : i32
        %iota3A = tpu.iota {dimensions = array<i32: 0>} : vector<16xi32>
        %broadcast_in_dim3A = arith.constant 0.000000e+00 : f32
        %broadcast_in_dim3A_54 = vector.broadcast %broadcast_in_dim3A : f32 to vector<16xf32>
        %add3A_55 = arith.constant 0 : i32
        %add3A_56 = arith.addi %mul3A_53, %add3A_55 : i32
        %get3A = arith.index_cast %add3A_56 : i32 to index
        %get3A_57 = arith.constant 0 : index
        %get3A_58 = tpu.vector_load %arg7[%get3A, %get3A_57] {strides = array<i32>} : memref<128x64xbf16, #tpu.memory_space<vmem>>, vector<32xbf16>,
        %get3A_59 = arith.index_cast %add3A_56 : i32 to index
        %get3A_60 = arith.constant 0 : index
        %get3A_61 = tpu.vector_load %arg9[%get3A_59, %get3A_60] {strides = array<i32>} : memref<128x64xbf16, #tpu.memory_space<vmem>>, vector<32xbf16>,
        %mul3A_62 = arith.mulf %get3A_58, %get3A_61 : vector<32xbf16>
        %get3A_63 = arith.index_cast %add3A_56 : i32 to index
        %get3A_64 = arith.constant 32 : index
        %get3A_65 = tpu.vector_load %arg7[%get3A_63, %get3A_64] {strides = array<i32>} : memref<128x64xbf16, #tpu.memory_space<vmem>>, vector<32xbf16>,
        %get3A_66 = arith.index_cast %add3A_56 : i32 to index
        %get3A_67 = arith.constant 32 : index
        %get3A_68 = tpu.vector_load %arg9[%get3A_66, %get3A_67] {strides = array<i32>} : memref<128x64xbf16, #tpu.memory_space<vmem>>, vector<32xbf16>,
        %mul3A_69 = arith.mulf %get3A_65, %get3A_68 : vector<32xbf16>
        %unpack3A = tpu.unpack_subelements %mul3A_62, 0 {pack_format = #tpu.pack_format<interleaved>} : vector<32xbf16> -> vector<16xf32>
        %unpack3A_70 = tpu.unpack_subelements %mul3A_62, 1 {pack_format = #tpu.pack_format<interleaved>} : vector<32xbf16> -> vector<16xf32>
        %unpack3A_71 = tpu.unpack_subelements %mul3A_69, 0 {pack_format = #tpu.pack_format<interleaved>} : vector<32xbf16> -> vector<16xf32>
        %unpack3A_72 = tpu.unpack_subelements %mul3A_69, 1 {pack_format = #tpu.pack_format<interleaved>} : vector<32xbf16> -> vector<16xf32>
        %add3A_73 = arith.addf %unpack3A, %unpack3A_70 : vector<16xf32>
        %add3A_74 = arith.addf %unpack3A_71, %unpack3A_72 : vector<16xf32>
        %add3A_75 = arith.addf %add3A_73, %add3A_74 : vector<16xf32>
        %reduce_sum3A = arith.constant true
        %reduce_sum3A_76 = vector.broadcast %reduce_sum3A : i1 to vector<16xi1>
        %reduce_sum3A_77 = tpu.scan <sum>, %add3A_75 masked %reduce_sum3A_76 : vector<16xf32>, vector<16xi1> -> vector<16xf32>
        %reduce_sum3A_78 = vector.extract %reduce_sum3A_77[15] : f32 from vector<16xf32>
        %eq3A = arith.constant 0 : i32
        %eq3A_79 = vector.broadcast %eq3A : i32 to vector<16xi32>
        %eq3A_80 = arith.cmpi eq, %iota3A, %eq3A_79 : vector<16xi32>
        %broadcast_in_dim3A_81 = vector.broadcast %reduce_sum3A_78 : f32 to vector<16xf32>
        %select_n3A_82 = arith.select %eq3A_80, %broadcast_in_dim3A_81, %broadcast_in_dim3A_54 : vector<16xi1>, vector<16xf32>
        %add3A_83 = arith.constant 1 : i32
        %add3A_84 = arith.addi %mul3A_53, %add3A_83 : i32
        %get3A_85 = arith.index_cast %add3A_84 : i32 to index
        %get3A_86 = arith.constant 0 : index
        %get3A_87 = tpu.vector_load %arg7[%get3A_85, %get3A_86] {strides = array<i32>} : memref<128x64xbf16, #tpu.memory_space<vmem>>, vector<32xbf16>,
        %get3A_88 = arith.index_cast %add3A_84 : i32 to index
        %get3A_89 = arith.constant 0 : index
        %get3A_90 = tpu.vector_load %arg9[%get3A_88, %get3A_89] {strides = array<i32>} : memref<128x64xbf16, #tpu.memory_space<vmem>>, vector<32xbf16>,
        %mul3A_91 = arith.mulf %get3A_87, %get3A_90 : vector<32xbf16>
        %get3A_92 = arith.index_cast %add3A_84 : i32 to index
        %get3A_93 = arith.constant 32 : index
        %get3A_94 = tpu.vector_load %arg7[%get3A_92, %get3A_93] {strides = array<i32>} : memref<128x64xbf16, #tpu.memory_space<vmem>>, vector<32xbf16>,
        %get3A_95 = arith.index_cast %add3A_84 : i32 to index
        %get3A_96 = arith.constant 32 : index
        %get3A_97 = tpu.vector_load %arg9[%get3A_95, %get3A_96] {strides = array<i32>} : memref<128x64xbf16, #tpu.memory_space<vmem>>, vector<32xbf16>,
        %mul3A_98 = arith.mulf %get3A_94, %get3A_97 : vector<32xbf16>
        %unpack3A_99 = tpu.unpack_subelements %mul3A_91, 0 {pack_format = #tpu.pack_format<interleaved>} : vector<32xbf16> -> vector<16xf32>
        %unpack3A_100 = tpu.unpack_subelements %mul3A_91, 1 {pack_format = #tpu.pack_format<interleaved>} : vector<32xbf16> -> vector<16xf32>
        %unpack3A_101 = tpu.unpack_subelements %mul3A_98, 0 {pack_format = #tpu.pack_format<interleaved>} : vector<32xbf16> -> vector<16xf32>
        %unpack3A_102 = tpu.unpack_subelements %mul3A_98, 1 {pack_format = #tpu.pack_format<interleaved>} : vector<32xbf16> -> vector<16xf32>
        %add3A_103 = arith.addf %unpack3A_99, %unpack3A_100 : vector<16xf32>
        %add3A_104 = arith.addf %unpack3A_101, %unpack3A_102 : vector<16xf32>
        %add3A_105 = arith.addf %add3A_103, %add3A_104 : vector<16xf32>
        %reduce_sum3A_106 = arith.constant true
        %reduce_sum3A_107 = vector.broadcast %reduce_sum3A_106 : i1 to vector<16xi1>
        %reduce_sum3A_108 = tpu.scan <sum>, %add3A_105 masked %reduce_sum3A_107 : vector<16xf32>, vector<16xi1> -> vector<16xf32>
        %reduce_sum3A_109 = vector.extract %reduce_sum3A_108[15] : f32 from vector<16xf32>
        %eq3A_110 = arith.constant 1 : i32
        %eq3A_111 = vector.broadcast %eq3A_110 : i32 to vector<16xi32>
        %eq3A_112 = arith.cmpi eq, %iota3A, %eq3A_111 : vector<16xi32>
        %broadcast_in_dim3A_113 = vector.broadcast %reduce_sum3A_109 : f32 to vector<16xf32>
        %select_n3A_114 = arith.select %eq3A_112, %broadcast_in_dim3A_113, %select_n3A_82 : vector<16xi1>, vector<16xf32>
        %add3A_115 = arith.constant 2 : i32
        %add3A_116 = arith.addi %mul3A_53, %add3A_115 : i32
        %get3A_117 = arith.index_cast %add3A_116 : i32 to index
        %get3A_118 = arith.constant 0 : index
        %get3A_119 = tpu.vector_load %arg7[%get3A_117, %get3A_118] {strides = array<i32>} : memref<128x64xbf16, #tpu.memory_space<vmem>>, vector<32xbf16>,
        %get3A_120 = arith.index_cast %add3A_116 : i32 to index
        %get3A_121 = arith.constant 0 : index
        %get3A_122 = tpu.vector_load %arg9[%get3A_120, %get3A_121] {strides = array<i32>} : memref<128x64xbf16, #tpu.memory_space<vmem>>, vector<32xbf16>,
        %mul3A_123 = arith.mulf %get3A_119, %get3A_122 : vector<32xbf16>
        %get3A_124 = arith.index_cast %add3A_116 : i32 to index
        %get3A_125 = arith.constant 32 : index
        %get3A_126 = tpu.vector_load %arg7[%get3A_124, %get3A_125] {strides = array<i32>} : memref<128x64xbf16, #tpu.memory_space<vmem>>, vector<32xbf16>,
        %get3A_127 = arith.index_cast %add3A_116 : i32 to index
        %get3A_128 = arith.constant 32 : index
        %get3A_129 = tpu.vector_load %arg9[%get3A_127, %get3A_128] {strides = array<i32>} : memref<128x64xbf16, #tpu.memory_space<vmem>>, vector<32xbf16>,
        %mul3A_130 = arith.mulf %get3A_126, %get3A_129 : vector<32xbf16>
        %unpack3A_131 = tpu.unpack_subelements %mul3A_123, 0 {pack_format = #tpu.pack_format<interleaved>} : vector<32xbf16> -> vector<16xf32>
        %unpack3A_132 = tpu.unpack_subelements %mul3A_123, 1 {pack_format = #tpu.pack_format<interleaved>} : vector<32xbf16> -> vector<16xf32>
        %unpack3A_133 = tpu.unpack_subelements %mul3A_130, 0 {pack_format = #tpu.pack_format<interleaved>} : vector<32xbf16> -> vector<16xf32>
        %unpack3A_134 = tpu.unpack_subelements %mul3A_130, 1 {pack_format = #tpu.pack_format<interleaved>} : vector<32xbf16> -> vector<16xf32>
        %add3A_135 = arith.addf %unpack3A_131, %unpack3A_132 : vector<16xf32>
        %add3A_136 = arith.addf %unpack3A_133, %unpack3A_134 : vector<16xf32>
        %add3A_137 = arith.addf %add3A_135, %add3A_136 : vector<16xf32>
        %reduce_sum3A_138 = arith.constant true
        %reduce_sum3A_139 = vector.broadcast %reduce_sum3A_138 : i1 to vector<16xi1>
        %reduce_sum3A_140 = tpu.scan <sum>, %add3A_137 masked %reduce_sum3A_139 : vector<16xf32>, vector<16xi1> -> vector<16xf32>
        %reduce_sum3A_141 = vector.extract %reduce_sum3A_140[15] : f32 from vector<16xf32>
        %eq3A_142 = arith.constant 2 : i32
        %eq3A_143 = vector.broadcast %eq3A_142 : i32 to vector<16xi32>
        %eq3A_144 = arith.cmpi eq, %iota3A, %eq3A_143 : vector<16xi32>
        %broadcast_in_dim3A_145 = vector.broadcast %reduce_sum3A_141 : f32 to vector<16xf32>
        %select_n3A_146 = arith.select %eq3A_144, %broadcast_in_dim3A_145, %select_n3A_114 : vector<16xi1>, vector<16xf32>
        %add3A_147 = arith.constant 3 : i32
        %add3A_148 = arith.addi %mul3A_53, %add3A_147 : i32
        %get3A_149 = arith.index_cast %add3A_148 : i32 to index
        %get3A_150 = arith.constant 0 : index
        %get3A_151 = tpu.vector_load %arg7[%get3A_149, %get3A_150] {strides = array<i32>} : memref<128x64xbf16, #tpu.memory_space<vmem>>, vector<32xbf16>,
        %get3A_152 = arith.index_cast %add3A_148 : i32 to index
        %get3A_153 = arith.constant 0 : index
        %get3A_154 = tpu.vector_load %arg9[%get3A_152, %get3A_153] {strides = array<i32>} : memref<128x64xbf16, #tpu.memory_space<vmem>>, vector<32xbf16>,
        %mul3A_155 = arith.mulf %get3A_151, %get3A_154 : vector<32xbf16>
        %get3A_156 = arith.index_cast %add3A_148 : i32 to index
        %get3A_157 = arith.constant 32 : index
        %get3A_158 = tpu.vector_load %arg7[%get3A_156, %get3A_157] {strides = array<i32>} : memref<128x64xbf16, #tpu.memory_space<vmem>>, vector<32xbf16>,
        %get3A_159 = arith.index_cast %add3A_148 : i32 to index
        %get3A_160 = arith.constant 32 : index
        %get3A_161 = tpu.vector_load %arg9[%get3A_159, %get3A_160] {strides = array<i32>} : memref<128x64xbf16, #tpu.memory_space<vmem>>, vector<32xbf16>,
        %mul3A_162 = arith.mulf %get3A_158, %get3A_161 : vector<32xbf16>
        %unpack3A_163 = tpu.unpack_subelements %mul3A_155, 0 {pack_format = #tpu.pack_format<interleaved>} : vector<32xbf16> -> vector<16xf32>
        %unpack3A_164 = tpu.unpack_subelements %mul3A_155, 1 {pack_format = #tpu.pack_format<interleaved>} : vector<32xbf16> -> vector<16xf32>
        %unpack3A_165 = tpu.unpack_subelements %mul3A_162, 0 {pack_format = #tpu.pack_format<interleaved>} : vector<32xbf16> -> vector<16xf32>
        %unpack3A_166 = tpu.unpack_subelements %mul3A_162, 1 {pack_format = #tpu.pack_format<interleaved>} : vector<32xbf16> -> vector<16xf32>
        %add3A_167 = arith.addf %unpack3A_163, %unpack3A_164 : vector<16xf32>
        %add3A_168 = arith.addf %unpack3A_165, %unpack3A_166 : vector<16xf32>
        %add3A_169 = arith.addf %add3A_167, %add3A_168 : vector<16xf32>
        %reduce_sum3A_170 = arith.constant true
        %reduce_sum3A_171 = vector.broadcast %reduce_sum3A_170 : i1 to vector<16xi1>
        %reduce_sum3A_172 = tpu.scan <sum>, %add3A_169 masked %reduce_sum3A_171 : vector<16xf32>, vector<16xi1> -> vector<16xf32>
        %reduce_sum3A_173 = vector.extract %reduce_sum3A_172[15] : f32 from vector<16xf32>
        %eq3A_174 = arith.constant 3 : i32
        %eq3A_175 = vector.broadcast %eq3A_174 : i32 to vector<16xi32>
        %eq3A_176 = arith.cmpi eq, %iota3A, %eq3A_175 : vector<16xi32>
        %broadcast_in_dim3A_177 = vector.broadcast %reduce_sum3A_173 : f32 to vector<16xf32>
        %select_n3A_178 = arith.select %eq3A_176, %broadcast_in_dim3A_177, %select_n3A_146 : vector<16xi1>, vector<16xf32>
        %add3A_179 = arith.constant 4 : i32
        %add3A_180 = arith.addi %mul3A_53, %add3A_179 : i32
        %get3A_181 = arith.index_cast %add3A_180 : i32 to index
        %get3A_182 = arith.constant 0 : index
        %get3A_183 = tpu.vector_load %arg7[%get3A_181, %get3A_182] {strides = array<i32>} : memref<128x64xbf16, #tpu.memory_space<vmem>>, vector<32xbf16>,
        %get3A_184 = arith.index_cast %add3A_180 : i32 to index
        %get3A_185 = arith.constant 0 : index
        %get3A_186 = tpu.vector_load %arg9[%get3A_184, %get3A_185] {strides = array<i32>} : memref<128x64xbf16, #tpu.memory_space<vmem>>, vector<32xbf16>,
        %mul3A_187 = arith.mulf %get3A_183, %get3A_186 : vector<32xbf16>
        %get3A_188 = arith.index_cast %add3A_180 : i32 to index
        %get3A_189 = arith.constant 32 : index
        %get3A_190 = tpu.vector_load %arg7[%get3A_188, %get3A_189] {strides = array<i32>} : memref<128x64xbf16, #tpu.memory_space<vmem>>, vector<32xbf16>,
        %get3A_191 = arith.index_cast %add3A_180 : i32 to index
        %get3A_192 = arith.constant 32 : index
        %get3A_193 = tpu.vector_load %arg9[%get3A_191, %get3A_192] {strides = array<i32>} : memref<128x64xbf16, #tpu.memory_space<vmem>>, vector<32xbf16>,
        %mul3A_194 = arith.mulf %get3A_190, %get3A_193 : vector<32xbf16>
        %unpack3A_195 = tpu.unpack_subelements %mul3A_187, 0 {pack_format = #tpu.pack_format<interleaved>} : vector<32xbf16> -> vector<16xf32>
        %unpack3A_196 = tpu.unpack_subelements %mul3A_187, 1 {pack_format = #tpu.pack_format<interleaved>} : vector<32xbf16> -> vector<16xf32>
        %unpack3A_197 = tpu.unpack_subelements %mul3A_194, 0 {pack_format = #tpu.pack_format<interleaved>} : vector<32xbf16> -> vector<16xf32>
        %unpack3A_198 = tpu.unpack_subelements %mul3A_194, 1 {pack_format = #tpu.pack_format<interleaved>} : vector<32xbf16> -> vector<16xf32>
        %add3A_199 = arith.addf %unpack3A_195, %unpack3A_196 : vector<16xf32>
        %add3A_200 = arith.addf %unpack3A_197, %unpack3A_198 : vector<16xf32>
        %add3A_201 = arith.addf %add3A_199, %add3A_200 : vector<16xf32>
        %reduce_sum3A_202 = arith.constant true
        %reduce_sum3A_203 = vector.broadcast %reduce_sum3A_202 : i1 to vector<16xi1>
        %reduce_sum3A_204 = tpu.scan <sum>, %add3A_201 masked %reduce_sum3A_203 : vector<16xf32>, vector<16xi1> -> vector<16xf32>
        %reduce_sum3A_205 = vector.extract %reduce_sum3A_204[15] : f32 from vector<16xf32>
        %eq3A_206 = arith.constant 4 : i32
        %eq3A_207 = vector.broadcast %eq3A_206 : i32 to vector<16xi32>
        %eq3A_208 = arith.cmpi eq, %iota3A, %eq3A_207 : vector<16xi32>
        %broadcast_in_dim3A_209 = vector.broadcast %reduce_sum3A_205 : f32 to vector<16xf32>
        %select_n3A_210 = arith.select %eq3A_208, %broadcast_in_dim3A_209, %select_n3A_178 : vector<16xi1>, vector<16xf32>
        %add3A_211 = arith.constant 5 : i32
        %add3A_212 = arith.addi %mul3A_53, %add3A_211 : i32
        %get3A_213 = arith.index_cast %add3A_212 : i32 to index
        %get3A_214 = arith.constant 0 : index
        %get3A_215 = tpu.vector_load %arg7[%get3A_213, %get3A_214] {strides = array<i32>} : memref<128x64xbf16, #tpu.memory_space<vmem>>, vector<32xbf16>,
        %get3A_216 = arith.index_cast %add3A_212 : i32 to index
        %get3A_217 = arith.constant 0 : index
        %get3A_218 = tpu.vector_load %arg9[%get3A_216, %get3A_217] {strides = array<i32>} : memref<128x64xbf16, #tpu.memory_space<vmem>>, vector<32xbf16>,
        %mul3A_219 = arith.mulf %get3A_215, %get3A_218 : vector<32xbf16>
        %get3A_220 = arith.index_cast %add3A_212 : i32 to index
        %get3A_221 = arith.constant 32 : index
        %get3A_222 = tpu.vector_load %arg7[%get3A_220, %get3A_221] {strides = array<i32>} : memref<128x64xbf16, #tpu.memory_space<vmem>>, vector<32xbf16>,
        %get3A_223 = arith.index_cast %add3A_212 : i32 to index
        %get3A_224 = arith.constant 32 : index
        %get3A_225 = tpu.vector_load %arg9[%get3A_223, %get3A_224] {strides = array<i32>} : memref<128x64xbf16, #tpu.memory_space<vmem>>, vector<32xbf16>,
        %mul3A_226 = arith.mulf %get3A_222, %get3A_225 : vector<32xbf16>
        %unpack3A_227 = tpu.unpack_subelements %mul3A_219, 0 {pack_format = #tpu.pack_format<interleaved>} : vector<32xbf16> -> vector<16xf32>
        %unpack3A_228 = tpu.unpack_subelements %mul3A_219, 1 {pack_format = #tpu.pack_format<interleaved>} : vector<32xbf16> -> vector<16xf32>
        %unpack3A_229 = tpu.unpack_subelements %mul3A_226, 0 {pack_format = #tpu.pack_format<interleaved>} : vector<32xbf16> -> vector<16xf32>
        %unpack3A_230 = tpu.unpack_subelements %mul3A_226, 1 {pack_format = #tpu.pack_format<interleaved>} : vector<32xbf16> -> vector<16xf32>
        %add3A_231 = arith.addf %unpack3A_227, %unpack3A_228 : vector<16xf32>
        %add3A_232 = arith.addf %unpack3A_229, %unpack3A_230 : vector<16xf32>
        %add3A_233 = arith.addf %add3A_231, %add3A_232 : vector<16xf32>
        %reduce_sum3A_234 = arith.constant true
        %reduce_sum3A_235 = vector.broadcast %reduce_sum3A_234 : i1 to vector<16xi1>
        %reduce_sum3A_236 = tpu.scan <sum>, %add3A_233 masked %reduce_sum3A_235 : vector<16xf32>, vector<16xi1> -> vector<16xf32>
        %reduce_sum3A_237 = vector.extract %reduce_sum3A_236[15] : f32 from vector<16xf32>
        %eq3A_238 = arith.constant 5 : i32
        %eq3A_239 = vector.broadcast %eq3A_238 : i32 to vector<16xi32>
        %eq3A_240 = arith.cmpi eq, %iota3A, %eq3A_239 : vector<16xi32>
        %broadcast_in_dim3A_241 = vector.broadcast %reduce_sum3A_237 : f32 to vector<16xf32>
        %select_n3A_242 = arith.select %eq3A_240, %broadcast_in_dim3A_241, %select_n3A_210 : vector<16xi1>, vector<16xf32>
        %add3A_243 = arith.constant 6 : i32
        %add3A_244 = arith.addi %mul3A_53, %add3A_243 : i32
        %get3A_245 = arith.index_cast %add3A_244 : i32 to index
        %get3A_246 = arith.constant 0 : index
        %get3A_247 = tpu.vector_load %arg7[%get3A_245, %get3A_246] {strides = array<i32>} : memref<128x64xbf16, #tpu.memory_space<vmem>>, vector<32xbf16>,
        %get3A_248 = arith.index_cast %add3A_244 : i32 to index
        %get3A_249 = arith.constant 0 : index
        %get3A_250 = tpu.vector_load %arg9[%get3A_248, %get3A_249] {strides = array<i32>} : memref<128x64xbf16, #tpu.memory_space<vmem>>, vector<32xbf16>,
        %mul3A_251 = arith.mulf %get3A_247, %get3A_250 : vector<32xbf16>
        %get3A_252 = arith.index_cast %add3A_244 : i32 to index
        %get3A_253 = arith.constant 32 : index
        %get3A_254 = tpu.vector_load %arg7[%get3A_252, %get3A_253] {strides = array<i32>} : memref<128x64xbf16, #tpu.memory_space<vmem>>, vector<32xbf16>,
        %get3A_255 = arith.index_cast %add3A_244 : i32 to index
        %get3A_256 = arith.constant 32 : index
        %get3A_257 = tpu.vector_load %arg9[%get3A_255, %get3A_256] {strides = array<i32>} : memref<128x64xbf16, #tpu.memory_space<vmem>>, vector<32xbf16>,
        %mul3A_258 = arith.mulf %get3A_254, %get3A_257 : vector<32xbf16>
        %unpack3A_259 = tpu.unpack_subelements %mul3A_251, 0 {pack_format = #tpu.pack_format<interleaved>} : vector<32xbf16> -> vector<16xf32>
        %unpack3A_260 = tpu.unpack_subelements %mul3A_251, 1 {pack_format = #tpu.pack_format<interleaved>} : vector<32xbf16> -> vector<16xf32>
        %unpack3A_261 = tpu.unpack_subelements %mul3A_258, 0 {pack_format = #tpu.pack_format<interleaved>} : vector<32xbf16> -> vector<16xf32>
        %unpack3A_262 = tpu.unpack_subelements %mul3A_258, 1 {pack_format = #tpu.pack_format<interleaved>} : vector<32xbf16> -> vector<16xf32>
        %add3A_263 = arith.addf %unpack3A_259, %unpack3A_260 : vector<16xf32>
        %add3A_264 = arith.addf %unpack3A_261, %unpack3A_262 : vector<16xf32>
        %add3A_265 = arith.addf %add3A_263, %add3A_264 : vector<16xf32>
        %reduce_sum3A_266 = arith.constant true
        %reduce_sum3A_267 = vector.broadcast %reduce_sum3A_266 : i1 to vector<16xi1>
        %reduce_sum3A_268 = tpu.scan <sum>, %add3A_265 masked %reduce_sum3A_267 : vector<16xf32>, vector<16xi1> -> vector<16xf32>
        %reduce_sum3A_269 = vector.extract %reduce_sum3A_268[15] : f32 from vector<16xf32>
        %eq3A_270 = arith.constant 6 : i32
        %eq3A_271 = vector.broadcast %eq3A_270 : i32 to vector<16xi32>
        %eq3A_272 = arith.cmpi eq, %iota3A, %eq3A_271 : vector<16xi32>
        %broadcast_in_dim3A_273 = vector.broadcast %reduce_sum3A_269 : f32 to vector<16xf32>
        %select_n3A_274 = arith.select %eq3A_272, %broadcast_in_dim3A_273, %select_n3A_242 : vector<16xi1>, vector<16xf32>
        %add3A_275 = arith.constant 7 : i32
        %add3A_276 = arith.addi %mul3A_53, %add3A_275 : i32
        %get3A_277 = arith.index_cast %add3A_276 : i32 to index
        %get3A_278 = arith.constant 0 : index
        %get3A_279 = tpu.vector_load %arg7[%get3A_277, %get3A_278] {strides = array<i32>} : memref<128x64xbf16, #tpu.memory_space<vmem>>, vector<32xbf16>,
        %get3A_280 = arith.index_cast %add3A_276 : i32 to index
        %get3A_281 = arith.constant 0 : index
        %get3A_282 = tpu.vector_load %arg9[%get3A_280, %get3A_281] {strides = array<i32>} : memref<128x64xbf16, #tpu.memory_space<vmem>>, vector<32xbf16>,
        %mul3A_283 = arith.mulf %get3A_279, %get3A_282 : vector<32xbf16>
        %get3A_284 = arith.index_cast %add3A_276 : i32 to index
        %get3A_285 = arith.constant 32 : index
        %get3A_286 = tpu.vector_load %arg7[%get3A_284, %get3A_285] {strides = array<i32>} : memref<128x64xbf16, #tpu.memory_space<vmem>>, vector<32xbf16>,
        %get3A_287 = arith.index_cast %add3A_276 : i32 to index
        %get3A_288 = arith.constant 32 : index
        %get3A_289 = tpu.vector_load %arg9[%get3A_287, %get3A_288] {strides = array<i32>} : memref<128x64xbf16, #tpu.memory_space<vmem>>, vector<32xbf16>,
        %mul3A_290 = arith.mulf %get3A_286, %get3A_289 : vector<32xbf16>
        %unpack3A_291 = tpu.unpack_subelements %mul3A_283, 0 {pack_format = #tpu.pack_format<interleaved>} : vector<32xbf16> -> vector<16xf32>
        %unpack3A_292 = tpu.unpack_subelements %mul3A_283, 1 {pack_format = #tpu.pack_format<interleaved>} : vector<32xbf16> -> vector<16xf32>
        %unpack3A_293 = tpu.unpack_subelements %mul3A_290, 0 {pack_format = #tpu.pack_format<interleaved>} : vector<32xbf16> -> vector<16xf32>
        %unpack3A_294 = tpu.unpack_subelements %mul3A_290, 1 {pack_format = #tpu.pack_format<interleaved>} : vector<32xbf16> -> vector<16xf32>
        %add3A_295 = arith.addf %unpack3A_291, %unpack3A_292 : vector<16xf32>
        %add3A_296 = arith.addf %unpack3A_293, %unpack3A_294 : vector<16xf32>
        %add3A_297 = arith.addf %add3A_295, %add3A_296 : vector<16xf32>
        %reduce_sum3A_298 = arith.constant true
        %reduce_sum3A_299 = vector.broadcast %reduce_sum3A_298 : i1 to vector<16xi1>
        %reduce_sum3A_300 = tpu.scan <sum>, %add3A_297 masked %reduce_sum3A_299 : vector<16xf32>, vector<16xi1> -> vector<16xf32>
        %reduce_sum3A_301 = vector.extract %reduce_sum3A_300[15] : f32 from vector<16xf32>
        %eq3A_302 = arith.constant 7 : i32
        %eq3A_303 = vector.broadcast %eq3A_302 : i32 to vector<16xi32>
        %eq3A_304 = arith.cmpi eq, %iota3A, %eq3A_303 : vector<16xi32>
        %broadcast_in_dim3A_305 = vector.broadcast %reduce_sum3A_301 : f32 to vector<16xf32>
        %select_n3A_306 = arith.select %eq3A_304, %broadcast_in_dim3A_305, %select_n3A_274 : vector<16xi1>, vector<16xf32>
        %add3A_307 = arith.constant 8 : i32
        %add3A_308 = arith.addi %mul3A_53, %add3A_307 : i32
        %get3A_309 = arith.index_cast %add3A_308 : i32 to index
        %get3A_310 = arith.constant 0 : index
        %get3A_311 = tpu.vector_load %arg7[%get3A_309, %get3A_310] {strides = array<i32>} : memref<128x64xbf16, #tpu.memory_space<vmem>>, vector<32xbf16>,
        %get3A_312 = arith.index_cast %add3A_308 : i32 to index
        %get3A_313 = arith.constant 0 : index
        %get3A_314 = tpu.vector_load %arg9[%get3A_312, %get3A_313] {strides = array<i32>} : memref<128x64xbf16, #tpu.memory_space<vmem>>, vector<32xbf16>,
        %mul3A_315 = arith.mulf %get3A_311, %get3A_314 : vector<32xbf16>
        %get3A_316 = arith.index_cast %add3A_308 : i32 to index
        %get3A_317 = arith.constant 32 : index
        %get3A_318 = tpu.vector_load %arg7[%get3A_316, %get3A_317] {strides = array<i32>} : memref<128x64xbf16, #tpu.memory_space<vmem>>, vector<32xbf16>,
        %get3A_319 = arith.index_cast %add3A_308 : i32 to index
        %get3A_320 = arith.constant 32 : index
        %get3A_321 = tpu.vector_load %arg9[%get3A_319, %get3A_320] {strides = array<i32>} : memref<128x64xbf16, #tpu.memory_space<vmem>>, vector<32xbf16>,
        %mul3A_322 = arith.mulf %get3A_318, %get3A_321 : vector<32xbf16>
        %unpack3A_323 = tpu.unpack_subelements %mul3A_315, 0 {pack_format = #tpu.pack_format<interleaved>} : vector<32xbf16> -> vector<16xf32>
        %unpack3A_324 = tpu.unpack_subelements %mul3A_315, 1 {pack_format = #tpu.pack_format<interleaved>} : vector<32xbf16> -> vector<16xf32>
        %unpack3A_325 = tpu.unpack_subelements %mul3A_322, 0 {pack_format = #tpu.pack_format<interleaved>} : vector<32xbf16> -> vector<16xf32>
        %unpack3A_326 = tpu.unpack_subelements %mul3A_322, 1 {pack_format = #tpu.pack_format<interleaved>} : vector<32xbf16> -> vector<16xf32>
        %add3A_327 = arith.addf %unpack3A_323, %unpack3A_324 : vector<16xf32>
        %add3A_328 = arith.addf %unpack3A_325, %unpack3A_326 : vector<16xf32>
        %add3A_329 = arith.addf %add3A_327, %add3A_328 : vector<16xf32>
        %reduce_sum3A_330 = arith.constant true
        %reduce_sum3A_331 = vector.broadcast %reduce_sum3A_330 : i1 to vector<16xi1>
        %reduce_sum3A_332 = tpu.scan <sum>, %add3A_329 masked %reduce_sum3A_331 : vector<16xf32>, vector<16xi1> -> vector<16xf32>
        %reduce_sum3A_333 = vector.extract %reduce_sum3A_332[15] : f32 from vector<16xf32>
        %eq3A_334 = arith.constant 8 : i32
        %eq3A_335 = vector.broadcast %eq3A_334 : i32 to vector<16xi32>
        %eq3A_336 = arith.cmpi eq, %iota3A, %eq3A_335 : vector<16xi32>
        %broadcast_in_dim3A_337 = vector.broadcast %reduce_sum3A_333 : f32 to vector<16xf32>
        %select_n3A_338 = arith.select %eq3A_336, %broadcast_in_dim3A_337, %select_n3A_306 : vector<16xi1>, vector<16xf32>
        %add3A_339 = arith.constant 9 : i32
        %add3A_340 = arith.addi %mul3A_53, %add3A_339 : i32
        %get3A_341 = arith.index_cast %add3A_340 : i32 to index
        %get3A_342 = arith.constant 0 : index
        %get3A_343 = tpu.vector_load %arg7[%get3A_341, %get3A_342] {strides = array<i32>} : memref<128x64xbf16, #tpu.memory_space<vmem>>, vector<32xbf16>,
        %get3A_344 = arith.index_cast %add3A_340 : i32 to index
        %get3A_345 = arith.constant 0 : index
        %get3A_346 = tpu.vector_load %arg9[%get3A_344, %get3A_345] {strides = array<i32>} : memref<128x64xbf16, #tpu.memory_space<vmem>>, vector<32xbf16>,
        %mul3A_347 = arith.mulf %get3A_343, %get3A_346 : vector<32xbf16>
        %get3A_348 = arith.index_cast %add3A_340 : i32 to index
        %get3A_349 = arith.constant 32 : index
        %get3A_350 = tpu.vector_load %arg7[%get3A_348, %get3A_349] {strides = array<i32>} : memref<128x64xbf16, #tpu.memory_space<vmem>>, vector<32xbf16>,
        %get3A_351 = arith.index_cast %add3A_340 : i32 to index
        %get3A_352 = arith.constant 32 : index
        %get3A_353 = tpu.vector_load %arg9[%get3A_351, %get3A_352] {strides = array<i32>} : memref<128x64xbf16, #tpu.memory_space<vmem>>, vector<32xbf16>,
        %mul3A_354 = arith.mulf %get3A_350, %get3A_353 : vector<32xbf16>
        %unpack3A_355 = tpu.unpack_subelements %mul3A_347, 0 {pack_format = #tpu.pack_format<interleaved>} : vector<32xbf16> -> vector<16xf32>
        %unpack3A_356 = tpu.unpack_subelements %mul3A_347, 1 {pack_format = #tpu.pack_format<interleaved>} : vector<32xbf16> -> vector<16xf32>
        %unpack3A_357 = tpu.unpack_subelements %mul3A_354, 0 {pack_format = #tpu.pack_format<interleaved>} : vector<32xbf16> -> vector<16xf32>
        %unpack3A_358 = tpu.unpack_subelements %mul3A_354, 1 {pack_format = #tpu.pack_format<interleaved>} : vector<32xbf16> -> vector<16xf32>
        %add3A_359 = arith.addf %unpack3A_355, %unpack3A_356 : vector<16xf32>
        %add3A_360 = arith.addf %unpack3A_357, %unpack3A_358 : vector<16xf32>
        %add3A_361 = arith.addf %add3A_359, %add3A_360 : vector<16xf32>
        %reduce_sum3A_362 = arith.constant true
        %reduce_sum3A_363 = vector.broadcast %reduce_sum3A_362 : i1 to vector<16xi1>
        %reduce_sum3A_364 = tpu.scan <sum>, %add3A_361 masked %reduce_sum3A_363 : vector<16xf32>, vector<16xi1> -> vector<16xf32>
        %reduce_sum3A_365 = vector.extract %reduce_sum3A_364[15] : f32 from vector<16xf32>
        %eq3A_366 = arith.constant 9 : i32
        %eq3A_367 = vector.broadcast %eq3A_366 : i32 to vector<16xi32>
        %eq3A_368 = arith.cmpi eq, %iota3A, %eq3A_367 : vector<16xi32>
        %broadcast_in_dim3A_369 = vector.broadcast %reduce_sum3A_365 : f32 to vector<16xf32>
        %select_n3A_370 = arith.select %eq3A_368, %broadcast_in_dim3A_369, %select_n3A_338 : vector<16xi1>, vector<16xf32>
        %add3A_371 = arith.constant 10 : i32
        %add3A_372 = arith.addi %mul3A_53, %add3A_371 : i32
        %get3A_373 = arith.index_cast %add3A_372 : i32 to index
        %get3A_374 = arith.constant 0 : index
        %get3A_375 = tpu.vector_load %arg7[%get3A_373, %get3A_374] {strides = array<i32>} : memref<128x64xbf16, #tpu.memory_space<vmem>>, vector<32xbf16>,
        %get3A_376 = arith.index_cast %add3A_372 : i32 to index
        %get3A_377 = arith.constant 0 : index
        %get3A_378 = tpu.vector_load %arg9[%get3A_376, %get3A_377] {strides = array<i32>} : memref<128x64xbf16, #tpu.memory_space<vmem>>, vector<32xbf16>,
        %mul3A_379 = arith.mulf %get3A_375, %get3A_378 : vector<32xbf16>
        %get3A_380 = arith.index_cast %add3A_372 : i32 to index
        %get3A_381 = arith.constant 32 : index
        %get3A_382 = tpu.vector_load %arg7[%get3A_380, %get3A_381] {strides = array<i32>} : memref<128x64xbf16, #tpu.memory_space<vmem>>, vector<32xbf16>,
        %get3A_383 = arith.index_cast %add3A_372 : i32 to index
        %get3A_384 = arith.constant 32 : index
        %get3A_385 = tpu.vector_load %arg9[%get3A_383, %get3A_384] {strides = array<i32>} : memref<128x64xbf16, #tpu.memory_space<vmem>>, vector<32xbf16>,
        %mul3A_386 = arith.mulf %get3A_382, %get3A_385 : vector<32xbf16>
        %unpack3A_387 = tpu.unpack_subelements %mul3A_379, 0 {pack_format = #tpu.pack_format<interleaved>} : vector<32xbf16> -> vector<16xf32>
        %unpack3A_388 = tpu.unpack_subelements %mul3A_379, 1 {pack_format = #tpu.pack_format<interleaved>} : vector<32xbf16> -> vector<16xf32>
        %unpack3A_389 = tpu.unpack_subelements %mul3A_386, 0 {pack_format = #tpu.pack_format<interleaved>} : vector<32xbf16> -> vector<16xf32>
        %unpack3A_390 = tpu.unpack_subelements %mul3A_386, 1 {pack_format = #tpu.pack_format<interleaved>} : vector<32xbf16> -> vector<16xf32>
        %add3A_391 = arith.addf %unpack3A_387, %unpack3A_388 : vector<16xf32>
        %add3A_392 = arith.addf %unpack3A_389, %unpack3A_390 : vector<16xf32>
        %add3A_393 = arith.addf %add3A_391, %add3A_392 : vector<16xf32>
        %reduce_sum3A_394 = arith.constant true
        %reduce_sum3A_395 = vector.broadcast %reduce_sum3A_394 : i1 to vector<16xi1>
        %reduce_sum3A_396 = tpu.scan <sum>, %add3A_393 masked %reduce_sum3A_395 : vector<16xf32>, vector<16xi1> -> vector<16xf32>
        %reduce_sum3A_397 = vector.extract %reduce_sum3A_396[15] : f32 from vector<16xf32>
        %eq3A_398 = arith.constant 10 : i32
        %eq3A_399 = vector.broadcast %eq3A_398 : i32 to vector<16xi32>
        %eq3A_400 = arith.cmpi eq, %iota3A, %eq3A_399 : vector<16xi32>
        %broadcast_in_dim3A_401 = vector.broadcast %reduce_sum3A_397 : f32 to vector<16xf32>
        %select_n3A_402 = arith.select %eq3A_400, %broadcast_in_dim3A_401, %select_n3A_370 : vector<16xi1>, vector<16xf32>
        %add3A_403 = arith.constant 11 : i32
        %add3A_404 = arith.addi %mul3A_53, %add3A_403 : i32
        %get3A_405 = arith.index_cast %add3A_404 : i32 to index
        %get3A_406 = arith.constant 0 : index
        %get3A_407 = tpu.vector_load %arg7[%get3A_405, %get3A_406] {strides = array<i32>} : memref<128x64xbf16, #tpu.memory_space<vmem>>, vector<32xbf16>,
        %get3A_408 = arith.index_cast %add3A_404 : i32 to index
        %get3A_409 = arith.constant 0 : index
        %get3A_410 = tpu.vector_load %arg9[%get3A_408, %get3A_409] {strides = array<i32>} : memref<128x64xbf16, #tpu.memory_space<vmem>>, vector<32xbf16>,
        %mul3A_411 = arith.mulf %get3A_407, %get3A_410 : vector<32xbf16>
        %get3A_412 = arith.index_cast %add3A_404 : i32 to index
        %get3A_413 = arith.constant 32 : index
        %get3A_414 = tpu.vector_load %arg7[%get3A_412, %get3A_413] {strides = array<i32>} : memref<128x64xbf16, #tpu.memory_space<vmem>>, vector<32xbf16>,
        %get3A_415 = arith.index_cast %add3A_404 : i32 to index
        %get3A_416 = arith.constant 32 : index
        %get3A_417 = tpu.vector_load %arg9[%get3A_415, %get3A_416] {strides = array<i32>} : memref<128x64xbf16, #tpu.memory_space<vmem>>, vector<32xbf16>,
        %mul3A_418 = arith.mulf %get3A_414, %get3A_417 : vector<32xbf16>
        %unpack3A_419 = tpu.unpack_subelements %mul3A_411, 0 {pack_format = #tpu.pack_format<interleaved>} : vector<32xbf16> -> vector<16xf32>
        %unpack3A_420 = tpu.unpack_subelements %mul3A_411, 1 {pack_format = #tpu.pack_format<interleaved>} : vector<32xbf16> -> vector<16xf32>
        %unpack3A_421 = tpu.unpack_subelements %mul3A_418, 0 {pack_format = #tpu.pack_format<interleaved>} : vector<32xbf16> -> vector<16xf32>
        %unpack3A_422 = tpu.unpack_subelements %mul3A_418, 1 {pack_format = #tpu.pack_format<interleaved>} : vector<32xbf16> -> vector<16xf32>
        %add3A_423 = arith.addf %unpack3A_419, %unpack3A_420 : vector<16xf32>
        %add3A_424 = arith.addf %unpack3A_421, %unpack3A_422 : vector<16xf32>
        %add3A_425 = arith.addf %add3A_423, %add3A_424 : vector<16xf32>
        %reduce_sum3A_426 = arith.constant true
        %reduce_sum3A_427 = vector.broadcast %reduce_sum3A_426 : i1 to vector<16xi1>
        %reduce_sum3A_428 = tpu.scan <sum>, %add3A_425 masked %reduce_sum3A_427 : vector<16xf32>, vector<16xi1> -> vector<16xf32>
        %reduce_sum3A_429 = vector.extract %reduce_sum3A_428[15] : f32 from vector<16xf32>
        %eq3A_430 = arith.constant 11 : i32
        %eq3A_431 = vector.broadcast %eq3A_430 : i32 to vector<16xi32>
        %eq3A_432 = arith.cmpi eq, %iota3A, %eq3A_431 : vector<16xi32>
        %broadcast_in_dim3A_433 = vector.broadcast %reduce_sum3A_429 : f32 to vector<16xf32>
        %select_n3A_434 = arith.select %eq3A_432, %broadcast_in_dim3A_433, %select_n3A_402 : vector<16xi1>, vector<16xf32>
        %add3A_435 = arith.constant 12 : i32
        %add3A_436 = arith.addi %mul3A_53, %add3A_435 : i32
        %get3A_437 = arith.index_cast %add3A_436 : i32 to index
        %get3A_438 = arith.constant 0 : index
        %get3A_439 = tpu.vector_load %arg7[%get3A_437, %get3A_438] {strides = array<i32>} : memref<128x64xbf16, #tpu.memory_space<vmem>>, vector<32xbf16>,
        %get3A_440 = arith.index_cast %add3A_436 : i32 to index
        %get3A_441 = arith.constant 0 : index
        %get3A_442 = tpu.vector_load %arg9[%get3A_440, %get3A_441] {strides = array<i32>} : memref<128x64xbf16, #tpu.memory_space<vmem>>, vector<32xbf16>,
        %mul3A_443 = arith.mulf %get3A_439, %get3A_442 : vector<32xbf16>
        %get3A_444 = arith.index_cast %add3A_436 : i32 to index
        %get3A_445 = arith.constant 32 : index
        %get3A_446 = tpu.vector_load %arg7[%get3A_444, %get3A_445] {strides = array<i32>} : memref<128x64xbf16, #tpu.memory_space<vmem>>, vector<32xbf16>,
        %get3A_447 = arith.index_cast %add3A_436 : i32 to index
        %get3A_448 = arith.constant 32 : index
        %get3A_449 = tpu.vector_load %arg9[%get3A_447, %get3A_448] {strides = array<i32>} : memref<128x64xbf16, #tpu.memory_space<vmem>>, vector<32xbf16>,
        %mul3A_450 = arith.mulf %get3A_446, %get3A_449 : vector<32xbf16>
        %unpack3A_451 = tpu.unpack_subelements %mul3A_443, 0 {pack_format = #tpu.pack_format<interleaved>} : vector<32xbf16> -> vector<16xf32>
        %unpack3A_452 = tpu.unpack_subelements %mul3A_443, 1 {pack_format = #tpu.pack_format<interleaved>} : vector<32xbf16> -> vector<16xf32>
        %unpack3A_453 = tpu.unpack_subelements %mul3A_450, 0 {pack_format = #tpu.pack_format<interleaved>} : vector<32xbf16> -> vector<16xf32>
        %unpack3A_454 = tpu.unpack_subelements %mul3A_450, 1 {pack_format = #tpu.pack_format<interleaved>} : vector<32xbf16> -> vector<16xf32>
        %add3A_455 = arith.addf %unpack3A_451, %unpack3A_452 : vector<16xf32>
        %add3A_456 = arith.addf %unpack3A_453, %unpack3A_454 : vector<16xf32>
        %add3A_457 = arith.addf %add3A_455, %add3A_456 : vector<16xf32>
        %reduce_sum3A_458 = arith.constant true
        %reduce_sum3A_459 = vector.broadcast %reduce_sum3A_458 : i1 to vector<16xi1>
        %reduce_sum3A_460 = tpu.scan <sum>, %add3A_457 masked %reduce_sum3A_459 : vector<16xf32>, vector<16xi1> -> vector<16xf32>
        %reduce_sum3A_461 = vector.extract %reduce_sum3A_460[15] : f32 from vector<16xf32>
        %eq3A_462 = arith.constant 12 : i32
        %eq3A_463 = vector.broadcast %eq3A_462 : i32 to vector<16xi32>
        %eq3A_464 = arith.cmpi eq, %iota3A, %eq3A_463 : vector<16xi32>
        %broadcast_in_dim3A_465 = vector.broadcast %reduce_sum3A_461 : f32 to vector<16xf32>
        %select_n3A_466 = arith.select %eq3A_464, %broadcast_in_dim3A_465, %select_n3A_434 : vector<16xi1>, vector<16xf32>
        %add3A_467 = arith.constant 13 : i32
        %add3A_468 = arith.addi %mul3A_53, %add3A_467 : i32
        %get3A_469 = arith.index_cast %add3A_468 : i32 to index
        %get3A_470 = arith.constant 0 : index
        %get3A_471 = tpu.vector_load %arg7[%get3A_469, %get3A_470] {strides = array<i32>} : memref<128x64xbf16, #tpu.memory_space<vmem>>, vector<32xbf16>,
        %get3A_472 = arith.index_cast %add3A_468 : i32 to index
        %get3A_473 = arith.constant 0 : index
        %get3A_474 = tpu.vector_load %arg9[%get3A_472, %get3A_473] {strides = array<i32>} : memref<128x64xbf16, #tpu.memory_space<vmem>>, vector<32xbf16>,
        %mul3A_475 = arith.mulf %get3A_471, %get3A_474 : vector<32xbf16>
        %get3A_476 = arith.index_cast %add3A_468 : i32 to index
        %get3A_477 = arith.constant 32 : index
        %get3A_478 = tpu.vector_load %arg7[%get3A_476, %get3A_477] {strides = array<i32>} : memref<128x64xbf16, #tpu.memory_space<vmem>>, vector<32xbf16>,
        %get3A_479 = arith.index_cast %add3A_468 : i32 to index
        %get3A_480 = arith.constant 32 : index
        %get3A_481 = tpu.vector_load %arg9[%get3A_479, %get3A_480] {strides = array<i32>} : memref<128x64xbf16, #tpu.memory_space<vmem>>, vector<32xbf16>,
        %mul3A_482 = arith.mulf %get3A_478, %get3A_481 : vector<32xbf16>
        %unpack3A_483 = tpu.unpack_subelements %mul3A_475, 0 {pack_format = #tpu.pack_format<interleaved>} : vector<32xbf16> -> vector<16xf32>
        %unpack3A_484 = tpu.unpack_subelements %mul3A_475, 1 {pack_format = #tpu.pack_format<interleaved>} : vector<32xbf16> -> vector<16xf32>
        %unpack3A_485 = tpu.unpack_subelements %mul3A_482, 0 {pack_format = #tpu.pack_format<interleaved>} : vector<32xbf16> -> vector<16xf32>
        %unpack3A_486 = tpu.unpack_subelements %mul3A_482, 1 {pack_format = #tpu.pack_format<interleaved>} : vector<32xbf16> -> vector<16xf32>
        %add3A_487 = arith.addf %unpack3A_483, %unpack3A_484 : vector<16xf32>
        %add3A_488 = arith.addf %unpack3A_485, %unpack3A_486 : vector<16xf32>
        %add3A_489 = arith.addf %add3A_487, %add3A_488 : vector<16xf32>
        %reduce_sum3A_490 = arith.constant true
        %reduce_sum3A_491 = vector.broadcast %reduce_sum3A_490 : i1 to vector<16xi1>
        %reduce_sum3A_492 = tpu.scan <sum>, %add3A_489 masked %reduce_sum3A_491 : vector<16xf32>, vector<16xi1> -> vector<16xf32>
        %reduce_sum3A_493 = vector.extract %reduce_sum3A_492[15] : f32 from vector<16xf32>
        %eq3A_494 = arith.constant 13 : i32
        %eq3A_495 = vector.broadcast %eq3A_494 : i32 to vector<16xi32>
        %eq3A_496 = arith.cmpi eq, %iota3A, %eq3A_495 : vector<16xi32>
        %broadcast_in_dim3A_497 = vector.broadcast %reduce_sum3A_493 : f32 to vector<16xf32>
        %select_n3A_498 = arith.select %eq3A_496, %broadcast_in_dim3A_497, %select_n3A_466 : vector<16xi1>, vector<16xf32>
        %add3A_499 = arith.constant 14 : i32
        %add3A_500 = arith.addi %mul3A_53, %add3A_499 : i32
        %get3A_501 = arith.index_cast %add3A_500 : i32 to index
        %get3A_502 = arith.constant 0 : index
        %get3A_503 = tpu.vector_load %arg7[%get3A_501, %get3A_502] {strides = array<i32>} : memref<128x64xbf16, #tpu.memory_space<vmem>>, vector<32xbf16>,
        %get3A_504 = arith.index_cast %add3A_500 : i32 to index
        %get3A_505 = arith.constant 0 : index
        %get3A_506 = tpu.vector_load %arg9[%get3A_504, %get3A_505] {strides = array<i32>} : memref<128x64xbf16, #tpu.memory_space<vmem>>, vector<32xbf16>,
        %mul3A_507 = arith.mulf %get3A_503, %get3A_506 : vector<32xbf16>
        %get3A_508 = arith.index_cast %add3A_500 : i32 to index
        %get3A_509 = arith.constant 32 : index
        %get3A_510 = tpu.vector_load %arg7[%get3A_508, %get3A_509] {strides = array<i32>} : memref<128x64xbf16, #tpu.memory_space<vmem>>, vector<32xbf16>,
        %get3A_511 = arith.index_cast %add3A_500 : i32 to index
        %get3A_512 = arith.constant 32 : index
        %get3A_513 = tpu.vector_load %arg9[%get3A_511, %get3A_512] {strides = array<i32>} : memref<128x64xbf16, #tpu.memory_space<vmem>>, vector<32xbf16>,
        %mul3A_514 = arith.mulf %get3A_510, %get3A_513 : vector<32xbf16>
        %unpack3A_515 = tpu.unpack_subelements %mul3A_507, 0 {pack_format = #tpu.pack_format<interleaved>} : vector<32xbf16> -> vector<16xf32>
        %unpack3A_516 = tpu.unpack_subelements %mul3A_507, 1 {pack_format = #tpu.pack_format<interleaved>} : vector<32xbf16> -> vector<16xf32>
        %unpack3A_517 = tpu.unpack_subelements %mul3A_514, 0 {pack_format = #tpu.pack_format<interleaved>} : vector<32xbf16> -> vector<16xf32>
        %unpack3A_518 = tpu.unpack_subelements %mul3A_514, 1 {pack_format = #tpu.pack_format<interleaved>} : vector<32xbf16> -> vector<16xf32>
        %add3A_519 = arith.addf %unpack3A_515, %unpack3A_516 : vector<16xf32>
        %add3A_520 = arith.addf %unpack3A_517, %unpack3A_518 : vector<16xf32>
        %add3A_521 = arith.addf %add3A_519, %add3A_520 : vector<16xf32>
        %reduce_sum3A_522 = arith.constant true
        %reduce_sum3A_523 = vector.broadcast %reduce_sum3A_522 : i1 to vector<16xi1>
        %reduce_sum3A_524 = tpu.scan <sum>, %add3A_521 masked %reduce_sum3A_523 : vector<16xf32>, vector<16xi1> -> vector<16xf32>
        %reduce_sum3A_525 = vector.extract %reduce_sum3A_524[15] : f32 from vector<16xf32>
        %eq3A_526 = arith.constant 14 : i32
        %eq3A_527 = vector.broadcast %eq3A_526 : i32 to vector<16xi32>
        %eq3A_528 = arith.cmpi eq, %iota3A, %eq3A_527 : vector<16xi32>
        %broadcast_in_dim3A_529 = vector.broadcast %reduce_sum3A_525 : f32 to vector<16xf32>
        %select_n3A_530 = arith.select %eq3A_528, %broadcast_in_dim3A_529, %select_n3A_498 : vector<16xi1>, vector<16xf32>
        %add3A_531 = arith.constant 15 : i32
        %add3A_532 = arith.addi %mul3A_53, %add3A_531 : i32
        %get3A_533 = arith.index_cast %add3A_532 : i32 to index
        %get3A_534 = arith.constant 0 : index
        %get3A_535 = tpu.vector_load %arg7[%get3A_533, %get3A_534] {strides = array<i32>} : memref<128x64xbf16, #tpu.memory_space<vmem>>, vector<32xbf16>,
        %get3A_536 = arith.index_cast %add3A_532 : i32 to index
        %get3A_537 = arith.constant 0 : index
        %get3A_538 = tpu.vector_load %arg9[%get3A_536, %get3A_537] {strides = array<i32>} : memref<128x64xbf16, #tpu.memory_space<vmem>>, vector<32xbf16>,
        %mul3A_539 = arith.mulf %get3A_535, %get3A_538 : vector<32xbf16>
        %get3A_540 = arith.index_cast %add3A_532 : i32 to index
        %get3A_541 = arith.constant 32 : index
        %get3A_542 = tpu.vector_load %arg7[%get3A_540, %get3A_541] {strides = array<i32>} : memref<128x64xbf16, #tpu.memory_space<vmem>>, vector<32xbf16>,
        %get3A_543 = arith.index_cast %add3A_532 : i32 to index
        %get3A_544 = arith.constant 32 : index
        %get3A_545 = tpu.vector_load %arg9[%get3A_543, %get3A_544] {strides = array<i32>} : memref<128x64xbf16, #tpu.memory_space<vmem>>, vector<32xbf16>,
        %mul3A_546 = arith.mulf %get3A_542, %get3A_545 : vector<32xbf16>
        %unpack3A_547 = tpu.unpack_subelements %mul3A_539, 0 {pack_format = #tpu.pack_format<interleaved>} : vector<32xbf16> -> vector<16xf32>
        %unpack3A_548 = tpu.unpack_subelements %mul3A_539, 1 {pack_format = #tpu.pack_format<interleaved>} : vector<32xbf16> -> vector<16xf32>
        %unpack3A_549 = tpu.unpack_subelements %mul3A_546, 0 {pack_format = #tpu.pack_format<interleaved>} : vector<32xbf16> -> vector<16xf32>
        %unpack3A_550 = tpu.unpack_subelements %mul3A_546, 1 {pack_format = #tpu.pack_format<interleaved>} : vector<32xbf16> -> vector<16xf32>
        %add3A_551 = arith.addf %unpack3A_547, %unpack3A_548 : vector<16xf32>
        %add3A_552 = arith.addf %unpack3A_549, %unpack3A_550 : vector<16xf32>
        %add3A_553 = arith.addf %add3A_551, %add3A_552 : vector<16xf32>
        %reduce_sum3A_554 = arith.constant true
        %reduce_sum3A_555 = vector.broadcast %reduce_sum3A_554 : i1 to vector<16xi1>
        %reduce_sum3A_556 = tpu.scan <sum>, %add3A_553 masked %reduce_sum3A_555 : vector<16xf32>, vector<16xi1> -> vector<16xf32>
        %reduce_sum3A_557 = vector.extract %reduce_sum3A_556[15] : f32 from vector<16xf32>
        %eq3A_558 = arith.constant 15 : i32
        %eq3A_559 = vector.broadcast %eq3A_558 : i32 to vector<16xi32>
        %eq3A_560 = arith.cmpi eq, %iota3A, %eq3A_559 : vector<16xi32>
        %broadcast_in_dim3A_561 = vector.broadcast %reduce_sum3A_557 : f32 to vector<16xf32>
        %select_n3A_562 = arith.select %eq3A_560, %broadcast_in_dim3A_561, %select_n3A_530 : vector<16xi1>, vector<16xf32>
        %swap3A = arith.index_cast %mul3A_53 : i32 to index
        %swap3A_563 = tpu.vector_load %arg11[%swap3A] {strides = array<i32>} : memref<128xf32, #tpu.memory_space<vmem>>, vector<16xf32>,
        tpu.vector_store %arg11[%swap3A], %select_n3A_562 {strides = array<i32>} : memref<128xf32, #tpu.memory_space<vmem>>, vector<16xf32>,
      }
      %scan3A_48 = arith.constant 8 : i32
      %mul3A_49 = arith.constant 128 : i32
      %mul3A_50 = arith.muli %add3A_20, %mul3A_49 : i32
      "tpu.region"() ({
        %run_scoped3A = tpu.sem_alloc : memref<!tpu.dma_semaphore, #tpu.memory_space<semaphore_mem>>
        %dma_start3A_51 = tpu.memref_slice %arg4[%mul3A_50] : memref<640000xf32, #tpu.memory_space<hbm>> -> memref<128xf32, #tpu.memory_space<hbm>>
        %dma_start3A_52 = tpu.memref_slice %arg4[%mul3A_50] : memref<640000xf32, #tpu.memory_space<hbm>> -> memref<128xf32, #tpu.memory_space<hbm>>
        tpu.enqueue_dma source(%arg11 : memref<128xf32, #tpu.memory_space<vmem>>) target(%dma_start3A_52 : memref<128xf32, #tpu.memory_space<hbm>>) target_semaphore(%run_scoped3A : memref<!tpu.dma_semaphore, #tpu.memory_space<semaphore_mem>>)
        %dma_wait3A_53 = tpu.memref_slice %arg4[%mul3A_50] : memref<640000xf32, #tpu.memory_space<hbm>> -> memref<128xf32, #tpu.memory_space<hbm>>
        %dma_wait3A_54 = tpu.memref_slice %arg4[%mul3A_50] : memref<640000xf32, #tpu.memory_space<hbm>> -> memref<128xf32, #tpu.memory_space<hbm>>
        tpu.wait_dma2 semaphore(%run_scoped3A : memref<!tpu.dma_semaphore, #tpu.memory_space<semaphore_mem>>) src(%arg11 : memref<128xf32, #tpu.memory_space<vmem>>) dst(%dma_wait3A_54 : memref<128xf32, #tpu.memory_space<hbm>>)
        tpu.yield
      }) : () -> ()
    }
    return
  }
}

module attributes {stable_mosaic.version = 14 : i64} {
  func.func @_mm_body(%arg0: i32, %arg1: memref<2000x128xf32, #tpu.memory_space<vmem>>, %arg2: memref<128x64xf32, #tpu.memory_space<vmem>>, %arg3: memref<2000x64xbf16, #tpu.memory_space<vmem>>) attributes {dimension_semantics = [#tpu.dimension_semantics<arbitrary>], iteration_bounds = array<i64: 5>, scalar_prefetch = 0 : i64, scratch_operands = 0 : i64, tpu.core_type = #tpu.core_type<tc>, window_params = [{transform_indices = @transform_0, window_bounds = array<i64: 2000, 128>}, {pipeline_mode = #tpu.pipeline_mode<synchronous>, transform_indices = @transform_1, window_bounds = array<i64: 128, 64>}, {transform_indices = @transform_2, window_bounds = array<i64: 2000, 64>}]} {
    %get3A = arith.constant 0 : index
    %get3A_0 = arith.constant 0 : index
    %get3A_1 = vector.load %arg1[%get3A, %get3A_0] : memref<2000x128xf32, #tpu.memory_space<vmem>>, vector<2000x128xf32>
    %get3A_2 = arith.constant 0 : index
    %get3A_3 = arith.constant 0 : index
    %get3A_4 = vector.load %arg2[%get3A_2, %get3A_3] : memref<128x64xf32, #tpu.memory_space<vmem>>, vector<128x64xf32>
    %dot_general3A = arith.constant dense<0.000000e+00> : vector<2000x64xf32>
    %dot_general3A_5 = tpu.matmul %get3A_1, %get3A_4, %dot_general3A {dimension_numbers = #tpu.dot_dimension_numbers<[1], [0], [0], [1], [0, 0, 1, 1], [], []>, transpose_lhs_hint = false} : vector<2000x128xf32>, vector<128x64xf32>, vector<2000x64xf32> -> vector<2000x64xf32>
    %convert_element_type3A = arith.truncf %dot_general3A_5 : vector<2000x64xf32> to vector<2000x64xbf16>
    %swap3A = arith.constant 0 : index
    %swap3A_6 = arith.constant 0 : index
    %swap3A_7 = vector.load %arg3[%swap3A, %swap3A_6] : memref<2000x64xbf16, #tpu.memory_space<vmem>>, vector<2000x64xbf16>
    tpu.vector_store %arg3[%swap3A, %swap3A_6], %convert_element_type3A {strides = array<i32>} : memref<2000x64xbf16, #tpu.memory_space<vmem>>, vector<2000x64xbf16>,
    return
  }
  func.func @transform_0(%arg0: i32) -> (i32, i32) {
    %c0_i32 = arith.constant 0 : i32
    %c0_i32_0 = arith.constant 0 : i32
    return %arg0, %c0_i32 : i32, i32
  }
  func.func @transform_1(%arg0: i32) -> (i32, i32) {
    %c0_i32 = arith.constant 0 : i32
    %c0_i32_0 = arith.constant 0 : i32
    %c0_i32_1 = arith.constant 0 : i32
    return %c0_i32, %c0_i32_0 : i32, i32
  }
  func.func @transform_2(%arg0: i32) -> (i32, i32) {
    %c0_i32 = arith.constant 0 : i32
    %c0_i32_0 = arith.constant 0 : i32
    return %arg0, %c0_i32 : i32, i32
  }
}

module attributes {stable_mosaic.version = 14 : i64} {
  func.func @_bce_body(%arg0: memref<5000x128xf32, #tpu.memory_space<vmem>>, %arg1: memref<1x1xf32, #tpu.memory_space<vmem>>) attributes {dimension_semantics = [], scalar_prefetch = 0 : i64, scratch_operands = 0 : i64, tpu.core_type = #tpu.core_type<tc>} {
    %get3A = arith.constant 0 : index
    %get3A_0 = arith.constant 0 : index
    %get3A_1 = vector.load %arg0[%get3A, %get3A_0] : memref<5000x128xf32, #tpu.memory_space<vmem>>, vector<5000x128xf32>
    %iota3A = tpu.iota {dimensions = array<i32: 0>} : vector<5000x128xi32>
    %lt3A = arith.constant 2500 : i32
    %lt3A_2 = vector.broadcast %lt3A : i32 to vector<5000x128xi32>
    %lt3A_3 = arith.cmpi slt, %iota3A, %lt3A_2 : vector<5000x128xi32>
    %convert_element_type3A = arith.extui %lt3A_3 : vector<5000x128xi1> to vector<5000x128xi32>
    %convert_element_type3A_4 = arith.sitofp %convert_element_type3A : vector<5000x128xi32> to vector<5000x128xf32>
    %max3A = arith.constant 0.000000e+00 : f32
    %max3A_5 = vector.broadcast %max3A : f32 to vector<5000x128xf32>
    %max3A_6 = arith.maximumf %get3A_1, %max3A_5 : vector<5000x128xf32>
    %mul3A = arith.mulf %get3A_1, %convert_element_type3A_4 : vector<5000x128xf32>
    %sub3A = arith.subf %max3A_6, %mul3A : vector<5000x128xf32>
    %abs3A = math.absf %get3A_1 : vector<5000x128xf32>
    %neg3A = arith.constant 0.000000e+00 : f32
    %neg3A_7 = vector.broadcast %neg3A : f32 to vector<5000x128xf32>
    %neg3A_8 = arith.subf %neg3A_7, %abs3A : vector<5000x128xf32>
    %exp3A = math.exp %neg3A_8 : vector<5000x128xf32>
    %log1p3A = math.log1p %exp3A : vector<5000x128xf32>
    %add3A = arith.addf %sub3A, %log1p3A : vector<5000x128xf32>
    %reduce_sum3A = vector.shape_cast %add3A : vector<5000x128xf32> to vector<1x5000x128xf32>
    %reduce_sum3A_9 = arith.constant dense<0.000000e+00> : vector<1xf32>
    %reduce_sum3A_10 = vector.multi_reduction <add>, %reduce_sum3A, %reduce_sum3A_9 [1, 2] : vector<1x5000x128xf32> to vector<1xf32>
    %reduce_sum3A_11 = vector.shape_cast %reduce_sum3A_10 : vector<1xf32> to vector<1x1x1xf32>
    %reduce_sum3A_12 = vector.extract %reduce_sum3A_11[0, 0, 0] : f32 from vector<1x1x1xf32>
    %mul3A_13 = arith.constant 1.562500e-06 : f32
    %mul3A_14 = arith.mulf %reduce_sum3A_12, %mul3A_13 : f32
    %reshape3A = vector.broadcast %mul3A_14 : f32 to vector<1x1xf32>
    %swap3A = arith.constant 0 : index
    %swap3A_15 = arith.constant 0 : index
    %swap3A_16 = vector.load %arg1[%swap3A, %swap3A_15] : memref<1x1xf32, #tpu.memory_space<vmem>>, vector<1x1xf32>
    tpu.vector_store %arg1[%swap3A, %swap3A_15], %reshape3A {strides = array<i32>} : memref<1x1xf32, #tpu.memory_space<vmem>>, vector<1x1xf32>,
    return
  }
}

</mosaic_0001>

<sc_bundles>
// kernel: kernel.5.cloned.1.call-start
scs
__scs_entry_jumppad:
0x0: {  	(pc) =	sbr.rel $0x88, $3  }
0x1: {  	(tag) =	ssettag $0x0;
	lr =	simm.s32 $0x1  }
0x2: {  	[smem:$0x3F9D] =	sst lr;
	_ =	strace $0xD0000000  }
0x3: {  	_ = 	snop  }
0x4: {  	_ = 	snop  }
0x5: {  	_ = 	snop  }
0x6: {  	_ = 	snop  }
0x7: {  	_ = 	snop  }
__scs_overlays_trampoline_lowered:
0x8: {  	[smem:$0x3FAC] =	sst s0  }
0x9: {  	[smem:$0x3FAD] =	sst s1  }
0xa: {  	[smem:$0x3FAE] =	sst s2  }
0xb: {  	[smem:$0x3FAF] =	sst s3  }
0xc: {  	[smem:$0x3FB0] =	sst s4  }
0xd: {  	[smem:$0x3FB1] =	sst s5  }
0xe: {  	[smem:$0x3FB2] =	sst s6  }
0xf: {  	[smem:$0x3FB3] =	sst s7  }
0x10: {  	[smem:$0x3FB4] =	sst s8  }
0x11: {  	[smem:$0x3FB5] =	sst s9;
	s0 =	simm.s32 @!p0 $0x0  }
0x12: {  	s1 =	sld [smem:$0x3F9B];
	s0 =	simm.s32 @p0 $0x1  }
0x13: {  	[smem:$0x3FB6] =	sst s0;
	s0 =	simm.s32 @!p1 $0x0  }
0x14: {  	s2 =	sld [smem:$0x3F9A];
	s0 =	simm.s32 @p1 $0x1  }
0x15: {  	[smem:$0x3FB7] =	sst s0;
	s0 =	simm.s32 @!p2 $0x0  }
0x16: {  	s3 =	sld [smem:$0x3FDB];
	s0 =	simm.s32 @p2 $0x1  }
0x17: {  	s4 =	simm.s32 $0x1BF5;
	[smem:$0x3FB9] =	sst s0  }
0x18: {  	s0 =	sld [smem:$0x3F9C];
	_ =	swait.ge [sflag:s4], $0x0  }
0x19: {  	s7 =	sld [smem:$0x3F9D]  }
0x1a: {  	s8 =	sadd.s32 $0xFFFFE003, lr  }
0x1b: {  	s9 =	sadd.s32 $0xFFFFFEF7, lr;
	s5 =	simm.s32 $0xFFFFFFFF;
	p2 =	slt.u32 s8, $0xFFFFF086  }
0x1c: {  	p1 =	slt.u32 s9, $0xF7A;
	s5 =	simm.s32 @!p2 $0x0  }
0x1d: {  	s5 =	simm.s32 @p1 $0x1;
	p0 =	seq.s32 s7, s2  }
0x1e: {  	s7 =	smul.u32 @!p0 $0xF7A, s2;
	p2 =	seq.s32 @!p0 s5, $0x0  }
0x1f: {  	s9 =	smul.u32 $0xF7A, s1;
	s8 =	simm.s32 @!p0 $0x1BF5;
	p2 =	por !p2, p0  }
0x20: {  	[sflag:s8] =	ssyncset.s32 @!p0 $0xFFFFF086;
	s6 =	sadd.s32 @!p0 s3, s7;
	s7 =	simm.s32 @!p0 $0x108  }
0x21: {  	s3 =	sadd.s32 s3, s9;
	s6 =	sadd.s32 @!p0 $0x88, s6;
	s7 =	simm.s32 @p2 $0x1082  }
0x22: {  	[simem:s7], [sflag:s8] =	dma.local @!p0 [hbm:s6], $0xF7A  }
0x23: {  	s9 =	sor.u32 $0xD0000000, s2;
	s6 =	simm.s32 $0x108;
	_ =	swait.ge @!p0 [sflag:s8], $0x0  }
0x24: {  	s3 =	sadd.s32 $0x88, s3;
	s6 =	simm.s32 @!p1 $0x1082;
	[sflag:s4] =	ssyncset.s32 $0xFFFFF086  }
0x25: {  	[simem:s6], [sflag:s4] =	dma.local [hbm:s3], $0xF7A  }
0x26: {  	[smem:$0x3F9D] =	sst s1;
	(tag) =	ssettag s2;
	_ =	strace s9  }
0x27: {  	s1 =	sld [smem:$0x3FAD]  }
0x28: {  	s2 =	sld [smem:$0x3FAE]  }
0x29: {  	s4 =	sld [smem:$0x3FB0]  }
0x2a: {  	p0 =	seq.s32 s5, $0x0;
	s5 =	sld [smem:$0x3FB1]  }
0x2b: {  	s6 =	sld [smem:$0x3FB2]  }
0x2c: {  	s7 =	sld [smem:$0x3FB3]  }
0x2d: {  	s3 =	simm.s32 $0x108;
	s8 =	sld [smem:$0x3FB4]  }
0x2e: {  	s3 =	simm.s32 @!p0 $0x1082;
	s9 =	sld [smem:$0x3FB5]  }
0x2f: {  	lr =	sadd.s32 s0, s3;
	s0 =	sld [smem:$0x3FAC]  }
0x30: {  	s3 =	sld [smem:$0x3FAF]  }
0x31: {  	[smem:$0x3FB8] =	sst s10  }
0x32: {  	s10 =	sld [smem:$0x3FB6];
	_ =	sdelay $0x3  }
0x33: {  	p0 =	seq.s32 s10, $0x1;
	s10 =	sld [smem:$0x3FB8];
	_ =	sdelay $0x3  }
0x34: {  	[smem:$0x3FB8] =	sst s10  }
0x35: {  	s10 =	sld [smem:$0x3FB7];
	_ =	sdelay $0x3  }
0x36: {  	p1 =	seq.s32 s10, $0x1;
	s10 =	sld [smem:$0x3FB8];
	_ =	sdelay $0x3  }
0x37: {  	[smem:$0x3FB8] =	sst s10  }
0x38: {  	s10 =	sld [smem:$0x3FB9]  }
0x39: {  	_ = 	snop;
	(pc) =	sbr.ind lr, $3  }
0x3a: {  	_ = 	snop  }
0x3b: {  	_ = 	snop  }
0x3c: {  	p2 =	seq.s32 s10, $0x1;
	s10 =	sld [smem:$0x3FB8]  }
0x3d: {  	_ =	shalt  }
0x3e: {  	_ =	shalt  }
0x3f: {  	_ =	shalt  }
0x40: {  	_ =	shalt  }
0x41: {  	_ =	shalt  }
0x42: {  	_ =	shalt  }
0x43: {  	_ =	shalt  }
0x44: {  	_ =	shalt  }
0x45: {  	_ =	shalt  }
0x46: {  	_ =	shalt  }
0x47: {  	_ =	shalt  }
0x48: {  	_ =	shalt  }
0x49: {  	_ =	shalt  }
0x4a: {  	_ =	shalt  }
0x4b: {  	_ =	shalt  }
0x4c: {  	_ =	shalt  }
0x4d: {  	_ =	shalt  }
0x4e: {  	_ =	shalt  }
0x4f: {  	_ =	shalt  }
0x50: {  	_ =	shalt  }
0x51: {  	_ =	shalt  }
0x52: {  	_ =	shalt  }
0x53: {  	_ =	shalt  }
0x54: {  	_ =	shalt  }
0x55: {  	_ =	shalt  }
0x56: {  	_ =	shalt  }
0x57: {  	_ =	shalt  }
0x58: {  	_ =	shalt  }
0x59: {  	_ =	shalt  }
0x5a: {  	_ =	shalt  }
0x5b: {  	_ =	shalt  }
0x5c: {  	_ =	shalt  }
0x5d: {  	_ =	shalt  }
0x5e: {  	_ =	shalt  }
0x5f: {  	_ =	shalt  }
0x60: {  	_ =	shalt  }
0x61: {  	_ =	shalt  }
0x62: {  	_ =	shalt  }
0x63: {  	_ =	shalt  }
0x64: {  	_ =	shalt  }
0x65: {  	_ =	shalt  }
0x66: {  	_ =	shalt  }
0x67: {  	_ =	shalt  }
0x68: {  	_ =	shalt  }
0x69: {  	_ =	shalt  }
0x6a: {  	_ =	shalt  }
0x6b: {  	_ =	shalt  }
0x6c: {  	_ =	shalt  }
0x6d: {  	_ =	shalt  }
0x6e: {  	_ =	shalt  }
0x6f: {  	_ =	shalt  }
0x70: {  	_ =	shalt  }
0x71: {  	_ =	shalt  }
0x72: {  	_ =	shalt  }
0x73: {  	_ =	shalt  }
0x74: {  	_ =	shalt  }
0x75: {  	_ =	shalt  }
0x76: {  	_ =	shalt  }
0x77: {  	_ =	shalt  }
0x78: {  	_ =	shalt  }
0x79: {  	_ =	shalt  }
0x7a: {  	_ =	shalt  }
0x7b: {  	_ =	shalt  }
0x7c: {  	_ =	shalt  }
0x7d: {  	_ =	shalt  }
0x7e: {  	_ =	shalt  }
0x7f: {  	_ =	shalt  }
0x80: {  	_ =	shalt  }
0x81: {  	_ =	shalt  }
0x82: {  	_ =	shalt  }
0x83: {  	_ =	shalt  }
0x84: {  	_ =	shalt  }
0x85: {  	_ =	shalt  }
0x86: {  	_ =	shalt  }
0x87: {  	_ =	shalt  }
.Lfunc_end0:
.L_simem_size_0:
called_computation_lowered:
.L_overlay_start_0:
0x88: {  	s2 =	sld [smem:$0x3FD9]  }
0x89: {  	s3 =	sld [smem:$0x3FFE];
	_ =	sdelay $0x1  }
0x8a: {  	s1 =	srdreg.scid  }
0x8b: {  	s0 =	sand.u32 $0x1, s1  }
0x8c: {  	s16 =	sshll.u32 s0, $0xA;
	s2 =	sadd.s32 s3, s2  }
0x8d: {  	s2 =	sadd.s32 s2, s16  }
0x8e: {  	[smem:$0x3FC4] =	sst s2  }
0x8f: {  	_ = 	snop  }
0x90: {  	(tm) =	ssettm $0x1  }
0x91: {  	s17 =	sld [smem:$0x3FFB];
	_ =	sdelay $0x3  }
0x92: {  	_ =	strace s17  }
0x93: {  	s2 =	sld [smem:$0x3FFC];
	_ =	sdelay $0x3  }
0x94: {  	_ =	strace s2  }
0x95: {  	s2 =	sld [smem:$0x3FFD];
	_ =	sdelay $0x3  }
0x96: {  	_ =	strace s2  }
0x97: {  	_ =	strace $0x8FFFFFFF  }
0x98: {  	s18 =	sld [smem:$0x3FDB];
	_ =	sdelay $0x1  }
0x99: {  	s19 =	simm.s32 $_scs_section_size  }
0x9a: {  	s4 =	simm.s32 $_size__tile_overlayer_lowered;
	s5 =	simm.s32 $_tile_overlayer_lowered  }
0x9b: {  	s22 =	simm.s32 $0x1BFF;
	s21 =	sshll.u32 s5, $0x1;
	s2 =	sadd.s32 s19, s18  }
0x9c: {  	s6 =	simm.s32 $0x0;
	s20 =	sshll.u32 s4, $0x1;
	s4 =	sadd.s32 s21, s2  }
0x9d: {  	[timem:s6], [sflag:s22] =	dma.local [hbm:s4], s20  }
0x9e: {  	_ =	swait.ge [sflag:s22], s20  }
0x9f: {  	s3 =	ssub.s32 $0x0, s20;
	[sflag:s22] =	ssyncset.done $0x0  }
0xa0: {  	[sflag:s22] =	ssyncadd.s32 s3;
	_ =	sdelay $0x1  }
0xa1: {  	s23 =	simm.s32 $0x1B8B  }
0xa2: {  	_ =	swait.ge [sflag:s23], $0x1  }
0xa3: {  	[sflag:s23] =	ssyncset.done $0x0  }
0xa4: {  	s25 =	simm.s32 $0x1B8E;
	s24 =	sld [smem:$0x3FFE];
	[sflag:s23] =	ssyncadd.s32 $0xFFFFFFFF  }
0xa5: {  	s26 =	simm.s32 $execute0_lowered;
	[smem:$0x3FD2] =	sst s25  }
0xa6: {  	s4 =	sshll.u32 s26, $0x1;
	_ =	strace $0x80000046;
	[dreg:$0x1] =	wrdreg $0xFFFFFFFF  }
0xa7: {  	s28 =	simm.s32 $_size_execute0_lowered;
	s2 =	sadd.s32 s2, s4;
	[dreg:$0x0] =	wrdreg $0x0  }
0xa8: {  	s4 =	sshll.u32 s28, $0x1;
	[dreg:$0x2] =	wrdreg s2  }
0xa9: {  	[dreg:$0x3] =	wrdreg s4  }
0xaa: {  	[dreg:$0x4] =	wrdreg $0xC0  }
0xab: {  	_ =	task [dreg:s6], $0x5FFFF  }
0xac: {  	[dreg:$0x1] =	wrdreg $0xFFFFFFFF  }
0xad: {  	[dreg:$0x0] =	wrdreg $0x60  }
0xae: {  	[dreg:$0x2] =	wrdreg s24  }
0xaf: {  	[dreg:$0x3] =	wrdreg $0x9  }
0xb0: {  	_ =	task.clear_ibuf [dreg:s6], $0x4FFFF;
	_ =	strace $0x90000046  }
0xb1: {  	s29 =	simm.s32 $0x9;
	_ =	strace $0x80000048  }
0xb2: {  	_ =	swait.ge [sflag:s29], $0x1  }
0xb3: {  	[sflag:s29] =	ssyncadd.s32 $0xFFFFFFFF  }
0xb4: {  	_ =	strace $0x90000048  }
0xb5: {  	_ =	sfence  }
0xb6: {  	s30 =	sld [smem:$0x0];
	_ =	sdelay $0x2  }
0xb7: {  	s31 =	sshll.u32 s1, $0xD;
	s1 =	sshrl.u32 s1, $0x2  }
0xb8: {  	s3 =	sand.u32 $0x4000, s31;
	s1 =	sadd.s32 s1, s30  }
0xb9: {  	s0 =	sor.u32 s3, s0;
	s1 =	sshll.u32 s1, $0x11  }
0xba: {  	s0 =	sor.u32 s1, s0  }
0xbb: {  	s0 =	sadd.s32 $0x8F2B, s0  }
0xbc: {  	[sflag:s0] =	ssyncadd.remote.s32 $0x1  }
0xbd: {  	_ =	sfence.sel $0xFFFF  }
0xbe: {  	[dreg:$0x0] =	wrdreg $0xFFFFFFFF;
	(pc) =	sbr.abs _section_cstart, $3  }
0xbf: {  	[dreg:$0x1] =	wrdreg $0xFFFFFFFF  }
0xc0: {  	_ =	task.clear_ibuf [dreg:s6], $0x2FFFF;
	_ =	strace $0x9FFFFFFF  }
0xc1: {  	(tm) =	ssettm $0x7FFFFFFF  }
tec
execute0_lowered:
.L_overlay_start_1:
0x0: {  	(tag) =	ssettag $0x1  }
0x1: {  	s6 =	rddreg [dreg:$0x0]  }
0x2: {  	s0 =	rddreg [dreg:$0x1];
	s2 =	simm.s32 $0x0  }
0x3: {  	s3 =	srdreg.scid;
	s1 =	stileid.u32;
	s11 =	simm.s32 $0x80  }
0x4: {  	s12 =	simm.s32 $0x200;
	s13 =	simm.s32 $0x2200;
	s14 =	simm.s32 $0x100  }
0x5: {  	s15 =	simm.s32 $0x1200;
	s16 =	simm.s32 $0x180;
	s17 =	simm.s32 $0x3200  }
0x6: {  	s18 =	simm.s32 $0x1;
	s19 =	simm.s32 $0x4200;
	s20 =	simm.s32 $0x2  }
0x7: {  	s21 =	simm.s32 $0x4280;
	s22 =	simm.s32 $0x3;
	s23 =	simm.s32 $0x4  }
0x8: {  	s24 =	simm.s32 $0x0;
	[smem:$0x7FF] =	sst s2;
	s7 =	sand.u32 $0x1, s3  }
0x9: {  	s4 =	sshll.u32 s1, $0x1;
	s3 =	sadd.s32 $0x27400, s6;
	s5 =	sadd.s32 $0x200, s6  }
.Ltmp0:
0xa: {  	vm0 =	vmmov $0x1;
	vm1 =	vmmov $0x3;
	vm2 =	vmmov $0x7;
	s6 =	sadd.s32 $0x31200, s6;
	s4 =	sor.u32 s7, s4;
	(pc) =	sbr.rel .LBB2_1-.Ltmp0, $4  }
0xb: {  	vm3 =	vmmov $0xf;
	vm4 =	vmmov $0x1f;
	vm5 =	vmmov $0x3f;
	p0 =	sgt.u32 s1, $0x3;
	s7 =	ssub.s32 $0x2, s7;
	s8 =	sor.u32 $0x1380, s4  }
0xc: {  	vm6 =	vmmov $0x7f;
	vm7 =	vmmov $0xff;
	vm8 =	vmmov $0x1ff;
	_ =	strace $0x80000047;
	s9 =	sshrl.u32 s7, $0x1;
	s10 =	sshll.u32 s8, $0x5  }
0xd: {  	vm9 =	vmmov $0x3ff;
	vm10 =	vmmov $0x7ff;
	vm11 =	vmmov $0xfff;
	s9 =	ssub.s32 s7, s9;
	s8 =	sshll.u32 s8, $0x4;
	s7 =	sadd.s32 s5, s10  }
0xe: {  	vm12 =	vmmov $0x1fff;
	vm13 =	vmmov $0x3fff;
	vm14 =	vmmov $0x7fff;
	s8 =	sadd.s32 s6, s8;
	s9 =	smax.u32 s9, $0x1;
	s10 =	simm.s32 $0x5  }
.LBB2_11:
0xf: {  	s24 =	sadd.s32 $0x1, s24  }
0x10: {  	p1 =	sne.s32 s24, s9  }
.Ltmp1:
0x11: {  	_ = 	snop;
	(pc) =	sbr.rel @!p1 .LBB2_12-.Ltmp1, $1  }
0x12: {  	_ =	sdelay $0x3  }
.LBB2_1:
0x13: {  	s25 =	simm.s32 $0x0  }
.LBB2_2:
0x14: {  	s26 =	sshll.u32 s25, $0x6  }
0x15: {  	s28 =	sor.u32 s4, s26  }
0x16: {  	s26 =	sshll.u32 s28, $0x5  }
0x17: {  	s29 =	simm.s32 $0x0;
	s26 =	sadd.s32 s5, s26  }
0x18: {  	[tilespmem:s29], [sflag:$0x5] =	stream.linear.gather [hbm4b:s26+s29], $0x100, $0x38;
	[tilespmem:$0x4300] =	vst v63  }
0x19: {  	_ =	swait.ge [sflag:s10], $0x100  }
0x1a: {  	s26 =	sor.u32 $0x20, s28;
	[sflag:s10] =	ssyncset.done $0x0  }
0x1b: {  	s30 =	sshll.u32 s26, $0x5;
	[sflag:s10] =	ssyncadd.s32 $0xFFFFFF00  }
0x1c: {  	[tilespmem:s12], [sflag:$0x1] =	stream.indirect.gather [hbm4b:s3+s11], $0x20, s29, s11, $0xb8;
	[tilespmem:$0x4300] =	vst v63  }
0x1d: {  	s30 =	sand.u32 $0x1FFFFFE0, s30  }
0x1e: {  	[tilespmem:s13], [sflag:$0x1] =	stream.indirect.gather [hbm4b:s3+s11], $0x20, s11, s11, $0xb8;
	[tilespmem:$0x4300] =	vst v63  }
0x1f: {  	s30 =	sadd.s32 s5, s30  }
0x20: {  	[tilespmem:s14], [sflag:$0x5] =	stream.linear.gather [hbm4b:s30+s29], $0x100, $0x38;
	[tilespmem:$0x4300] =	vst v63  }
0x21: {  	_ =	swait.ge [sflag:s10], $0x100  }
0x22: {  	[sflag:s10] =	ssyncset.done $0x0  }
0x23: {  	[sflag:s10] =	ssyncadd.s32 $0xFFFFFF00  }
0x24: {  	[tilespmem:s15], [sflag:$0x2] =	stream.indirect.gather [hbm4b:s3+s11], $0x20, s14, s11, $0xb8;
	[tilespmem:$0x4300] =	vst v63  }
0x25: {  	_ = 	snop  }
0x26: {  	[tilespmem:s17], [sflag:$0x2] =	stream.indirect.gather [hbm4b:s3+s11], $0x20, s16, s11, $0xb8;
	[tilespmem:$0x4300] =	vst v63  }
0x27: {  	_ =	swait.ge [sflag:s18], $0x1000  }
0x28: {  	[sflag:s18] =	ssyncset.done $0x0  }
0x29: {  	[sflag:s18] =	ssyncadd.s32 $0xFFFFF000  }
0x2a: {  	_ =	swait.ge [sflag:s18], $0x1000  }
0x2b: {  	[sflag:s18] =	ssyncset.done $0x0  }
0x2c: {  	s29 =	simm.s32 $0x0;
	[sflag:s18] =	ssyncadd.s32 $0xFFFFF000  }
0x2d: {  	v3 =	vld [tilespmem:s29+$0x23C0]  }
0x2e: {  	v4 =	vld [tilespmem:s29+$0x3C0]  }
0x2f: {  	v5 =	vld [tilespmem:s29+$0x23D0]  }
0x30: {  	v6 =	vld [tilespmem:s29+$0x3D0]  }
0x31: {  	v7 =	vld [tilespmem:s29+$0x2380]  }
0x32: {  	v8 =	vld [tilespmem:s29+$0x380]  }
0x33: {  	v9 =	vld [tilespmem:s29+$0x2390]  }
0x34: {  	v10 =	vld [tilespmem:s29+$0x390]  }
0x35: {  	v11 =	vld [tilespmem:s29+$0x2360]  }
0x36: {  	v12 =	vld [tilespmem:s29+$0x360]  }
0x37: {  	v13 =	vld [tilespmem:s29+$0x2370]  }
0x38: {  	v14 =	vld [tilespmem:s29+$0x370]  }
0x39: {  	v2 =	vld [tilespmem:s29+$0x2340]  }
0x3a: {  	v15 =	vld [tilespmem:s29+$0x2320]  }
0x3b: {  	v16 =	vld [tilespmem:s29+$0x320]  }
0x3c: {  	v17 =	vld [tilespmem:s29+$0x2330]  }
0x3d: {  	v18 =	vld [tilespmem:s29+$0x330]  }
0x3e: {  	v19 =	vld [tilespmem:s29+$0x2300]  }
0x3f: {  	v20 =	vld [tilespmem:s29+$0x300]  }
0x40: {  	v21 =	vld [tilespmem:s29+$0x2310];
	v4 =	vmul.bf16 v3, v4  }
0x41: {  	v22 =	vld [tilespmem:s29+$0x310];
	v5 =	vmul.bf16 v5, v6  }
0x42: {  	v23 =	vld [tilespmem:s29+$0x22C0];
	v7 =	vmul.bf16 v7, v8;
	v9 =	vmul.bf16 v9, v10;
	v6 =	vunpack.i.u.bf16.f32 v4  }
0x43: {  	v24 =	vld [tilespmem:s29+$0x2C0];
	v4 =	vunpack.i.l.bf16.f32 v4;
	v8 =	vunpack.i.u.bf16.f32 v5;
	v5 =	vunpack.i.l.bf16.f32 v5  }
0x44: {  	v56 =	vld [tilespmem:s29+$0x22B0];
	v26 =	vunpack.i.u.bf16.f32 v9;
	v4 =	vadd.f32 v4, v6;
	v6 =	vmul.bf16 v11, v12  }
0x45: {  	v57 =	vld [tilespmem:s29+$0x270];
	v5 =	vadd.f32 v5, v8;
	v8 =	vunpack.i.u.bf16.f32 v7;
	v7 =	vunpack.i.l.bf16.f32 v7  }
0x46: {  	v59 =	vld [tilespmem:s29+$0x2200];
	v9 =	vunpack.i.l.bf16.f32 v9;
	v11 =	vmul.bf16 v13, v14;
	v7 =	vadd.f32 v7, v8  }
0x47: {  	v60 =	vld [tilespmem:s29+$0x200];
	v8 =	vadd.f32 v9, v26;
	v9 =	vmul.bf16 v15, v16;
	v13 =	vunpack.i.u.bf16.f32 v6  }
0x48: {  	v10 =	vld [tilespmem:s29+$0x22D0];
	v6 =	vunpack.i.l.bf16.f32 v6;
	v25 =	vunpack.i.u.bf16.f32 v11;
	v11 =	vunpack.i.l.bf16.f32 v11  }
0x49: {  	v12 =	vld [tilespmem:s29+$0x2D0];
	v4 =	vadd.f32 v5, v4;
	v5 =	vmul.bf16 v17, v18;
	v6 =	vadd.f32 v6, v13  }
0x4a: {  	v14 =	vld [tilespmem:s29+$0x22A0];
	v18 =	vmul.bf16 v21, v22;
	v11 =	vadd.f32 v11, v25;
	v7 =	vadd.f32 v8, v7  }
0x4b: {  	v15 =	vld [tilespmem:s29+$0x2B0];
	v8 =	vmul.bf16 v19, v20;
	v16 =	vunpack.i.u.bf16.f32 v9;
	v9 =	vunpack.i.l.bf16.f32 v9  }
0x4c: {  	v13 =	vld [tilespmem:s29+$0x2A0];
	v19 =	vunpack.i.u.bf16.f32 v5;
	v5 =	vunpack.i.l.bf16.f32 v5;
	v9 =	vadd.f32 v9, v16  }
0x4d: {  	v17 =	vld [tilespmem:s29+$0x2260];
	v22 =	vunpack.i.u.bf16.f32 v18;
	v18 =	vunpack.i.l.bf16.f32 v18;
	v6 =	vadd.f32 v11, v6  }
0x4e: {  	v20 =	vld [tilespmem:s29+$0x260];
	v21 =	vunpack.i.u.bf16.f32 v8;
	v8 =	vunpack.i.l.bf16.f32 v8;
	v5 =	vadd.f32 v5, v19  }
0x4f: {  	v16 =	vld [tilespmem:s29+$0x2270];
	v18 =	vadd.f32 v18, v22;
	v8 =	vadd.f32 v8, v21;
	v21 =	vmul.bf16 v23, v24  }
0x50: {  	v22 =	vld [tilespmem:s29+$0x2240];
	v10 =	vmul.bf16 v10, v12;
	v15 =	vmul.bf16 v56, v15;
	v5 =	vadd.f32 v5, v9  }
0x51: {  	v23 =	vld [tilespmem:s29+$0x250];
	v12 =	vmul.bf16 v14, v13;
	v8 =	vadd.f32 v18, v8;
	v14 =	vunpack.i.u.bf16.f32 v21  }
0x52: {  	v13 =	vld [tilespmem:s29+$0x240];
	v19 =	vunpack.i.l.bf16.f32 v21;
	v58 =	vunpack.i.u.bf16.f32 v15;
	v15 =	vunpack.i.l.bf16.f32 v15  }
0x53: {  	v18 =	vld [tilespmem:s29+$0x2250];
	v17 =	vmul.bf16 v17, v20;
	v15 =	vadd.f32 v15, v58;
	v14 =	vadd.f32 v19, v14  }
0x54: {  	v62 =	vld [tilespmem:s29+$0x290];
	v9 =	vmul.bf16 v16, v57;
	v21 =	vunpack.i.u.bf16.f32 v12;
	v12 =	vunpack.i.l.bf16.f32 v12  }
0x55: {  	v19 =	vld [tilespmem:s29+$0x2210];
	v12 =	vadd.f32 v12, v21;
	v21 =	vunpack.i.u.bf16.f32 v10;
	v10 =	vunpack.i.l.bf16.f32 v10  }
0x56: {  	v16 =	vld [tilespmem:s29+$0x2220];
	v20 =	vunpack.i.u.bf16.f32 v9;
	v9 =	vunpack.i.l.bf16.f32 v9;
	v10 =	vadd.f32 v10, v21  }
0x57: {  	v9 =	vadd.f32 v9, v20;
	v20 =	vmul.bf16 v59, v60;
	v12 =	vadd.f32 v15, v12;
	v15 =	vld [tilespmem:s29+$0x210]  }
0x58: {  	(xrf2) =	vadd.scan.msk.f32 $0xffff, v4;
	v21 =	vld [tilespmem:s29+$0x220];
	v13 =	vmul.bf16 v22, v13;
	v18 =	vmul.bf16 v18, v23;
	v10 =	vadd.f32 v10, v14  }
0x59: {  	(xrf2) =	vadd.scan.msk.f32 $0xffff, v7;
	v23 =	vld [tilespmem:s29+$0x230];
	v14 =	vunpack.i.u.bf16.f32 v17;
	v17 =	vunpack.i.l.bf16.f32 v17;
	v7 =	vunpack.i.l.bf16.f32 v20  }
0x5a: {  	v22 =	vunpack.i.u.bf16.f32 v13;
	v14 =	vadd.f32 v17, v14;
	v17 =	vld [tilespmem:s29+$0x2230];
	v13 =	vunpack.i.l.bf16.f32 v13  }
0x5b: {  	v11 =	vld [tilespmem:s29+$0x2280];
	v61 =	vunpack.i.u.bf16.f32 v18;
	v18 =	vunpack.i.l.bf16.f32 v18;
	v4 =	vadd.f32 v13, v22  }
0x5c: {  	v13 =	vadd.f32 v18, v61;
	v18 =	vunpack.i.u.bf16.f32 v20;
	v15 =	vmul.bf16 v19, v15;
	v19 =	vld [tilespmem:s29+$0x280]  }
0x5d: {  	v3 =	vld [tilespmem:s29+$0x22E0];
	(xrf2) =	vadd.scan.msk.f32 $0xffff, v6;
	v6 =	vadd.f32 v7, v18  }
0x5e: {  	(xrf2) =	vadd.scan.msk.f32 $0xffff, v5;
	v22 =	vld [tilespmem:s29+$0x2290];
	v5 =	vadd.f32 v9, v14;
	v20 =	vunpack.i.u.bf16.f32 v15;
	v15 =	vunpack.i.l.bf16.f32 v15  }
0x5f: {  	v9 =	vmul.bf16 v17, v23;
	v7 =	vadd.f32 v15, v20;
	v15 =	vmul.bf16 v16, v21;
	v16 =	vld [tilespmem:s29+$0x2E0]  }
0x60: {  	v4 =	vadd.f32 v13, v4;
	v13 =	vld [tilespmem:s29+$0x22F0]  }
0x61: {  	(xrf2) =	vadd.scan.msk.f32 $0xffff, v8;
	v14 =	vunpack.i.u.bf16.f32 v9;
	v9 =	vunpack.i.l.bf16.f32 v9;
	v8 =	vmul.bf16 v11, v19;
	v11 =	vld [tilespmem:s29+$0x2F0]  }
0x62: {  	(xrf2) =	vadd.scan.msk.f32 $0xffff, v10;
	v6 =	vadd.f32 v7, v6;
	v7 =	vunpack.i.u.bf16.f32 v15;
	v10 =	vunpack.i.l.bf16.f32 v15;
	v15 =	vld [tilespmem:s29+$0x340]  }
0x63: {  	(xrf2) =	vadd.scan.msk.f32 $0xffff, v12;
	v12 =	vld [tilespmem:s29+$0x2350];
	v9 =	vadd.f32 v9, v14;
	v7 =	vadd.f32 v10, v7;
	v10 =	vmul.bf16 v22, v62  }
0x64: {  	(xrf2) =	vadd.scan.msk.f32 $0xffff, v5;
	v14 =	vld [tilespmem:s29+$0x350];
	v5 =	vunpack.i.u.bf16.f32 v8;
	v8 =	vunpack.i.l.bf16.f32 v8;
	v3 =	vmul.bf16 v3, v16  }
0x65: {  	v1 =	vld [tilespmem:s29+$0x23A0];
	(xrf2) =	vadd.scan.msk.f32 $0xffff, v4;
	v4 =	vadd.f32 v9, v7;
	v7 =	vunpack.i.u.bf16.f32 v10;
	v9 =	vunpack.i.l.bf16.f32 v10  }
0x66: {  	(xrf2) =	vadd.scan.msk.f32 $0xffff, v6;
	v5 =	vadd.f32 v8, v5;
	v8 =	vld [tilespmem:s29+$0x23B0];
	v6 =	vadd.f32 v9, v7;
	v7 =	vmul.bf16 v13, v11  }
0x67: {  	v11 =	vunpack.i.u.bf16.f32 v3;
	v3 =	vunpack.i.l.bf16.f32 v3;
	v2 =	vmul.bf16 v2, v15;
	v13 =	vld [tilespmem:s29+$0x3B0]  }
0x68: {  	v10 =	vld [tilespmem:s29+$0x3A0];
	v5 =	vadd.f32 v6, v5;
	v6 =	vunpack.i.u.bf16.f32 v7;
	v7 =	vunpack.i.l.bf16.f32 v7  }
0x69: {  	v9, _, _ =	vpop (xrf2);
	(xrf2) =	vadd.scan.msk.f32 $0xffff, v4;
	v3 =	vadd.f32 v3, v11;
	v6 =	vadd.f32 v7, v6;
	v7 =	vmul.bf16 v12, v14  }
0x6a: {  	v4, _, _ =	vpop (xrf2);
	v14 =	vunpack.i.u.bf16.f32 v2;
	v2 =	vunpack.i.l.bf16.f32 v2  }
0x6b: {  	v16, _, _ =	vpop (xrf2);
	v3 =	vadd.f32 v6, v3;
	v6 =	vunpack.i.u.bf16.f32 v7;
	v7 =	vunpack.i.l.bf16.f32 v7  }
0x6c: {  	v11 =	vld [tilespmem:s29+$0x23F0];
	v12, _, _ =	vpop (xrf2);
	v2 =	vadd.f32 v2, v14;
	v6 =	vadd.f32 v7, v6;
	v7 =	vmul.bf16 v8, v13  }
0x6d: {  	v1 =	vmul.bf16 v1, v10;
	v10 =	vld [tilespmem:s29+$0x3F0];
	(xrf2) =	vadd.scan.msk.f32 $0xffff, v5;
	v5, _, _ =	vpop (xrf2)  }
0x6e: {  	v0 =	vld [tilespmem:s29+$0x23E0];
	v17, _, _ =	vpop (xrf2);
	v2 =	vadd.f32 v6, v2;
	v6 =	vunpack.i.u.bf16.f32 v7;
	v7 =	vunpack.i.l.bf16.f32 v7  }
0x6f: {  	v15 =	vld [tilespmem:s29+$0x3E0];
	v8, _, _ =	vpop (xrf2);
	v6 =	vadd.f32 v7, v6  }
0x70: {  	v13 =	vunpack.i.u.bf16.f32 v1;
	v1 =	vunpack.i.l.bf16.f32 v1;
	(xrf2) =	vadd.scan.msk.f32 $0xffff, v3;
	v3, _, _ =	vpop (xrf2)  }
0x71: {  	v1 =	vadd.f32 v1, v13;
	v14, _, _ =	vpop (xrf2)  }
0x72: {  	v7 =	vmul.bf16 v11, v10;
	v10, _, _ =	vpop (xrf2)  }
0x73: {  	v1 =	vadd.f32 v6, v1;
	v6, _, _ =	vpop (xrf2)  }
0x74: {  	v0 =	vmul.bf16 v0, v15;
	v6 =	vbroadcast v6, $0xF;
	_ =	sdelay $0x1  }
0x75: {  	v11 =	vunpack.i.u.bf16.f32 v0;
	v0 =	vunpack.i.l.bf16.f32 v0;
	(xrf2) =	vadd.scan.msk.f32 $0xffff, v2;
	v10 =	vbroadcast v10, $0xF  }
0x76: {  	v0 =	vadd.f32 v0, v11  }
0x77: {  	v2 =	vunpack.i.u.bf16.f32 v7;
	v7 =	vunpack.i.l.bf16.f32 v7;
	(xrf2) =	vadd.scan.msk.f32 $0xffff, v1;
	v1 =	vsel vm0, v10, v6;
	v6, _, _ =	vpop (xrf2)  }
0x78: {  	v13 =	vbroadcast v14, $0xF;
	v2 =	vadd.f32 v7, v2;
	v6 =	vbroadcast v6, $0xF  }
0x79: {  	v3 =	vbroadcast v3, $0xF  }
0x7a: {  	v0 =	vadd.f32 v2, v0;
	v1 =	vsel vm1, v1, v13  }
0x7b: {  	v2 =	vbroadcast v8, $0xF;
	v1 =	vsel vm2, v1, v3;
	v3 =	vbroadcast v17, $0xF  }
0x7c: {  	v1 =	vsel vm3, v1, v6;
	v6, _, _ =	vpop (xrf2)  }
0x7d: {  	(xrf2) =	vadd.scan.msk.f32 $0xffff, v0;
	v0 =	vsel vm4, v1, v2;
	v1 =	vbroadcast v6, $0xF  }
0x7e: {  	v2 =	vbroadcast v5, $0xF;
	v0 =	vsel vm5, v0, v3  }
0x7f: {  	v3, _, _ =	vpop (xrf2);
	v0 =	vsel vm6, v0, v1;
	v1 =	vbroadcast v12, $0xF  }
0x80: {  	v0 =	vsel vm7, v0, v2;
	v2 =	vbroadcast v3, $0xF  }
0x81: {  	v0 =	vsel vm8, v0, v1;
	v1 =	vbroadcast v16, $0xF  }
0x82: {  	v3, _, _ =	vpop (xrf2);
	v0 =	vsel vm9, v0, v2  }
0x83: {  	v2 =	vbroadcast v4, $0xF;
	v0 =	vsel vm10, v0, v1;
	v1 =	vbroadcast v3, $0xF;
	_ =	sdelay $0x1  }
0x84: {  	v0 =	vsel vm11, v0, v2;
	v2 =	vbroadcast v9, $0xF  }
0x85: {  	v0 =	vsel vm12, v0, v1  }
0x86: {  	v0 =	vsel vm13, v0, v2;
	v1, _, _ =	vpop (xrf2)  }
0x87: {  	s29 =	simm.s32 $0x4200;
	v0 =	vsel vm14, v0, v1  }
0x88: {  	s30 =	simm.s32 $0x200;
	[tilespmem:s29+$0x0] =	vst v0  }
0x89: {  	v0 =	vld [tilespmem:s30+$0x23E0]  }
0x8a: {  	v3 =	vld [tilespmem:s30+$0x23C0]  }
0x8b: {  	v4 =	vld [tilespmem:s30+$0x3C0]  }
0x8c: {  	v5 =	vld [tilespmem:s30+$0x23D0]  }
0x8d: {  	v6 =	vld [tilespmem:s30+$0x3D0]  }
0x8e: {  	v1 =	vld [tilespmem:s30+$0x23A0]  }
0x8f: {  	v7 =	vld [tilespmem:s30+$0x2380]  }
0x90: {  	v8 =	vld [tilespmem:s30+$0x380]  }
0x91: {  	v9 =	vld [tilespmem:s30+$0x2390]  }
0x92: {  	v10 =	vld [tilespmem:s30+$0x390]  }
0x93: {  	v11 =	vld [tilespmem:s30+$0x2360]  }
0x94: {  	v12 =	vld [tilespmem:s30+$0x360]  }
0x95: {  	v13 =	vld [tilespmem:s30+$0x2370]  }
0x96: {  	v14 =	vld [tilespmem:s30+$0x370]  }
0x97: {  	v2 =	vld [tilespmem:s30+$0x2340]  }
0x98: {  	v15 =	vld [tilespmem:s30+$0x2320]  }
0x99: {  	v16 =	vld [tilespmem:s30+$0x320]  }
0x9a: {  	v17 =	vld [tilespmem:s30+$0x2330]  }
0x9b: {  	v18 =	vld [tilespmem:s30+$0x330]  }
0x9c: {  	v19 =	vld [tilespmem:s30+$0x2300]  }
0x9d: {  	v21 =	vld [tilespmem:s30+$0x310];
	v3 =	vmul.bf16 v3, v4;
	v5 =	vmul.bf16 v5, v6  }
0x9e: {  	v63 =	vld [tilespmem:s30+$0x22A0];
	v7 =	vmul.bf16 v7, v8;
	v9 =	vmul.bf16 v9, v10  }
0x9f: {  	v4 =	vld [tilespmem:s30+$0x300];
	v11 =	vmul.bf16 v11, v12;
	v13 =	vmul.bf16 v13, v14  }
0xa0: {  	v6 =	vld [tilespmem:s30+$0x2310];
	v15 =	vmul.bf16 v15, v16;
	v20 =	vunpack.i.u.bf16.f32 v3;
	v3 =	vunpack.i.l.bf16.f32 v3  }
0xa1: {  	v10 =	vld [tilespmem:s30+$0x22C0];
	v8 =	vunpack.i.u.bf16.f32 v5;
	v22 =	vunpack.i.l.bf16.f32 v5;
	v12 =	vunpack.i.u.bf16.f32 v7  }
0xa2: {  	v16 =	vld [tilespmem:s30+$0x22B0];
	v7 =	vunpack.i.l.bf16.f32 v7;
	v14 =	vunpack.i.u.bf16.f32 v9;
	v9 =	vunpack.i.l.bf16.f32 v9  }
0xa3: {  	v5 =	vld [tilespmem:s30+$0x22E0];
	v23 =	vunpack.i.u.bf16.f32 v11;
	v3 =	vadd.f32 v3, v20;
	v8 =	vadd.f32 v22, v8  }
0xa4: {  	v11 =	vunpack.i.l.bf16.f32 v11;
	v20 =	vld [tilespmem:s30+$0x2C0];
	v7 =	vadd.f32 v7, v12;
	v9 =	vadd.f32 v9, v14  }
0xa5: {  	v22 =	vld [tilespmem:s30+$0x22D0];
	v14 =	vunpack.i.u.bf16.f32 v13;
	v13 =	vunpack.i.l.bf16.f32 v13;
	v11 =	vadd.f32 v11, v23  }
0xa6: {  	v12 =	vld [tilespmem:s30+$0x2D0];
	v13 =	vadd.f32 v13, v14;
	v3 =	vadd.f32 v8, v3;
	v8 =	vmul.bf16 v17, v18  }
0xa7: {  	v14 =	vld [tilespmem:s30+$0x2A0];
	v9 =	vadd.f32 v9, v7;
	v4 =	vmul.bf16 v19, v4;
	v17 =	vunpack.i.u.bf16.f32 v15  }
0xa8: {  	v15 =	vunpack.i.l.bf16.f32 v15;
	v6 =	vmul.bf16 v6, v21;
	v21 =	vld [tilespmem:s30+$0x2260];
	v11 =	vadd.f32 v13, v11  }
0xa9: {  	v13 =	vld [tilespmem:s30+$0x2B0];
	v15 =	vadd.f32 v15, v17;
	v18 =	vunpack.i.u.bf16.f32 v8;
	v8 =	vunpack.i.l.bf16.f32 v8;
	(xrf2) =	vadd.scan.msk.f32 $0xffff, v3  }
0xaa: {  	v17 =	vld [tilespmem:s30+$0x260];
	v19 =	vunpack.i.u.bf16.f32 v4;
	v4 =	vunpack.i.l.bf16.f32 v4;
	v3 =	vunpack.i.u.bf16.f32 v6  }
0xab: {  	v6 =	vunpack.i.l.bf16.f32 v6;
	v8 =	vadd.f32 v8, v18;
	v18 =	vld [tilespmem:s30+$0x2270];
	v10 =	vmul.bf16 v10, v20  }
0xac: {  	(xrf2) =	vadd.scan.msk.f32 $0xffff, v9;
	v4 =	vadd.f32 v4, v19;
	v3 =	vadd.f32 v6, v3;
	v6 =	vld [tilespmem:s30+$0x270]  }
0xad: {  	v9 =	vmul.bf16 v22, v12;
	v19 =	vld [tilespmem:s30+$0x2240];
	(xrf2) =	vadd.scan.msk.f32 $0xffff, v11;
	v11 =	vmul.bf16 v63, v14;
	v12 =	vunpack.i.u.bf16.f32 v10  }
0xae: {  	v20 =	vld [tilespmem:s30+$0x2250];
	v10 =	vunpack.i.l.bf16.f32 v10;
	v4 =	vadd.f32 v3, v4;
	v3 =	vadd.f32 v8, v15  }
0xaf: {  	v14 =	vld [tilespmem:s30+$0x240];
	v13 =	vmul.bf16 v16, v13;
	v16 =	vunpack.i.u.bf16.f32 v9;
	v9 =	vunpack.i.l.bf16.f32 v9  }
0xb0: {  	v22 =	vunpack.i.u.bf16.f32 v11;
	v23 =	vadd.f32 v10, v12;
	v9 =	vadd.f32 v9, v16;
	v16 =	vld [tilespmem:s30+$0x250];
	(xrf2) =	vadd.scan.msk.f32 $0xffff, v3  }
0xb1: {  	v7 =	vld [tilespmem:s30+$0x2280];
	v11 =	vunpack.i.l.bf16.f32 v11;
	v12 =	vunpack.i.u.bf16.f32 v13;
	v13 =	vunpack.i.l.bf16.f32 v13  }
0xb2: {  	v15 =	vld [tilespmem:s30+$0x210];
	v22 =	vadd.f32 v11, v22;
	v13 =	vadd.f32 v13, v12  }
0xb3: {  	v10 =	vld [tilespmem:s30+$0x2200];
	v17 =	vmul.bf16 v21, v17;
	v6 =	vmul.bf16 v18, v6;
	v3, _, _ =	vpop (xrf2);
	(xrf2) =	vadd.scan.msk.f32 $0xffff, v4  }
0xb4: {  	v12 =	vld [tilespmem:s30+$0x200];
	v21 =	vadd.f32 v9, v23;
	v19 =	vmul.bf16 v19, v14;
	v8 =	vadd.f32 v13, v22  }
0xb5: {  	v11 =	vld [tilespmem:s30+$0x2210];
	v22 =	vmul.bf16 v20, v16;
	v20 =	vunpack.i.u.bf16.f32 v6;
	v6 =	vunpack.i.l.bf16.f32 v6  }
0xb6: {  	v14 =	vunpack.i.u.bf16.f32 v17;
	v17 =	vunpack.i.l.bf16.f32 v17;
	v9 =	vld [tilespmem:s30+$0x2220];
	v4, _, _ =	vpop (xrf2);
	(xrf2) =	vadd.scan.msk.f32 $0xffff, v21  }
0xb7: {  	v13 =	vld [tilespmem:s30+$0x220];
	v18 =	vunpack.i.u.bf16.f32 v19;
	v19 =	vunpack.i.l.bf16.f32 v19;
	v16 =	vadd.f32 v17, v14  }
0xb8: {  	s31 =	simm.s32 $0x1000;
	v14 =	vld [tilespmem:s30+$0x2230];
	v17 =	vadd.f32 v6, v20;
	v20 =	vunpack.i.u.bf16.f32 v22;
	v21 =	vunpack.i.l.bf16.f32 v22;
	v6, _, _ =	vpop (xrf2)  }
.LBB2_3:
0xb9: {  	p1 =	sne.s32 s31, $0x3800;
	v10 =	vmul.bf16 v10, v12;
	v12 =	vld [tilespmem:s30+$0x230];
	v18 =	vadd.f32 v19, v18;
	v19 =	vadd.f32 v21, v20;
	(xrf2) =	vadd.scan.msk.f32 $0xffff, v8  }
0xba: {  	v22 =	vadd.f32 v17, v16;
	v11 =	vmul.bf16 v11, v15;
	v16 =	vld [tilespmem:s30+$0x280];
	v8, _, _ =	vpop (xrf2)  }
0xbb: {  	v17 =	vunpack.i.u.bf16.f32 v10;
	v18 =	vadd.f32 v19, v18;
	v19 =	vld [tilespmem:s30+$0x2290]  }
0xbc: {  	v10 =	vunpack.i.l.bf16.f32 v10;
	v20 =	vunpack.i.u.bf16.f32 v11;
	v11 =	vunpack.i.l.bf16.f32 v11;
	v21 =	vld [tilespmem:s30+$0x290];
	(xrf2) =	vadd.scan.msk.f32 $0xffff, v22  }
0xbd: {  	v10 =	vadd.f32 v10, v17;
	v9 =	vmul.bf16 v9, v13;
	v11 =	vadd.f32 v11, v20;
	v13 =	vld [tilespmem:s30+$0x2E0];
	v15, _, _ =	vpop (xrf2)  }
0xbe: {  	v12 =	vmul.bf16 v14, v12;
	v14 =	vld [tilespmem:s30+$0x22F0]  }
0xbf: {  	v10 =	vadd.f32 v11, v10;
	v11 =	vunpack.i.u.bf16.f32 v9;
	v7 =	vmul.bf16 v7, v16;
	v16 =	vld [tilespmem:s30+$0x2F0];
	(xrf2) =	vadd.scan.msk.f32 $0xffff, v18  }
0xc0: {  	v9 =	vunpack.i.l.bf16.f32 v9;
	v17 =	vunpack.i.u.bf16.f32 v12;
	v12 =	vunpack.i.l.bf16.f32 v12;
	v18 =	vld [tilespmem:s30+$0x340];
	v20, _, _ =	vpop (xrf2)  }
0xc1: {  	v9 =	vadd.f32 v9, v11;
	v11 =	vadd.f32 v12, v17;
	v12 =	vmul.bf16 v19, v21;
	v17 =	vld [tilespmem:s30+$0x2350]  }
0xc2: {  	v19 =	vunpack.i.u.bf16.f32 v7;
	v7 =	vunpack.i.l.bf16.f32 v7;
	v5 =	vmul.bf16 v5, v13;
	v13 =	vld [tilespmem:s30+$0x350];
	(xrf2) =	vadd.scan.msk.f32 $0xffff, v10  }
0xc3: {  	v9 =	vadd.f32 v11, v9;
	v10 =	vunpack.i.u.bf16.f32 v12;
	v11 =	vunpack.i.l.bf16.f32 v12;
	v12 =	vld [tilespmem:s30+$0x3A0];
	v21, _, _ =	vpop (xrf2)  }
0xc4: {  	v7 =	vadd.f32 v7, v19;
	v10 =	vadd.f32 v11, v10;
	v11 =	vmul.bf16 v14, v16;
	v14 =	vld [tilespmem:s30+$0x23B0]  }
0xc5: {  	v16 =	vunpack.i.u.bf16.f32 v5;
	v5 =	vunpack.i.l.bf16.f32 v5;
	v2 =	vmul.bf16 v2, v18;
	v18 =	vld [tilespmem:s30+$0x3B0];
	(xrf2) =	vadd.scan.msk.f32 $0xffff, v9  }
0xc6: {  	v7 =	vadd.f32 v10, v7;
	v9 =	vunpack.i.u.bf16.f32 v11;
	v10 =	vunpack.i.l.bf16.f32 v11;
	v11 =	vld [tilespmem:s30+$0x3E0];
	v19, _, _ =	vpop (xrf2)  }
0xc7: {  	v5 =	vadd.f32 v5, v16;
	v9 =	vadd.f32 v10, v9;
	v17 =	vmul.bf16 v17, v13;
	v13 =	vld [tilespmem:s30+$0x23F0]  }
0xc8: {  	v16 =	vunpack.i.u.bf16.f32 v2;
	v2 =	vunpack.i.l.bf16.f32 v2;
	v1 =	vmul.bf16 v1, v12;
	v12 =	vld [tilespmem:s30+$0x3F0];
	(xrf2) =	vadd.scan.msk.f32 $0xffff, v7  }
0xc9: {  	v5 =	vadd.f32 v9, v5;
	v7 =	vunpack.i.u.bf16.f32 v17;
	v9 =	vunpack.i.l.bf16.f32 v17;
	v10, _, _ =	vpop (xrf2)  }
0xca: {  	v2 =	vadd.f32 v2, v16;
	v7 =	vadd.f32 v9, v7;
	v16 =	vmul.bf16 v14, v18  }
0xcb: {  	v14 =	vunpack.i.u.bf16.f32 v1;
	v1 =	vunpack.i.l.bf16.f32 v1;
	v0 =	vmul.bf16 v0, v11;
	(xrf2) =	vadd.scan.msk.f32 $0xffff, v5  }
0xcc: {  	v2 =	vadd.f32 v7, v2;
	v5 =	vunpack.i.u.bf16.f32 v16;
	v7 =	vunpack.i.l.bf16.f32 v16;
	v9, _, _ =	vpop (xrf2)  }
0xcd: {  	v1 =	vadd.f32 v1, v14;
	v14 =	vadd.f32 v7, v5;
	v7 =	vmul.bf16 v13, v12  }
0xce: {  	v11 =	vunpack.i.u.bf16.f32 v0;
	(xrf2) =	vadd.scan.msk.f32 $0xffff, v2  }
0xcf: {  	v0 =	vunpack.i.l.bf16.f32 v0;
	v1 =	vadd.f32 v14, v1;
	v2 =	vunpack.i.u.bf16.f32 v7;
	v5, _, _ =	vpop (xrf2)  }
0xd0: {  	v9 =	vbroadcast v9, $0xF;
	v12 =	vunpack.i.l.bf16.f32 v7;
	v5 =	vbroadcast v5, $0xF  }
0xd1: {  	v10 =	vbroadcast v10, $0xF;
	v0 =	vadd.f32 v0, v11;
	v2 =	vadd.f32 v12, v2;
	(xrf2) =	vadd.scan.msk.f32 $0xffff, v1  }
0xd2: {  	v1 =	vsel vm0, v9, v5;
	v5 =	vbroadcast v19, $0xF;
	v7, _, _ =	vpop (xrf2)  }
0xd3: {  	v0 =	vadd.f32 v2, v0;
	v1 =	vsel vm1, v1, v10;
	v9 =	vbroadcast v7, $0xF  }
0xd4: {  	v2 =	vbroadcast v21, $0xF;
	v1 =	vsel vm2, v1, v5  }
0xd5: {  	v1 =	vsel vm3, v1, v9;
	v9 =	vbroadcast v20, $0xF;
	v7, _, _ =	vpop (xrf2);
	(xrf2) =	vadd.scan.msk.f32 $0xffff, v0  }
0xd6: {  	v0 =	vsel vm4, v1, v2;
	v1 =	vbroadcast v7, $0xF  }
0xd7: {  	v2 =	vbroadcast v15, $0xF;
	v0 =	vsel vm5, v0, v9  }
0xd8: {  	v0 =	vsel vm6, v0, v1;
	v1 =	vbroadcast v8, $0xF;
	v5, _, _ =	vpop (xrf2)  }
0xd9: {  	v0 =	vsel vm7, v0, v2;
	v2 =	vbroadcast v5, $0xF  }
0xda: {  	v0 =	vsel vm8, v0, v1;
	v1 =	vbroadcast v6, $0xF  }
0xdb: {  	v0 =	vsel vm9, v0, v2;
	v2 =	vbroadcast v4, $0xF;
	v4, _, _ =	vpop (xrf2)  }
0xdc: {  	v0 =	vsel vm10, v0, v1;
	v4 =	vbroadcast v4, $0xF  }
0xdd: {  	v0 =	vsel vm11, v0, v2;
	v2 =	vbroadcast v3, $0xF  }
0xde: {  	v0 =	vsel vm12, v0, v4  }
0xdf: {  	v0 =	vsel vm13, v0, v2;
	v1, _, _ =	vpop (xrf2)  }
0xe0: {  	s29 =	sadd.s32 $0x10, s29;
	v0 =	vsel vm14, v0, v1  }
0xe1: {  	s30 =	sshra.s32 s31, $0x2;
	[tilespmem:s29+$0x0] =	vst v0  }
0xe2: {  	v0 =	vld [tilespmem:s30+$0x23E0]  }
0xe3: {  	v3 =	vld [tilespmem:s30+$0x23C0]  }
0xe4: {  	v4 =	vld [tilespmem:s30+$0x3C0]  }
0xe5: {  	v5 =	vld [tilespmem:s30+$0x23D0]  }
0xe6: {  	v6 =	vld [tilespmem:s30+$0x3D0]  }
0xe7: {  	v1 =	vld [tilespmem:s30+$0x23A0]  }
0xe8: {  	v7 =	vld [tilespmem:s30+$0x2380]  }
0xe9: {  	v8 =	vld [tilespmem:s30+$0x380]  }
0xea: {  	v9 =	vld [tilespmem:s30+$0x2390]  }
0xeb: {  	v10 =	vld [tilespmem:s30+$0x390]  }
0xec: {  	v11 =	vld [tilespmem:s30+$0x2360]  }
0xed: {  	v12 =	vld [tilespmem:s30+$0x360]  }
0xee: {  	v13 =	vld [tilespmem:s30+$0x2370]  }
0xef: {  	v14 =	vld [tilespmem:s30+$0x370]  }
0xf0: {  	v2 =	vld [tilespmem:s30+$0x2340]  }
0xf1: {  	v15 =	vld [tilespmem:s30+$0x2320]  }
0xf2: {  	v16 =	vld [tilespmem:s30+$0x320]  }
0xf3: {  	v17 =	vld [tilespmem:s30+$0x2330]  }
0xf4: {  	v3 =	vmul.bf16 v3, v4;
	v18 =	vld [tilespmem:s30+$0x330]  }
0xf5: {  	v5 =	vmul.bf16 v5, v6;
	v4 =	vld [tilespmem:s30+$0x2300]  }
0xf6: {  	v19 =	vunpack.i.u.bf16.f32 v3;
	v3 =	vunpack.i.l.bf16.f32 v3;
	v6 =	vld [tilespmem:s30+$0x300]  }
0xf7: {  	v7 =	vmul.bf16 v7, v8;
	v8 =	vunpack.i.u.bf16.f32 v5;
	v5 =	vunpack.i.l.bf16.f32 v5;
	v20 =	vld [tilespmem:s30+$0x2310]  }
0xf8: {  	v3 =	vadd.f32 v3, v19;
	v8 =	vadd.f32 v5, v8;
	v9 =	vmul.bf16 v9, v10;
	v21 =	vld [tilespmem:s30+$0x310]  }
0xf9: {  	v10 =	vmul.bf16 v11, v12;
	v11 =	vunpack.i.u.bf16.f32 v7;
	v7 =	vunpack.i.l.bf16.f32 v7;
	v5 =	vld [tilespmem:s30+$0x22E0]  }
0xfa: {  	v13 =	vmul.bf16 v13, v14;
	v14 =	vunpack.i.u.bf16.f32 v9;
	v9 =	vunpack.i.l.bf16.f32 v9;
	v12 =	vld [tilespmem:s30+$0x22C0]  }
0xfb: {  	v7 =	vadd.f32 v7, v11;
	v22 =	vunpack.i.u.bf16.f32 v10;
	v9 =	vadd.f32 v9, v14;
	v19 =	vld [tilespmem:s30+$0x2C0]  }
0xfc: {  	v10 =	vunpack.i.l.bf16.f32 v10;
	v14 =	vunpack.i.u.bf16.f32 v13;
	v13 =	vunpack.i.l.bf16.f32 v13;
	v11 =	vld [tilespmem:s30+$0x22D0]  }
0xfd: {  	v10 =	vadd.f32 v10, v22;
	v13 =	vadd.f32 v13, v14;
	v23 =	vld [tilespmem:s30+$0x2D0]  }
0xfe: {  	v3 =	vadd.f32 v8, v3;
	v15 =	vmul.bf16 v15, v16;
	v14 =	vld [tilespmem:s30+$0x22A0]  }
0xff: {  	v9 =	vadd.f32 v9, v7;
	v16 =	vmul.bf16 v17, v18;
	v10 =	vadd.f32 v13, v10;
	v8 =	vld [tilespmem:s30+$0x2A0]  }
0x100: {  	v4 =	vmul.bf16 v4, v6;
	v6 =	vunpack.i.u.bf16.f32 v15;
	v15 =	vunpack.i.l.bf16.f32 v15;
	v13 =	vld [tilespmem:s30+$0x22B0];
	(xrf2) =	vadd.scan.msk.f32 $0xffff, v3  }
0x101: {  	v18 =	vunpack.i.u.bf16.f32 v16;
	v16 =	vunpack.i.l.bf16.f32 v16;
	v17 =	vmul.bf16 v20, v21;
	v3 =	vld [tilespmem:s30+$0x2B0]  }
0x102: {  	v6 =	vadd.f32 v15, v6;
	v15 =	vadd.f32 v16, v18;
	v20 =	vunpack.i.u.bf16.f32 v4;
	v7 =	vld [tilespmem:s30+$0x2280]  }
0x103: {  	v4 =	vunpack.i.l.bf16.f32 v4;
	v18 =	vunpack.i.u.bf16.f32 v17;
	v17 =	vunpack.i.l.bf16.f32 v17;
	v16 =	vld [tilespmem:s30+$0x2260];
	(xrf2) =	vadd.scan.msk.f32 $0xffff, v9  }
0x104: {  	v4 =	vadd.f32 v4, v20;
	v17 =	vadd.f32 v17, v18;
	v9 =	vld [tilespmem:s30+$0x260]  }
0x105: {  	v12 =	vmul.bf16 v12, v19;
	v18 =	vld [tilespmem:s30+$0x2270]  }
0x106: {  	v6 =	vadd.f32 v15, v6;
	v11 =	vmul.bf16 v11, v23;
	v4 =	vadd.f32 v17, v4;
	v19 =	vld [tilespmem:s30+$0x270];
	(xrf2) =	vadd.scan.msk.f32 $0xffff, v10  }
0x107: {  	v8 =	vmul.bf16 v14, v8;
	v10 =	vunpack.i.u.bf16.f32 v12;
	v12 =	vunpack.i.l.bf16.f32 v12;
	v17 =	vld [tilespmem:s30+$0x2240]  }
0x108: {  	v22 =	vmul.bf16 v13, v3;
	v13 =	vunpack.i.u.bf16.f32 v11;
	v11 =	vunpack.i.l.bf16.f32 v11;
	v14 =	vld [tilespmem:s30+$0x240]  }
0x109: {  	v15 =	vunpack.i.u.bf16.f32 v8;
	v21 =	vadd.f32 v12, v10;
	v13 =	vadd.f32 v11, v13;
	v20 =	vld [tilespmem:s30+$0x2250];
	(xrf2) =	vadd.scan.msk.f32 $0xffff, v6  }
0x10a: {  	v8 =	vunpack.i.l.bf16.f32 v8;
	v11 =	vunpack.i.u.bf16.f32 v22;
	v12 =	vunpack.i.l.bf16.f32 v22;
	v6 =	vld [tilespmem:s30+$0x250];
	v3, _, _ =	vpop (xrf2)  }
0x10b: {  	v8 =	vadd.f32 v8, v15;
	v15 =	vadd.f32 v12, v11;
	v10 =	vld [tilespmem:s30+$0x2200]  }
0x10c: {  	v9 =	vmul.bf16 v16, v9;
	v12 =	vld [tilespmem:s30+$0x200];
	(xrf2) =	vadd.scan.msk.f32 $0xffff, v4  }
.Ltmp2:
0x10d: {  	v13 =	vadd.f32 v13, v21;
	v16 =	vmul.bf16 v18, v19;
	v8 =	vadd.f32 v15, v8;
	v11 =	vld [tilespmem:s30+$0x2210];
	v4, _, _ =	vpop (xrf2);
	(pc) =	sbr.rel @p1 .LBB2_3-.Ltmp2, $4  }
0x10e: {  	v19 =	vmul.bf16 v17, v14;
	v14 =	vunpack.i.u.bf16.f32 v9;
	v17 =	vunpack.i.l.bf16.f32 v9;
	v15 =	vld [tilespmem:s30+$0x210]  }
0x10f: {  	v22 =	vunpack.i.u.bf16.f32 v16;
	v9 =	vld [tilespmem:s30+$0x2220];
	v21 =	vmul.bf16 v20, v6;
	v20 =	vunpack.i.l.bf16.f32 v16;
	(xrf2) =	vadd.scan.msk.f32 $0xffff, v13  }
0x110: {  	v18 =	vunpack.i.u.bf16.f32 v19;
	v16 =	vadd.f32 v17, v14;
	v13 =	vld [tilespmem:s30+$0x220];
	v17 =	vadd.f32 v20, v22;
	v6, _, _ =	vpop (xrf2)  }
0x111: {  	s31 =	sadd.s32 $0x800, s31;
	v19 =	vunpack.i.l.bf16.f32 v19;
	v14 =	vld [tilespmem:s30+$0x2230];
	v20 =	vunpack.i.u.bf16.f32 v21;
	v21 =	vunpack.i.l.bf16.f32 v21  }
0x112: {  	v10 =	vmul.bf16 v10, v12;
	v12 =	vld [tilespmem:s30+$0x230]  }
0x113: {  	v11 =	vmul.bf16 v11, v15;
	v15 =	vld [tilespmem:s30+$0x280]  }
0x114: {  	v18 =	vadd.f32 v19, v18;
	v19 =	vadd.f32 v21, v20;
	v21 =	vld [tilespmem:s30+$0x2290];
	v20 =	vunpack.i.u.bf16.f32 v10  }
0x115: {  	v23 =	vld [tilespmem:s30+$0x290];
	v10 =	vunpack.i.l.bf16.f32 v10;
	v22 =	vunpack.i.u.bf16.f32 v11;
	v11 =	vunpack.i.l.bf16.f32 v11  }
0x116: {  	v10 =	vadd.f32 v10, v20;
	v9 =	vmul.bf16 v9, v13;
	v13 =	vld [tilespmem:s30+$0x2E0];
	v11 =	vadd.f32 v11, v22  }
0x117: {  	v16 =	vadd.f32 v17, v16;
	v17 =	vadd.f32 v19, v18;
	v12 =	vmul.bf16 v14, v12;
	v14 =	vld [tilespmem:s30+$0x22F0]  }
0x118: {  	v10 =	vadd.f32 v11, v10;
	v11 =	vunpack.i.u.bf16.f32 v9;
	v7 =	vmul.bf16 v7, v15;
	v15 =	vld [tilespmem:s30+$0x2F0]  }
0x119: {  	v19 =	vld [tilespmem:s30+$0x340];
	v9 =	vunpack.i.l.bf16.f32 v9;
	v18 =	vunpack.i.u.bf16.f32 v12;
	v12 =	vunpack.i.l.bf16.f32 v12  }
0x11a: {  	(xrf2) =	vadd.scan.msk.f32 $0xffff, v8;
	v8 =	vadd.f32 v9, v11;
	v11 =	vmul.bf16 v21, v23;
	v9 =	vadd.f32 v12, v18;
	v12 =	vld [tilespmem:s30+$0x2350]  }
0x11b: {  	(xrf2) =	vadd.scan.msk.f32 $0xffff, v16;
	v16 =	vunpack.i.u.bf16.f32 v7;
	v7 =	vunpack.i.l.bf16.f32 v7;
	v5 =	vmul.bf16 v5, v13;
	v13 =	vld [tilespmem:s30+$0x350]  }
0x11c: {  	(xrf2) =	vadd.scan.msk.f32 $0xffff, v17;
	v8 =	vadd.f32 v9, v8;
	v9 =	vunpack.i.u.bf16.f32 v11;
	v11 =	vunpack.i.l.bf16.f32 v11  }
0x11d: {  	(xrf2) =	vadd.scan.msk.f32 $0xffff, v10;
	v7 =	vadd.f32 v7, v16;
	v9 =	vadd.f32 v11, v9;
	v10 =	vmul.bf16 v14, v15;
	v11 =	vld [tilespmem:s30+$0x23B0]  }
0x11e: {  	v2 =	vmul.bf16 v2, v19;
	v14 =	vunpack.i.u.bf16.f32 v5;
	v5 =	vunpack.i.l.bf16.f32 v5;
	v15 =	vld [tilespmem:s30+$0x3B0]  }
0x11f: {  	v17 =	vld [tilespmem:s30+$0x3A0];
	(xrf2) =	vadd.scan.msk.f32 $0xffff, v8;
	v7 =	vadd.f32 v9, v7;
	v8 =	vunpack.i.u.bf16.f32 v10;
	v9 =	vunpack.i.l.bf16.f32 v10  }
0x120: {  	v5 =	vadd.f32 v5, v14;
	v8 =	vadd.f32 v9, v8;
	v9 =	vmul.bf16 v12, v13  }
0x121: {  	v14 =	vunpack.i.u.bf16.f32 v2;
	v2 =	vunpack.i.l.bf16.f32 v2  }
0x122: {  	v16 =	vld [tilespmem:s30+$0x3F0];
	v5 =	vadd.f32 v8, v5;
	v8 =	vunpack.i.u.bf16.f32 v9;
	v9 =	vunpack.i.l.bf16.f32 v9  }
0x123: {  	v10 =	vld [tilespmem:s30+$0x3E0];
	v2 =	vadd.f32 v2, v14;
	v13, _, _ =	vpop (xrf2);
	v8 =	vadd.f32 v9, v8;
	v9 =	vmul.bf16 v11, v15  }
0x124: {  	v1 =	vmul.bf16 v1, v17;
	v12 =	vld [tilespmem:s30+$0x23F0];
	(xrf2) =	vadd.scan.msk.f32 $0xffff, v7;
	v7, _, _ =	vpop (xrf2)  }
0x125: {  	v17, _, _ =	vpop (xrf2);
	v2 =	vadd.f32 v8, v2;
	v8 =	vunpack.i.u.bf16.f32 v9;
	v9 =	vunpack.i.l.bf16.f32 v9  }
0x126: {  	v11, _, _ =	vpop (xrf2);
	v8 =	vadd.f32 v9, v8  }
0x127: {  	v14 =	vunpack.i.u.bf16.f32 v1;
	v1 =	vunpack.i.l.bf16.f32 v1;
	(xrf2) =	vadd.scan.msk.f32 $0xffff, v5;
	v5, _, _ =	vpop (xrf2)  }
0x128: {  	v1 =	vadd.f32 v1, v14;
	v0 =	vmul.bf16 v0, v10;
	v10, _, _ =	vpop (xrf2)  }
0x129: {  	v9 =	vmul.bf16 v12, v16;
	v12, _, _ =	vpop (xrf2)  }
0x12a: {  	v1 =	vadd.f32 v8, v1;
	v8, _, _ =	vpop (xrf2)  }
0x12b: {  	v8 =	vbroadcast v8, $0xF;
	_ =	sdelay $0x1  }
0x12c: {  	v14 =	vunpack.i.u.bf16.f32 v0;
	v0 =	vunpack.i.l.bf16.f32 v0;
	(xrf2) =	vadd.scan.msk.f32 $0xffff, v2;
	v12 =	vbroadcast v12, $0xF  }
0x12d: {  	v0 =	vadd.f32 v0, v14  }
0x12e: {  	v2 =	vunpack.i.u.bf16.f32 v9;
	v9 =	vunpack.i.l.bf16.f32 v9;
	(xrf2) =	vadd.scan.msk.f32 $0xffff, v1;
	v1 =	vsel vm0, v12, v8;
	v8, _, _ =	vpop (xrf2)  }
0x12f: {  	v10 =	vbroadcast v10, $0xF;
	v2 =	vadd.f32 v9, v2;
	v8 =	vbroadcast v8, $0xF  }
0x130: {  	v5 =	vbroadcast v5, $0xF  }
0x131: {  	v0 =	vadd.f32 v2, v0;
	v1 =	vsel vm1, v1, v10  }
0x132: {  	v2 =	vbroadcast v11, $0xF;
	v1 =	vsel vm2, v1, v5;
	v5 =	vbroadcast v17, $0xF  }
0x133: {  	v1 =	vsel vm3, v1, v8;
	v8, _, _ =	vpop (xrf2)  }
0x134: {  	(xrf2) =	vadd.scan.msk.f32 $0xffff, v0;
	v0 =	vsel vm4, v1, v2;
	v1 =	vbroadcast v8, $0xF  }
0x135: {  	v2 =	vbroadcast v7, $0xF;
	v0 =	vsel vm5, v0, v5  }
0x136: {  	v5, _, _ =	vpop (xrf2);
	v0 =	vsel vm6, v0, v1;
	v1 =	vbroadcast v13, $0xF  }
0x137: {  	v0 =	vsel vm7, v0, v2;
	v2 =	vbroadcast v5, $0xF  }
0x138: {  	v0 =	vsel vm8, v0, v1;
	v1 =	vbroadcast v6, $0xF  }
0x139: {  	v0 =	vsel vm9, v0, v2;
	v2 =	vbroadcast v4, $0xF;
	v4, _, _ =	vpop (xrf2)  }
0x13a: {  	v0 =	vsel vm10, v0, v1;
	v1 =	vbroadcast v4, $0xF;
	_ =	sdelay $0x1  }
0x13b: {  	v0 =	vsel vm11, v0, v2;
	v2 =	vbroadcast v3, $0xF  }
0x13c: {  	v0 =	vsel vm12, v0, v1  }
0x13d: {  	v0 =	vsel vm13, v0, v2;
	v1, _, _ =	vpop (xrf2)  }
0x13e: {  	s29 =	sadd.s32 $0x10, s29;
	s28 =	sshll.u32 s28, $0x4;
	v0 =	vsel vm14, v0, v1  }
0x13f: {  	s28 =	sadd.s32 s6, s28;
	[tilespmem:s29+$0x0] =	vst v0;
	s29 =	simm.s32 $0x0  }
0x140: {  	[hbm4b:s28+s29] =	stream.linear.scatter [tilespmem:s19], [sflag:$0x3], $0x80, $0x38;
	[tilespmem:$0x4300] =	vst v63  }
0x141: {  	_ =	swait.ge [sflag:s20], $0x1000  }
0x142: {  	[sflag:s20] =	ssyncset.done $0x0  }
0x143: {  	[sflag:s20] =	ssyncadd.s32 $0xFFFFF000  }
0x144: {  	_ =	swait.ge [sflag:s20], $0x1000  }
0x145: {  	[sflag:s20] =	ssyncset.done $0x0  }
0x146: {  	s28 =	simm.s32 $0x0;
	[sflag:s20] =	ssyncadd.s32 $0xFFFFF000  }
0x147: {  	v3 =	vld [tilespmem:s28+$0x33C0]  }
0x148: {  	v4 =	vld [tilespmem:s28+$0x13C0]  }
0x149: {  	v5 =	vld [tilespmem:s28+$0x33D0]  }
0x14a: {  	v6 =	vld [tilespmem:s28+$0x13D0]  }
0x14b: {  	v7 =	vld [tilespmem:s28+$0x3380]  }
0x14c: {  	v8 =	vld [tilespmem:s28+$0x1380]  }
0x14d: {  	v9 =	vld [tilespmem:s28+$0x3390]  }
0x14e: {  	v10 =	vld [tilespmem:s28+$0x1390]  }
0x14f: {  	v11 =	vld [tilespmem:s28+$0x3360]  }
0x150: {  	v12 =	vld [tilespmem:s28+$0x1360]  }
0x151: {  	v13 =	vld [tilespmem:s28+$0x3370]  }
0x152: {  	v14 =	vld [tilespmem:s28+$0x1370]  }
0x153: {  	v2 =	vld [tilespmem:s28+$0x3340]  }
0x154: {  	v15 =	vld [tilespmem:s28+$0x3320]  }
0x155: {  	v16 =	vld [tilespmem:s28+$0x1320]  }
0x156: {  	v17 =	vld [tilespmem:s28+$0x3330]  }
0x157: {  	v18 =	vld [tilespmem:s28+$0x1330]  }
0x158: {  	v19 =	vld [tilespmem:s28+$0x3300]  }
0x159: {  	v20 =	vld [tilespmem:s28+$0x1300]  }
0x15a: {  	v21 =	vld [tilespmem:s28+$0x3310];
	v4 =	vmul.bf16 v3, v4  }
0x15b: {  	v22 =	vld [tilespmem:s28+$0x1310];
	v5 =	vmul.bf16 v5, v6  }
0x15c: {  	v23 =	vld [tilespmem:s28+$0x32C0];
	v7 =	vmul.bf16 v7, v8;
	v9 =	vmul.bf16 v9, v10;
	v6 =	vunpack.i.u.bf16.f32 v4  }
0x15d: {  	v24 =	vld [tilespmem:s28+$0x12C0];
	v4 =	vunpack.i.l.bf16.f32 v4;
	v8 =	vunpack.i.u.bf16.f32 v5;
	v5 =	vunpack.i.l.bf16.f32 v5  }
0x15e: {  	v56 =	vld [tilespmem:s28+$0x32B0];
	v26 =	vunpack.i.u.bf16.f32 v9;
	v4 =	vadd.f32 v4, v6;
	v6 =	vmul.bf16 v11, v12  }
0x15f: {  	v57 =	vld [tilespmem:s28+$0x1270];
	v5 =	vadd.f32 v5, v8;
	v8 =	vunpack.i.u.bf16.f32 v7;
	v7 =	vunpack.i.l.bf16.f32 v7  }
0x160: {  	v59 =	vld [tilespmem:s28+$0x3200];
	v9 =	vunpack.i.l.bf16.f32 v9;
	v11 =	vmul.bf16 v13, v14;
	v7 =	vadd.f32 v7, v8  }
0x161: {  	v60 =	vld [tilespmem:s28+$0x1200];
	v8 =	vadd.f32 v9, v26;
	v9 =	vmul.bf16 v15, v16;
	v13 =	vunpack.i.u.bf16.f32 v6  }
0x162: {  	v10 =	vld [tilespmem:s28+$0x32D0];
	v6 =	vunpack.i.l.bf16.f32 v6;
	v25 =	vunpack.i.u.bf16.f32 v11;
	v11 =	vunpack.i.l.bf16.f32 v11  }
0x163: {  	v12 =	vld [tilespmem:s28+$0x12D0];
	v4 =	vadd.f32 v5, v4;
	v5 =	vmul.bf16 v17, v18;
	v6 =	vadd.f32 v6, v13  }
0x164: {  	v14 =	vld [tilespmem:s28+$0x32A0];
	v18 =	vmul.bf16 v21, v22;
	v11 =	vadd.f32 v11, v25;
	v7 =	vadd.f32 v8, v7  }
0x165: {  	v15 =	vld [tilespmem:s28+$0x12B0];
	v8 =	vmul.bf16 v19, v20;
	v16 =	vunpack.i.u.bf16.f32 v9;
	v9 =	vunpack.i.l.bf16.f32 v9  }
0x166: {  	v13 =	vld [tilespmem:s28+$0x12A0];
	v19 =	vunpack.i.u.bf16.f32 v5;
	v5 =	vunpack.i.l.bf16.f32 v5;
	v9 =	vadd.f32 v9, v16  }
0x167: {  	v17 =	vld [tilespmem:s28+$0x3260];
	v22 =	vunpack.i.u.bf16.f32 v18;
	v18 =	vunpack.i.l.bf16.f32 v18;
	v6 =	vadd.f32 v11, v6  }
0x168: {  	v20 =	vld [tilespmem:s28+$0x1260];
	v21 =	vunpack.i.u.bf16.f32 v8;
	v8 =	vunpack.i.l.bf16.f32 v8;
	v5 =	vadd.f32 v5, v19  }
0x169: {  	v16 =	vld [tilespmem:s28+$0x3270];
	v18 =	vadd.f32 v18, v22;
	v8 =	vadd.f32 v8, v21;
	v21 =	vmul.bf16 v23, v24  }
0x16a: {  	v22 =	vld [tilespmem:s28+$0x3240];
	v10 =	vmul.bf16 v10, v12;
	v15 =	vmul.bf16 v56, v15;
	v5 =	vadd.f32 v5, v9  }
0x16b: {  	v23 =	vld [tilespmem:s28+$0x1250];
	v12 =	vmul.bf16 v14, v13;
	v8 =	vadd.f32 v18, v8;
	v14 =	vunpack.i.u.bf16.f32 v21  }
0x16c: {  	v13 =	vld [tilespmem:s28+$0x1240];
	v19 =	vunpack.i.l.bf16.f32 v21;
	v58 =	vunpack.i.u.bf16.f32 v15;
	v15 =	vunpack.i.l.bf16.f32 v15  }
0x16d: {  	v18 =	vld [tilespmem:s28+$0x3250];
	v17 =	vmul.bf16 v17, v20;
	v15 =	vadd.f32 v15, v58;
	v14 =	vadd.f32 v19, v14  }
0x16e: {  	v62 =	vld [tilespmem:s28+$0x1290];
	v9 =	vmul.bf16 v16, v57;
	v21 =	vunpack.i.u.bf16.f32 v12;
	v12 =	vunpack.i.l.bf16.f32 v12  }
0x16f: {  	v19 =	vld [tilespmem:s28+$0x3210];
	v12 =	vadd.f32 v12, v21;
	v21 =	vunpack.i.u.bf16.f32 v10;
	v10 =	vunpack.i.l.bf16.f32 v10  }
0x170: {  	v16 =	vld [tilespmem:s28+$0x3220];
	v20 =	vunpack.i.u.bf16.f32 v9;
	v9 =	vunpack.i.l.bf16.f32 v9;
	v10 =	vadd.f32 v10, v21  }
0x171: {  	v9 =	vadd.f32 v9, v20;
	v20 =	vmul.bf16 v59, v60;
	v12 =	vadd.f32 v15, v12;
	v15 =	vld [tilespmem:s28+$0x1210]  }
0x172: {  	(xrf2) =	vadd.scan.msk.f32 $0xffff, v4;
	v21 =	vld [tilespmem:s28+$0x1220];
	v13 =	vmul.bf16 v22, v13;
	v18 =	vmul.bf16 v18, v23;
	v10 =	vadd.f32 v10, v14  }
0x173: {  	(xrf2) =	vadd.scan.msk.f32 $0xffff, v7;
	v23 =	vld [tilespmem:s28+$0x1230];
	v14 =	vunpack.i.u.bf16.f32 v17;
	v17 =	vunpack.i.l.bf16.f32 v17;
	v7 =	vunpack.i.l.bf16.f32 v20  }
0x174: {  	v22 =	vunpack.i.u.bf16.f32 v13;
	v14 =	vadd.f32 v17, v14;
	v17 =	vld [tilespmem:s28+$0x3230];
	v13 =	vunpack.i.l.bf16.f32 v13  }
0x175: {  	v11 =	vld [tilespmem:s28+$0x3280];
	v61 =	vunpack.i.u.bf16.f32 v18;
	v18 =	vunpack.i.l.bf16.f32 v18;
	v4 =	vadd.f32 v13, v22  }
0x176: {  	v13 =	vadd.f32 v18, v61;
	v18 =	vunpack.i.u.bf16.f32 v20;
	v15 =	vmul.bf16 v19, v15;
	v19 =	vld [tilespmem:s28+$0x1280]  }
0x177: {  	v3 =	vld [tilespmem:s28+$0x32E0];
	(xrf2) =	vadd.scan.msk.f32 $0xffff, v6;
	v6 =	vadd.f32 v7, v18  }
0x178: {  	(xrf2) =	vadd.scan.msk.f32 $0xffff, v5;
	v22 =	vld [tilespmem:s28+$0x3290];
	v5 =	vadd.f32 v9, v14;
	v20 =	vunpack.i.u.bf16.f32 v15;
	v15 =	vunpack.i.l.bf16.f32 v15  }
0x179: {  	v9 =	vmul.bf16 v17, v23;
	v7 =	vadd.f32 v15, v20;
	v15 =	vmul.bf16 v16, v21;
	v16 =	vld [tilespmem:s28+$0x12E0]  }
0x17a: {  	v4 =	vadd.f32 v13, v4;
	v13 =	vld [tilespmem:s28+$0x32F0]  }
0x17b: {  	(xrf2) =	vadd.scan.msk.f32 $0xffff, v8;
	v14 =	vunpack.i.u.bf16.f32 v9;
	v9 =	vunpack.i.l.bf16.f32 v9;
	v8 =	vmul.bf16 v11, v19;
	v11 =	vld [tilespmem:s28+$0x12F0]  }
0x17c: {  	(xrf2) =	vadd.scan.msk.f32 $0xffff, v10;
	v6 =	vadd.f32 v7, v6;
	v7 =	vunpack.i.u.bf16.f32 v15;
	v10 =	vunpack.i.l.bf16.f32 v15;
	v15 =	vld [tilespmem:s28+$0x1340]  }
0x17d: {  	(xrf2) =	vadd.scan.msk.f32 $0xffff, v12;
	v12 =	vld [tilespmem:s28+$0x3350];
	v9 =	vadd.f32 v9, v14;
	v7 =	vadd.f32 v10, v7;
	v10 =	vmul.bf16 v22, v62  }
0x17e: {  	(xrf2) =	vadd.scan.msk.f32 $0xffff, v5;
	v14 =	vld [tilespmem:s28+$0x1350];
	v5 =	vunpack.i.u.bf16.f32 v8;
	v8 =	vunpack.i.l.bf16.f32 v8;
	v3 =	vmul.bf16 v3, v16  }
0x17f: {  	v1 =	vld [tilespmem:s28+$0x33A0];
	(xrf2) =	vadd.scan.msk.f32 $0xffff, v4;
	v4 =	vadd.f32 v9, v7;
	v7 =	vunpack.i.u.bf16.f32 v10;
	v9 =	vunpack.i.l.bf16.f32 v10  }
0x180: {  	(xrf2) =	vadd.scan.msk.f32 $0xffff, v6;
	v5 =	vadd.f32 v8, v5;
	v8 =	vld [tilespmem:s28+$0x33B0];
	v6 =	vadd.f32 v9, v7;
	v7 =	vmul.bf16 v13, v11  }
0x181: {  	v11 =	vunpack.i.u.bf16.f32 v3;
	v3 =	vunpack.i.l.bf16.f32 v3;
	v2 =	vmul.bf16 v2, v15;
	v13 =	vld [tilespmem:s28+$0x13B0]  }
0x182: {  	v10 =	vld [tilespmem:s28+$0x13A0];
	v5 =	vadd.f32 v6, v5;
	v6 =	vunpack.i.u.bf16.f32 v7;
	v7 =	vunpack.i.l.bf16.f32 v7  }
0x183: {  	v9, _, _ =	vpop (xrf2);
	(xrf2) =	vadd.scan.msk.f32 $0xffff, v4;
	v3 =	vadd.f32 v3, v11;
	v6 =	vadd.f32 v7, v6;
	v7 =	vmul.bf16 v12, v14  }
0x184: {  	v4, _, _ =	vpop (xrf2);
	v14 =	vunpack.i.u.bf16.f32 v2;
	v2 =	vunpack.i.l.bf16.f32 v2  }
0x185: {  	v16, _, _ =	vpop (xrf2);
	v3 =	vadd.f32 v6, v3;
	v6 =	vunpack.i.u.bf16.f32 v7;
	v7 =	vunpack.i.l.bf16.f32 v7  }
0x186: {  	v11 =	vld [tilespmem:s28+$0x33F0];
	v12, _, _ =	vpop (xrf2);
	v2 =	vadd.f32 v2, v14;
	v6 =	vadd.f32 v7, v6;
	v7 =	vmul.bf16 v8, v13  }
0x187: {  	v1 =	vmul.bf16 v1, v10;
	v10 =	vld [tilespmem:s28+$0x13F0];
	(xrf2) =	vadd.scan.msk.f32 $0xffff, v5;
	v5, _, _ =	vpop (xrf2)  }
0x188: {  	v0 =	vld [tilespmem:s28+$0x33E0];
	v17, _, _ =	vpop (xrf2);
	v2 =	vadd.f32 v6, v2;
	v6 =	vunpack.i.u.bf16.f32 v7;
	v7 =	vunpack.i.l.bf16.f32 v7  }
0x189: {  	v15 =	vld [tilespmem:s28+$0x13E0];
	v8, _, _ =	vpop (xrf2);
	v6 =	vadd.f32 v7, v6  }
0x18a: {  	v13 =	vunpack.i.u.bf16.f32 v1;
	v1 =	vunpack.i.l.bf16.f32 v1;
	(xrf2) =	vadd.scan.msk.f32 $0xffff, v3;
	v3, _, _ =	vpop (xrf2)  }
0x18b: {  	v1 =	vadd.f32 v1, v13;
	v14, _, _ =	vpop (xrf2)  }
0x18c: {  	v7 =	vmul.bf16 v11, v10;
	v10, _, _ =	vpop (xrf2)  }
0x18d: {  	v1 =	vadd.f32 v6, v1;
	v6, _, _ =	vpop (xrf2)  }
0x18e: {  	v0 =	vmul.bf16 v0, v15;
	v6 =	vbroadcast v6, $0xF;
	_ =	sdelay $0x1  }
0x18f: {  	v11 =	vunpack.i.u.bf16.f32 v0;
	v0 =	vunpack.i.l.bf16.f32 v0;
	(xrf2) =	vadd.scan.msk.f32 $0xffff, v2;
	v10 =	vbroadcast v10, $0xF  }
0x190: {  	v0 =	vadd.f32 v0, v11  }
0x191: {  	v2 =	vunpack.i.u.bf16.f32 v7;
	v7 =	vunpack.i.l.bf16.f32 v7;
	(xrf2) =	vadd.scan.msk.f32 $0xffff, v1;
	v1 =	vsel vm0, v10, v6;
	v6, _, _ =	vpop (xrf2)  }
0x192: {  	v13 =	vbroadcast v14, $0xF;
	v2 =	vadd.f32 v7, v2;
	v6 =	vbroadcast v6, $0xF  }
0x193: {  	v3 =	vbroadcast v3, $0xF  }
0x194: {  	v0 =	vadd.f32 v2, v0;
	v1 =	vsel vm1, v1, v13  }
0x195: {  	v2 =	vbroadcast v8, $0xF;
	v1 =	vsel vm2, v1, v3;
	v3 =	vbroadcast v17, $0xF  }
0x196: {  	v1 =	vsel vm3, v1, v6;
	v6, _, _ =	vpop (xrf2)  }
0x197: {  	(xrf2) =	vadd.scan.msk.f32 $0xffff, v0;
	v0 =	vsel vm4, v1, v2;
	v1 =	vbroadcast v6, $0xF  }
0x198: {  	v2 =	vbroadcast v5, $0xF;
	v0 =	vsel vm5, v0, v3  }
0x199: {  	v3, _, _ =	vpop (xrf2);
	v0 =	vsel vm6, v0, v1;
	v1 =	vbroadcast v12, $0xF  }
0x19a: {  	v0 =	vsel vm7, v0, v2;
	v2 =	vbroadcast v3, $0xF  }
0x19b: {  	v0 =	vsel vm8, v0, v1;
	v1 =	vbroadcast v16, $0xF  }
0x19c: {  	v3, _, _ =	vpop (xrf2);
	v0 =	vsel vm9, v0, v2  }
0x19d: {  	v2 =	vbroadcast v4, $0xF;
	v0 =	vsel vm10, v0, v1;
	v1 =	vbroadcast v3, $0xF;
	_ =	sdelay $0x1  }
0x19e: {  	v0 =	vsel vm11, v0, v2;
	v2 =	vbroadcast v9, $0xF  }
0x19f: {  	v0 =	vsel vm12, v0, v1  }
0x1a0: {  	v0 =	vsel vm13, v0, v2;
	v1, _, _ =	vpop (xrf2)  }
0x1a1: {  	s28 =	simm.s32 $0x4280;
	v0 =	vsel vm14, v0, v1  }
0x1a2: {  	s29 =	simm.s32 $0x200;
	[tilespmem:s28+$0x0] =	vst v0  }
0x1a3: {  	v0 =	vld [tilespmem:s29+$0x33E0]  }
0x1a4: {  	v3 =	vld [tilespmem:s29+$0x33C0]  }
0x1a5: {  	v4 =	vld [tilespmem:s29+$0x13C0]  }
0x1a6: {  	v5 =	vld [tilespmem:s29+$0x33D0]  }
0x1a7: {  	v6 =	vld [tilespmem:s29+$0x13D0]  }
0x1a8: {  	v1 =	vld [tilespmem:s29+$0x33A0]  }
0x1a9: {  	v7 =	vld [tilespmem:s29+$0x3380]  }
0x1aa: {  	v8 =	vld [tilespmem:s29+$0x1380]  }
0x1ab: {  	v9 =	vld [tilespmem:s29+$0x3390]  }
0x1ac: {  	v10 =	vld [tilespmem:s29+$0x1390]  }
0x1ad: {  	v11 =	vld [tilespmem:s29+$0x3360]  }
0x1ae: {  	v12 =	vld [tilespmem:s29+$0x1360]  }
0x1af: {  	v13 =	vld [tilespmem:s29+$0x3370]  }
0x1b0: {  	v14 =	vld [tilespmem:s29+$0x1370]  }
0x1b1: {  	v2 =	vld [tilespmem:s29+$0x3340]  }
0x1b2: {  	v15 =	vld [tilespmem:s29+$0x3320]  }
0x1b3: {  	v16 =	vld [tilespmem:s29+$0x1320]  }
0x1b4: {  	v17 =	vld [tilespmem:s29+$0x3330]  }
0x1b5: {  	v18 =	vld [tilespmem:s29+$0x1330]  }
0x1b6: {  	v19 =	vld [tilespmem:s29+$0x3300]  }
0x1b7: {  	v21 =	vld [tilespmem:s29+$0x1310];
	v3 =	vmul.bf16 v3, v4;
	v5 =	vmul.bf16 v5, v6  }
0x1b8: {  	v63 =	vld [tilespmem:s29+$0x32A0];
	v7 =	vmul.bf16 v7, v8;
	v9 =	vmul.bf16 v9, v10  }
0x1b9: {  	v4 =	vld [tilespmem:s29+$0x1300];
	v11 =	vmul.bf16 v11, v12;
	v13 =	vmul.bf16 v13, v14  }
0x1ba: {  	v6 =	vld [tilespmem:s29+$0x3310];
	v15 =	vmul.bf16 v15, v16;
	v20 =	vunpack.i.u.bf16.f32 v3;
	v3 =	vunpack.i.l.bf16.f32 v3  }
0x1bb: {  	v10 =	vld [tilespmem:s29+$0x32C0];
	v8 =	vunpack.i.u.bf16.f32 v5;
	v22 =	vunpack.i.l.bf16.f32 v5;
	v12 =	vunpack.i.u.bf16.f32 v7  }
0x1bc: {  	v16 =	vld [tilespmem:s29+$0x32B0];
	v7 =	vunpack.i.l.bf16.f32 v7;
	v14 =	vunpack.i.u.bf16.f32 v9;
	v9 =	vunpack.i.l.bf16.f32 v9  }
0x1bd: {  	v5 =	vld [tilespmem:s29+$0x32E0];
	v23 =	vunpack.i.u.bf16.f32 v11;
	v3 =	vadd.f32 v3, v20;
	v8 =	vadd.f32 v22, v8  }
0x1be: {  	v11 =	vunpack.i.l.bf16.f32 v11;
	v20 =	vld [tilespmem:s29+$0x12C0];
	v7 =	vadd.f32 v7, v12;
	v9 =	vadd.f32 v9, v14  }
0x1bf: {  	v22 =	vld [tilespmem:s29+$0x32D0];
	v14 =	vunpack.i.u.bf16.f32 v13;
	v13 =	vunpack.i.l.bf16.f32 v13;
	v11 =	vadd.f32 v11, v23  }
0x1c0: {  	v12 =	vld [tilespmem:s29+$0x12D0];
	v13 =	vadd.f32 v13, v14;
	v3 =	vadd.f32 v8, v3;
	v8 =	vmul.bf16 v17, v18  }
0x1c1: {  	v14 =	vld [tilespmem:s29+$0x12A0];
	v9 =	vadd.f32 v9, v7;
	v4 =	vmul.bf16 v19, v4;
	v17 =	vunpack.i.u.bf16.f32 v15  }
0x1c2: {  	v15 =	vunpack.i.l.bf16.f32 v15;
	v6 =	vmul.bf16 v6, v21;
	v21 =	vld [tilespmem:s29+$0x3260];
	v11 =	vadd.f32 v13, v11  }
0x1c3: {  	v13 =	vld [tilespmem:s29+$0x12B0];
	v15 =	vadd.f32 v15, v17;
	v18 =	vunpack.i.u.bf16.f32 v8;
	v8 =	vunpack.i.l.bf16.f32 v8;
	(xrf2) =	vadd.scan.msk.f32 $0xffff, v3  }
0x1c4: {  	v17 =	vld [tilespmem:s29+$0x1260];
	v19 =	vunpack.i.u.bf16.f32 v4;
	v4 =	vunpack.i.l.bf16.f32 v4;
	v3 =	vunpack.i.u.bf16.f32 v6  }
0x1c5: {  	v6 =	vunpack.i.l.bf16.f32 v6;
	v8 =	vadd.f32 v8, v18;
	v18 =	vld [tilespmem:s29+$0x3270];
	v10 =	vmul.bf16 v10, v20  }
0x1c6: {  	(xrf2) =	vadd.scan.msk.f32 $0xffff, v9;
	v4 =	vadd.f32 v4, v19;
	v3 =	vadd.f32 v6, v3;
	v6 =	vld [tilespmem:s29+$0x1270]  }
0x1c7: {  	v9 =	vmul.bf16 v22, v12;
	v19 =	vld [tilespmem:s29+$0x3240];
	(xrf2) =	vadd.scan.msk.f32 $0xffff, v11;
	v11 =	vmul.bf16 v63, v14;
	v12 =	vunpack.i.u.bf16.f32 v10  }
0x1c8: {  	v20 =	vld [tilespmem:s29+$0x3250];
	v10 =	vunpack.i.l.bf16.f32 v10;
	v4 =	vadd.f32 v3, v4;
	v3 =	vadd.f32 v8, v15  }
0x1c9: {  	v14 =	vld [tilespmem:s29+$0x1240];
	v13 =	vmul.bf16 v16, v13;
	v16 =	vunpack.i.u.bf16.f32 v9;
	v9 =	vunpack.i.l.bf16.f32 v9  }
0x1ca: {  	v22 =	vunpack.i.u.bf16.f32 v11;
	v23 =	vadd.f32 v10, v12;
	v9 =	vadd.f32 v9, v16;
	v16 =	vld [tilespmem:s29+$0x1250];
	(xrf2) =	vadd.scan.msk.f32 $0xffff, v3  }
0x1cb: {  	v7 =	vld [tilespmem:s29+$0x3280];
	v11 =	vunpack.i.l.bf16.f32 v11;
	v12 =	vunpack.i.u.bf16.f32 v13;
	v13 =	vunpack.i.l.bf16.f32 v13  }
0x1cc: {  	v15 =	vld [tilespmem:s29+$0x1210];
	v22 =	vadd.f32 v11, v22;
	v13 =	vadd.f32 v13, v12  }
0x1cd: {  	v10 =	vld [tilespmem:s29+$0x3200];
	v17 =	vmul.bf16 v21, v17;
	v6 =	vmul.bf16 v18, v6;
	v3, _, _ =	vpop (xrf2);
	(xrf2) =	vadd.scan.msk.f32 $0xffff, v4  }
0x1ce: {  	v12 =	vld [tilespmem:s29+$0x1200];
	v21 =	vadd.f32 v9, v23;
	v19 =	vmul.bf16 v19, v14;
	v8 =	vadd.f32 v13, v22  }
0x1cf: {  	v11 =	vld [tilespmem:s29+$0x3210];
	v22 =	vmul.bf16 v20, v16;
	v20 =	vunpack.i.u.bf16.f32 v6;
	v6 =	vunpack.i.l.bf16.f32 v6  }
0x1d0: {  	v14 =	vunpack.i.u.bf16.f32 v17;
	v17 =	vunpack.i.l.bf16.f32 v17;
	v9 =	vld [tilespmem:s29+$0x3220];
	v4, _, _ =	vpop (xrf2);
	(xrf2) =	vadd.scan.msk.f32 $0xffff, v21  }
0x1d1: {  	v13 =	vld [tilespmem:s29+$0x1220];
	v18 =	vunpack.i.u.bf16.f32 v19;
	v19 =	vunpack.i.l.bf16.f32 v19;
	v16 =	vadd.f32 v17, v14  }
0x1d2: {  	s30 =	simm.s32 $0x1000;
	v14 =	vld [tilespmem:s29+$0x3230];
	v17 =	vadd.f32 v6, v20;
	v20 =	vunpack.i.u.bf16.f32 v22;
	v21 =	vunpack.i.l.bf16.f32 v22;
	v6, _, _ =	vpop (xrf2)  }
.LBB2_5:
0x1d3: {  	p1 =	sne.s32 s30, $0x3800;
	v10 =	vmul.bf16 v10, v12;
	v12 =	vld [tilespmem:s29+$0x1230];
	v18 =	vadd.f32 v19, v18;
	v19 =	vadd.f32 v21, v20;
	(xrf2) =	vadd.scan.msk.f32 $0xffff, v8  }
0x1d4: {  	v22 =	vadd.f32 v17, v16;
	v11 =	vmul.bf16 v11, v15;
	v16 =	vld [tilespmem:s29+$0x1280];
	v8, _, _ =	vpop (xrf2)  }
0x1d5: {  	v17 =	vunpack.i.u.bf16.f32 v10;
	v18 =	vadd.f32 v19, v18;
	v19 =	vld [tilespmem:s29+$0x3290]  }
0x1d6: {  	v10 =	vunpack.i.l.bf16.f32 v10;
	v20 =	vunpack.i.u.bf16.f32 v11;
	v11 =	vunpack.i.l.bf16.f32 v11;
	v21 =	vld [tilespmem:s29+$0x1290];
	(xrf2) =	vadd.scan.msk.f32 $0xffff, v22  }
0x1d7: {  	v10 =	vadd.f32 v10, v17;
	v9 =	vmul.bf16 v9, v13;
	v11 =	vadd.f32 v11, v20;
	v13 =	vld [tilespmem:s29+$0x12E0];
	v15, _, _ =	vpop (xrf2)  }
0x1d8: {  	v12 =	vmul.bf16 v14, v12;
	v14 =	vld [tilespmem:s29+$0x32F0]  }
0x1d9: {  	v10 =	vadd.f32 v11, v10;
	v11 =	vunpack.i.u.bf16.f32 v9;
	v7 =	vmul.bf16 v7, v16;
	v16 =	vld [tilespmem:s29+$0x12F0];
	(xrf2) =	vadd.scan.msk.f32 $0xffff, v18  }
0x1da: {  	v9 =	vunpack.i.l.bf16.f32 v9;
	v17 =	vunpack.i.u.bf16.f32 v12;
	v12 =	vunpack.i.l.bf16.f32 v12;
	v18 =	vld [tilespmem:s29+$0x1340];
	v20, _, _ =	vpop (xrf2)  }
0x1db: {  	v9 =	vadd.f32 v9, v11;
	v11 =	vadd.f32 v12, v17;
	v12 =	vmul.bf16 v19, v21;
	v17 =	vld [tilespmem:s29+$0x3350]  }
0x1dc: {  	v19 =	vunpack.i.u.bf16.f32 v7;
	v7 =	vunpack.i.l.bf16.f32 v7;
	v5 =	vmul.bf16 v5, v13;
	v13 =	vld [tilespmem:s29+$0x1350];
	(xrf2) =	vadd.scan.msk.f32 $0xffff, v10  }
0x1dd: {  	v9 =	vadd.f32 v11, v9;
	v10 =	vunpack.i.u.bf16.f32 v12;
	v11 =	vunpack.i.l.bf16.f32 v12;
	v12 =	vld [tilespmem:s29+$0x13A0];
	v21, _, _ =	vpop (xrf2)  }
0x1de: {  	v7 =	vadd.f32 v7, v19;
	v10 =	vadd.f32 v11, v10;
	v11 =	vmul.bf16 v14, v16;
	v14 =	vld [tilespmem:s29+$0x33B0]  }
0x1df: {  	v16 =	vunpack.i.u.bf16.f32 v5;
	v5 =	vunpack.i.l.bf16.f32 v5;
	v2 =	vmul.bf16 v2, v18;
	v18 =	vld [tilespmem:s29+$0x13B0];
	(xrf2) =	vadd.scan.msk.f32 $0xffff, v9  }
0x1e0: {  	v7 =	vadd.f32 v10, v7;
	v9 =	vunpack.i.u.bf16.f32 v11;
	v10 =	vunpack.i.l.bf16.f32 v11;
	v11 =	vld [tilespmem:s29+$0x13E0];
	v19, _, _ =	vpop (xrf2)  }
0x1e1: {  	v5 =	vadd.f32 v5, v16;
	v9 =	vadd.f32 v10, v9;
	v17 =	vmul.bf16 v17, v13;
	v13 =	vld [tilespmem:s29+$0x33F0]  }
0x1e2: {  	v16 =	vunpack.i.u.bf16.f32 v2;
	v2 =	vunpack.i.l.bf16.f32 v2;
	v1 =	vmul.bf16 v1, v12;
	v12 =	vld [tilespmem:s29+$0x13F0];
	(xrf2) =	vadd.scan.msk.f32 $0xffff, v7  }
0x1e3: {  	v5 =	vadd.f32 v9, v5;
	v7 =	vunpack.i.u.bf16.f32 v17;
	v9 =	vunpack.i.l.bf16.f32 v17;
	v10, _, _ =	vpop (xrf2)  }
0x1e4: {  	v2 =	vadd.f32 v2, v16;
	v7 =	vadd.f32 v9, v7;
	v16 =	vmul.bf16 v14, v18  }
0x1e5: {  	v14 =	vunpack.i.u.bf16.f32 v1;
	v1 =	vunpack.i.l.bf16.f32 v1;
	v0 =	vmul.bf16 v0, v11;
	(xrf2) =	vadd.scan.msk.f32 $0xffff, v5  }
0x1e6: {  	v2 =	vadd.f32 v7, v2;
	v5 =	vunpack.i.u.bf16.f32 v16;
	v7 =	vunpack.i.l.bf16.f32 v16;
	v9, _, _ =	vpop (xrf2)  }
0x1e7: {  	v1 =	vadd.f32 v1, v14;
	v14 =	vadd.f32 v7, v5;
	v7 =	vmul.bf16 v13, v12  }
0x1e8: {  	v11 =	vunpack.i.u.bf16.f32 v0;
	(xrf2) =	vadd.scan.msk.f32 $0xffff, v2  }
0x1e9: {  	v0 =	vunpack.i.l.bf16.f32 v0;
	v1 =	vadd.f32 v14, v1;
	v2 =	vunpack.i.u.bf16.f32 v7;
	v5, _, _ =	vpop (xrf2)  }
0x1ea: {  	v9 =	vbroadcast v9, $0xF;
	v12 =	vunpack.i.l.bf16.f32 v7;
	v5 =	vbroadcast v5, $0xF  }
0x1eb: {  	v10 =	vbroadcast v10, $0xF;
	v0 =	vadd.f32 v0, v11;
	v2 =	vadd.f32 v12, v2;
	(xrf2) =	vadd.scan.msk.f32 $0xffff, v1  }
0x1ec: {  	v1 =	vsel vm0, v9, v5;
	v5 =	vbroadcast v19, $0xF;
	v7, _, _ =	vpop (xrf2)  }
0x1ed: {  	v0 =	vadd.f32 v2, v0;
	v1 =	vsel vm1, v1, v10;
	v9 =	vbroadcast v7, $0xF  }
0x1ee: {  	v2 =	vbroadcast v21, $0xF;
	v1 =	vsel vm2, v1, v5  }
0x1ef: {  	v1 =	vsel vm3, v1, v9;
	v9 =	vbroadcast v20, $0xF;
	v7, _, _ =	vpop (xrf2);
	(xrf2) =	vadd.scan.msk.f32 $0xffff, v0  }
0x1f0: {  	v0 =	vsel vm4, v1, v2;
	v1 =	vbroadcast v7, $0xF  }
0x1f1: {  	v2 =	vbroadcast v15, $0xF;
	v0 =	vsel vm5, v0, v9  }
0x1f2: {  	v0 =	vsel vm6, v0, v1;
	v1 =	vbroadcast v8, $0xF;
	v5, _, _ =	vpop (xrf2)  }
0x1f3: {  	v0 =	vsel vm7, v0, v2;
	v2 =	vbroadcast v5, $0xF  }
0x1f4: {  	v0 =	vsel vm8, v0, v1;
	v1 =	vbroadcast v6, $0xF  }
0x1f5: {  	v0 =	vsel vm9, v0, v2;
	v2 =	vbroadcast v4, $0xF;
	v4, _, _ =	vpop (xrf2)  }
0x1f6: {  	v0 =	vsel vm10, v0, v1;
	v4 =	vbroadcast v4, $0xF  }
0x1f7: {  	v0 =	vsel vm11, v0, v2;
	v2 =	vbroadcast v3, $0xF  }
0x1f8: {  	v0 =	vsel vm12, v0, v4  }
0x1f9: {  	v0 =	vsel vm13, v0, v2;
	v1, _, _ =	vpop (xrf2)  }
0x1fa: {  	s28 =	sadd.s32 $0x10, s28;
	v0 =	vsel vm14, v0, v1  }
0x1fb: {  	s29 =	sshra.s32 s30, $0x2;
	[tilespmem:s28+$0x0] =	vst v0  }
0x1fc: {  	v0 =	vld [tilespmem:s29+$0x33E0]  }
0x1fd: {  	v3 =	vld [tilespmem:s29+$0x33C0]  }
0x1fe: {  	v4 =	vld [tilespmem:s29+$0x13C0]  }
0x1ff: {  	v5 =	vld [tilespmem:s29+$0x33D0]  }
0x200: {  	v6 =	vld [tilespmem:s29+$0x13D0]  }
0x201: {  	v1 =	vld [tilespmem:s29+$0x33A0]  }
0x202: {  	v7 =	vld [tilespmem:s29+$0x3380]  }
0x203: {  	v8 =	vld [tilespmem:s29+$0x1380]  }
0x204: {  	v9 =	vld [tilespmem:s29+$0x3390]  }
0x205: {  	v10 =	vld [tilespmem:s29+$0x1390]  }
0x206: {  	v11 =	vld [tilespmem:s29+$0x3360]  }
0x207: {  	v12 =	vld [tilespmem:s29+$0x1360]  }
0x208: {  	v13 =	vld [tilespmem:s29+$0x3370]  }
0x209: {  	v14 =	vld [tilespmem:s29+$0x1370]  }
0x20a: {  	v2 =	vld [tilespmem:s29+$0x3340]  }
0x20b: {  	v15 =	vld [tilespmem:s29+$0x3320]  }
0x20c: {  	v16 =	vld [tilespmem:s29+$0x1320]  }
0x20d: {  	v17 =	vld [tilespmem:s29+$0x3330]  }
0x20e: {  	v3 =	vmul.bf16 v3, v4;
	v18 =	vld [tilespmem:s29+$0x1330]  }
0x20f: {  	v5 =	vmul.bf16 v5, v6;
	v4 =	vld [tilespmem:s29+$0x3300]  }
0x210: {  	v19 =	vunpack.i.u.bf16.f32 v3;
	v3 =	vunpack.i.l.bf16.f32 v3;
	v6 =	vld [tilespmem:s29+$0x1300]  }
0x211: {  	v7 =	vmul.bf16 v7, v8;
	v8 =	vunpack.i.u.bf16.f32 v5;
	v5 =	vunpack.i.l.bf16.f32 v5;
	v20 =	vld [tilespmem:s29+$0x3310]  }
0x212: {  	v3 =	vadd.f32 v3, v19;
	v8 =	vadd.f32 v5, v8;
	v9 =	vmul.bf16 v9, v10;
	v21 =	vld [tilespmem:s29+$0x1310]  }
0x213: {  	v10 =	vmul.bf16 v11, v12;
	v11 =	vunpack.i.u.bf16.f32 v7;
	v7 =	vunpack.i.l.bf16.f32 v7;
	v5 =	vld [tilespmem:s29+$0x32E0]  }
0x214: {  	v13 =	vmul.bf16 v13, v14;
	v14 =	vunpack.i.u.bf16.f32 v9;
	v9 =	vunpack.i.l.bf16.f32 v9;
	v12 =	vld [tilespmem:s29+$0x32C0]  }
0x215: {  	v7 =	vadd.f32 v7, v11;
	v22 =	vunpack.i.u.bf16.f32 v10;
	v9 =	vadd.f32 v9, v14;
	v19 =	vld [tilespmem:s29+$0x12C0]  }
0x216: {  	v10 =	vunpack.i.l.bf16.f32 v10;
	v14 =	vunpack.i.u.bf16.f32 v13;
	v13 =	vunpack.i.l.bf16.f32 v13;
	v11 =	vld [tilespmem:s29+$0x32D0]  }
0x217: {  	v10 =	vadd.f32 v10, v22;
	v13 =	vadd.f32 v13, v14;
	v23 =	vld [tilespmem:s29+$0x12D0]  }
0x218: {  	v3 =	vadd.f32 v8, v3;
	v15 =	vmul.bf16 v15, v16;
	v14 =	vld [tilespmem:s29+$0x32A0]  }
0x219: {  	v9 =	vadd.f32 v9, v7;
	v16 =	vmul.bf16 v17, v18;
	v10 =	vadd.f32 v13, v10;
	v8 =	vld [tilespmem:s29+$0x12A0]  }
0x21a: {  	v4 =	vmul.bf16 v4, v6;
	v6 =	vunpack.i.u.bf16.f32 v15;
	v15 =	vunpack.i.l.bf16.f32 v15;
	v13 =	vld [tilespmem:s29+$0x32B0];
	(xrf2) =	vadd.scan.msk.f32 $0xffff, v3  }
0x21b: {  	v18 =	vunpack.i.u.bf16.f32 v16;
	v16 =	vunpack.i.l.bf16.f32 v16;
	v17 =	vmul.bf16 v20, v21;
	v3 =	vld [tilespmem:s29+$0x12B0]  }
0x21c: {  	v6 =	vadd.f32 v15, v6;
	v15 =	vadd.f32 v16, v18;
	v20 =	vunpack.i.u.bf16.f32 v4;
	v7 =	vld [tilespmem:s29+$0x3280]  }
0x21d: {  	v4 =	vunpack.i.l.bf16.f32 v4;
	v18 =	vunpack.i.u.bf16.f32 v17;
	v17 =	vunpack.i.l.bf16.f32 v17;
	v16 =	vld [tilespmem:s29+$0x3260];
	(xrf2) =	vadd.scan.msk.f32 $0xffff, v9  }
0x21e: {  	v4 =	vadd.f32 v4, v20;
	v17 =	vadd.f32 v17, v18;
	v9 =	vld [tilespmem:s29+$0x1260]  }
0x21f: {  	v12 =	vmul.bf16 v12, v19;
	v18 =	vld [tilespmem:s29+$0x3270]  }
0x220: {  	v6 =	vadd.f32 v15, v6;
	v11 =	vmul.bf16 v11, v23;
	v4 =	vadd.f32 v17, v4;
	v19 =	vld [tilespmem:s29+$0x1270];
	(xrf2) =	vadd.scan.msk.f32 $0xffff, v10  }
0x221: {  	v8 =	vmul.bf16 v14, v8;
	v10 =	vunpack.i.u.bf16.f32 v12;
	v12 =	vunpack.i.l.bf16.f32 v12;
	v17 =	vld [tilespmem:s29+$0x3240]  }
0x222: {  	v22 =	vmul.bf16 v13, v3;
	v13 =	vunpack.i.u.bf16.f32 v11;
	v11 =	vunpack.i.l.bf16.f32 v11;
	v14 =	vld [tilespmem:s29+$0x1240]  }
0x223: {  	v15 =	vunpack.i.u.bf16.f32 v8;
	v21 =	vadd.f32 v12, v10;
	v13 =	vadd.f32 v11, v13;
	v20 =	vld [tilespmem:s29+$0x3250];
	(xrf2) =	vadd.scan.msk.f32 $0xffff, v6  }
0x224: {  	v8 =	vunpack.i.l.bf16.f32 v8;
	v11 =	vunpack.i.u.bf16.f32 v22;
	v12 =	vunpack.i.l.bf16.f32 v22;
	v6 =	vld [tilespmem:s29+$0x1250];
	v3, _, _ =	vpop (xrf2)  }
0x225: {  	v8 =	vadd.f32 v8, v15;
	v15 =	vadd.f32 v12, v11;
	v10 =	vld [tilespmem:s29+$0x3200]  }
0x226: {  	v9 =	vmul.bf16 v16, v9;
	v12 =	vld [tilespmem:s29+$0x1200];
	(xrf2) =	vadd.scan.msk.f32 $0xffff, v4  }
.Ltmp3:
0x227: {  	v13 =	vadd.f32 v13, v21;
	v16 =	vmul.bf16 v18, v19;
	v8 =	vadd.f32 v15, v8;
	v11 =	vld [tilespmem:s29+$0x3210];
	v4, _, _ =	vpop (xrf2);
	(pc) =	sbr.rel @p1 .LBB2_5-.Ltmp3, $4  }
0x228: {  	v19 =	vmul.bf16 v17, v14;
	v14 =	vunpack.i.u.bf16.f32 v9;
	v17 =	vunpack.i.l.bf16.f32 v9;
	v15 =	vld [tilespmem:s29+$0x1210]  }
0x229: {  	v22 =	vunpack.i.u.bf16.f32 v16;
	v9 =	vld [tilespmem:s29+$0x3220];
	v21 =	vmul.bf16 v20, v6;
	v20 =	vunpack.i.l.bf16.f32 v16;
	(xrf2) =	vadd.scan.msk.f32 $0xffff, v13  }
0x22a: {  	v18 =	vunpack.i.u.bf16.f32 v19;
	v16 =	vadd.f32 v17, v14;
	v13 =	vld [tilespmem:s29+$0x1220];
	v17 =	vadd.f32 v20, v22;
	v6, _, _ =	vpop (xrf2)  }
0x22b: {  	s30 =	sadd.s32 $0x800, s30;
	v19 =	vunpack.i.l.bf16.f32 v19;
	v14 =	vld [tilespmem:s29+$0x3230];
	v20 =	vunpack.i.u.bf16.f32 v21;
	v21 =	vunpack.i.l.bf16.f32 v21  }
0x22c: {  	v45 =	vld [tilespmem:s29+$0x1230]  }
0x22d: {  	v46 =	vld [tilespmem:s29+$0x1280]  }
0x22e: {  	v10 =	vmul.bf16 v10, v12;
	v18 =	vadd.f32 v19, v18;
	v47 =	vadd.f32 v21, v20;
	v49 =	vld [tilespmem:s29+$0x3290]  }
0x22f: {  	v23 =	vld [tilespmem:s29+$0x1290];
	v16 =	vadd.f32 v17, v16;
	v11 =	vmul.bf16 v11, v15  }
0x230: {  	v50 =	vld [tilespmem:s29+$0x12E0];
	v48 =	vunpack.i.u.bf16.f32 v10;
	v10 =	vunpack.i.l.bf16.f32 v10;
	v51 =	vadd.f32 v47, v18  }
0x231: {  	v22 =	vunpack.i.u.bf16.f32 v11;
	v11 =	vunpack.i.l.bf16.f32 v11;
	v9 =	vmul.bf16 v9, v13  }
0x232: {  	v52 =	vld [tilespmem:s29+$0x32F0];
	v10 =	vadd.f32 v10, v48;
	v11 =	vadd.f32 v11, v22;
	v12 =	vmul.bf16 v14, v45  }
0x233: {  	v54 =	vld [tilespmem:s29+$0x12F0];
	v53 =	vunpack.i.u.bf16.f32 v9;
	v7 =	vmul.bf16 v7, v46;
	v9 =	vunpack.i.l.bf16.f32 v9  }
0x234: {  	v56 =	vld [tilespmem:s29+$0x1340];
	v59 =	vmul.bf16 v49, v23;
	v55 =	vunpack.i.u.bf16.f32 v12;
	v12 =	vunpack.i.l.bf16.f32 v12  }
0x235: {  	(xrf2) =	vadd.scan.msk.f32 $0xffff, v8;
	v60 =	vld [tilespmem:s29+$0x3350];
	v5 =	vmul.bf16 v5, v50;
	v57 =	vadd.f32 v9, v53;
	v58 =	vadd.f32 v12, v55  }
0x236: {  	v62 =	vld [tilespmem:s29+$0x1350];
	(xrf2) =	vadd.scan.msk.f32 $0xffff, v16;
	v10 =	vadd.f32 v11, v10;
	v61 =	vunpack.i.u.bf16.f32 v7;
	v7 =	vunpack.i.l.bf16.f32 v7  }
0x237: {  	v20 =	vld [tilespmem:s29+$0x13A0];
	(xrf2) =	vadd.scan.msk.f32 $0xffff, v51;
	v63 =	vunpack.i.u.bf16.f32 v59;
	v11 =	vunpack.i.l.bf16.f32 v59;
	v8 =	vadd.f32 v58, v57  }
0x238: {  	v24 =	vld [tilespmem:s29+$0x13B0];
	v21 =	vmul.bf16 v52, v54;
	(xrf2) =	vadd.scan.msk.f32 $0xffff, v10;
	v7 =	vadd.f32 v7, v61;
	v9 =	vadd.f32 v11, v63  }
0x239: {  	v22 =	vld [tilespmem:s29+$0x33B0];
	v2 =	vmul.bf16 v2, v56;
	v23 =	vunpack.i.u.bf16.f32 v5;
	v5 =	vunpack.i.l.bf16.f32 v5;
	(xrf2) =	vadd.scan.msk.f32 $0xffff, v8  }
0x23a: {  	v27 =	vld [tilespmem:s29+$0x13E0];
	v25 =	vunpack.i.u.bf16.f32 v21;
	v26 =	vunpack.i.l.bf16.f32 v21;
	v7 =	vadd.f32 v9, v7  }
0x23b: {  	v29 =	vld [tilespmem:s29+$0x33F0];
	v28 =	vmul.bf16 v60, v62;
	v5 =	vadd.f32 v5, v23;
	v8 =	vadd.f32 v26, v25  }
0x23c: {  	v32 =	vld [tilespmem:s29+$0x13F0];
	v30, _, _ =	vpop (xrf2);
	v1 =	vmul.bf16 v1, v20;
	v31 =	vunpack.i.u.bf16.f32 v2;
	v2 =	vunpack.i.l.bf16.f32 v2;
	(xrf2) =	vadd.scan.msk.f32 $0xffff, v7  }
0x23d: {  	v33, _, _ =	vpop (xrf2);
	v34 =	vunpack.i.u.bf16.f32 v28;
	v9 =	vunpack.i.l.bf16.f32 v28;
	v5 =	vadd.f32 v8, v5  }
0x23e: {  	v35, _, _ =	vpop (xrf2);
	v2 =	vadd.f32 v2, v31;
	v36 =	vmul.bf16 v22, v24;
	v8 =	vadd.f32 v9, v34  }
0x23f: {  	v0 =	vmul.bf16 v0, v27;
	v38 =	vunpack.i.u.bf16.f32 v1;
	v1 =	vunpack.i.l.bf16.f32 v1;
	v37, _, _ =	vpop (xrf2);
	(xrf2) =	vadd.scan.msk.f32 $0xffff, v5  }
0x240: {  	v40 =	vunpack.i.u.bf16.f32 v36;
	v39, _, _ =	vpop (xrf2);
	v9 =	vunpack.i.l.bf16.f32 v36;
	v2 =	vadd.f32 v8, v2  }
0x241: {  	v42 =	vmul.bf16 v29, v32;
	v1 =	vadd.f32 v1, v38;
	v41, _, _ =	vpop (xrf2);
	v8 =	vadd.f32 v9, v40  }
0x242: {  	v44 =	vunpack.i.u.bf16.f32 v0;
	v43, _, _ =	vpop (xrf2);
	(xrf2) =	vadd.scan.msk.f32 $0xffff, v2  }
0x243: {  	v0 =	vunpack.i.l.bf16.f32 v0;
	v45 =	vunpack.i.u.bf16.f32 v42;
	v1 =	vadd.f32 v8, v1;
	v46, _, _ =	vpop (xrf2)  }
0x244: {  	v9 =	vunpack.i.l.bf16.f32 v42;
	v12 =	vbroadcast v43, $0xF;
	v8 =	vbroadcast v46, $0xF  }
0x245: {  	v0 =	vadd.f32 v0, v44;
	v10 =	vbroadcast v41, $0xF;
	v2 =	vadd.f32 v9, v45;
	(xrf2) =	vadd.scan.msk.f32 $0xffff, v1  }
0x246: {  	v5 =	vbroadcast v39, $0xF;
	v48, _, _ =	vpop (xrf2);
	v47 =	vsel vm0, v12, v8  }
0x247: {  	v0 =	vadd.f32 v2, v0;
	v8 =	vbroadcast v48, $0xF;
	v1 =	vsel vm1, v47, v10  }
0x248: {  	v49 =	vbroadcast v37, $0xF;
	v1 =	vsel vm2, v1, v5  }
0x249: {  	v50 =	vbroadcast v35, $0xF;
	v51, _, _ =	vpop (xrf2);
	(xrf2) =	vadd.scan.msk.f32 $0xffff, v0;
	v1 =	vsel vm3, v1, v8  }
0x24a: {  	v53 =	vbroadcast v51, $0xF;
	v52 =	vsel vm4, v1, v49  }
0x24b: {  	v54 =	vbroadcast v33, $0xF;
	v0 =	vsel vm5, v52, v50  }
0x24c: {  	v55 =	vbroadcast v30, $0xF;
	v56, _, _ =	vpop (xrf2);
	v0 =	vsel vm6, v0, v53  }
0x24d: {  	v57 =	vbroadcast v56, $0xF;
	v0 =	vsel vm7, v0, v54  }
0x24e: {  	v58 =	vbroadcast v6, $0xF;
	v0 =	vsel vm8, v0, v55  }
0x24f: {  	v59 =	vbroadcast v4, $0xF;
	v60, _, _ =	vpop (xrf2);
	v0 =	vsel vm9, v0, v57  }
0x250: {  	v61 =	vbroadcast v60, $0xF;
	v0 =	vsel vm10, v0, v58  }
0x251: {  	v62 =	vbroadcast v3, $0xF;
	v0 =	vsel vm11, v0, v59  }
0x252: {  	v0 =	vsel vm12, v0, v61  }
0x253: {  	s26 =	sshll.u32 s26, $0x4;
	v63, _, _ =	vpop (xrf2);
	v0 =	vsel vm13, v0, v62  }
0x254: {  	s28 =	sadd.s32 $0x10, s28;
	s26 =	sand.u32 $0x1FFFFFF0, s26;
	v0 =	vsel vm14, v0, v63  }
0x255: {  	s25 =	sadd.s32 $0x1, s25;
	s26 =	sadd.s32 s6, s26;
	[tilespmem:s28+$0x0] =	vst v0  }
0x256: {  	[hbm4b:s26+s2] =	stream.linear.scatter [tilespmem:s21], [sflag:$0x4], $0x80, $0x38;
	[tilespmem:$0x4300] =	vst v63  }
0x257: {  	p1 =	sne.s32 s25, $0x4E;
	_ =	swait.ge [sflag:s22], $0x80  }
.Ltmp4:
0x258: {  	[sflag:s22] =	ssyncset.done $0x0;
	(pc) =	sbr.rel @p1 .LBB2_2-.Ltmp4, $4  }
0x259: {  	[sflag:s22] =	ssyncadd.s32 $0xFFFFFF80  }
0x25a: {  	_ =	swait.ge [sflag:s23], $0x80  }
0x25b: {  	[sflag:s23] =	ssyncset.done $0x0  }
0x25c: {  	[sflag:s23] =	ssyncadd.s32 $0xFFFFFF80  }
.Ltmp5:
0x25d: {  	(pc) =	sbr.rel @p0 .LBB2_11-.Ltmp5, $1  }
0x25e: {  	_ =	sdelay $0x3  }
0x25f: {  	s25 =	simm.s32 $0x0  }
0x260: {  	[tilespmem:s25], [sflag:$0x5] =	stream.linear.gather [hbm4b:s7+s25], $0x100, $0x38;
	[tilespmem:$0x4300] =	vst v63  }
0x261: {  	_ =	swait.ge [sflag:s10], $0x100  }
0x262: {  	[sflag:s10] =	ssyncset.done $0x0  }
0x263: {  	[sflag:s10] =	ssyncadd.s32 $0xFFFFFF00  }
0x264: {  	[tilespmem:s12], [sflag:$0x1] =	stream.indirect.gather [hbm4b:s3+s11], $0x20, s25, s11, $0xb8;
	[tilespmem:$0x4300] =	vst v63  }
0x265: {  	_ = 	snop  }
0x266: {  	[tilespmem:s13], [sflag:$0x1] =	stream.indirect.gather [hbm4b:s3+s11], $0x20, s11, s11, $0xb8;
	[tilespmem:$0x4300] =	vst v63  }
0x267: {  	_ =	swait.ge [sflag:s18], $0x1000  }
0x268: {  	[sflag:s18] =	ssyncset.done $0x0  }
0x269: {  	[sflag:s18] =	ssyncadd.s32 $0xFFFFF000  }
0x26a: {  	_ =	swait.ge [sflag:s18], $0x1000  }
0x26b: {  	[sflag:s18] =	ssyncset.done $0x0  }
0x26c: {  	s31 =	simm.s32 $0x0;
	[sflag:s18] =	ssyncadd.s32 $0xFFFFF000  }
0x26d: {  	v3 =	vld [tilespmem:s31+$0x23C0]  }
0x26e: {  	v4 =	vld [tilespmem:s31+$0x3C0]  }
0x26f: {  	v5 =	vld [tilespmem:s31+$0x23D0]  }
0x270: {  	v6 =	vld [tilespmem:s31+$0x3D0]  }
0x271: {  	v7 =	vld [tilespmem:s31+$0x2380]  }
0x272: {  	v8 =	vld [tilespmem:s31+$0x380]  }
0x273: {  	v9 =	vld [tilespmem:s31+$0x2390]  }
0x274: {  	v10 =	vld [tilespmem:s31+$0x390]  }
0x275: {  	v11 =	vld [tilespmem:s31+$0x2360]  }
0x276: {  	v12 =	vld [tilespmem:s31+$0x360]  }
0x277: {  	v13 =	vld [tilespmem:s31+$0x2370]  }
0x278: {  	v14 =	vld [tilespmem:s31+$0x370]  }
0x279: {  	v2 =	vld [tilespmem:s31+$0x2340]  }
0x27a: {  	v15 =	vld [tilespmem:s31+$0x2320]  }
0x27b: {  	v16 =	vld [tilespmem:s31+$0x320]  }
0x27c: {  	v17 =	vld [tilespmem:s31+$0x2330]  }
0x27d: {  	v18 =	vld [tilespmem:s31+$0x330]  }
0x27e: {  	v19 =	vld [tilespmem:s31+$0x2300]  }
0x27f: {  	v20 =	vld [tilespmem:s31+$0x300]  }
0x280: {  	v21 =	vld [tilespmem:s31+$0x2310];
	v4 =	vmul.bf16 v3, v4  }
0x281: {  	v22 =	vld [tilespmem:s31+$0x310];
	v5 =	vmul.bf16 v5, v6  }
0x282: {  	v23 =	vld [tilespmem:s31+$0x22C0];
	v7 =	vmul.bf16 v7, v8;
	v9 =	vmul.bf16 v9, v10;
	v6 =	vunpack.i.u.bf16.f32 v4  }
0x283: {  	v24 =	vld [tilespmem:s31+$0x2C0];
	v4 =	vunpack.i.l.bf16.f32 v4;
	v8 =	vunpack.i.u.bf16.f32 v5;
	v5 =	vunpack.i.l.bf16.f32 v5  }
0x284: {  	v56 =	vld [tilespmem:s31+$0x22B0];
	v26 =	vunpack.i.u.bf16.f32 v9;
	v4 =	vadd.f32 v4, v6;
	v6 =	vmul.bf16 v11, v12  }
0x285: {  	v57 =	vld [tilespmem:s31+$0x270];
	v5 =	vadd.f32 v5, v8;
	v8 =	vunpack.i.u.bf16.f32 v7;
	v7 =	vunpack.i.l.bf16.f32 v7  }
0x286: {  	v59 =	vld [tilespmem:s31+$0x2200];
	v9 =	vunpack.i.l.bf16.f32 v9;
	v11 =	vmul.bf16 v13, v14;
	v7 =	vadd.f32 v7, v8  }
0x287: {  	v60 =	vld [tilespmem:s31+$0x200];
	v8 =	vadd.f32 v9, v26;
	v9 =	vmul.bf16 v15, v16;
	v13 =	vunpack.i.u.bf16.f32 v6  }
0x288: {  	v10 =	vld [tilespmem:s31+$0x22D0];
	v6 =	vunpack.i.l.bf16.f32 v6;
	v25 =	vunpack.i.u.bf16.f32 v11;
	v11 =	vunpack.i.l.bf16.f32 v11  }
0x289: {  	v12 =	vld [tilespmem:s31+$0x2D0];
	v4 =	vadd.f32 v5, v4;
	v5 =	vmul.bf16 v17, v18;
	v6 =	vadd.f32 v6, v13  }
0x28a: {  	v14 =	vld [tilespmem:s31+$0x22A0];
	v18 =	vmul.bf16 v21, v22;
	v11 =	vadd.f32 v11, v25;
	v7 =	vadd.f32 v8, v7  }
0x28b: {  	v15 =	vld [tilespmem:s31+$0x2B0];
	v8 =	vmul.bf16 v19, v20;
	v16 =	vunpack.i.u.bf16.f32 v9;
	v9 =	vunpack.i.l.bf16.f32 v9  }
0x28c: {  	v13 =	vld [tilespmem:s31+$0x2A0];
	v19 =	vunpack.i.u.bf16.f32 v5;
	v5 =	vunpack.i.l.bf16.f32 v5;
	v9 =	vadd.f32 v9, v16  }
0x28d: {  	v17 =	vld [tilespmem:s31+$0x2260];
	v22 =	vunpack.i.u.bf16.f32 v18;
	v18 =	vunpack.i.l.bf16.f32 v18;
	v6 =	vadd.f32 v11, v6  }
0x28e: {  	v20 =	vld [tilespmem:s31+$0x260];
	v21 =	vunpack.i.u.bf16.f32 v8;
	v8 =	vunpack.i.l.bf16.f32 v8;
	v5 =	vadd.f32 v5, v19  }
0x28f: {  	v16 =	vld [tilespmem:s31+$0x2270];
	v18 =	vadd.f32 v18, v22;
	v8 =	vadd.f32 v8, v21;
	v21 =	vmul.bf16 v23, v24  }
0x290: {  	v22 =	vld [tilespmem:s31+$0x2240];
	v10 =	vmul.bf16 v10, v12;
	v15 =	vmul.bf16 v56, v15;
	v5 =	vadd.f32 v5, v9  }
0x291: {  	v23 =	vld [tilespmem:s31+$0x250];
	v12 =	vmul.bf16 v14, v13;
	v8 =	vadd.f32 v18, v8;
	v14 =	vunpack.i.u.bf16.f32 v21  }
0x292: {  	v13 =	vld [tilespmem:s31+$0x240];
	v19 =	vunpack.i.l.bf16.f32 v21;
	v58 =	vunpack.i.u.bf16.f32 v15;
	v15 =	vunpack.i.l.bf16.f32 v15  }
0x293: {  	v18 =	vld [tilespmem:s31+$0x2250];
	v17 =	vmul.bf16 v17, v20;
	v15 =	vadd.f32 v15, v58;
	v14 =	vadd.f32 v19, v14  }
0x294: {  	v62 =	vld [tilespmem:s31+$0x290];
	v9 =	vmul.bf16 v16, v57;
	v21 =	vunpack.i.u.bf16.f32 v12;
	v12 =	vunpack.i.l.bf16.f32 v12  }
0x295: {  	v19 =	vld [tilespmem:s31+$0x2210];
	v12 =	vadd.f32 v12, v21;
	v21 =	vunpack.i.u.bf16.f32 v10;
	v10 =	vunpack.i.l.bf16.f32 v10  }
0x296: {  	v16 =	vld [tilespmem:s31+$0x2220];
	v20 =	vunpack.i.u.bf16.f32 v9;
	v9 =	vunpack.i.l.bf16.f32 v9;
	v10 =	vadd.f32 v10, v21  }
0x297: {  	v9 =	vadd.f32 v9, v20;
	v20 =	vmul.bf16 v59, v60;
	v12 =	vadd.f32 v15, v12;
	v15 =	vld [tilespmem:s31+$0x210]  }
0x298: {  	(xrf2) =	vadd.scan.msk.f32 $0xffff, v4;
	v21 =	vld [tilespmem:s31+$0x220];
	v13 =	vmul.bf16 v22, v13;
	v18 =	vmul.bf16 v18, v23;
	v10 =	vadd.f32 v10, v14  }
0x299: {  	(xrf2) =	vadd.scan.msk.f32 $0xffff, v7;
	v23 =	vld [tilespmem:s31+$0x230];
	v14 =	vunpack.i.u.bf16.f32 v17;
	v17 =	vunpack.i.l.bf16.f32 v17;
	v7 =	vunpack.i.l.bf16.f32 v20  }
0x29a: {  	v22 =	vunpack.i.u.bf16.f32 v13;
	v14 =	vadd.f32 v17, v14;
	v17 =	vld [tilespmem:s31+$0x2230];
	v13 =	vunpack.i.l.bf16.f32 v13  }
0x29b: {  	v11 =	vld [tilespmem:s31+$0x2280];
	v61 =	vunpack.i.u.bf16.f32 v18;
	v18 =	vunpack.i.l.bf16.f32 v18;
	v4 =	vadd.f32 v13, v22  }
0x29c: {  	v13 =	vadd.f32 v18, v61;
	v18 =	vunpack.i.u.bf16.f32 v20;
	v15 =	vmul.bf16 v19, v15;
	v19 =	vld [tilespmem:s31+$0x280]  }
0x29d: {  	v3 =	vld [tilespmem:s31+$0x22E0];
	(xrf2) =	vadd.scan.msk.f32 $0xffff, v6;
	v6 =	vadd.f32 v7, v18  }
0x29e: {  	(xrf2) =	vadd.scan.msk.f32 $0xffff, v5;
	v22 =	vld [tilespmem:s31+$0x2290];
	v5 =	vadd.f32 v9, v14;
	v20 =	vunpack.i.u.bf16.f32 v15;
	v15 =	vunpack.i.l.bf16.f32 v15  }
0x29f: {  	v9 =	vmul.bf16 v17, v23;
	v7 =	vadd.f32 v15, v20;
	v15 =	vmul.bf16 v16, v21;
	v16 =	vld [tilespmem:s31+$0x2E0]  }
0x2a0: {  	v4 =	vadd.f32 v13, v4;
	v13 =	vld [tilespmem:s31+$0x22F0]  }
0x2a1: {  	(xrf2) =	vadd.scan.msk.f32 $0xffff, v8;
	v14 =	vunpack.i.u.bf16.f32 v9;
	v9 =	vunpack.i.l.bf16.f32 v9;
	v8 =	vmul.bf16 v11, v19;
	v11 =	vld [tilespmem:s31+$0x2F0]  }
0x2a2: {  	(xrf2) =	vadd.scan.msk.f32 $0xffff, v10;
	v6 =	vadd.f32 v7, v6;
	v7 =	vunpack.i.u.bf16.f32 v15;
	v10 =	vunpack.i.l.bf16.f32 v15;
	v15 =	vld [tilespmem:s31+$0x340]  }
0x2a3: {  	(xrf2) =	vadd.scan.msk.f32 $0xffff, v12;
	v12 =	vld [tilespmem:s31+$0x2350];
	v9 =	vadd.f32 v9, v14;
	v7 =	vadd.f32 v10, v7;
	v10 =	vmul.bf16 v22, v62  }
0x2a4: {  	(xrf2) =	vadd.scan.msk.f32 $0xffff, v5;
	v14 =	vld [tilespmem:s31+$0x350];
	v5 =	vunpack.i.u.bf16.f32 v8;
	v8 =	vunpack.i.l.bf16.f32 v8;
	v3 =	vmul.bf16 v3, v16  }
0x2a5: {  	v1 =	vld [tilespmem:s31+$0x23A0];
	(xrf2) =	vadd.scan.msk.f32 $0xffff, v4;
	v4 =	vadd.f32 v9, v7;
	v7 =	vunpack.i.u.bf16.f32 v10;
	v9 =	vunpack.i.l.bf16.f32 v10  }
0x2a6: {  	(xrf2) =	vadd.scan.msk.f32 $0xffff, v6;
	v5 =	vadd.f32 v8, v5;
	v8 =	vld [tilespmem:s31+$0x23B0];
	v6 =	vadd.f32 v9, v7;
	v7 =	vmul.bf16 v13, v11  }
0x2a7: {  	v11 =	vunpack.i.u.bf16.f32 v3;
	v3 =	vunpack.i.l.bf16.f32 v3;
	v2 =	vmul.bf16 v2, v15;
	v13 =	vld [tilespmem:s31+$0x3B0]  }
0x2a8: {  	v10 =	vld [tilespmem:s31+$0x3A0];
	v5 =	vadd.f32 v6, v5;
	v6 =	vunpack.i.u.bf16.f32 v7;
	v7 =	vunpack.i.l.bf16.f32 v7  }
0x2a9: {  	v9, _, _ =	vpop (xrf2);
	(xrf2) =	vadd.scan.msk.f32 $0xffff, v4;
	v3 =	vadd.f32 v3, v11;
	v6 =	vadd.f32 v7, v6;
	v7 =	vmul.bf16 v12, v14  }
0x2aa: {  	v4, _, _ =	vpop (xrf2);
	v14 =	vunpack.i.u.bf16.f32 v2;
	v2 =	vunpack.i.l.bf16.f32 v2  }
0x2ab: {  	v16, _, _ =	vpop (xrf2);
	v3 =	vadd.f32 v6, v3;
	v6 =	vunpack.i.u.bf16.f32 v7;
	v7 =	vunpack.i.l.bf16.f32 v7  }
0x2ac: {  	v11 =	vld [tilespmem:s31+$0x23F0];
	v12, _, _ =	vpop (xrf2);
	v2 =	vadd.f32 v2, v14;
	v6 =	vadd.f32 v7, v6;
	v7 =	vmul.bf16 v8, v13  }
0x2ad: {  	v1 =	vmul.bf16 v1, v10;
	v10 =	vld [tilespmem:s31+$0x3F0];
	(xrf2) =	vadd.scan.msk.f32 $0xffff, v5;
	v5, _, _ =	vpop (xrf2)  }
0x2ae: {  	v0 =	vld [tilespmem:s31+$0x23E0];
	v17, _, _ =	vpop (xrf2);
	v2 =	vadd.f32 v6, v2;
	v6 =	vunpack.i.u.bf16.f32 v7;
	v7 =	vunpack.i.l.bf16.f32 v7  }
0x2af: {  	v15 =	vld [tilespmem:s31+$0x3E0];
	v8, _, _ =	vpop (xrf2);
	v6 =	vadd.f32 v7, v6  }
0x2b0: {  	v13 =	vunpack.i.u.bf16.f32 v1;
	v1 =	vunpack.i.l.bf16.f32 v1;
	(xrf2) =	vadd.scan.msk.f32 $0xffff, v3;
	v3, _, _ =	vpop (xrf2)  }
0x2b1: {  	v1 =	vadd.f32 v1, v13;
	v14, _, _ =	vpop (xrf2)  }
0x2b2: {  	v7 =	vmul.bf16 v11, v10;
	v10, _, _ =	vpop (xrf2)  }
0x2b3: {  	v1 =	vadd.f32 v6, v1;
	v6, _, _ =	vpop (xrf2)  }
0x2b4: {  	v0 =	vmul.bf16 v0, v15;
	v6 =	vbroadcast v6, $0xF;
	_ =	sdelay $0x1  }
0x2b5: {  	v11 =	vunpack.i.u.bf16.f32 v0;
	v0 =	vunpack.i.l.bf16.f32 v0;
	(xrf2) =	vadd.scan.msk.f32 $0xffff, v2;
	v10 =	vbroadcast v10, $0xF  }
0x2b6: {  	v0 =	vadd.f32 v0, v11  }
0x2b7: {  	v2 =	vunpack.i.u.bf16.f32 v7;
	v7 =	vunpack.i.l.bf16.f32 v7;
	(xrf2) =	vadd.scan.msk.f32 $0xffff, v1;
	v1 =	vsel vm0, v10, v6;
	v6, _, _ =	vpop (xrf2)  }
0x2b8: {  	v13 =	vbroadcast v14, $0xF;
	v2 =	vadd.f32 v7, v2;
	v6 =	vbroadcast v6, $0xF  }
0x2b9: {  	v3 =	vbroadcast v3, $0xF  }
0x2ba: {  	v0 =	vadd.f32 v2, v0;
	v1 =	vsel vm1, v1, v13  }
0x2bb: {  	v2 =	vbroadcast v8, $0xF;
	v1 =	vsel vm2, v1, v3;
	v3 =	vbroadcast v17, $0xF  }
0x2bc: {  	v1 =	vsel vm3, v1, v6;
	v6, _, _ =	vpop (xrf2)  }
0x2bd: {  	(xrf2) =	vadd.scan.msk.f32 $0xffff, v0;
	v0 =	vsel vm4, v1, v2;
	v1 =	vbroadcast v6, $0xF  }
0x2be: {  	v2 =	vbroadcast v5, $0xF;
	v0 =	vsel vm5, v0, v3  }
0x2bf: {  	v3, _, _ =	vpop (xrf2);
	v0 =	vsel vm6, v0, v1;
	v1 =	vbroadcast v12, $0xF  }
0x2c0: {  	v0 =	vsel vm7, v0, v2;
	v2 =	vbroadcast v3, $0xF  }
0x2c1: {  	v0 =	vsel vm8, v0, v1;
	v1 =	vbroadcast v16, $0xF  }
0x2c2: {  	v3, _, _ =	vpop (xrf2);
	v0 =	vsel vm9, v0, v2  }
0x2c3: {  	v2 =	vbroadcast v4, $0xF;
	v0 =	vsel vm10, v0, v1;
	v1 =	vbroadcast v3, $0xF;
	_ =	sdelay $0x1  }
0x2c4: {  	v0 =	vsel vm11, v0, v2;
	v2 =	vbroadcast v9, $0xF  }
0x2c5: {  	v0 =	vsel vm12, v0, v1  }
0x2c6: {  	v0 =	vsel vm13, v0, v2;
	v1, _, _ =	vpop (xrf2)  }
0x2c7: {  	s25 =	simm.s32 $0x4200;
	v0 =	vsel vm14, v0, v1  }
0x2c8: {  	s26 =	simm.s32 $0x200;
	[tilespmem:s25+$0x0] =	vst v0  }
0x2c9: {  	v0 =	vld [tilespmem:s26+$0x23E0]  }
0x2ca: {  	v3 =	vld [tilespmem:s26+$0x23C0]  }
0x2cb: {  	v4 =	vld [tilespmem:s26+$0x3C0]  }
0x2cc: {  	v5 =	vld [tilespmem:s26+$0x23D0]  }
0x2cd: {  	v6 =	vld [tilespmem:s26+$0x3D0]  }
0x2ce: {  	v1 =	vld [tilespmem:s26+$0x23A0]  }
0x2cf: {  	v7 =	vld [tilespmem:s26+$0x2380]  }
0x2d0: {  	v8 =	vld [tilespmem:s26+$0x380]  }
0x2d1: {  	v9 =	vld [tilespmem:s26+$0x2390]  }
0x2d2: {  	v10 =	vld [tilespmem:s26+$0x390]  }
0x2d3: {  	v11 =	vld [tilespmem:s26+$0x2360]  }
0x2d4: {  	v12 =	vld [tilespmem:s26+$0x360]  }
0x2d5: {  	v13 =	vld [tilespmem:s26+$0x2370]  }
0x2d6: {  	v14 =	vld [tilespmem:s26+$0x370]  }
0x2d7: {  	v2 =	vld [tilespmem:s26+$0x2340]  }
0x2d8: {  	v15 =	vld [tilespmem:s26+$0x2320]  }
0x2d9: {  	v16 =	vld [tilespmem:s26+$0x320]  }
0x2da: {  	v17 =	vld [tilespmem:s26+$0x2330]  }
0x2db: {  	v18 =	vld [tilespmem:s26+$0x330]  }
0x2dc: {  	v19 =	vld [tilespmem:s26+$0x2300]  }
0x2dd: {  	v21 =	vld [tilespmem:s26+$0x310];
	v3 =	vmul.bf16 v3, v4;
	v5 =	vmul.bf16 v5, v6  }
0x2de: {  	v63 =	vld [tilespmem:s26+$0x22A0];
	v7 =	vmul.bf16 v7, v8;
	v9 =	vmul.bf16 v9, v10  }
0x2df: {  	v4 =	vld [tilespmem:s26+$0x300];
	v11 =	vmul.bf16 v11, v12;
	v13 =	vmul.bf16 v13, v14  }
0x2e0: {  	v6 =	vld [tilespmem:s26+$0x2310];
	v15 =	vmul.bf16 v15, v16;
	v20 =	vunpack.i.u.bf16.f32 v3;
	v3 =	vunpack.i.l.bf16.f32 v3  }
0x2e1: {  	v10 =	vld [tilespmem:s26+$0x22C0];
	v8 =	vunpack.i.u.bf16.f32 v5;
	v22 =	vunpack.i.l.bf16.f32 v5;
	v12 =	vunpack.i.u.bf16.f32 v7  }
0x2e2: {  	v16 =	vld [tilespmem:s26+$0x22B0];
	v7 =	vunpack.i.l.bf16.f32 v7;
	v14 =	vunpack.i.u.bf16.f32 v9;
	v9 =	vunpack.i.l.bf16.f32 v9  }
0x2e3: {  	v5 =	vld [tilespmem:s26+$0x22E0];
	v23 =	vunpack.i.u.bf16.f32 v11;
	v3 =	vadd.f32 v3, v20;
	v8 =	vadd.f32 v22, v8  }
0x2e4: {  	v11 =	vunpack.i.l.bf16.f32 v11;
	v20 =	vld [tilespmem:s26+$0x2C0];
	v7 =	vadd.f32 v7, v12;
	v9 =	vadd.f32 v9, v14  }
0x2e5: {  	v22 =	vld [tilespmem:s26+$0x22D0];
	v14 =	vunpack.i.u.bf16.f32 v13;
	v13 =	vunpack.i.l.bf16.f32 v13;
	v11 =	vadd.f32 v11, v23  }
0x2e6: {  	v12 =	vld [tilespmem:s26+$0x2D0];
	v13 =	vadd.f32 v13, v14;
	v3 =	vadd.f32 v8, v3;
	v8 =	vmul.bf16 v17, v18  }
0x2e7: {  	v14 =	vld [tilespmem:s26+$0x2A0];
	v9 =	vadd.f32 v9, v7;
	v4 =	vmul.bf16 v19, v4;
	v17 =	vunpack.i.u.bf16.f32 v15  }
0x2e8: {  	v15 =	vunpack.i.l.bf16.f32 v15;
	v6 =	vmul.bf16 v6, v21;
	v21 =	vld [tilespmem:s26+$0x2260];
	v11 =	vadd.f32 v13, v11  }
0x2e9: {  	v13 =	vld [tilespmem:s26+$0x2B0];
	v15 =	vadd.f32 v15, v17;
	v18 =	vunpack.i.u.bf16.f32 v8;
	v8 =	vunpack.i.l.bf16.f32 v8;
	(xrf2) =	vadd.scan.msk.f32 $0xffff, v3  }
0x2ea: {  	v17 =	vld [tilespmem:s26+$0x260];
	v19 =	vunpack.i.u.bf16.f32 v4;
	v4 =	vunpack.i.l.bf16.f32 v4;
	v3 =	vunpack.i.u.bf16.f32 v6  }
0x2eb: {  	v6 =	vunpack.i.l.bf16.f32 v6;
	v8 =	vadd.f32 v8, v18;
	v18 =	vld [tilespmem:s26+$0x2270];
	v10 =	vmul.bf16 v10, v20  }
0x2ec: {  	(xrf2) =	vadd.scan.msk.f32 $0xffff, v9;
	v4 =	vadd.f32 v4, v19;
	v3 =	vadd.f32 v6, v3;
	v6 =	vld [tilespmem:s26+$0x270]  }
0x2ed: {  	v9 =	vmul.bf16 v22, v12;
	v19 =	vld [tilespmem:s26+$0x2240];
	(xrf2) =	vadd.scan.msk.f32 $0xffff, v11;
	v11 =	vmul.bf16 v63, v14;
	v12 =	vunpack.i.u.bf16.f32 v10  }
0x2ee: {  	v20 =	vld [tilespmem:s26+$0x2250];
	v10 =	vunpack.i.l.bf16.f32 v10;
	v4 =	vadd.f32 v3, v4;
	v3 =	vadd.f32 v8, v15  }
0x2ef: {  	v14 =	vld [tilespmem:s26+$0x240];
	v13 =	vmul.bf16 v16, v13;
	v16 =	vunpack.i.u.bf16.f32 v9;
	v9 =	vunpack.i.l.bf16.f32 v9  }
0x2f0: {  	v22 =	vunpack.i.u.bf16.f32 v11;
	v23 =	vadd.f32 v10, v12;
	v9 =	vadd.f32 v9, v16;
	v16 =	vld [tilespmem:s26+$0x250];
	(xrf2) =	vadd.scan.msk.f32 $0xffff, v3  }
0x2f1: {  	v7 =	vld [tilespmem:s26+$0x2280];
	v11 =	vunpack.i.l.bf16.f32 v11;
	v12 =	vunpack.i.u.bf16.f32 v13;
	v13 =	vunpack.i.l.bf16.f32 v13  }
0x2f2: {  	v15 =	vld [tilespmem:s26+$0x210];
	v22 =	vadd.f32 v11, v22;
	v13 =	vadd.f32 v13, v12  }
0x2f3: {  	v10 =	vld [tilespmem:s26+$0x2200];
	v17 =	vmul.bf16 v21, v17;
	v6 =	vmul.bf16 v18, v6;
	v3, _, _ =	vpop (xrf2);
	(xrf2) =	vadd.scan.msk.f32 $0xffff, v4  }
0x2f4: {  	v12 =	vld [tilespmem:s26+$0x200];
	v21 =	vadd.f32 v9, v23;
	v19 =	vmul.bf16 v19, v14;
	v8 =	vadd.f32 v13, v22  }
0x2f5: {  	v11 =	vld [tilespmem:s26+$0x2210];
	v22 =	vmul.bf16 v20, v16;
	v20 =	vunpack.i.u.bf16.f32 v6;
	v6 =	vunpack.i.l.bf16.f32 v6  }
0x2f6: {  	v14 =	vunpack.i.u.bf16.f32 v17;
	v17 =	vunpack.i.l.bf16.f32 v17;
	v9 =	vld [tilespmem:s26+$0x2220];
	v4, _, _ =	vpop (xrf2);
	(xrf2) =	vadd.scan.msk.f32 $0xffff, v21  }
0x2f7: {  	v13 =	vld [tilespmem:s26+$0x220];
	v18 =	vunpack.i.u.bf16.f32 v19;
	v19 =	vunpack.i.l.bf16.f32 v19;
	v16 =	vadd.f32 v17, v14  }
0x2f8: {  	s28 =	simm.s32 $0x1000;
	v14 =	vld [tilespmem:s26+$0x2230];
	v17 =	vadd.f32 v6, v20;
	v20 =	vunpack.i.u.bf16.f32 v22;
	v21 =	vunpack.i.l.bf16.f32 v22;
	v6, _, _ =	vpop (xrf2)  }
.LBB2_9:
0x2f9: {  	p1 =	sne.s32 s28, $0x3800;
	v10 =	vmul.bf16 v10, v12;
	v12 =	vld [tilespmem:s26+$0x230];
	v18 =	vadd.f32 v19, v18;
	v19 =	vadd.f32 v21, v20;
	(xrf2) =	vadd.scan.msk.f32 $0xffff, v8  }
0x2fa: {  	v22 =	vadd.f32 v17, v16;
	v11 =	vmul.bf16 v11, v15;
	v16 =	vld [tilespmem:s26+$0x280];
	v8, _, _ =	vpop (xrf2)  }
0x2fb: {  	v17 =	vunpack.i.u.bf16.f32 v10;
	v18 =	vadd.f32 v19, v18;
	v19 =	vld [tilespmem:s26+$0x2290]  }
0x2fc: {  	v10 =	vunpack.i.l.bf16.f32 v10;
	v20 =	vunpack.i.u.bf16.f32 v11;
	v11 =	vunpack.i.l.bf16.f32 v11;
	v21 =	vld [tilespmem:s26+$0x290];
	(xrf2) =	vadd.scan.msk.f32 $0xffff, v22  }
0x2fd: {  	v10 =	vadd.f32 v10, v17;
	v9 =	vmul.bf16 v9, v13;
	v11 =	vadd.f32 v11, v20;
	v13 =	vld [tilespmem:s26+$0x2E0];
	v15, _, _ =	vpop (xrf2)  }
0x2fe: {  	v12 =	vmul.bf16 v14, v12;
	v14 =	vld [tilespmem:s26+$0x22F0]  }
0x2ff: {  	v10 =	vadd.f32 v11, v10;
	v11 =	vunpack.i.u.bf16.f32 v9;
	v7 =	vmul.bf16 v7, v16;
	v16 =	vld [tilespmem:s26+$0x2F0];
	(xrf2) =	vadd.scan.msk.f32 $0xffff, v18  }
0x300: {  	v9 =	vunpack.i.l.bf16.f32 v9;
	v17 =	vunpack.i.u.bf16.f32 v12;
	v12 =	vunpack.i.l.bf16.f32 v12;
	v18 =	vld [tilespmem:s26+$0x340];
	v20, _, _ =	vpop (xrf2)  }
0x301: {  	v9 =	vadd.f32 v9, v11;
	v11 =	vadd.f32 v12, v17;
	v12 =	vmul.bf16 v19, v21;
	v17 =	vld [tilespmem:s26+$0x2350]  }
0x302: {  	v19 =	vunpack.i.u.bf16.f32 v7;
	v7 =	vunpack.i.l.bf16.f32 v7;
	v5 =	vmul.bf16 v5, v13;
	v13 =	vld [tilespmem:s26+$0x350];
	(xrf2) =	vadd.scan.msk.f32 $0xffff, v10  }
0x303: {  	v9 =	vadd.f32 v11, v9;
	v10 =	vunpack.i.u.bf16.f32 v12;
	v11 =	vunpack.i.l.bf16.f32 v12;
	v12 =	vld [tilespmem:s26+$0x3A0];
	v21, _, _ =	vpop (xrf2)  }
0x304: {  	v7 =	vadd.f32 v7, v19;
	v10 =	vadd.f32 v11, v10;
	v11 =	vmul.bf16 v14, v16;
	v14 =	vld [tilespmem:s26+$0x23B0]  }
0x305: {  	v16 =	vunpack.i.u.bf16.f32 v5;
	v5 =	vunpack.i.l.bf16.f32 v5;
	v2 =	vmul.bf16 v2, v18;
	v18 =	vld [tilespmem:s26+$0x3B0];
	(xrf2) =	vadd.scan.msk.f32 $0xffff, v9  }
0x306: {  	v7 =	vadd.f32 v10, v7;
	v9 =	vunpack.i.u.bf16.f32 v11;
	v10 =	vunpack.i.l.bf16.f32 v11;
	v11 =	vld [tilespmem:s26+$0x3E0];
	v19, _, _ =	vpop (xrf2)  }
0x307: {  	v5 =	vadd.f32 v5, v16;
	v9 =	vadd.f32 v10, v9;
	v17 =	vmul.bf16 v17, v13;
	v13 =	vld [tilespmem:s26+$0x23F0]  }
0x308: {  	v16 =	vunpack.i.u.bf16.f32 v2;
	v2 =	vunpack.i.l.bf16.f32 v2;
	v1 =	vmul.bf16 v1, v12;
	v12 =	vld [tilespmem:s26+$0x3F0];
	(xrf2) =	vadd.scan.msk.f32 $0xffff, v7  }
0x309: {  	v5 =	vadd.f32 v9, v5;
	v7 =	vunpack.i.u.bf16.f32 v17;
	v9 =	vunpack.i.l.bf16.f32 v17;
	v10, _, _ =	vpop (xrf2)  }
0x30a: {  	v2 =	vadd.f32 v2, v16;
	v7 =	vadd.f32 v9, v7;
	v16 =	vmul.bf16 v14, v18  }
0x30b: {  	v14 =	vunpack.i.u.bf16.f32 v1;
	v1 =	vunpack.i.l.bf16.f32 v1;
	v0 =	vmul.bf16 v0, v11;
	(xrf2) =	vadd.scan.msk.f32 $0xffff, v5  }
0x30c: {  	v2 =	vadd.f32 v7, v2;
	v5 =	vunpack.i.u.bf16.f32 v16;
	v7 =	vunpack.i.l.bf16.f32 v16;
	v9, _, _ =	vpop (xrf2)  }
0x30d: {  	v1 =	vadd.f32 v1, v14;
	v14 =	vadd.f32 v7, v5;
	v7 =	vmul.bf16 v13, v12  }
0x30e: {  	v11 =	vunpack.i.u.bf16.f32 v0;
	(xrf2) =	vadd.scan.msk.f32 $0xffff, v2  }
0x30f: {  	v0 =	vunpack.i.l.bf16.f32 v0;
	v1 =	vadd.f32 v14, v1;
	v2 =	vunpack.i.u.bf16.f32 v7;
	v5, _, _ =	vpop (xrf2)  }
0x310: {  	v9 =	vbroadcast v9, $0xF;
	v12 =	vunpack.i.l.bf16.f32 v7;
	v5 =	vbroadcast v5, $0xF  }
0x311: {  	v10 =	vbroadcast v10, $0xF;
	v0 =	vadd.f32 v0, v11;
	v2 =	vadd.f32 v12, v2;
	(xrf2) =	vadd.scan.msk.f32 $0xffff, v1  }
0x312: {  	v1 =	vsel vm0, v9, v5;
	v5 =	vbroadcast v19, $0xF;
	v7, _, _ =	vpop (xrf2)  }
0x313: {  	v0 =	vadd.f32 v2, v0;
	v1 =	vsel vm1, v1, v10;
	v9 =	vbroadcast v7, $0xF  }
0x314: {  	v2 =	vbroadcast v21, $0xF;
	v1 =	vsel vm2, v1, v5  }
0x315: {  	v1 =	vsel vm3, v1, v9;
	v9 =	vbroadcast v20, $0xF;
	v7, _, _ =	vpop (xrf2);
	(xrf2) =	vadd.scan.msk.f32 $0xffff, v0  }
0x316: {  	v0 =	vsel vm4, v1, v2;
	v1 =	vbroadcast v7, $0xF  }
0x317: {  	v2 =	vbroadcast v15, $0xF;
	v0 =	vsel vm5, v0, v9  }
0x318: {  	v0 =	vsel vm6, v0, v1;
	v1 =	vbroadcast v8, $0xF;
	v5, _, _ =	vpop (xrf2)  }
0x319: {  	v0 =	vsel vm7, v0, v2;
	v2 =	vbroadcast v5, $0xF  }
0x31a: {  	v0 =	vsel vm8, v0, v1;
	v1 =	vbroadcast v6, $0xF  }
0x31b: {  	v0 =	vsel vm9, v0, v2;
	v2 =	vbroadcast v4, $0xF;
	v4, _, _ =	vpop (xrf2)  }
0x31c: {  	v0 =	vsel vm10, v0, v1;
	v4 =	vbroadcast v4, $0xF  }
0x31d: {  	v0 =	vsel vm11, v0, v2;
	v2 =	vbroadcast v3, $0xF  }
0x31e: {  	v0 =	vsel vm12, v0, v4  }
0x31f: {  	v0 =	vsel vm13, v0, v2;
	v1, _, _ =	vpop (xrf2)  }
0x320: {  	s25 =	sadd.s32 $0x10, s25;
	v0 =	vsel vm14, v0, v1  }
0x321: {  	s26 =	sshra.s32 s28, $0x2;
	[tilespmem:s25+$0x0] =	vst v0  }
0x322: {  	v0 =	vld [tilespmem:s26+$0x23E0]  }
0x323: {  	v3 =	vld [tilespmem:s26+$0x23C0]  }
0x324: {  	v4 =	vld [tilespmem:s26+$0x3C0]  }
0x325: {  	v5 =	vld [tilespmem:s26+$0x23D0]  }
0x326: {  	v6 =	vld [tilespmem:s26+$0x3D0]  }
0x327: {  	v1 =	vld [tilespmem:s26+$0x23A0]  }
0x328: {  	v7 =	vld [tilespmem:s26+$0x2380]  }
0x329: {  	v8 =	vld [tilespmem:s26+$0x380]  }
0x32a: {  	v9 =	vld [tilespmem:s26+$0x2390]  }
0x32b: {  	v10 =	vld [tilespmem:s26+$0x390]  }
0x32c: {  	v11 =	vld [tilespmem:s26+$0x2360]  }
0x32d: {  	v12 =	vld [tilespmem:s26+$0x360]  }
0x32e: {  	v13 =	vld [tilespmem:s26+$0x2370]  }
0x32f: {  	v14 =	vld [tilespmem:s26+$0x370]  }
0x330: {  	v2 =	vld [tilespmem:s26+$0x2340]  }
0x331: {  	v15 =	vld [tilespmem:s26+$0x2320]  }
0x332: {  	v16 =	vld [tilespmem:s26+$0x320]  }
0x333: {  	v17 =	vld [tilespmem:s26+$0x2330]  }
0x334: {  	v3 =	vmul.bf16 v3, v4;
	v18 =	vld [tilespmem:s26+$0x330]  }
0x335: {  	v5 =	vmul.bf16 v5, v6;
	v4 =	vld [tilespmem:s26+$0x2300]  }
0x336: {  	v19 =	vunpack.i.u.bf16.f32 v3;
	v3 =	vunpack.i.l.bf16.f32 v3;
	v6 =	vld [tilespmem:s26+$0x300]  }
0x337: {  	v7 =	vmul.bf16 v7, v8;
	v8 =	vunpack.i.u.bf16.f32 v5;
	v5 =	vunpack.i.l.bf16.f32 v5;
	v20 =	vld [tilespmem:s26+$0x2310]  }
0x338: {  	v3 =	vadd.f32 v3, v19;
	v8 =	vadd.f32 v5, v8;
	v9 =	vmul.bf16 v9, v10;
	v21 =	vld [tilespmem:s26+$0x310]  }
0x339: {  	v10 =	vmul.bf16 v11, v12;
	v11 =	vunpack.i.u.bf16.f32 v7;
	v7 =	vunpack.i.l.bf16.f32 v7;
	v5 =	vld [tilespmem:s26+$0x22E0]  }
0x33a: {  	v13 =	vmul.bf16 v13, v14;
	v14 =	vunpack.i.u.bf16.f32 v9;
	v9 =	vunpack.i.l.bf16.f32 v9;
	v12 =	vld [tilespmem:s26+$0x22C0]  }
0x33b: {  	v7 =	vadd.f32 v7, v11;
	v22 =	vunpack.i.u.bf16.f32 v10;
	v9 =	vadd.f32 v9, v14;
	v19 =	vld [tilespmem:s26+$0x2C0]  }
0x33c: {  	v10 =	vunpack.i.l.bf16.f32 v10;
	v14 =	vunpack.i.u.bf16.f32 v13;
	v13 =	vunpack.i.l.bf16.f32 v13;
	v11 =	vld [tilespmem:s26+$0x22D0]  }
0x33d: {  	v10 =	vadd.f32 v10, v22;
	v13 =	vadd.f32 v13, v14;
	v23 =	vld [tilespmem:s26+$0x2D0]  }
0x33e: {  	v3 =	vadd.f32 v8, v3;
	v15 =	vmul.bf16 v15, v16;
	v14 =	vld [tilespmem:s26+$0x22A0]  }
0x33f: {  	v9 =	vadd.f32 v9, v7;
	v16 =	vmul.bf16 v17, v18;
	v10 =	vadd.f32 v13, v10;
	v8 =	vld [tilespmem:s26+$0x2A0]  }
0x340: {  	v4 =	vmul.bf16 v4, v6;
	v6 =	vunpack.i.u.bf16.f32 v15;
	v15 =	vunpack.i.l.bf16.f32 v15;
	v13 =	vld [tilespmem:s26+$0x22B0];
	(xrf2) =	vadd.scan.msk.f32 $0xffff, v3  }
0x341: {  	v18 =	vunpack.i.u.bf16.f32 v16;
	v16 =	vunpack.i.l.bf16.f32 v16;
	v17 =	vmul.bf16 v20, v21;
	v3 =	vld [tilespmem:s26+$0x2B0]  }
0x342: {  	v6 =	vadd.f32 v15, v6;
	v15 =	vadd.f32 v16, v18;
	v20 =	vunpack.i.u.bf16.f32 v4;
	v7 =	vld [tilespmem:s26+$0x2280]  }
0x343: {  	v4 =	vunpack.i.l.bf16.f32 v4;
	v18 =	vunpack.i.u.bf16.f32 v17;
	v17 =	vunpack.i.l.bf16.f32 v17;
	v16 =	vld [tilespmem:s26+$0x2260];
	(xrf2) =	vadd.scan.msk.f32 $0xffff, v9  }
0x344: {  	v4 =	vadd.f32 v4, v20;
	v17 =	vadd.f32 v17, v18;
	v9 =	vld [tilespmem:s26+$0x260]  }
0x345: {  	v12 =	vmul.bf16 v12, v19;
	v18 =	vld [tilespmem:s26+$0x2270]  }
0x346: {  	v6 =	vadd.f32 v15, v6;
	v11 =	vmul.bf16 v11, v23;
	v4 =	vadd.f32 v17, v4;
	v19 =	vld [tilespmem:s26+$0x270];
	(xrf2) =	vadd.scan.msk.f32 $0xffff, v10  }
0x347: {  	v8 =	vmul.bf16 v14, v8;
	v10 =	vunpack.i.u.bf16.f32 v12;
	v12 =	vunpack.i.l.bf16.f32 v12;
	v17 =	vld [tilespmem:s26+$0x2240]  }
0x348: {  	v22 =	vmul.bf16 v13, v3;
	v13 =	vunpack.i.u.bf16.f32 v11;
	v11 =	vunpack.i.l.bf16.f32 v11;
	v14 =	vld [tilespmem:s26+$0x240]  }
0x349: {  	v15 =	vunpack.i.u.bf16.f32 v8;
	v21 =	vadd.f32 v12, v10;
	v13 =	vadd.f32 v11, v13;
	v20 =	vld [tilespmem:s26+$0x2250];
	(xrf2) =	vadd.scan.msk.f32 $0xffff, v6  }
0x34a: {  	v8 =	vunpack.i.l.bf16.f32 v8;
	v11 =	vunpack.i.u.bf16.f32 v22;
	v12 =	vunpack.i.l.bf16.f32 v22;
	v6 =	vld [tilespmem:s26+$0x250];
	v3, _, _ =	vpop (xrf2)  }
0x34b: {  	v8 =	vadd.f32 v8, v15;
	v15 =	vadd.f32 v12, v11;
	v10 =	vld [tilespmem:s26+$0x2200]  }
0x34c: {  	v9 =	vmul.bf16 v16, v9;
	v12 =	vld [tilespmem:s26+$0x200];
	(xrf2) =	vadd.scan.msk.f32 $0xffff, v4  }
.Ltmp6:
0x34d: {  	v13 =	vadd.f32 v13, v21;
	v16 =	vmul.bf16 v18, v19;
	v8 =	vadd.f32 v15, v8;
	v11 =	vld [tilespmem:s26+$0x2210];
	v4, _, _ =	vpop (xrf2);
	(pc) =	sbr.rel @p1 .LBB2_9-.Ltmp6, $4  }
0x34e: {  	v19 =	vmul.bf16 v17, v14;
	v14 =	vunpack.i.u.bf16.f32 v9;
	v17 =	vunpack.i.l.bf16.f32 v9;
	v15 =	vld [tilespmem:s26+$0x210]  }
0x34f: {  	v22 =	vunpack.i.u.bf16.f32 v16;
	v9 =	vld [tilespmem:s26+$0x2220];
	v21 =	vmul.bf16 v20, v6;
	v20 =	vunpack.i.l.bf16.f32 v16;
	(xrf2) =	vadd.scan.msk.f32 $0xffff, v13  }
0x350: {  	v18 =	vunpack.i.u.bf16.f32 v19;
	v16 =	vadd.f32 v17, v14;
	v13 =	vld [tilespmem:s26+$0x220];
	v17 =	vadd.f32 v20, v22;
	v6, _, _ =	vpop (xrf2)  }
0x351: {  	s28 =	sadd.s32 $0x800, s28;
	v19 =	vunpack.i.l.bf16.f32 v19;
	v14 =	vld [tilespmem:s26+$0x2230];
	v20 =	vunpack.i.u.bf16.f32 v21;
	v21 =	vunpack.i.l.bf16.f32 v21  }
0x352: {  	v45 =	vld [tilespmem:s26+$0x230]  }
0x353: {  	v46 =	vld [tilespmem:s26+$0x280]  }
0x354: {  	v10 =	vmul.bf16 v10, v12;
	v18 =	vadd.f32 v19, v18;
	v47 =	vadd.f32 v21, v20;
	v49 =	vld [tilespmem:s26+$0x2290]  }
0x355: {  	v23 =	vld [tilespmem:s26+$0x290];
	v16 =	vadd.f32 v17, v16;
	v11 =	vmul.bf16 v11, v15  }
0x356: {  	v50 =	vld [tilespmem:s26+$0x2E0];
	v48 =	vunpack.i.u.bf16.f32 v10;
	v10 =	vunpack.i.l.bf16.f32 v10;
	v51 =	vadd.f32 v47, v18  }
0x357: {  	v22 =	vunpack.i.u.bf16.f32 v11;
	v11 =	vunpack.i.l.bf16.f32 v11;
	v9 =	vmul.bf16 v9, v13  }
0x358: {  	v52 =	vld [tilespmem:s26+$0x22F0];
	v10 =	vadd.f32 v10, v48;
	v11 =	vadd.f32 v11, v22;
	v12 =	vmul.bf16 v14, v45  }
0x359: {  	v54 =	vld [tilespmem:s26+$0x2F0];
	v53 =	vunpack.i.u.bf16.f32 v9;
	v7 =	vmul.bf16 v7, v46;
	v9 =	vunpack.i.l.bf16.f32 v9  }
0x35a: {  	v56 =	vld [tilespmem:s26+$0x340];
	v59 =	vmul.bf16 v49, v23;
	v55 =	vunpack.i.u.bf16.f32 v12;
	v12 =	vunpack.i.l.bf16.f32 v12  }
0x35b: {  	(xrf2) =	vadd.scan.msk.f32 $0xffff, v8;
	v60 =	vld [tilespmem:s26+$0x2350];
	v5 =	vmul.bf16 v5, v50;
	v57 =	vadd.f32 v9, v53;
	v58 =	vadd.f32 v12, v55  }
0x35c: {  	v62 =	vld [tilespmem:s26+$0x350];
	(xrf2) =	vadd.scan.msk.f32 $0xffff, v16;
	v10 =	vadd.f32 v11, v10;
	v61 =	vunpack.i.u.bf16.f32 v7;
	v7 =	vunpack.i.l.bf16.f32 v7  }
0x35d: {  	v20 =	vld [tilespmem:s26+$0x3A0];
	(xrf2) =	vadd.scan.msk.f32 $0xffff, v51;
	v63 =	vunpack.i.u.bf16.f32 v59;
	v11 =	vunpack.i.l.bf16.f32 v59;
	v8 =	vadd.f32 v58, v57  }
0x35e: {  	v24 =	vld [tilespmem:s26+$0x3B0];
	v21 =	vmul.bf16 v52, v54;
	(xrf2) =	vadd.scan.msk.f32 $0xffff, v10;
	v7 =	vadd.f32 v7, v61;
	v9 =	vadd.f32 v11, v63  }
0x35f: {  	v22 =	vld [tilespmem:s26+$0x23B0];
	v2 =	vmul.bf16 v2, v56;
	v23 =	vunpack.i.u.bf16.f32 v5;
	v5 =	vunpack.i.l.bf16.f32 v5;
	(xrf2) =	vadd.scan.msk.f32 $0xffff, v8  }
0x360: {  	v27 =	vld [tilespmem:s26+$0x3E0];
	v25 =	vunpack.i.u.bf16.f32 v21;
	v26 =	vunpack.i.l.bf16.f32 v21;
	v7 =	vadd.f32 v9, v7  }
0x361: {  	v29 =	vld [tilespmem:s26+$0x23F0];
	v28 =	vmul.bf16 v60, v62;
	v5 =	vadd.f32 v5, v23;
	v8 =	vadd.f32 v26, v25  }
0x362: {  	v32 =	vld [tilespmem:s26+$0x3F0];
	v30, _, _ =	vpop (xrf2);
	v1 =	vmul.bf16 v1, v20;
	v31 =	vunpack.i.u.bf16.f32 v2;
	v2 =	vunpack.i.l.bf16.f32 v2;
	(xrf2) =	vadd.scan.msk.f32 $0xffff, v7  }
0x363: {  	v33, _, _ =	vpop (xrf2);
	v34 =	vunpack.i.u.bf16.f32 v28;
	v9 =	vunpack.i.l.bf16.f32 v28;
	v5 =	vadd.f32 v8, v5  }
0x364: {  	v35, _, _ =	vpop (xrf2);
	v2 =	vadd.f32 v2, v31;
	v36 =	vmul.bf16 v22, v24;
	v8 =	vadd.f32 v9, v34  }
0x365: {  	v0 =	vmul.bf16 v0, v27;
	v38 =	vunpack.i.u.bf16.f32 v1;
	v1 =	vunpack.i.l.bf16.f32 v1;
	v37, _, _ =	vpop (xrf2);
	(xrf2) =	vadd.scan.msk.f32 $0xffff, v5  }
0x366: {  	v40 =	vunpack.i.u.bf16.f32 v36;
	v39, _, _ =	vpop (xrf2);
	v9 =	vunpack.i.l.bf16.f32 v36;
	v2 =	vadd.f32 v8, v2  }
0x367: {  	v42 =	vmul.bf16 v29, v32;
	v1 =	vadd.f32 v1, v38;
	v41, _, _ =	vpop (xrf2);
	v8 =	vadd.f32 v9, v40  }
0x368: {  	v44 =	vunpack.i.u.bf16.f32 v0;
	v43, _, _ =	vpop (xrf2);
	(xrf2) =	vadd.scan.msk.f32 $0xffff, v2  }
0x369: {  	v0 =	vunpack.i.l.bf16.f32 v0;
	v45 =	vunpack.i.u.bf16.f32 v42;
	v1 =	vadd.f32 v8, v1;
	v46, _, _ =	vpop (xrf2)  }
0x36a: {  	v9 =	vunpack.i.l.bf16.f32 v42;
	v12 =	vbroadcast v43, $0xF;
	v8 =	vbroadcast v46, $0xF  }
0x36b: {  	v0 =	vadd.f32 v0, v44;
	v10 =	vbroadcast v41, $0xF;
	v2 =	vadd.f32 v9, v45;
	(xrf2) =	vadd.scan.msk.f32 $0xffff, v1  }
0x36c: {  	v5 =	vbroadcast v39, $0xF;
	v48, _, _ =	vpop (xrf2);
	v47 =	vsel vm0, v12, v8  }
0x36d: {  	v0 =	vadd.f32 v2, v0;
	v8 =	vbroadcast v48, $0xF;
	v1 =	vsel vm1, v47, v10  }
0x36e: {  	v49 =	vbroadcast v37, $0xF;
	v1 =	vsel vm2, v1, v5  }
0x36f: {  	v50 =	vbroadcast v35, $0xF;
	v51, _, _ =	vpop (xrf2);
	(xrf2) =	vadd.scan.msk.f32 $0xffff, v0;
	v1 =	vsel vm3, v1, v8  }
0x370: {  	v53 =	vbroadcast v51, $0xF;
	v52 =	vsel vm4, v1, v49  }
0x371: {  	v54 =	vbroadcast v33, $0xF;
	v0 =	vsel vm5, v52, v50  }
0x372: {  	v55 =	vbroadcast v30, $0xF;
	v56, _, _ =	vpop (xrf2);
	v0 =	vsel vm6, v0, v53  }
0x373: {  	v57 =	vbroadcast v56, $0xF;
	v0 =	vsel vm7, v0, v54  }
0x374: {  	v58 =	vbroadcast v6, $0xF;
	v0 =	vsel vm8, v0, v55  }
0x375: {  	v59 =	vbroadcast v4, $0xF;
	v60, _, _ =	vpop (xrf2);
	v0 =	vsel vm9, v0, v57  }
0x376: {  	v61 =	vbroadcast v60, $0xF;
	v0 =	vsel vm10, v0, v58  }
0x377: {  	v62 =	vbroadcast v3, $0xF;
	v0 =	vsel vm11, v0, v59  }
0x378: {  	v0 =	vsel vm12, v0, v61  }
0x379: {  	v63, _, _ =	vpop (xrf2);
	v0 =	vsel vm13, v0, v62  }
0x37a: {  	s25 =	sadd.s32 $0x10, s25;
	v0 =	vsel vm14, v0, v63  }
.Ltmp7:
0x37b: {  	[tilespmem:s25+$0x0] =	vst v0;
	(pc) =	sbr.rel .LBB2_11-.Ltmp7, $4  }
0x37c: {  	[hbm4b:s8+s2] =	stream.linear.scatter [tilespmem:s19], [sflag:$0x5], $0x80, $0x38;
	[tilespmem:$0x4300] =	vst v63  }
0x37d: {  	_ =	swait.ge [sflag:s10], $0x80  }
0x37e: {  	[sflag:s10] =	ssyncset.done $0x0  }
0x37f: {  	[sflag:s10] =	ssyncadd.s32 $0xFFFFFF80  }
.LBB2_12:
0x380: {  	_ =	sfence.sel $0x180000  }
0x381: {  	[bflag:$0x0] =	sbarrier.arrive $0xFFFF  }
0x382: {  	p0 =	sne.s32 s1, $0x0;
	_ =	strace $0x90000047  }
0x383: {  	s0 =	sadd.s32 @!p0 $0x100000, s0;
	[bflag:$0x2] =	sbarrier.arrive $0xFFFF  }
0x384: {  	[sflag:s0] =	ssyncadd.tile.s32 @!p0 $0x1;
	_ =	shalt  }
.Lfunc_end2:
_tile_overlayer_lowered:
.L_overlay_start_2:
0x385: {  	(tag) =	ssettag $0x2  }
0x386: {  	s0 =	rddreg [dreg:$0x0];
	s2 =	stileid.u32  }
0x387: {  	s1 =	rddreg [dreg:$0x1];
	p0 =	sne.s32 s2, $0x0  }
0x388: {  	s3 =	rddreg [dreg:$0x2];
	[bflag:$0x3] =	sbarrier.arrive $0xFFFF;
	s2 =	simm.s32 @!p0 $0x1C05  }
0x389: {  	[timem:s3], [sflag:s2] =	dma.local @!p0 [hbm:s0], s1  }
0x38a: {  	s0 =	simm.s32 @!p0 $0x5  }
0x38b: {  	_ =	swait.ge @!p0 [sflag:s0], s1  }
0x38c: {  	s1 =	ssub.s32 @!p0 $0x0, s1;
	[sflag:s0] =	ssyncset.done @!p0 $0x0  }
0x38d: {  	[sflag:s0] =	ssyncadd.s32 @!p0 s1  }
0x38e: {  	[bflag:$0x3] =	sbarrier.arrive $0xFFFF  }
0x38f: {  	_ =	shalt  }

</sc_bundles>
